<compile_context>
chip_gen: v7x
topology: tpu7x:2x2x1
jax: 0.10.2.dev20260603
libtpu: 0.0.44.dev20260713+nightly
codegen_flags: <defaults>
</compile_context>

<pallas_src>
import functools

import numpy as np
import jax
import jax.numpy as jnp
from jax import lax
from jax.experimental import pallas as pl
from jax.experimental.pallas import tpu as pltpu
from jax.experimental.pallas import tpu_sc as plsc

_B, _H, _W, _KP = 4, 256, 256, 16
_NI = _B * _KP
_RH = 64
_NW = 32
_RPW = (_B * _H) // _NW
_NCH = 9
_SAMPLE_IDS = np.repeat(np.arange(_B, dtype=np.int32), _KP)


def _sc_body(ids_hbm, q_hbm, s_hbm, z_hbm, out_hbm,
             ids_v, q_v, s_v, z_v, tab_v, out_v, sem):
    w = lax.axis_index("s") * 2 + lax.axis_index("c")
    row0 = w * _RPW
    b = row0 // _H
    lr0 = row0 - b * _H

    copies = [
        pltpu.async_copy(ids_hbm.at[pl.ds(row0, _RPW)], ids_v, sem),
        pltpu.async_copy(z_hbm.at[pl.ds(row0, _RPW)], z_v, sem),
    ]
    for c in range(4):
        copies.append(pltpu.async_copy(
            q_hbm.at[pl.ds(b * 4 + c, 1), pl.ds(lr0, _RPW)],
            q_v.at[pl.ds(c, 1)], sem))
    for c in range(3):
        copies.append(pltpu.async_copy(
            s_hbm.at[pl.ds(b * 3 + c, 1), pl.ds(lr0, _RPW)],
            s_v.at[pl.ds(c, 1)], sem))

    zero16 = jnp.zeros((16,), jnp.float32)

    @plsc.parallel_loop(0, _NCH * _NI * 16, 16, unroll=8)
    def _zero_body(i):
        tab_v[pl.ds(i, 16)] = zero16

    for cp in copies:
        cp.wait()

    lanes = lax.iota(jnp.int32, 16)
    ones16 = jnp.ones((16,), jnp.float32)

    @plsc.parallel_loop(0, _RPW * _W, 16, unroll=4)
    def _vec_body(i):
        r = jax.lax.shift_right_logical(i, 8)
        off = jax.lax.bitwise_and(i, _W - 1)
        bin16 = ids_v[r, pl.ds(off, 16)] - 1
        idx0 = bin16 * 16 + lanes
        for c in range(4):
            v = q_v[c, r, pl.ds(off, 16)]
            plsc.addupdate_scatter(tab_v, [idx0 + c * (_NI * 16)], v)
        for c in range(3):
            v = s_v[c, r, pl.ds(off, 16)]
            plsc.addupdate_scatter(tab_v, [idx0 + (4 + c) * (_NI * 16)], v)
        v = z_v[r, pl.ds(off, 16)]
        plsc.addupdate_scatter(tab_v, [idx0 + 7 * (_NI * 16)], v)
        plsc.addupdate_scatter(tab_v, [idx0 + 8 * (_NI * 16)], ones16)

    lanes16 = lanes * 16
    for g in range(_NCH * _NI // 16):
        acc = plsc.load_gather(tab_v, [lanes16 + g * 256])
        for k in range(1, 16):
            acc = acc + plsc.load_gather(tab_v, [lanes16 + (g * 256 + k)])
        out_v[pl.ds(g * 16, 16)] = acc

    pltpu.sync_copy(out_v, out_hbm.at[w])


_sc_sums = functools.partial(
    pl.kernel,
    out_type=jax.ShapeDtypeStruct((_NW, _NCH * _NI), jnp.float32),
    mesh=plsc.VectorSubcoreMesh(core_axis_name="c", subcore_axis_name="s"),
    compiler_params=pltpu.CompilerParams(needs_layout_passes=False),
    scratch_types=[
        pltpu.VMEM((_RPW, _W), jnp.int32),
        pltpu.VMEM((4, _RPW, _W), jnp.float32),
        pltpu.VMEM((3, _RPW, _W), jnp.float32),
        pltpu.VMEM((_RPW, _W), jnp.float32),
        pltpu.VMEM((_NCH * _NI * 16,), jnp.float32),
        pltpu.VMEM((_NCH * _NI,), jnp.float32),
        pltpu.SemaphoreType.DMA,
    ],
)(_sc_body)


def _dense_body(ids_ref, mask_ref, xy_ref, imask_ref, xyout_ref, cls_ref,
                accm_ref):
    b = pl.program_id(0)
    r = pl.program_id(1)
    nr = pl.num_programs(1)

    @pl.when(r == 0)
    def _init():
        accm_ref[...] = jnp.zeros_like(accm_ref)

    ids = ids_ref[0]
    mcls = mask_ref[0]
    xy0 = xy_ref[0, 0]
    xy1 = xy_ref[0, 1]
    base = b * _KP + 1
    for j in range(_KP):
        bm = ids == (base + j)
        bmf = bm.astype(jnp.float32)
        imask_ref[j] = bmf
        xyout_ref[j, 0] = bmf * xy0
        xyout_ref[j, 1] = bmf * xy1
        cm = jnp.max(jnp.where(bm, mcls, 0), axis=0)
        accm_ref[j] = jnp.maximum(accm_ref[j], cm)

    @pl.when(r == nr - 1)
    def _fin():
        cls = jnp.max(accm_ref[...], axis=-1, keepdims=True)
        cls_ref[...] = jnp.broadcast_to(cls, (_KP, 128))


def _dense(instance_ids, mask, xy):
    grid = (_B, _H // _RH)
    out_shapes = (
        jax.ShapeDtypeStruct((_NI, _H, _W), jnp.float32),
        jax.ShapeDtypeStruct((_NI, 2, _H, _W), jnp.float32),
        jax.ShapeDtypeStruct((_NI, 128), jnp.int32),
    )
    return pl.pallas_call(
        _dense_body,
        grid=grid,
        in_specs=[
            pl.BlockSpec((1, _RH, _W), lambda b, r: (b, r, 0)),
            pl.BlockSpec((1, _RH, _W), lambda b, r: (b, r, 0)),
            pl.BlockSpec((1, 2, _RH, _W), lambda b, r: (b, 0, r, 0)),
        ],
        out_specs=[
            pl.BlockSpec((_KP, _RH, _W), lambda b, r: (b, r, 0)),
            pl.BlockSpec((_KP, 2, _RH, _W), lambda b, r: (b, 0, r, 0)),
            pl.BlockSpec((_KP, 128), lambda b, r: (b, 0)),
        ],
        out_shape=out_shapes,
        scratch_shapes=[
            pltpu.VMEM((_KP, _W), jnp.int32),
        ],
    )(instance_ids, mask, xy)


def _fin_body(p_ref, clso_ref, qn_ref, sm_ref, ze_ref, cls_ref):
    tot = jnp.sum(p_ref[...], axis=0)
    ch = [tot[c * _NI:(c + 1) * _NI] for c in range(_NCH)]
    cnt = ch[8]
    qm = [ch[c] / cnt for c in range(4)]
    nrm = jnp.sqrt(qm[0] * qm[0] + qm[1] * qm[1] + qm[2] * qm[2]
                   + qm[3] * qm[3])
    rows = ([qm[c] / nrm for c in range(4)]
            + [ch[4 + c] / cnt for c in range(3)]
            + [jnp.exp(ch[7] / cnt)])
    m = jnp.concatenate([r[None, :] for r in rows], axis=0)
    t = m.T
    qn_ref[...] = t[:, 0:4]
    sm_ref[...] = t[:, 4:7]
    ze_ref[...] = t[:, 7:8]
    cls_ref[...] = clso_ref[:, 0:1]


def _finalize(part, clso):
    return pl.pallas_call(
        _fin_body,
        out_shape=(
            jax.ShapeDtypeStruct((_NI, 4), jnp.float32),
            jax.ShapeDtypeStruct((_NI, 3), jnp.float32),
            jax.ShapeDtypeStruct((_NI, 1), jnp.float32),
            jax.ShapeDtypeStruct((_NI, 1), jnp.int32),
        ),
    )(part, clso)


@jax.jit
def kernel(mask, instance_ids, quaternion, scales, xy, z):
    ids_r = instance_ids.reshape(_B * _H, _W)
    q_r = quaternion.reshape(_B * 4, _H, _W)
    s_r = scales.reshape(_B * 3, _H, _W)
    z_r = z.reshape(_B * _H, _W)

    part = _sc_sums(ids_r, q_r, s_r, z_r)
    imask, xyout, clso = _dense(instance_ids, mask, xy)
    qn, sm, ze, cls2 = _finalize(part, clso)

    cls = cls2.reshape(_NI)
    sample_ids = jnp.asarray(_SAMPLE_IDS)
    return (cls, imask, sample_ids, qn, sm, xyout, ze)

# --- scband reference (transcript-rebuilt; emitter-appended) ---
"""Pipeline reference for scband-aggregation-layer-29188597743703 (READ-ONLY COPY).

The authoritative reference and input builder live on the scoring server;
editing this copy changes nothing except your own understanding.
"""

import jax, jax.numpy as jnp
import numpy as np

B, H, W, K_PER, CLASSES = 4, 256, 256, 16, 10


def setup_inputs(seed: int = 0):
    key = jax.random.key(seed)
    k1, k2, k3, k4 = jax.random.split(key, 4)
    rows = jnp.arange(H)[:, None]
    cols = jnp.arange(W)[None, :]
    # 4x4 grid of rectangular connected components per image -> 16 instances/image.
    # This plays the role of scipy.ndimage.label output (precomputed instance labels,
    # globally numbered across the batch exactly as scipy.label with the given 3D
    # structure would produce: batch items never merge).
    labels_local = (rows // (H // 4)) * 4 + (cols // (W // 4)) + 1  # 1..16
    instance_ids = jnp.stack([labels_local + bi * K_PER for bi in range(B)], axis=0).astype(jnp.int32)
    mask = ((instance_ids - 1) % CLASSES + 1).astype(jnp.int32)  # class mask, nonzero
    quaternion = jax.random.normal(k1, (B, 4, H, W), dtype=jnp.float32)
    scales = jax.random.normal(k2, (B, 3, H, W), dtype=jnp.float32)
    xy = jax.random.normal(k3, (B, 2, H, W), dtype=jnp.float32)
    z = jax.random.normal(k4, (B, H, W), dtype=jnp.float32) * 0.1
    return {"mask": mask, "instance_ids": instance_ids, "quaternion": quaternion,
            "scales": scales, "xy": xy, "z": z}


def reference(mask, instance_ids, quaternion, scales, xy, z):
    b, h, w = mask.shape
    total_num_of_instances = b * K_PER
    all_ids = jnp.arange(1, total_num_of_instances + 1, dtype=jnp.int32)
    block_ids = all_ids.reshape(b, K_PER)
    binary_all = (instance_ids[:, None, :, :] == block_ids[:, :, None, None]).astype(jnp.float32)
    instance_masks = binary_all.reshape(b * K_PER, h, w)
    sample_ids = jnp.repeat(jnp.arange(b, dtype=jnp.int32), K_PER)
    class_inst = mask[:, None, :, :] * binary_all.astype(bool)
    class_ids = jnp.max(class_inst, axis=(-2, -1)).reshape(b * K_PER)

    data = {"quaternion": quaternion, "scales": scales, "xy": xy, "z": z}
    out = {}
    for data_key in ["quaternion", "scales", "xy", "z"]:
        instance_data = jnp.take(data[data_key], sample_ids, axis=0)
        if data_key == "z":
            instance_data = instance_data[:, None, :, :]
        masked_data = instance_masks[:, None, :, :] * instance_data
        if data_key in ["quaternion", "scales", "z"]:
            total_val = jnp.sum(masked_data, axis=(-2, -1))
            mask_size = jnp.sum(instance_masks, axis=(-2, -1))
            agg = total_val / mask_size[:, None]
            if data_key == "z":
                agg = jnp.exp(agg)
            elif data_key == "quaternion":
                agg = agg / jnp.linalg.norm(agg, axis=1, keepdims=True)
        else:
            agg = masked_data
        out[data_key] = agg
    return (class_ids, instance_masks, sample_ids,
            out["quaternion"], out["scales"], out["xy"], out["z"])

if __name__ == "__main__":
    import jax
    _d = setup_inputs()
    print(jax.jit(kernel)(*tuple(_d.values())))

</pallas_src>

<mosaic_0001>
#map = affine_map<(d0, d1) -> (0, 0)>
#map1 = affine_map<(d0, d1) -> (0, 0, 0)>
module attributes {stable_mosaic.version = 14 : i64} {
  func.func @_sc_body(%arg0: i32, %arg1: i32, %arg2: memref<1024x256xi32, #tpu.memory_space<hbm>>, %arg3: memref<16x256x256xf32, #tpu.memory_space<hbm>>, %arg4: memref<12x256x256xf32, #tpu.memory_space<hbm>>, %arg5: memref<1024x256xf32, #tpu.memory_space<hbm>>, %arg6: memref<32x576xf32, #tpu.memory_space<hbm>>, %arg7: memref<32x256xi32, #tpu.memory_space<vmem>>, %arg8: memref<4x32x256xf32, #tpu.memory_space<vmem>>, %arg9: memref<3x32x256xf32, #tpu.memory_space<vmem>>, %arg10: memref<32x256xf32, #tpu.memory_space<vmem>>, %arg11: memref<9216xf32, #tpu.memory_space<vmem>>, %arg12: memref<576xf32, #tpu.memory_space<vmem>>, %arg13: memref<!tpu.dma_semaphore, #tpu.memory_space<semaphore_mem>>) attributes {dimension_semantics = [#tpu.dimension_semantics<core_parallel>, #tpu.dimension_semantics<subcore_parallel>], iteration_bounds = array<i64: 2, 16>, scalar_prefetch = 0 : i64, scratch_operands = 7 : i64, tpu.core_type = #tpu.core_type<sc_vector_subcore>, window_params = [{transform_indices = #map}, {transform_indices = #map1}, {transform_indices = #map1}, {transform_indices = #map}, {transform_indices = #map}]} {
    %mul3A = arith.constant 2 : i32
    %mul3A_0 = arith.muli %arg1, %mul3A : i32
    %add3A = arith.addi %mul3A_0, %arg0 : i32
    %mul3A_1 = arith.constant 32 : i32
    %mul3A_2 = arith.muli %add3A, %mul3A_1 : i32
    %jit3A = arith.constant 256 : i32
    %div3A = arith.divsi %mul3A_2, %jit3A : i32
    %sign3A = arith.constant 0 : i32
    %sign3A_3 = arith.cmpi sgt, %mul3A_2, %sign3A : i32
    %sign3A_4 = arith.extui %sign3A_3 : i1 to i32
    %sign3A_5 = arith.constant 0 : i32
    %sign3A_6 = arith.cmpi slt, %mul3A_2, %sign3A_5 : i32
    %sign3A_7 = arith.extui %sign3A_6 : i1 to i32
    %sign3A_8 = arith.subi %sign3A_4, %sign3A_7 : i32
    %sign3A_9 = arith.constant 0 : i32
    %sign3A_10 = arith.cmpi sgt, %jit3A, %sign3A_9 : i32
    %sign3A_11 = arith.extui %sign3A_10 : i1 to i32
    %sign3A_12 = arith.constant 0 : i32
    %sign3A_13 = arith.cmpi slt, %jit3A, %sign3A_12 : i32
    %sign3A_14 = arith.extui %sign3A_13 : i1 to i32
    %sign3A_15 = arith.subi %sign3A_11, %sign3A_14 : i32
    %ne3A = arith.cmpi ne, %sign3A_8, %sign3A_15 : i32
    %rem3A = arith.remsi %mul3A_2, %jit3A : i32
    %ne3A_16 = arith.constant 0 : i32
    %ne3A_17 = arith.cmpi ne, %rem3A, %ne3A_16 : i32
    %and3A = arith.andi %ne3A, %ne3A_17 : i1
    %sub3A = arith.constant 1 : i32
    %sub3A_18 = arith.subi %div3A, %sub3A : i32
    %select_n3A = arith.select %and3A, %sub3A_18, %div3A : i32
    %mul3A_19 = arith.constant 256 : i32
    %mul3A_20 = arith.muli %select_n3A, %mul3A_19 : i32
    %sub3A_21 = arith.subi %mul3A_2, %mul3A_20 : i32
    %dma_start3A = arith.constant 0 : i32
    %dma_start3A_22 = tpu.memref_slice %arg2[%mul3A_2, %dma_start3A] : memref<1024x256xi32, #tpu.memory_space<hbm>> -> memref<32x256xi32, #tpu.memory_space<hbm>>
    %dma_start3A_23 = arith.constant 0 : i32
    %dma_start3A_24 = tpu.memref_slice %arg2[%mul3A_2, %dma_start3A_23] : memref<1024x256xi32, #tpu.memory_space<hbm>> -> memref<32x256xi32, #tpu.memory_space<hbm>>
    tpu.enqueue_dma source(%dma_start3A_24 : memref<32x256xi32, #tpu.memory_space<hbm>>) target(%arg7 : memref<32x256xi32, #tpu.memory_space<vmem>>) target_semaphore(%arg13 : memref<!tpu.dma_semaphore, #tpu.memory_space<semaphore_mem>>)
    %dma_start3A_25 = arith.constant 0 : i32
    %dma_start3A_26 = tpu.memref_slice %arg5[%mul3A_2, %dma_start3A_25] : memref<1024x256xf32, #tpu.memory_space<hbm>> -> memref<32x256xf32, #tpu.memory_space<hbm>>
    %dma_start3A_27 = arith.constant 0 : i32
    %dma_start3A_28 = tpu.memref_slice %arg5[%mul3A_2, %dma_start3A_27] : memref<1024x256xf32, #tpu.memory_space<hbm>> -> memref<32x256xf32, #tpu.memory_space<hbm>>
    tpu.enqueue_dma source(%dma_start3A_28 : memref<32x256xf32, #tpu.memory_space<hbm>>) target(%arg10 : memref<32x256xf32, #tpu.memory_space<vmem>>) target_semaphore(%arg13 : memref<!tpu.dma_semaphore, #tpu.memory_space<semaphore_mem>>)
    %mul3A_29 = arith.constant 4 : i32
    %mul3A_30 = arith.muli %select_n3A, %mul3A_29 : i32
    %add3A_31 = arith.constant 0 : i32
    %add3A_32 = arith.addi %mul3A_30, %add3A_31 : i32
    %dma_start3A_33 = arith.constant 0 : i32
    %dma_start3A_34 = arith.constant 0 : i32
    %dma_start3A_35 = arith.constant 0 : i32
    %dma_start3A_36 = tpu.memref_slice %arg8[%dma_start3A_33, %dma_start3A_34, %dma_start3A_35] : memref<4x32x256xf32, #tpu.memory_space<vmem>> -> memref<1x32x256xf32, #tpu.memory_space<vmem>>
    %dma_start3A_37 = arith.constant 0 : i32
    %dma_start3A_38 = tpu.memref_slice %arg3[%add3A_32, %sub3A_21, %dma_start3A_37] : memref<16x256x256xf32, #tpu.memory_space<hbm>> -> memref<1x32x256xf32, #tpu.memory_space<hbm>>
    %dma_start3A_39 = arith.constant 0 : i32
    %dma_start3A_40 = arith.constant 0 : i32
    %dma_start3A_41 = arith.constant 0 : i32
    %dma_start3A_42 = tpu.memref_slice %arg8[%dma_start3A_39, %dma_start3A_40, %dma_start3A_41] : memref<4x32x256xf32, #tpu.memory_space<vmem>> -> memref<1x32x256xf32, #tpu.memory_space<vmem>>
    %dma_start3A_43 = arith.constant 0 : i32
    %dma_start3A_44 = tpu.memref_slice %arg3[%add3A_32, %sub3A_21, %dma_start3A_43] : memref<16x256x256xf32, #tpu.memory_space<hbm>> -> memref<1x32x256xf32, #tpu.memory_space<hbm>>
    tpu.enqueue_dma source(%dma_start3A_44 : memref<1x32x256xf32, #tpu.memory_space<hbm>>) target(%dma_start3A_42 : memref<1x32x256xf32, #tpu.memory_space<vmem>>) target_semaphore(%arg13 : memref<!tpu.dma_semaphore, #tpu.memory_space<semaphore_mem>>)
    %mul3A_45 = arith.constant 4 : i32
    %mul3A_46 = arith.muli %select_n3A, %mul3A_45 : i32
    %add3A_47 = arith.constant 1 : i32
    %add3A_48 = arith.addi %mul3A_46, %add3A_47 : i32
    %dma_start3A_49 = arith.constant 1 : i32
    %dma_start3A_50 = arith.constant 0 : i32
    %dma_start3A_51 = arith.constant 0 : i32
    %dma_start3A_52 = tpu.memref_slice %arg8[%dma_start3A_49, %dma_start3A_50, %dma_start3A_51] : memref<4x32x256xf32, #tpu.memory_space<vmem>> -> memref<1x32x256xf32, #tpu.memory_space<vmem>>
    %dma_start3A_53 = arith.constant 0 : i32
    %dma_start3A_54 = tpu.memref_slice %arg3[%add3A_48, %sub3A_21, %dma_start3A_53] : memref<16x256x256xf32, #tpu.memory_space<hbm>> -> memref<1x32x256xf32, #tpu.memory_space<hbm>>
    %dma_start3A_55 = arith.constant 1 : i32
    %dma_start3A_56 = arith.constant 0 : i32
    %dma_start3A_57 = arith.constant 0 : i32
    %dma_start3A_58 = tpu.memref_slice %arg8[%dma_start3A_55, %dma_start3A_56, %dma_start3A_57] : memref<4x32x256xf32, #tpu.memory_space<vmem>> -> memref<1x32x256xf32, #tpu.memory_space<vmem>>
    %dma_start3A_59 = arith.constant 0 : i32
    %dma_start3A_60 = tpu.memref_slice %arg3[%add3A_48, %sub3A_21, %dma_start3A_59] : memref<16x256x256xf32, #tpu.memory_space<hbm>> -> memref<1x32x256xf32, #tpu.memory_space<hbm>>
    tpu.enqueue_dma source(%dma_start3A_60 : memref<1x32x256xf32, #tpu.memory_space<hbm>>) target(%dma_start3A_58 : memref<1x32x256xf32, #tpu.memory_space<vmem>>) target_semaphore(%arg13 : memref<!tpu.dma_semaphore, #tpu.memory_space<semaphore_mem>>)
    %mul3A_61 = arith.constant 4 : i32
    %mul3A_62 = arith.muli %select_n3A, %mul3A_61 : i32
    %add3A_63 = arith.constant 2 : i32
    %add3A_64 = arith.addi %mul3A_62, %add3A_63 : i32
    %dma_start3A_65 = arith.constant 2 : i32
    %dma_start3A_66 = arith.constant 0 : i32
    %dma_start3A_67 = arith.constant 0 : i32
    %dma_start3A_68 = tpu.memref_slice %arg8[%dma_start3A_65, %dma_start3A_66, %dma_start3A_67] : memref<4x32x256xf32, #tpu.memory_space<vmem>> -> memref<1x32x256xf32, #tpu.memory_space<vmem>>
    %dma_start3A_69 = arith.constant 0 : i32
    %dma_start3A_70 = tpu.memref_slice %arg3[%add3A_64, %sub3A_21, %dma_start3A_69] : memref<16x256x256xf32, #tpu.memory_space<hbm>> -> memref<1x32x256xf32, #tpu.memory_space<hbm>>
    %dma_start3A_71 = arith.constant 2 : i32
    %dma_start3A_72 = arith.constant 0 : i32
    %dma_start3A_73 = arith.constant 0 : i32
    %dma_start3A_74 = tpu.memref_slice %arg8[%dma_start3A_71, %dma_start3A_72, %dma_start3A_73] : memref<4x32x256xf32, #tpu.memory_space<vmem>> -> memref<1x32x256xf32, #tpu.memory_space<vmem>>
    %dma_start3A_75 = arith.constant 0 : i32
    %dma_start3A_76 = tpu.memref_slice %arg3[%add3A_64, %sub3A_21, %dma_start3A_75] : memref<16x256x256xf32, #tpu.memory_space<hbm>> -> memref<1x32x256xf32, #tpu.memory_space<hbm>>
    tpu.enqueue_dma source(%dma_start3A_76 : memref<1x32x256xf32, #tpu.memory_space<hbm>>) target(%dma_start3A_74 : memref<1x32x256xf32, #tpu.memory_space<vmem>>) target_semaphore(%arg13 : memref<!tpu.dma_semaphore, #tpu.memory_space<semaphore_mem>>)
    %mul3A_77 = arith.constant 4 : i32
    %mul3A_78 = arith.muli %select_n3A, %mul3A_77 : i32
    %add3A_79 = arith.constant 3 : i32
    %add3A_80 = arith.addi %mul3A_78, %add3A_79 : i32
    %dma_start3A_81 = arith.constant 3 : i32
    %dma_start3A_82 = arith.constant 0 : i32
    %dma_start3A_83 = arith.constant 0 : i32
    %dma_start3A_84 = tpu.memref_slice %arg8[%dma_start3A_81, %dma_start3A_82, %dma_start3A_83] : memref<4x32x256xf32, #tpu.memory_space<vmem>> -> memref<1x32x256xf32, #tpu.memory_space<vmem>>
    %dma_start3A_85 = arith.constant 0 : i32
    %dma_start3A_86 = tpu.memref_slice %arg3[%add3A_80, %sub3A_21, %dma_start3A_85] : memref<16x256x256xf32, #tpu.memory_space<hbm>> -> memref<1x32x256xf32, #tpu.memory_space<hbm>>
    %dma_start3A_87 = arith.constant 3 : i32
    %dma_start3A_88 = arith.constant 0 : i32
    %dma_start3A_89 = arith.constant 0 : i32
    %dma_start3A_90 = tpu.memref_slice %arg8[%dma_start3A_87, %dma_start3A_88, %dma_start3A_89] : memref<4x32x256xf32, #tpu.memory_space<vmem>> -> memref<1x32x256xf32, #tpu.memory_space<vmem>>
    %dma_start3A_91 = arith.constant 0 : i32
    %dma_start3A_92 = tpu.memref_slice %arg3[%add3A_80, %sub3A_21, %dma_start3A_91] : memref<16x256x256xf32, #tpu.memory_space<hbm>> -> memref<1x32x256xf32, #tpu.memory_space<hbm>>
    tpu.enqueue_dma source(%dma_start3A_92 : memref<1x32x256xf32, #tpu.memory_space<hbm>>) target(%dma_start3A_90 : memref<1x32x256xf32, #tpu.memory_space<vmem>>) target_semaphore(%arg13 : memref<!tpu.dma_semaphore, #tpu.memory_space<semaphore_mem>>)
    %mul3A_93 = arith.constant 3 : i32
    %mul3A_94 = arith.muli %select_n3A, %mul3A_93 : i32
    %add3A_95 = arith.constant 0 : i32
    %add3A_96 = arith.addi %mul3A_94, %add3A_95 : i32
    %dma_start3A_97 = arith.constant 0 : i32
    %dma_start3A_98 = arith.constant 0 : i32
    %dma_start3A_99 = arith.constant 0 : i32
    %dma_start3A_100 = tpu.memref_slice %arg9[%dma_start3A_97, %dma_start3A_98, %dma_start3A_99] : memref<3x32x256xf32, #tpu.memory_space<vmem>> -> memref<1x32x256xf32, #tpu.memory_space<vmem>>
    %dma_start3A_101 = arith.constant 0 : i32
    %dma_start3A_102 = tpu.memref_slice %arg4[%add3A_96, %sub3A_21, %dma_start3A_101] : memref<12x256x256xf32, #tpu.memory_space<hbm>> -> memref<1x32x256xf32, #tpu.memory_space<hbm>>
    %dma_start3A_103 = arith.constant 0 : i32
    %dma_start3A_104 = arith.constant 0 : i32
    %dma_start3A_105 = arith.constant 0 : i32
    %dma_start3A_106 = tpu.memref_slice %arg9[%dma_start3A_103, %dma_start3A_104, %dma_start3A_105] : memref<3x32x256xf32, #tpu.memory_space<vmem>> -> memref<1x32x256xf32, #tpu.memory_space<vmem>>
    %dma_start3A_107 = arith.constant 0 : i32
    %dma_start3A_108 = tpu.memref_slice %arg4[%add3A_96, %sub3A_21, %dma_start3A_107] : memref<12x256x256xf32, #tpu.memory_space<hbm>> -> memref<1x32x256xf32, #tpu.memory_space<hbm>>
    tpu.enqueue_dma source(%dma_start3A_108 : memref<1x32x256xf32, #tpu.memory_space<hbm>>) target(%dma_start3A_106 : memref<1x32x256xf32, #tpu.memory_space<vmem>>) target_semaphore(%arg13 : memref<!tpu.dma_semaphore, #tpu.memory_space<semaphore_mem>>)
    %mul3A_109 = arith.constant 3 : i32
    %mul3A_110 = arith.muli %select_n3A, %mul3A_109 : i32
    %add3A_111 = arith.constant 1 : i32
    %add3A_112 = arith.addi %mul3A_110, %add3A_111 : i32
    %dma_start3A_113 = arith.constant 1 : i32
    %dma_start3A_114 = arith.constant 0 : i32
    %dma_start3A_115 = arith.constant 0 : i32
    %dma_start3A_116 = tpu.memref_slice %arg9[%dma_start3A_113, %dma_start3A_114, %dma_start3A_115] : memref<3x32x256xf32, #tpu.memory_space<vmem>> -> memref<1x32x256xf32, #tpu.memory_space<vmem>>
    %dma_start3A_117 = arith.constant 0 : i32
    %dma_start3A_118 = tpu.memref_slice %arg4[%add3A_112, %sub3A_21, %dma_start3A_117] : memref<12x256x256xf32, #tpu.memory_space<hbm>> -> memref<1x32x256xf32, #tpu.memory_space<hbm>>
    %dma_start3A_119 = arith.constant 1 : i32
    %dma_start3A_120 = arith.constant 0 : i32
    %dma_start3A_121 = arith.constant 0 : i32
    %dma_start3A_122 = tpu.memref_slice %arg9[%dma_start3A_119, %dma_start3A_120, %dma_start3A_121] : memref<3x32x256xf32, #tpu.memory_space<vmem>> -> memref<1x32x256xf32, #tpu.memory_space<vmem>>
    %dma_start3A_123 = arith.constant 0 : i32
    %dma_start3A_124 = tpu.memref_slice %arg4[%add3A_112, %sub3A_21, %dma_start3A_123] : memref<12x256x256xf32, #tpu.memory_space<hbm>> -> memref<1x32x256xf32, #tpu.memory_space<hbm>>
    tpu.enqueue_dma source(%dma_start3A_124 : memref<1x32x256xf32, #tpu.memory_space<hbm>>) target(%dma_start3A_122 : memref<1x32x256xf32, #tpu.memory_space<vmem>>) target_semaphore(%arg13 : memref<!tpu.dma_semaphore, #tpu.memory_space<semaphore_mem>>)
    %mul3A_125 = arith.constant 3 : i32
    %mul3A_126 = arith.muli %select_n3A, %mul3A_125 : i32
    %add3A_127 = arith.constant 2 : i32
    %add3A_128 = arith.addi %mul3A_126, %add3A_127 : i32
    %dma_start3A_129 = arith.constant 2 : i32
    %dma_start3A_130 = arith.constant 0 : i32
    %dma_start3A_131 = arith.constant 0 : i32
    %dma_start3A_132 = tpu.memref_slice %arg9[%dma_start3A_129, %dma_start3A_130, %dma_start3A_131] : memref<3x32x256xf32, #tpu.memory_space<vmem>> -> memref<1x32x256xf32, #tpu.memory_space<vmem>>
    %dma_start3A_133 = arith.constant 0 : i32
    %dma_start3A_134 = tpu.memref_slice %arg4[%add3A_128, %sub3A_21, %dma_start3A_133] : memref<12x256x256xf32, #tpu.memory_space<hbm>> -> memref<1x32x256xf32, #tpu.memory_space<hbm>>
    %dma_start3A_135 = arith.constant 2 : i32
    %dma_start3A_136 = arith.constant 0 : i32
    %dma_start3A_137 = arith.constant 0 : i32
    %dma_start3A_138 = tpu.memref_slice %arg9[%dma_start3A_135, %dma_start3A_136, %dma_start3A_137] : memref<3x32x256xf32, #tpu.memory_space<vmem>> -> memref<1x32x256xf32, #tpu.memory_space<vmem>>
    %dma_start3A_139 = arith.constant 0 : i32
    %dma_start3A_140 = tpu.memref_slice %arg4[%add3A_128, %sub3A_21, %dma_start3A_139] : memref<12x256x256xf32, #tpu.memory_space<hbm>> -> memref<1x32x256xf32, #tpu.memory_space<hbm>>
    tpu.enqueue_dma source(%dma_start3A_140 : memref<1x32x256xf32, #tpu.memory_space<hbm>>) target(%dma_start3A_138 : memref<1x32x256xf32, #tpu.memory_space<vmem>>) target_semaphore(%arg13 : memref<!tpu.dma_semaphore, #tpu.memory_space<semaphore_mem>>)
    %broadcast_in_dim3A = arith.constant 0.000000e+00 : f32
    %broadcast_in_dim3A_141 = vector.broadcast %broadcast_in_dim3A : f32 to vector<16xf32>
    %parallel_loop3A = arith.constant 0 : i32
    %parallel_loop3A_142 = arith.constant 9216 : i32
    %parallel_loop3A_143 = arith.constant 16 : i32
    scf.for %parallel_loop3A_3157 = %parallel_loop3A to %parallel_loop3A_142 step %parallel_loop3A_143  : i32 {
      %parallel_loop3A_3158 = arith.index_cast %parallel_loop3A_3157 : i32 to index
      %parallel_loop3A_3159 = tpu.vector_load %arg11[%parallel_loop3A_3158] {strides = array<i32>} : memref<9216xf32, #tpu.memory_space<vmem>>, vector<16xf32>,
      tpu.vector_store %arg11[%parallel_loop3A_3158], %broadcast_in_dim3A_141 {strides = array<i32>} : memref<9216xf32, #tpu.memory_space<vmem>>, vector<16xf32>,
    } {sc.loop_unroll_factor = 8 : i64, sc.parallel_access}
    %dma_wait3A = arith.constant 0 : i32
    %dma_wait3A_144 = tpu.memref_slice %arg2[%mul3A_2, %dma_wait3A] : memref<1024x256xi32, #tpu.memory_space<hbm>> -> memref<32x256xi32, #tpu.memory_space<hbm>>
    %dma_wait3A_145 = arith.constant 0 : i32
    %dma_wait3A_146 = tpu.memref_slice %arg2[%mul3A_2, %dma_wait3A_145] : memref<1024x256xi32, #tpu.memory_space<hbm>> -> memref<32x256xi32, #tpu.memory_space<hbm>>
    tpu.wait_dma2 semaphore(%arg13 : memref<!tpu.dma_semaphore, #tpu.memory_space<semaphore_mem>>) src(%dma_wait3A_146 : memref<32x256xi32, #tpu.memory_space<hbm>>) dst(%arg7 : memref<32x256xi32, #tpu.memory_space<vmem>>)
    %dma_wait3A_147 = arith.constant 0 : i32
    %dma_wait3A_148 = tpu.memref_slice %arg5[%mul3A_2, %dma_wait3A_147] : memref<1024x256xf32, #tpu.memory_space<hbm>> -> memref<32x256xf32, #tpu.memory_space<hbm>>
    %dma_wait3A_149 = arith.constant 0 : i32
    %dma_wait3A_150 = tpu.memref_slice %arg5[%mul3A_2, %dma_wait3A_149] : memref<1024x256xf32, #tpu.memory_space<hbm>> -> memref<32x256xf32, #tpu.memory_space<hbm>>
    tpu.wait_dma2 semaphore(%arg13 : memref<!tpu.dma_semaphore, #tpu.memory_space<semaphore_mem>>) src(%dma_wait3A_150 : memref<32x256xf32, #tpu.memory_space<hbm>>) dst(%arg10 : memref<32x256xf32, #tpu.memory_space<vmem>>)
    %dma_wait3A_151 = arith.constant 0 : i32
    %dma_wait3A_152 = arith.constant 0 : i32
    %dma_wait3A_153 = arith.constant 0 : i32
    %dma_wait3A_154 = tpu.memref_slice %arg8[%dma_wait3A_151, %dma_wait3A_152, %dma_wait3A_153] : memref<4x32x256xf32, #tpu.memory_space<vmem>> -> memref<1x32x256xf32, #tpu.memory_space<vmem>>
    %dma_wait3A_155 = arith.constant 0 : i32
    %dma_wait3A_156 = tpu.memref_slice %arg3[%add3A_32, %sub3A_21, %dma_wait3A_155] : memref<16x256x256xf32, #tpu.memory_space<hbm>> -> memref<1x32x256xf32, #tpu.memory_space<hbm>>
    %dma_wait3A_157 = arith.constant 0 : i32
    %dma_wait3A_158 = arith.constant 0 : i32
    %dma_wait3A_159 = arith.constant 0 : i32
    %dma_wait3A_160 = tpu.memref_slice %arg8[%dma_wait3A_157, %dma_wait3A_158, %dma_wait3A_159] : memref<4x32x256xf32, #tpu.memory_space<vmem>> -> memref<1x32x256xf32, #tpu.memory_space<vmem>>
    %dma_wait3A_161 = arith.constant 0 : i32
    %dma_wait3A_162 = tpu.memref_slice %arg3[%add3A_32, %sub3A_21, %dma_wait3A_161] : memref<16x256x256xf32, #tpu.memory_space<hbm>> -> memref<1x32x256xf32, #tpu.memory_space<hbm>>
    tpu.wait_dma2 semaphore(%arg13 : memref<!tpu.dma_semaphore, #tpu.memory_space<semaphore_mem>>) src(%dma_wait3A_162 : memref<1x32x256xf32, #tpu.memory_space<hbm>>) dst(%dma_wait3A_160 : memref<1x32x256xf32, #tpu.memory_space<vmem>>)
    %dma_wait3A_163 = arith.constant 1 : i32
    %dma_wait3A_164 = arith.constant 0 : i32
    %dma_wait3A_165 = arith.constant 0 : i32
    %dma_wait3A_166 = tpu.memref_slice %arg8[%dma_wait3A_163, %dma_wait3A_164, %dma_wait3A_165] : memref<4x32x256xf32, #tpu.memory_space<vmem>> -> memref<1x32x256xf32, #tpu.memory_space<vmem>>
    %dma_wait3A_167 = arith.constant 0 : i32
    %dma_wait3A_168 = tpu.memref_slice %arg3[%add3A_48, %sub3A_21, %dma_wait3A_167] : memref<16x256x256xf32, #tpu.memory_space<hbm>> -> memref<1x32x256xf32, #tpu.memory_space<hbm>>
    %dma_wait3A_169 = arith.constant 1 : i32
    %dma_wait3A_170 = arith.constant 0 : i32
    %dma_wait3A_171 = arith.constant 0 : i32
    %dma_wait3A_172 = tpu.memref_slice %arg8[%dma_wait3A_169, %dma_wait3A_170, %dma_wait3A_171] : memref<4x32x256xf32, #tpu.memory_space<vmem>> -> memref<1x32x256xf32, #tpu.memory_space<vmem>>
    %dma_wait3A_173 = arith.constant 0 : i32
    %dma_wait3A_174 = tpu.memref_slice %arg3[%add3A_48, %sub3A_21, %dma_wait3A_173] : memref<16x256x256xf32, #tpu.memory_space<hbm>> -> memref<1x32x256xf32, #tpu.memory_space<hbm>>
    tpu.wait_dma2 semaphore(%arg13 : memref<!tpu.dma_semaphore, #tpu.memory_space<semaphore_mem>>) src(%dma_wait3A_174 : memref<1x32x256xf32, #tpu.memory_space<hbm>>) dst(%dma_wait3A_172 : memref<1x32x256xf32, #tpu.memory_space<vmem>>)
    %dma_wait3A_175 = arith.constant 2 : i32
    %dma_wait3A_176 = arith.constant 0 : i32
    %dma_wait3A_177 = arith.constant 0 : i32
    %dma_wait3A_178 = tpu.memref_slice %arg8[%dma_wait3A_175, %dma_wait3A_176, %dma_wait3A_177] : memref<4x32x256xf32, #tpu.memory_space<vmem>> -> memref<1x32x256xf32, #tpu.memory_space<vmem>>
    %dma_wait3A_179 = arith.constant 0 : i32
    %dma_wait3A_180 = tpu.memref_slice %arg3[%add3A_64, %sub3A_21, %dma_wait3A_179] : memref<16x256x256xf32, #tpu.memory_space<hbm>> -> memref<1x32x256xf32, #tpu.memory_space<hbm>>
    %dma_wait3A_181 = arith.constant 2 : i32
    %dma_wait3A_182 = arith.constant 0 : i32
    %dma_wait3A_183 = arith.constant 0 : i32
    %dma_wait3A_184 = tpu.memref_slice %arg8[%dma_wait3A_181, %dma_wait3A_182, %dma_wait3A_183] : memref<4x32x256xf32, #tpu.memory_space<vmem>> -> memref<1x32x256xf32, #tpu.memory_space<vmem>>
    %dma_wait3A_185 = arith.constant 0 : i32
    %dma_wait3A_186 = tpu.memref_slice %arg3[%add3A_64, %sub3A_21, %dma_wait3A_185] : memref<16x256x256xf32, #tpu.memory_space<hbm>> -> memref<1x32x256xf32, #tpu.memory_space<hbm>>
    tpu.wait_dma2 semaphore(%arg13 : memref<!tpu.dma_semaphore, #tpu.memory_space<semaphore_mem>>) src(%dma_wait3A_186 : memref<1x32x256xf32, #tpu.memory_space<hbm>>) dst(%dma_wait3A_184 : memref<1x32x256xf32, #tpu.memory_space<vmem>>)
    %dma_wait3A_187 = arith.constant 3 : i32
    %dma_wait3A_188 = arith.constant 0 : i32
    %dma_wait3A_189 = arith.constant 0 : i32
    %dma_wait3A_190 = tpu.memref_slice %arg8[%dma_wait3A_187, %dma_wait3A_188, %dma_wait3A_189] : memref<4x32x256xf32, #tpu.memory_space<vmem>> -> memref<1x32x256xf32, #tpu.memory_space<vmem>>
    %dma_wait3A_191 = arith.constant 0 : i32
    %dma_wait3A_192 = tpu.memref_slice %arg3[%add3A_80, %sub3A_21, %dma_wait3A_191] : memref<16x256x256xf32, #tpu.memory_space<hbm>> -> memref<1x32x256xf32, #tpu.memory_space<hbm>>
    %dma_wait3A_193 = arith.constant 3 : i32
    %dma_wait3A_194 = arith.constant 0 : i32
    %dma_wait3A_195 = arith.constant 0 : i32
    %dma_wait3A_196 = tpu.memref_slice %arg8[%dma_wait3A_193, %dma_wait3A_194, %dma_wait3A_195] : memref<4x32x256xf32, #tpu.memory_space<vmem>> -> memref<1x32x256xf32, #tpu.memory_space<vmem>>
    %dma_wait3A_197 = arith.constant 0 : i32
    %dma_wait3A_198 = tpu.memref_slice %arg3[%add3A_80, %sub3A_21, %dma_wait3A_197] : memref<16x256x256xf32, #tpu.memory_space<hbm>> -> memref<1x32x256xf32, #tpu.memory_space<hbm>>
    tpu.wait_dma2 semaphore(%arg13 : memref<!tpu.dma_semaphore, #tpu.memory_space<semaphore_mem>>) src(%dma_wait3A_198 : memref<1x32x256xf32, #tpu.memory_space<hbm>>) dst(%dma_wait3A_196 : memref<1x32x256xf32, #tpu.memory_space<vmem>>)
    %dma_wait3A_199 = arith.constant 0 : i32
    %dma_wait3A_200 = arith.constant 0 : i32
    %dma_wait3A_201 = arith.constant 0 : i32
    %dma_wait3A_202 = tpu.memref_slice %arg9[%dma_wait3A_199, %dma_wait3A_200, %dma_wait3A_201] : memref<3x32x256xf32, #tpu.memory_space<vmem>> -> memref<1x32x256xf32, #tpu.memory_space<vmem>>
    %dma_wait3A_203 = arith.constant 0 : i32
    %dma_wait3A_204 = tpu.memref_slice %arg4[%add3A_96, %sub3A_21, %dma_wait3A_203] : memref<12x256x256xf32, #tpu.memory_space<hbm>> -> memref<1x32x256xf32, #tpu.memory_space<hbm>>
    %dma_wait3A_205 = arith.constant 0 : i32
    %dma_wait3A_206 = arith.constant 0 : i32
    %dma_wait3A_207 = arith.constant 0 : i32
    %dma_wait3A_208 = tpu.memref_slice %arg9[%dma_wait3A_205, %dma_wait3A_206, %dma_wait3A_207] : memref<3x32x256xf32, #tpu.memory_space<vmem>> -> memref<1x32x256xf32, #tpu.memory_space<vmem>>
    %dma_wait3A_209 = arith.constant 0 : i32
    %dma_wait3A_210 = tpu.memref_slice %arg4[%add3A_96, %sub3A_21, %dma_wait3A_209] : memref<12x256x256xf32, #tpu.memory_space<hbm>> -> memref<1x32x256xf32, #tpu.memory_space<hbm>>
    tpu.wait_dma2 semaphore(%arg13 : memref<!tpu.dma_semaphore, #tpu.memory_space<semaphore_mem>>) src(%dma_wait3A_210 : memref<1x32x256xf32, #tpu.memory_space<hbm>>) dst(%dma_wait3A_208 : memref<1x32x256xf32, #tpu.memory_space<vmem>>)
    %dma_wait3A_211 = arith.constant 1 : i32
    %dma_wait3A_212 = arith.constant 0 : i32
    %dma_wait3A_213 = arith.constant 0 : i32
    %dma_wait3A_214 = tpu.memref_slice %arg9[%dma_wait3A_211, %dma_wait3A_212, %dma_wait3A_213] : memref<3x32x256xf32, #tpu.memory_space<vmem>> -> memref<1x32x256xf32, #tpu.memory_space<vmem>>
    %dma_wait3A_215 = arith.constant 0 : i32
    %dma_wait3A_216 = tpu.memref_slice %arg4[%add3A_112, %sub3A_21, %dma_wait3A_215] : memref<12x256x256xf32, #tpu.memory_space<hbm>> -> memref<1x32x256xf32, #tpu.memory_space<hbm>>
    %dma_wait3A_217 = arith.constant 1 : i32
    %dma_wait3A_218 = arith.constant 0 : i32
    %dma_wait3A_219 = arith.constant 0 : i32
    %dma_wait3A_220 = tpu.memref_slice %arg9[%dma_wait3A_217, %dma_wait3A_218, %dma_wait3A_219] : memref<3x32x256xf32, #tpu.memory_space<vmem>> -> memref<1x32x256xf32, #tpu.memory_space<vmem>>
    %dma_wait3A_221 = arith.constant 0 : i32
    %dma_wait3A_222 = tpu.memref_slice %arg4[%add3A_112, %sub3A_21, %dma_wait3A_221] : memref<12x256x256xf32, #tpu.memory_space<hbm>> -> memref<1x32x256xf32, #tpu.memory_space<hbm>>
    tpu.wait_dma2 semaphore(%arg13 : memref<!tpu.dma_semaphore, #tpu.memory_space<semaphore_mem>>) src(%dma_wait3A_222 : memref<1x32x256xf32, #tpu.memory_space<hbm>>) dst(%dma_wait3A_220 : memref<1x32x256xf32, #tpu.memory_space<vmem>>)
    %dma_wait3A_223 = arith.constant 2 : i32
    %dma_wait3A_224 = arith.constant 0 : i32
    %dma_wait3A_225 = arith.constant 0 : i32
    %dma_wait3A_226 = tpu.memref_slice %arg9[%dma_wait3A_223, %dma_wait3A_224, %dma_wait3A_225] : memref<3x32x256xf32, #tpu.memory_space<vmem>> -> memref<1x32x256xf32, #tpu.memory_space<vmem>>
    %dma_wait3A_227 = arith.constant 0 : i32
    %dma_wait3A_228 = tpu.memref_slice %arg4[%add3A_128, %sub3A_21, %dma_wait3A_227] : memref<12x256x256xf32, #tpu.memory_space<hbm>> -> memref<1x32x256xf32, #tpu.memory_space<hbm>>
    %dma_wait3A_229 = arith.constant 2 : i32
    %dma_wait3A_230 = arith.constant 0 : i32
    %dma_wait3A_231 = arith.constant 0 : i32
    %dma_wait3A_232 = tpu.memref_slice %arg9[%dma_wait3A_229, %dma_wait3A_230, %dma_wait3A_231] : memref<3x32x256xf32, #tpu.memory_space<vmem>> -> memref<1x32x256xf32, #tpu.memory_space<vmem>>
    %dma_wait3A_233 = arith.constant 0 : i32
    %dma_wait3A_234 = tpu.memref_slice %arg4[%add3A_128, %sub3A_21, %dma_wait3A_233] : memref<12x256x256xf32, #tpu.memory_space<hbm>> -> memref<1x32x256xf32, #tpu.memory_space<hbm>>
    tpu.wait_dma2 semaphore(%arg13 : memref<!tpu.dma_semaphore, #tpu.memory_space<semaphore_mem>>) src(%dma_wait3A_234 : memref<1x32x256xf32, #tpu.memory_space<hbm>>) dst(%dma_wait3A_232 : memref<1x32x256xf32, #tpu.memory_space<vmem>>)
    %iota3A = tpu.iota {dimensions = array<i32: 0>} : vector<16xi32>
    %broadcast_in_dim3A_235 = arith.constant 1.000000e+00 : f32
    %broadcast_in_dim3A_236 = vector.broadcast %broadcast_in_dim3A_235 : f32 to vector<16xf32>
    %parallel_loop3A_237 = arith.constant 0 : i32
    %parallel_loop3A_238 = arith.constant 8192 : i32
    %parallel_loop3A_239 = arith.constant 16 : i32
    scf.for %parallel_loop3A_3157 = %parallel_loop3A_237 to %parallel_loop3A_238 step %parallel_loop3A_239  : i32 {
      %parallel_loop3A_3158 = arith.constant 8 : i32
      %parallel_loop3A_3159 = arith.shrui %parallel_loop3A_3157, %parallel_loop3A_3158 : i32
      %parallel_loop3A_3160 = arith.constant 255 : i32
      %parallel_loop3A_3161 = arith.andi %parallel_loop3A_3157, %parallel_loop3A_3160 : i32
      %parallel_loop3A_3162 = arith.index_cast %parallel_loop3A_3159 : i32 to index
      %parallel_loop3A_3163 = arith.index_cast %parallel_loop3A_3161 : i32 to index
      %parallel_loop3A_3164 = tpu.vector_load %arg7[%parallel_loop3A_3162, %parallel_loop3A_3163] {strides = array<i32>} : memref<32x256xi32, #tpu.memory_space<vmem>>, vector<16xi32>,
      %parallel_loop3A_3165 = arith.constant 1 : i32
      %parallel_loop3A_3166 = vector.broadcast %parallel_loop3A_3165 : i32 to vector<16xi32>
      %parallel_loop3A_3167 = arith.subi %parallel_loop3A_3164, %parallel_loop3A_3166 : vector<16xi32>
      %parallel_loop3A_3168 = arith.constant 16 : i32
      %parallel_loop3A_3169 = vector.broadcast %parallel_loop3A_3168 : i32 to vector<16xi32>
      %parallel_loop3A_3170 = arith.muli %parallel_loop3A_3167, %parallel_loop3A_3169 : vector<16xi32>
      %parallel_loop3A_3171 = arith.addi %parallel_loop3A_3170, %iota3A : vector<16xi32>
      %parallel_loop3A_3172 = arith.constant 0 : i32
      %parallel_loop3A_3173 = arith.index_cast %parallel_loop3A_3172 : i32 to index
      %parallel_loop3A_3174 = arith.index_cast %parallel_loop3A_3159 : i32 to index
      %parallel_loop3A_3175 = arith.index_cast %parallel_loop3A_3161 : i32 to index
      %parallel_loop3A_3176 = tpu.vector_load %arg8[%parallel_loop3A_3173, %parallel_loop3A_3174, %parallel_loop3A_3175] {strides = array<i32>} : memref<4x32x256xf32, #tpu.memory_space<vmem>>, vector<16xf32>,
      %parallel_loop3A_3177 = arith.constant 0 : i32
      %parallel_loop3A_3178 = vector.broadcast %parallel_loop3A_3177 : i32 to vector<16xi32>
      %parallel_loop3A_3179 = arith.addi %parallel_loop3A_3171, %parallel_loop3A_3178 : vector<16xi32>
      tpu.vector_store_idx %arg11[%parallel_loop3A_3179], %parallel_loop3A_3176 {add = true} : memref<9216xf32, #tpu.memory_space<vmem>>[vector<16xi32>], vector<16xf32>,
      %parallel_loop3A_3180 = arith.constant 1 : i32
      %parallel_loop3A_3181 = arith.index_cast %parallel_loop3A_3180 : i32 to index
      %parallel_loop3A_3182 = arith.index_cast %parallel_loop3A_3159 : i32 to index
      %parallel_loop3A_3183 = arith.index_cast %parallel_loop3A_3161 : i32 to index
      %parallel_loop3A_3184 = tpu.vector_load %arg8[%parallel_loop3A_3181, %parallel_loop3A_3182, %parallel_loop3A_3183] {strides = array<i32>} : memref<4x32x256xf32, #tpu.memory_space<vmem>>, vector<16xf32>,
      %parallel_loop3A_3185 = arith.constant 1024 : i32
      %parallel_loop3A_3186 = vector.broadcast %parallel_loop3A_3185 : i32 to vector<16xi32>
      %parallel_loop3A_3187 = arith.addi %parallel_loop3A_3171, %parallel_loop3A_3186 : vector<16xi32>
      tpu.vector_store_idx %arg11[%parallel_loop3A_3187], %parallel_loop3A_3184 {add = true} : memref<9216xf32, #tpu.memory_space<vmem>>[vector<16xi32>], vector<16xf32>,
      %parallel_loop3A_3188 = arith.constant 2 : i32
      %parallel_loop3A_3189 = arith.index_cast %parallel_loop3A_3188 : i32 to index
      %parallel_loop3A_3190 = arith.index_cast %parallel_loop3A_3159 : i32 to index
      %parallel_loop3A_3191 = arith.index_cast %parallel_loop3A_3161 : i32 to index
      %parallel_loop3A_3192 = tpu.vector_load %arg8[%parallel_loop3A_3189, %parallel_loop3A_3190, %parallel_loop3A_3191] {strides = array<i32>} : memref<4x32x256xf32, #tpu.memory_space<vmem>>, vector<16xf32>,
      %parallel_loop3A_3193 = arith.constant 2048 : i32
      %parallel_loop3A_3194 = vector.broadcast %parallel_loop3A_3193 : i32 to vector<16xi32>
      %parallel_loop3A_3195 = arith.addi %parallel_loop3A_3171, %parallel_loop3A_3194 : vector<16xi32>
      tpu.vector_store_idx %arg11[%parallel_loop3A_3195], %parallel_loop3A_3192 {add = true} : memref<9216xf32, #tpu.memory_space<vmem>>[vector<16xi32>], vector<16xf32>,
      %parallel_loop3A_3196 = arith.constant 3 : i32
      %parallel_loop3A_3197 = arith.index_cast %parallel_loop3A_3196 : i32 to index
      %parallel_loop3A_3198 = arith.index_cast %parallel_loop3A_3159 : i32 to index
      %parallel_loop3A_3199 = arith.index_cast %parallel_loop3A_3161 : i32 to index
      %parallel_loop3A_3200 = tpu.vector_load %arg8[%parallel_loop3A_3197, %parallel_loop3A_3198, %parallel_loop3A_3199] {strides = array<i32>} : memref<4x32x256xf32, #tpu.memory_space<vmem>>, vector<16xf32>,
      %parallel_loop3A_3201 = arith.constant 3072 : i32
      %parallel_loop3A_3202 = vector.broadcast %parallel_loop3A_3201 : i32 to vector<16xi32>
      %parallel_loop3A_3203 = arith.addi %parallel_loop3A_3171, %parallel_loop3A_3202 : vector<16xi32>
      tpu.vector_store_idx %arg11[%parallel_loop3A_3203], %parallel_loop3A_3200 {add = true} : memref<9216xf32, #tpu.memory_space<vmem>>[vector<16xi32>], vector<16xf32>,
      %parallel_loop3A_3204 = arith.constant 0 : i32
      %parallel_loop3A_3205 = arith.index_cast %parallel_loop3A_3204 : i32 to index
      %parallel_loop3A_3206 = arith.index_cast %parallel_loop3A_3159 : i32 to index
      %parallel_loop3A_3207 = arith.index_cast %parallel_loop3A_3161 : i32 to index
      %parallel_loop3A_3208 = tpu.vector_load %arg9[%parallel_loop3A_3205, %parallel_loop3A_3206, %parallel_loop3A_3207] {strides = array<i32>} : memref<3x32x256xf32, #tpu.memory_space<vmem>>, vector<16xf32>,
      %parallel_loop3A_3209 = arith.constant 4096 : i32
      %parallel_loop3A_3210 = vector.broadcast %parallel_loop3A_3209 : i32 to vector<16xi32>
      %parallel_loop3A_3211 = arith.addi %parallel_loop3A_3171, %parallel_loop3A_3210 : vector<16xi32>
      tpu.vector_store_idx %arg11[%parallel_loop3A_3211], %parallel_loop3A_3208 {add = true} : memref<9216xf32, #tpu.memory_space<vmem>>[vector<16xi32>], vector<16xf32>,
      %parallel_loop3A_3212 = arith.constant 1 : i32
      %parallel_loop3A_3213 = arith.index_cast %parallel_loop3A_3212 : i32 to index
      %parallel_loop3A_3214 = arith.index_cast %parallel_loop3A_3159 : i32 to index
      %parallel_loop3A_3215 = arith.index_cast %parallel_loop3A_3161 : i32 to index
      %parallel_loop3A_3216 = tpu.vector_load %arg9[%parallel_loop3A_3213, %parallel_loop3A_3214, %parallel_loop3A_3215] {strides = array<i32>} : memref<3x32x256xf32, #tpu.memory_space<vmem>>, vector<16xf32>,
      %parallel_loop3A_3217 = arith.constant 5120 : i32
      %parallel_loop3A_3218 = vector.broadcast %parallel_loop3A_3217 : i32 to vector<16xi32>
      %parallel_loop3A_3219 = arith.addi %parallel_loop3A_3171, %parallel_loop3A_3218 : vector<16xi32>
      tpu.vector_store_idx %arg11[%parallel_loop3A_3219], %parallel_loop3A_3216 {add = true} : memref<9216xf32, #tpu.memory_space<vmem>>[vector<16xi32>], vector<16xf32>,
      %parallel_loop3A_3220 = arith.constant 2 : i32
      %parallel_loop3A_3221 = arith.index_cast %parallel_loop3A_3220 : i32 to index
      %parallel_loop3A_3222 = arith.index_cast %parallel_loop3A_3159 : i32 to index
      %parallel_loop3A_3223 = arith.index_cast %parallel_loop3A_3161 : i32 to index
      %parallel_loop3A_3224 = tpu.vector_load %arg9[%parallel_loop3A_3221, %parallel_loop3A_3222, %parallel_loop3A_3223] {strides = array<i32>} : memref<3x32x256xf32, #tpu.memory_space<vmem>>, vector<16xf32>,
      %parallel_loop3A_3225 = arith.constant 6144 : i32
      %parallel_loop3A_3226 = vector.broadcast %parallel_loop3A_3225 : i32 to vector<16xi32>
      %parallel_loop3A_3227 = arith.addi %parallel_loop3A_3171, %parallel_loop3A_3226 : vector<16xi32>
      tpu.vector_store_idx %arg11[%parallel_loop3A_3227], %parallel_loop3A_3224 {add = true} : memref<9216xf32, #tpu.memory_space<vmem>>[vector<16xi32>], vector<16xf32>,
      %parallel_loop3A_3228 = arith.index_cast %parallel_loop3A_3159 : i32 to index
      %parallel_loop3A_3229 = arith.index_cast %parallel_loop3A_3161 : i32 to index
      %parallel_loop3A_3230 = tpu.vector_load %arg10[%parallel_loop3A_3228, %parallel_loop3A_3229] {strides = array<i32>} : memref<32x256xf32, #tpu.memory_space<vmem>>, vector<16xf32>,
      %parallel_loop3A_3231 = arith.constant 7168 : i32
      %parallel_loop3A_3232 = vector.broadcast %parallel_loop3A_3231 : i32 to vector<16xi32>
      %parallel_loop3A_3233 = arith.addi %parallel_loop3A_3171, %parallel_loop3A_3232 : vector<16xi32>
      tpu.vector_store_idx %arg11[%parallel_loop3A_3233], %parallel_loop3A_3230 {add = true} : memref<9216xf32, #tpu.memory_space<vmem>>[vector<16xi32>], vector<16xf32>,
      %parallel_loop3A_3234 = arith.constant 8192 : i32
      %parallel_loop3A_3235 = vector.broadcast %parallel_loop3A_3234 : i32 to vector<16xi32>
      %parallel_loop3A_3236 = arith.addi %parallel_loop3A_3171, %parallel_loop3A_3235 : vector<16xi32>
      tpu.vector_store_idx %arg11[%parallel_loop3A_3236], %broadcast_in_dim3A_236 {add = true} : memref<9216xf32, #tpu.memory_space<vmem>>[vector<16xi32>], vector<16xf32>,
    } {sc.loop_unroll_factor = 4 : i64, sc.parallel_access}
    %mul3A_240 = arith.constant 16 : i32
    %mul3A_241 = vector.broadcast %mul3A_240 : i32 to vector<16xi32>
    %mul3A_242 = arith.muli %iota3A, %mul3A_241 : vector<16xi32>
    %add3A_243 = arith.constant 0 : i32
    %add3A_244 = vector.broadcast %add3A_243 : i32 to vector<16xi32>
    %add3A_245 = arith.addi %mul3A_242, %add3A_244 : vector<16xi32>
    %gather3A = tpu.vector_load_idx %arg11[%add3A_245] : memref<9216xf32, #tpu.memory_space<vmem>>[vector<16xi32>], vector<16xf32>,
    %add3A_246 = arith.constant 1 : i32
    %add3A_247 = vector.broadcast %add3A_246 : i32 to vector<16xi32>
    %add3A_248 = arith.addi %mul3A_242, %add3A_247 : vector<16xi32>
    %gather3A_249 = tpu.vector_load_idx %arg11[%add3A_248] : memref<9216xf32, #tpu.memory_space<vmem>>[vector<16xi32>], vector<16xf32>,
    %add3A_250 = arith.addf %gather3A, %gather3A_249 : vector<16xf32>
    %add3A_251 = arith.constant 2 : i32
    %add3A_252 = vector.broadcast %add3A_251 : i32 to vector<16xi32>
    %add3A_253 = arith.addi %mul3A_242, %add3A_252 : vector<16xi32>
    %gather3A_254 = tpu.vector_load_idx %arg11[%add3A_253] : memref<9216xf32, #tpu.memory_space<vmem>>[vector<16xi32>], vector<16xf32>,
    %add3A_255 = arith.addf %add3A_250, %gather3A_254 : vector<16xf32>
    %add3A_256 = arith.constant 3 : i32
    %add3A_257 = vector.broadcast %add3A_256 : i32 to vector<16xi32>
    %add3A_258 = arith.addi %mul3A_242, %add3A_257 : vector<16xi32>
    %gather3A_259 = tpu.vector_load_idx %arg11[%add3A_258] : memref<9216xf32, #tpu.memory_space<vmem>>[vector<16xi32>], vector<16xf32>,
    %add3A_260 = arith.addf %add3A_255, %gather3A_259 : vector<16xf32>
    %add3A_261 = arith.constant 4 : i32
    %add3A_262 = vector.broadcast %add3A_261 : i32 to vector<16xi32>
    %add3A_263 = arith.addi %mul3A_242, %add3A_262 : vector<16xi32>
    %gather3A_264 = tpu.vector_load_idx %arg11[%add3A_263] : memref<9216xf32, #tpu.memory_space<vmem>>[vector<16xi32>], vector<16xf32>,
    %add3A_265 = arith.addf %add3A_260, %gather3A_264 : vector<16xf32>
    %add3A_266 = arith.constant 5 : i32
    %add3A_267 = vector.broadcast %add3A_266 : i32 to vector<16xi32>
    %add3A_268 = arith.addi %mul3A_242, %add3A_267 : vector<16xi32>
    %gather3A_269 = tpu.vector_load_idx %arg11[%add3A_268] : memref<9216xf32, #tpu.memory_space<vmem>>[vector<16xi32>], vector<16xf32>,
    %add3A_270 = arith.addf %add3A_265, %gather3A_269 : vector<16xf32>
    %add3A_271 = arith.constant 6 : i32
    %add3A_272 = vector.broadcast %add3A_271 : i32 to vector<16xi32>
    %add3A_273 = arith.addi %mul3A_242, %add3A_272 : vector<16xi32>
    %gather3A_274 = tpu.vector_load_idx %arg11[%add3A_273] : memref<9216xf32, #tpu.memory_space<vmem>>[vector<16xi32>], vector<16xf32>,
    %add3A_275 = arith.addf %add3A_270, %gather3A_274 : vector<16xf32>
    %add3A_276 = arith.constant 7 : i32
    %add3A_277 = vector.broadcast %add3A_276 : i32 to vector<16xi32>
    %add3A_278 = arith.addi %mul3A_242, %add3A_277 : vector<16xi32>
    %gather3A_279 = tpu.vector_load_idx %arg11[%add3A_278] : memref<9216xf32, #tpu.memory_space<vmem>>[vector<16xi32>], vector<16xf32>,
    %add3A_280 = arith.addf %add3A_275, %gather3A_279 : vector<16xf32>
    %add3A_281 = arith.constant 8 : i32
    %add3A_282 = vector.broadcast %add3A_281 : i32 to vector<16xi32>
    %add3A_283 = arith.addi %mul3A_242, %add3A_282 : vector<16xi32>
    %gather3A_284 = tpu.vector_load_idx %arg11[%add3A_283] : memref<9216xf32, #tpu.memory_space<vmem>>[vector<16xi32>], vector<16xf32>,
    %add3A_285 = arith.addf %add3A_280, %gather3A_284 : vector<16xf32>
    %add3A_286 = arith.constant 9 : i32
    %add3A_287 = vector.broadcast %add3A_286 : i32 to vector<16xi32>
    %add3A_288 = arith.addi %mul3A_242, %add3A_287 : vector<16xi32>
    %gather3A_289 = tpu.vector_load_idx %arg11[%add3A_288] : memref<9216xf32, #tpu.memory_space<vmem>>[vector<16xi32>], vector<16xf32>,
    %add3A_290 = arith.addf %add3A_285, %gather3A_289 : vector<16xf32>
    %add3A_291 = arith.constant 10 : i32
    %add3A_292 = vector.broadcast %add3A_291 : i32 to vector<16xi32>
    %add3A_293 = arith.addi %mul3A_242, %add3A_292 : vector<16xi32>
    %gather3A_294 = tpu.vector_load_idx %arg11[%add3A_293] : memref<9216xf32, #tpu.memory_space<vmem>>[vector<16xi32>], vector<16xf32>,
    %add3A_295 = arith.addf %add3A_290, %gather3A_294 : vector<16xf32>
    %add3A_296 = arith.constant 11 : i32
    %add3A_297 = vector.broadcast %add3A_296 : i32 to vector<16xi32>
    %add3A_298 = arith.addi %mul3A_242, %add3A_297 : vector<16xi32>
    %gather3A_299 = tpu.vector_load_idx %arg11[%add3A_298] : memref<9216xf32, #tpu.memory_space<vmem>>[vector<16xi32>], vector<16xf32>,
    %add3A_300 = arith.addf %add3A_295, %gather3A_299 : vector<16xf32>
    %add3A_301 = arith.constant 12 : i32
    %add3A_302 = vector.broadcast %add3A_301 : i32 to vector<16xi32>
    %add3A_303 = arith.addi %mul3A_242, %add3A_302 : vector<16xi32>
    %gather3A_304 = tpu.vector_load_idx %arg11[%add3A_303] : memref<9216xf32, #tpu.memory_space<vmem>>[vector<16xi32>], vector<16xf32>,
    %add3A_305 = arith.addf %add3A_300, %gather3A_304 : vector<16xf32>
    %add3A_306 = arith.constant 13 : i32
    %add3A_307 = vector.broadcast %add3A_306 : i32 to vector<16xi32>
    %add3A_308 = arith.addi %mul3A_242, %add3A_307 : vector<16xi32>
    %gather3A_309 = tpu.vector_load_idx %arg11[%add3A_308] : memref<9216xf32, #tpu.memory_space<vmem>>[vector<16xi32>], vector<16xf32>,
    %add3A_310 = arith.addf %add3A_305, %gather3A_309 : vector<16xf32>
    %add3A_311 = arith.constant 14 : i32
    %add3A_312 = vector.broadcast %add3A_311 : i32 to vector<16xi32>
    %add3A_313 = arith.addi %mul3A_242, %add3A_312 : vector<16xi32>
    %gather3A_314 = tpu.vector_load_idx %arg11[%add3A_313] : memref<9216xf32, #tpu.memory_space<vmem>>[vector<16xi32>], vector<16xf32>,
    %add3A_315 = arith.addf %add3A_310, %gather3A_314 : vector<16xf32>
    %add3A_316 = arith.constant 15 : i32
    %add3A_317 = vector.broadcast %add3A_316 : i32 to vector<16xi32>
    %add3A_318 = arith.addi %mul3A_242, %add3A_317 : vector<16xi32>
    %gather3A_319 = tpu.vector_load_idx %arg11[%add3A_318] : memref<9216xf32, #tpu.memory_space<vmem>>[vector<16xi32>], vector<16xf32>,
    %add3A_320 = arith.addf %add3A_315, %gather3A_319 : vector<16xf32>
    %swap3A = arith.constant 0 : index
    %swap3A_321 = tpu.vector_load %arg12[%swap3A] {strides = array<i32>} : memref<576xf32, #tpu.memory_space<vmem>>, vector<16xf32>,
    tpu.vector_store %arg12[%swap3A], %add3A_320 {strides = array<i32>} : memref<576xf32, #tpu.memory_space<vmem>>, vector<16xf32>,
    %add3A_322 = arith.constant 256 : i32
    %add3A_323 = vector.broadcast %add3A_322 : i32 to vector<16xi32>
    %add3A_324 = arith.addi %mul3A_242, %add3A_323 : vector<16xi32>
    %gather3A_325 = tpu.vector_load_idx %arg11[%add3A_324] : memref<9216xf32, #tpu.memory_space<vmem>>[vector<16xi32>], vector<16xf32>,
    %add3A_326 = arith.constant 257 : i32
    %add3A_327 = vector.broadcast %add3A_326 : i32 to vector<16xi32>
    %add3A_328 = arith.addi %mul3A_242, %add3A_327 : vector<16xi32>
    %gather3A_329 = tpu.vector_load_idx %arg11[%add3A_328] : memref<9216xf32, #tpu.memory_space<vmem>>[vector<16xi32>], vector<16xf32>,
    %add3A_330 = arith.addf %gather3A_325, %gather3A_329 : vector<16xf32>
    %add3A_331 = arith.constant 258 : i32
    %add3A_332 = vector.broadcast %add3A_331 : i32 to vector<16xi32>
    %add3A_333 = arith.addi %mul3A_242, %add3A_332 : vector<16xi32>
    %gather3A_334 = tpu.vector_load_idx %arg11[%add3A_333] : memref<9216xf32, #tpu.memory_space<vmem>>[vector<16xi32>], vector<16xf32>,
    %add3A_335 = arith.addf %add3A_330, %gather3A_334 : vector<16xf32>
    %add3A_336 = arith.constant 259 : i32
    %add3A_337 = vector.broadcast %add3A_336 : i32 to vector<16xi32>
    %add3A_338 = arith.addi %mul3A_242, %add3A_337 : vector<16xi32>
    %gather3A_339 = tpu.vector_load_idx %arg11[%add3A_338] : memref<9216xf32, #tpu.memory_space<vmem>>[vector<16xi32>], vector<16xf32>,
    %add3A_340 = arith.addf %add3A_335, %gather3A_339 : vector<16xf32>
    %add3A_341 = arith.constant 260 : i32
    %add3A_342 = vector.broadcast %add3A_341 : i32 to vector<16xi32>
    %add3A_343 = arith.addi %mul3A_242, %add3A_342 : vector<16xi32>
    %gather3A_344 = tpu.vector_load_idx %arg11[%add3A_343] : memref<9216xf32, #tpu.memory_space<vmem>>[vector<16xi32>], vector<16xf32>,
    %add3A_345 = arith.addf %add3A_340, %gather3A_344 : vector<16xf32>
    %add3A_346 = arith.constant 261 : i32
    %add3A_347 = vector.broadcast %add3A_346 : i32 to vector<16xi32>
    %add3A_348 = arith.addi %mul3A_242, %add3A_347 : vector<16xi32>
    %gather3A_349 = tpu.vector_load_idx %arg11[%add3A_348] : memref<9216xf32, #tpu.memory_space<vmem>>[vector<16xi32>], vector<16xf32>,
    %add3A_350 = arith.addf %add3A_345, %gather3A_349 : vector<16xf32>
    %add3A_351 = arith.constant 262 : i32
    %add3A_352 = vector.broadcast %add3A_351 : i32 to vector<16xi32>
    %add3A_353 = arith.addi %mul3A_242, %add3A_352 : vector<16xi32>
    %gather3A_354 = tpu.vector_load_idx %arg11[%add3A_353] : memref<9216xf32, #tpu.memory_space<vmem>>[vector<16xi32>], vector<16xf32>,
    %add3A_355 = arith.addf %add3A_350, %gather3A_354 : vector<16xf32>
    %add3A_356 = arith.constant 263 : i32
    %add3A_357 = vector.broadcast %add3A_356 : i32 to vector<16xi32>
    %add3A_358 = arith.addi %mul3A_242, %add3A_357 : vector<16xi32>
    %gather3A_359 = tpu.vector_load_idx %arg11[%add3A_358] : memref<9216xf32, #tpu.memory_space<vmem>>[vector<16xi32>], vector<16xf32>,
    %add3A_360 = arith.addf %add3A_355, %gather3A_359 : vector<16xf32>
    %add3A_361 = arith.constant 264 : i32
    %add3A_362 = vector.broadcast %add3A_361 : i32 to vector<16xi32>
    %add3A_363 = arith.addi %mul3A_242, %add3A_362 : vector<16xi32>
    %gather3A_364 = tpu.vector_load_idx %arg11[%add3A_363] : memref<9216xf32, #tpu.memory_space<vmem>>[vector<16xi32>], vector<16xf32>,
    %add3A_365 = arith.addf %add3A_360, %gather3A_364 : vector<16xf32>
    %add3A_366 = arith.constant 265 : i32
    %add3A_367 = vector.broadcast %add3A_366 : i32 to vector<16xi32>
    %add3A_368 = arith.addi %mul3A_242, %add3A_367 : vector<16xi32>
    %gather3A_369 = tpu.vector_load_idx %arg11[%add3A_368] : memref<9216xf32, #tpu.memory_space<vmem>>[vector<16xi32>], vector<16xf32>,
    %add3A_370 = arith.addf %add3A_365, %gather3A_369 : vector<16xf32>
    %add3A_371 = arith.constant 266 : i32
    %add3A_372 = vector.broadcast %add3A_371 : i32 to vector<16xi32>
    %add3A_373 = arith.addi %mul3A_242, %add3A_372 : vector<16xi32>
    %gather3A_374 = tpu.vector_load_idx %arg11[%add3A_373] : memref<9216xf32, #tpu.memory_space<vmem>>[vector<16xi32>], vector<16xf32>,
    %add3A_375 = arith.addf %add3A_370, %gather3A_374 : vector<16xf32>
    %add3A_376 = arith.constant 267 : i32
    %add3A_377 = vector.broadcast %add3A_376 : i32 to vector<16xi32>
    %add3A_378 = arith.addi %mul3A_242, %add3A_377 : vector<16xi32>
    %gather3A_379 = tpu.vector_load_idx %arg11[%add3A_378] : memref<9216xf32, #tpu.memory_space<vmem>>[vector<16xi32>], vector<16xf32>,
    %add3A_380 = arith.addf %add3A_375, %gather3A_379 : vector<16xf32>
    %add3A_381 = arith.constant 268 : i32
    %add3A_382 = vector.broadcast %add3A_381 : i32 to vector<16xi32>
    %add3A_383 = arith.addi %mul3A_242, %add3A_382 : vector<16xi32>
    %gather3A_384 = tpu.vector_load_idx %arg11[%add3A_383] : memref<9216xf32, #tpu.memory_space<vmem>>[vector<16xi32>], vector<16xf32>,
    %add3A_385 = arith.addf %add3A_380, %gather3A_384 : vector<16xf32>
    %add3A_386 = arith.constant 269 : i32
    %add3A_387 = vector.broadcast %add3A_386 : i32 to vector<16xi32>
    %add3A_388 = arith.addi %mul3A_242, %add3A_387 : vector<16xi32>
    %gather3A_389 = tpu.vector_load_idx %arg11[%add3A_388] : memref<9216xf32, #tpu.memory_space<vmem>>[vector<16xi32>], vector<16xf32>,
    %add3A_390 = arith.addf %add3A_385, %gather3A_389 : vector<16xf32>
    %add3A_391 = arith.constant 270 : i32
    %add3A_392 = vector.broadcast %add3A_391 : i32 to vector<16xi32>
    %add3A_393 = arith.addi %mul3A_242, %add3A_392 : vector<16xi32>
    %gather3A_394 = tpu.vector_load_idx %arg11[%add3A_393] : memref<9216xf32, #tpu.memory_space<vmem>>[vector<16xi32>], vector<16xf32>,
    %add3A_395 = arith.addf %add3A_390, %gather3A_394 : vector<16xf32>
    %add3A_396 = arith.constant 271 : i32
    %add3A_397 = vector.broadcast %add3A_396 : i32 to vector<16xi32>
    %add3A_398 = arith.addi %mul3A_242, %add3A_397 : vector<16xi32>
    %gather3A_399 = tpu.vector_load_idx %arg11[%add3A_398] : memref<9216xf32, #tpu.memory_space<vmem>>[vector<16xi32>], vector<16xf32>,
    %add3A_400 = arith.addf %add3A_395, %gather3A_399 : vector<16xf32>
    %swap3A_401 = arith.constant 16 : index
    %swap3A_402 = tpu.vector_load %arg12[%swap3A_401] {strides = array<i32>} : memref<576xf32, #tpu.memory_space<vmem>>, vector<16xf32>,
    tpu.vector_store %arg12[%swap3A_401], %add3A_400 {strides = array<i32>} : memref<576xf32, #tpu.memory_space<vmem>>, vector<16xf32>,
    %add3A_403 = arith.constant 512 : i32
    %add3A_404 = vector.broadcast %add3A_403 : i32 to vector<16xi32>
    %add3A_405 = arith.addi %mul3A_242, %add3A_404 : vector<16xi32>
    %gather3A_406 = tpu.vector_load_idx %arg11[%add3A_405] : memref<9216xf32, #tpu.memory_space<vmem>>[vector<16xi32>], vector<16xf32>,
    %add3A_407 = arith.constant 513 : i32
    %add3A_408 = vector.broadcast %add3A_407 : i32 to vector<16xi32>
    %add3A_409 = arith.addi %mul3A_242, %add3A_408 : vector<16xi32>
    %gather3A_410 = tpu.vector_load_idx %arg11[%add3A_409] : memref<9216xf32, #tpu.memory_space<vmem>>[vector<16xi32>], vector<16xf32>,
    %add3A_411 = arith.addf %gather3A_406, %gather3A_410 : vector<16xf32>
    %add3A_412 = arith.constant 514 : i32
    %add3A_413 = vector.broadcast %add3A_412 : i32 to vector<16xi32>
    %add3A_414 = arith.addi %mul3A_242, %add3A_413 : vector<16xi32>
    %gather3A_415 = tpu.vector_load_idx %arg11[%add3A_414] : memref<9216xf32, #tpu.memory_space<vmem>>[vector<16xi32>], vector<16xf32>,
    %add3A_416 = arith.addf %add3A_411, %gather3A_415 : vector<16xf32>
    %add3A_417 = arith.constant 515 : i32
    %add3A_418 = vector.broadcast %add3A_417 : i32 to vector<16xi32>
    %add3A_419 = arith.addi %mul3A_242, %add3A_418 : vector<16xi32>
    %gather3A_420 = tpu.vector_load_idx %arg11[%add3A_419] : memref<9216xf32, #tpu.memory_space<vmem>>[vector<16xi32>], vector<16xf32>,
    %add3A_421 = arith.addf %add3A_416, %gather3A_420 : vector<16xf32>
    %add3A_422 = arith.constant 516 : i32
    %add3A_423 = vector.broadcast %add3A_422 : i32 to vector<16xi32>
    %add3A_424 = arith.addi %mul3A_242, %add3A_423 : vector<16xi32>
    %gather3A_425 = tpu.vector_load_idx %arg11[%add3A_424] : memref<9216xf32, #tpu.memory_space<vmem>>[vector<16xi32>], vector<16xf32>,
    %add3A_426 = arith.addf %add3A_421, %gather3A_425 : vector<16xf32>
    %add3A_427 = arith.constant 517 : i32
    %add3A_428 = vector.broadcast %add3A_427 : i32 to vector<16xi32>
    %add3A_429 = arith.addi %mul3A_242, %add3A_428 : vector<16xi32>
    %gather3A_430 = tpu.vector_load_idx %arg11[%add3A_429] : memref<9216xf32, #tpu.memory_space<vmem>>[vector<16xi32>], vector<16xf32>,
    %add3A_431 = arith.addf %add3A_426, %gather3A_430 : vector<16xf32>
    %add3A_432 = arith.constant 518 : i32
    %add3A_433 = vector.broadcast %add3A_432 : i32 to vector<16xi32>
    %add3A_434 = arith.addi %mul3A_242, %add3A_433 : vector<16xi32>
    %gather3A_435 = tpu.vector_load_idx %arg11[%add3A_434] : memref<9216xf32, #tpu.memory_space<vmem>>[vector<16xi32>], vector<16xf32>,
    %add3A_436 = arith.addf %add3A_431, %gather3A_435 : vector<16xf32>
    %add3A_437 = arith.constant 519 : i32
    %add3A_438 = vector.broadcast %add3A_437 : i32 to vector<16xi32>
    %add3A_439 = arith.addi %mul3A_242, %add3A_438 : vector<16xi32>
    %gather3A_440 = tpu.vector_load_idx %arg11[%add3A_439] : memref<9216xf32, #tpu.memory_space<vmem>>[vector<16xi32>], vector<16xf32>,
    %add3A_441 = arith.addf %add3A_436, %gather3A_440 : vector<16xf32>
    %add3A_442 = arith.constant 520 : i32
    %add3A_443 = vector.broadcast %add3A_442 : i32 to vector<16xi32>
    %add3A_444 = arith.addi %mul3A_242, %add3A_443 : vector<16xi32>
    %gather3A_445 = tpu.vector_load_idx %arg11[%add3A_444] : memref<9216xf32, #tpu.memory_space<vmem>>[vector<16xi32>], vector<16xf32>,
    %add3A_446 = arith.addf %add3A_441, %gather3A_445 : vector<16xf32>
    %add3A_447 = arith.constant 521 : i32
    %add3A_448 = vector.broadcast %add3A_447 : i32 to vector<16xi32>
    %add3A_449 = arith.addi %mul3A_242, %add3A_448 : vector<16xi32>
    %gather3A_450 = tpu.vector_load_idx %arg11[%add3A_449] : memref<9216xf32, #tpu.memory_space<vmem>>[vector<16xi32>], vector<16xf32>,
    %add3A_451 = arith.addf %add3A_446, %gather3A_450 : vector<16xf32>
    %add3A_452 = arith.constant 522 : i32
    %add3A_453 = vector.broadcast %add3A_452 : i32 to vector<16xi32>
    %add3A_454 = arith.addi %mul3A_242, %add3A_453 : vector<16xi32>
    %gather3A_455 = tpu.vector_load_idx %arg11[%add3A_454] : memref<9216xf32, #tpu.memory_space<vmem>>[vector<16xi32>], vector<16xf32>,
    %add3A_456 = arith.addf %add3A_451, %gather3A_455 : vector<16xf32>
    %add3A_457 = arith.constant 523 : i32
    %add3A_458 = vector.broadcast %add3A_457 : i32 to vector<16xi32>
    %add3A_459 = arith.addi %mul3A_242, %add3A_458 : vector<16xi32>
    %gather3A_460 = tpu.vector_load_idx %arg11[%add3A_459] : memref<9216xf32, #tpu.memory_space<vmem>>[vector<16xi32>], vector<16xf32>,
    %add3A_461 = arith.addf %add3A_456, %gather3A_460 : vector<16xf32>
    %add3A_462 = arith.constant 524 : i32
    %add3A_463 = vector.broadcast %add3A_462 : i32 to vector<16xi32>
    %add3A_464 = arith.addi %mul3A_242, %add3A_463 : vector<16xi32>
    %gather3A_465 = tpu.vector_load_idx %arg11[%add3A_464] : memref<9216xf32, #tpu.memory_space<vmem>>[vector<16xi32>], vector<16xf32>,
    %add3A_466 = arith.addf %add3A_461, %gather3A_465 : vector<16xf32>
    %add3A_467 = arith.constant 525 : i32
    %add3A_468 = vector.broadcast %add3A_467 : i32 to vector<16xi32>
    %add3A_469 = arith.addi %mul3A_242, %add3A_468 : vector<16xi32>
    %gather3A_470 = tpu.vector_load_idx %arg11[%add3A_469] : memref<9216xf32, #tpu.memory_space<vmem>>[vector<16xi32>], vector<16xf32>,
    %add3A_471 = arith.addf %add3A_466, %gather3A_470 : vector<16xf32>
    %add3A_472 = arith.constant 526 : i32
    %add3A_473 = vector.broadcast %add3A_472 : i32 to vector<16xi32>
    %add3A_474 = arith.addi %mul3A_242, %add3A_473 : vector<16xi32>
    %gather3A_475 = tpu.vector_load_idx %arg11[%add3A_474] : memref<9216xf32, #tpu.memory_space<vmem>>[vector<16xi32>], vector<16xf32>,
    %add3A_476 = arith.addf %add3A_471, %gather3A_475 : vector<16xf32>
    %add3A_477 = arith.constant 527 : i32
    %add3A_478 = vector.broadcast %add3A_477 : i32 to vector<16xi32>
    %add3A_479 = arith.addi %mul3A_242, %add3A_478 : vector<16xi32>
    %gather3A_480 = tpu.vector_load_idx %arg11[%add3A_479] : memref<9216xf32, #tpu.memory_space<vmem>>[vector<16xi32>], vector<16xf32>,
    %add3A_481 = arith.addf %add3A_476, %gather3A_480 : vector<16xf32>
    %swap3A_482 = arith.constant 32 : index
    %swap3A_483 = tpu.vector_load %arg12[%swap3A_482] {strides = array<i32>} : memref<576xf32, #tpu.memory_space<vmem>>, vector<16xf32>,
    tpu.vector_store %arg12[%swap3A_482], %add3A_481 {strides = array<i32>} : memref<576xf32, #tpu.memory_space<vmem>>, vector<16xf32>,
    %add3A_484 = arith.constant 768 : i32
    %add3A_485 = vector.broadcast %add3A_484 : i32 to vector<16xi32>
    %add3A_486 = arith.addi %mul3A_242, %add3A_485 : vector<16xi32>
    %gather3A_487 = tpu.vector_load_idx %arg11[%add3A_486] : memref<9216xf32, #tpu.memory_space<vmem>>[vector<16xi32>], vector<16xf32>,
    %add3A_488 = arith.constant 769 : i32
    %add3A_489 = vector.broadcast %add3A_488 : i32 to vector<16xi32>
    %add3A_490 = arith.addi %mul3A_242, %add3A_489 : vector<16xi32>
    %gather3A_491 = tpu.vector_load_idx %arg11[%add3A_490] : memref<9216xf32, #tpu.memory_space<vmem>>[vector<16xi32>], vector<16xf32>,
    %add3A_492 = arith.addf %gather3A_487, %gather3A_491 : vector<16xf32>
    %add3A_493 = arith.constant 770 : i32
    %add3A_494 = vector.broadcast %add3A_493 : i32 to vector<16xi32>
    %add3A_495 = arith.addi %mul3A_242, %add3A_494 : vector<16xi32>
    %gather3A_496 = tpu.vector_load_idx %arg11[%add3A_495] : memref<9216xf32, #tpu.memory_space<vmem>>[vector<16xi32>], vector<16xf32>,
    %add3A_497 = arith.addf %add3A_492, %gather3A_496 : vector<16xf32>
    %add3A_498 = arith.constant 771 : i32
    %add3A_499 = vector.broadcast %add3A_498 : i32 to vector<16xi32>
    %add3A_500 = arith.addi %mul3A_242, %add3A_499 : vector<16xi32>
    %gather3A_501 = tpu.vector_load_idx %arg11[%add3A_500] : memref<9216xf32, #tpu.memory_space<vmem>>[vector<16xi32>], vector<16xf32>,
    %add3A_502 = arith.addf %add3A_497, %gather3A_501 : vector<16xf32>
    %add3A_503 = arith.constant 772 : i32
    %add3A_504 = vector.broadcast %add3A_503 : i32 to vector<16xi32>
    %add3A_505 = arith.addi %mul3A_242, %add3A_504 : vector<16xi32>
    %gather3A_506 = tpu.vector_load_idx %arg11[%add3A_505] : memref<9216xf32, #tpu.memory_space<vmem>>[vector<16xi32>], vector<16xf32>,
    %add3A_507 = arith.addf %add3A_502, %gather3A_506 : vector<16xf32>
    %add3A_508 = arith.constant 773 : i32
    %add3A_509 = vector.broadcast %add3A_508 : i32 to vector<16xi32>
    %add3A_510 = arith.addi %mul3A_242, %add3A_509 : vector<16xi32>
    %gather3A_511 = tpu.vector_load_idx %arg11[%add3A_510] : memref<9216xf32, #tpu.memory_space<vmem>>[vector<16xi32>], vector<16xf32>,
    %add3A_512 = arith.addf %add3A_507, %gather3A_511 : vector<16xf32>
    %add3A_513 = arith.constant 774 : i32
    %add3A_514 = vector.broadcast %add3A_513 : i32 to vector<16xi32>
    %add3A_515 = arith.addi %mul3A_242, %add3A_514 : vector<16xi32>
    %gather3A_516 = tpu.vector_load_idx %arg11[%add3A_515] : memref<9216xf32, #tpu.memory_space<vmem>>[vector<16xi32>], vector<16xf32>,
    %add3A_517 = arith.addf %add3A_512, %gather3A_516 : vector<16xf32>
    %add3A_518 = arith.constant 775 : i32
    %add3A_519 = vector.broadcast %add3A_518 : i32 to vector<16xi32>
    %add3A_520 = arith.addi %mul3A_242, %add3A_519 : vector<16xi32>
    %gather3A_521 = tpu.vector_load_idx %arg11[%add3A_520] : memref<9216xf32, #tpu.memory_space<vmem>>[vector<16xi32>], vector<16xf32>,
    %add3A_522 = arith.addf %add3A_517, %gather3A_521 : vector<16xf32>
    %add3A_523 = arith.constant 776 : i32
    %add3A_524 = vector.broadcast %add3A_523 : i32 to vector<16xi32>
    %add3A_525 = arith.addi %mul3A_242, %add3A_524 : vector<16xi32>
    %gather3A_526 = tpu.vector_load_idx %arg11[%add3A_525] : memref<9216xf32, #tpu.memory_space<vmem>>[vector<16xi32>], vector<16xf32>,
    %add3A_527 = arith.addf %add3A_522, %gather3A_526 : vector<16xf32>
    %add3A_528 = arith.constant 777 : i32
    %add3A_529 = vector.broadcast %add3A_528 : i32 to vector<16xi32>
    %add3A_530 = arith.addi %mul3A_242, %add3A_529 : vector<16xi32>
    %gather3A_531 = tpu.vector_load_idx %arg11[%add3A_530] : memref<9216xf32, #tpu.memory_space<vmem>>[vector<16xi32>], vector<16xf32>,
    %add3A_532 = arith.addf %add3A_527, %gather3A_531 : vector<16xf32>
    %add3A_533 = arith.constant 778 : i32
    %add3A_534 = vector.broadcast %add3A_533 : i32 to vector<16xi32>
    %add3A_535 = arith.addi %mul3A_242, %add3A_534 : vector<16xi32>
    %gather3A_536 = tpu.vector_load_idx %arg11[%add3A_535] : memref<9216xf32, #tpu.memory_space<vmem>>[vector<16xi32>], vector<16xf32>,
    %add3A_537 = arith.addf %add3A_532, %gather3A_536 : vector<16xf32>
    %add3A_538 = arith.constant 779 : i32
    %add3A_539 = vector.broadcast %add3A_538 : i32 to vector<16xi32>
    %add3A_540 = arith.addi %mul3A_242, %add3A_539 : vector<16xi32>
    %gather3A_541 = tpu.vector_load_idx %arg11[%add3A_540] : memref<9216xf32, #tpu.memory_space<vmem>>[vector<16xi32>], vector<16xf32>,
    %add3A_542 = arith.addf %add3A_537, %gather3A_541 : vector<16xf32>
    %add3A_543 = arith.constant 780 : i32
    %add3A_544 = vector.broadcast %add3A_543 : i32 to vector<16xi32>
    %add3A_545 = arith.addi %mul3A_242, %add3A_544 : vector<16xi32>
    %gather3A_546 = tpu.vector_load_idx %arg11[%add3A_545] : memref<9216xf32, #tpu.memory_space<vmem>>[vector<16xi32>], vector<16xf32>,
    %add3A_547 = arith.addf %add3A_542, %gather3A_546 : vector<16xf32>
    %add3A_548 = arith.constant 781 : i32
    %add3A_549 = vector.broadcast %add3A_548 : i32 to vector<16xi32>
    %add3A_550 = arith.addi %mul3A_242, %add3A_549 : vector<16xi32>
    %gather3A_551 = tpu.vector_load_idx %arg11[%add3A_550] : memref<9216xf32, #tpu.memory_space<vmem>>[vector<16xi32>], vector<16xf32>,
    %add3A_552 = arith.addf %add3A_547, %gather3A_551 : vector<16xf32>
    %add3A_553 = arith.constant 782 : i32
    %add3A_554 = vector.broadcast %add3A_553 : i32 to vector<16xi32>
    %add3A_555 = arith.addi %mul3A_242, %add3A_554 : vector<16xi32>
    %gather3A_556 = tpu.vector_load_idx %arg11[%add3A_555] : memref<9216xf32, #tpu.memory_space<vmem>>[vector<16xi32>], vector<16xf32>,
    %add3A_557 = arith.addf %add3A_552, %gather3A_556 : vector<16xf32>
    %add3A_558 = arith.constant 783 : i32
    %add3A_559 = vector.broadcast %add3A_558 : i32 to vector<16xi32>
    %add3A_560 = arith.addi %mul3A_242, %add3A_559 : vector<16xi32>
    %gather3A_561 = tpu.vector_load_idx %arg11[%add3A_560] : memref<9216xf32, #tpu.memory_space<vmem>>[vector<16xi32>], vector<16xf32>,
    %add3A_562 = arith.addf %add3A_557, %gather3A_561 : vector<16xf32>
    %swap3A_563 = arith.constant 48 : index
    %swap3A_564 = tpu.vector_load %arg12[%swap3A_563] {strides = array<i32>} : memref<576xf32, #tpu.memory_space<vmem>>, vector<16xf32>,
    tpu.vector_store %arg12[%swap3A_563], %add3A_562 {strides = array<i32>} : memref<576xf32, #tpu.memory_space<vmem>>, vector<16xf32>,
    %add3A_565 = arith.constant 1024 : i32
    %add3A_566 = vector.broadcast %add3A_565 : i32 to vector<16xi32>
    %add3A_567 = arith.addi %mul3A_242, %add3A_566 : vector<16xi32>
    %gather3A_568 = tpu.vector_load_idx %arg11[%add3A_567] : memref<9216xf32, #tpu.memory_space<vmem>>[vector<16xi32>], vector<16xf32>,
    %add3A_569 = arith.constant 1025 : i32
    %add3A_570 = vector.broadcast %add3A_569 : i32 to vector<16xi32>
    %add3A_571 = arith.addi %mul3A_242, %add3A_570 : vector<16xi32>
    %gather3A_572 = tpu.vector_load_idx %arg11[%add3A_571] : memref<9216xf32, #tpu.memory_space<vmem>>[vector<16xi32>], vector<16xf32>,
    %add3A_573 = arith.addf %gather3A_568, %gather3A_572 : vector<16xf32>
    %add3A_574 = arith.constant 1026 : i32
    %add3A_575 = vector.broadcast %add3A_574 : i32 to vector<16xi32>
    %add3A_576 = arith.addi %mul3A_242, %add3A_575 : vector<16xi32>
    %gather3A_577 = tpu.vector_load_idx %arg11[%add3A_576] : memref<9216xf32, #tpu.memory_space<vmem>>[vector<16xi32>], vector<16xf32>,
    %add3A_578 = arith.addf %add3A_573, %gather3A_577 : vector<16xf32>
    %add3A_579 = arith.constant 1027 : i32
    %add3A_580 = vector.broadcast %add3A_579 : i32 to vector<16xi32>
    %add3A_581 = arith.addi %mul3A_242, %add3A_580 : vector<16xi32>
    %gather3A_582 = tpu.vector_load_idx %arg11[%add3A_581] : memref<9216xf32, #tpu.memory_space<vmem>>[vector<16xi32>], vector<16xf32>,
    %add3A_583 = arith.addf %add3A_578, %gather3A_582 : vector<16xf32>
    %add3A_584 = arith.constant 1028 : i32
    %add3A_585 = vector.broadcast %add3A_584 : i32 to vector<16xi32>
    %add3A_586 = arith.addi %mul3A_242, %add3A_585 : vector<16xi32>
    %gather3A_587 = tpu.vector_load_idx %arg11[%add3A_586] : memref<9216xf32, #tpu.memory_space<vmem>>[vector<16xi32>], vector<16xf32>,
    %add3A_588 = arith.addf %add3A_583, %gather3A_587 : vector<16xf32>
    %add3A_589 = arith.constant 1029 : i32
    %add3A_590 = vector.broadcast %add3A_589 : i32 to vector<16xi32>
    %add3A_591 = arith.addi %mul3A_242, %add3A_590 : vector<16xi32>
    %gather3A_592 = tpu.vector_load_idx %arg11[%add3A_591] : memref<9216xf32, #tpu.memory_space<vmem>>[vector<16xi32>], vector<16xf32>,
    %add3A_593 = arith.addf %add3A_588, %gather3A_592 : vector<16xf32>
    %add3A_594 = arith.constant 1030 : i32
    %add3A_595 = vector.broadcast %add3A_594 : i32 to vector<16xi32>
    %add3A_596 = arith.addi %mul3A_242, %add3A_595 : vector<16xi32>
    %gather3A_597 = tpu.vector_load_idx %arg11[%add3A_596] : memref<9216xf32, #tpu.memory_space<vmem>>[vector<16xi32>], vector<16xf32>,
    %add3A_598 = arith.addf %add3A_593, %gather3A_597 : vector<16xf32>
    %add3A_599 = arith.constant 1031 : i32
    %add3A_600 = vector.broadcast %add3A_599 : i32 to vector<16xi32>
    %add3A_601 = arith.addi %mul3A_242, %add3A_600 : vector<16xi32>
    %gather3A_602 = tpu.vector_load_idx %arg11[%add3A_601] : memref<9216xf32, #tpu.memory_space<vmem>>[vector<16xi32>], vector<16xf32>,
    %add3A_603 = arith.addf %add3A_598, %gather3A_602 : vector<16xf32>
    %add3A_604 = arith.constant 1032 : i32
    %add3A_605 = vector.broadcast %add3A_604 : i32 to vector<16xi32>
    %add3A_606 = arith.addi %mul3A_242, %add3A_605 : vector<16xi32>
    %gather3A_607 = tpu.vector_load_idx %arg11[%add3A_606] : memref<9216xf32, #tpu.memory_space<vmem>>[vector<16xi32>], vector<16xf32>,
    %add3A_608 = arith.addf %add3A_603, %gather3A_607 : vector<16xf32>
    %add3A_609 = arith.constant 1033 : i32
    %add3A_610 = vector.broadcast %add3A_609 : i32 to vector<16xi32>
    %add3A_611 = arith.addi %mul3A_242, %add3A_610 : vector<16xi32>
    %gather3A_612 = tpu.vector_load_idx %arg11[%add3A_611] : memref<9216xf32, #tpu.memory_space<vmem>>[vector<16xi32>], vector<16xf32>,
    %add3A_613 = arith.addf %add3A_608, %gather3A_612 : vector<16xf32>
    %add3A_614 = arith.constant 1034 : i32
    %add3A_615 = vector.broadcast %add3A_614 : i32 to vector<16xi32>
    %add3A_616 = arith.addi %mul3A_242, %add3A_615 : vector<16xi32>
    %gather3A_617 = tpu.vector_load_idx %arg11[%add3A_616] : memref<9216xf32, #tpu.memory_space<vmem>>[vector<16xi32>], vector<16xf32>,
    %add3A_618 = arith.addf %add3A_613, %gather3A_617 : vector<16xf32>
    %add3A_619 = arith.constant 1035 : i32
    %add3A_620 = vector.broadcast %add3A_619 : i32 to vector<16xi32>
    %add3A_621 = arith.addi %mul3A_242, %add3A_620 : vector<16xi32>
    %gather3A_622 = tpu.vector_load_idx %arg11[%add3A_621] : memref<9216xf32, #tpu.memory_space<vmem>>[vector<16xi32>], vector<16xf32>,
    %add3A_623 = arith.addf %add3A_618, %gather3A_622 : vector<16xf32>
    %add3A_624 = arith.constant 1036 : i32
    %add3A_625 = vector.broadcast %add3A_624 : i32 to vector<16xi32>
    %add3A_626 = arith.addi %mul3A_242, %add3A_625 : vector<16xi32>
    %gather3A_627 = tpu.vector_load_idx %arg11[%add3A_626] : memref<9216xf32, #tpu.memory_space<vmem>>[vector<16xi32>], vector<16xf32>,
    %add3A_628 = arith.addf %add3A_623, %gather3A_627 : vector<16xf32>
    %add3A_629 = arith.constant 1037 : i32
    %add3A_630 = vector.broadcast %add3A_629 : i32 to vector<16xi32>
    %add3A_631 = arith.addi %mul3A_242, %add3A_630 : vector<16xi32>
    %gather3A_632 = tpu.vector_load_idx %arg11[%add3A_631] : memref<9216xf32, #tpu.memory_space<vmem>>[vector<16xi32>], vector<16xf32>,
    %add3A_633 = arith.addf %add3A_628, %gather3A_632 : vector<16xf32>
    %add3A_634 = arith.constant 1038 : i32
    %add3A_635 = vector.broadcast %add3A_634 : i32 to vector<16xi32>
    %add3A_636 = arith.addi %mul3A_242, %add3A_635 : vector<16xi32>
    %gather3A_637 = tpu.vector_load_idx %arg11[%add3A_636] : memref<9216xf32, #tpu.memory_space<vmem>>[vector<16xi32>], vector<16xf32>,
    %add3A_638 = arith.addf %add3A_633, %gather3A_637 : vector<16xf32>
    %add3A_639 = arith.constant 1039 : i32
    %add3A_640 = vector.broadcast %add3A_639 : i32 to vector<16xi32>
    %add3A_641 = arith.addi %mul3A_242, %add3A_640 : vector<16xi32>
    %gather3A_642 = tpu.vector_load_idx %arg11[%add3A_641] : memref<9216xf32, #tpu.memory_space<vmem>>[vector<16xi32>], vector<16xf32>,
    %add3A_643 = arith.addf %add3A_638, %gather3A_642 : vector<16xf32>
    %swap3A_644 = arith.constant 64 : index
    %swap3A_645 = tpu.vector_load %arg12[%swap3A_644] {strides = array<i32>} : memref<576xf32, #tpu.memory_space<vmem>>, vector<16xf32>,
    tpu.vector_store %arg12[%swap3A_644], %add3A_643 {strides = array<i32>} : memref<576xf32, #tpu.memory_space<vmem>>, vector<16xf32>,
    %add3A_646 = arith.constant 1280 : i32
    %add3A_647 = vector.broadcast %add3A_646 : i32 to vector<16xi32>
    %add3A_648 = arith.addi %mul3A_242, %add3A_647 : vector<16xi32>
    %gather3A_649 = tpu.vector_load_idx %arg11[%add3A_648] : memref<9216xf32, #tpu.memory_space<vmem>>[vector<16xi32>], vector<16xf32>,
    %add3A_650 = arith.constant 1281 : i32
    %add3A_651 = vector.broadcast %add3A_650 : i32 to vector<16xi32>
    %add3A_652 = arith.addi %mul3A_242, %add3A_651 : vector<16xi32>
    %gather3A_653 = tpu.vector_load_idx %arg11[%add3A_652] : memref<9216xf32, #tpu.memory_space<vmem>>[vector<16xi32>], vector<16xf32>,
    %add3A_654 = arith.addf %gather3A_649, %gather3A_653 : vector<16xf32>
    %add3A_655 = arith.constant 1282 : i32
    %add3A_656 = vector.broadcast %add3A_655 : i32 to vector<16xi32>
    %add3A_657 = arith.addi %mul3A_242, %add3A_656 : vector<16xi32>
    %gather3A_658 = tpu.vector_load_idx %arg11[%add3A_657] : memref<9216xf32, #tpu.memory_space<vmem>>[vector<16xi32>], vector<16xf32>,
    %add3A_659 = arith.addf %add3A_654, %gather3A_658 : vector<16xf32>
    %add3A_660 = arith.constant 1283 : i32
    %add3A_661 = vector.broadcast %add3A_660 : i32 to vector<16xi32>
    %add3A_662 = arith.addi %mul3A_242, %add3A_661 : vector<16xi32>
    %gather3A_663 = tpu.vector_load_idx %arg11[%add3A_662] : memref<9216xf32, #tpu.memory_space<vmem>>[vector<16xi32>], vector<16xf32>,
    %add3A_664 = arith.addf %add3A_659, %gather3A_663 : vector<16xf32>
    %add3A_665 = arith.constant 1284 : i32
    %add3A_666 = vector.broadcast %add3A_665 : i32 to vector<16xi32>
    %add3A_667 = arith.addi %mul3A_242, %add3A_666 : vector<16xi32>
    %gather3A_668 = tpu.vector_load_idx %arg11[%add3A_667] : memref<9216xf32, #tpu.memory_space<vmem>>[vector<16xi32>], vector<16xf32>,
    %add3A_669 = arith.addf %add3A_664, %gather3A_668 : vector<16xf32>
    %add3A_670 = arith.constant 1285 : i32
    %add3A_671 = vector.broadcast %add3A_670 : i32 to vector<16xi32>
    %add3A_672 = arith.addi %mul3A_242, %add3A_671 : vector<16xi32>
    %gather3A_673 = tpu.vector_load_idx %arg11[%add3A_672] : memref<9216xf32, #tpu.memory_space<vmem>>[vector<16xi32>], vector<16xf32>,
    %add3A_674 = arith.addf %add3A_669, %gather3A_673 : vector<16xf32>
    %add3A_675 = arith.constant 1286 : i32
    %add3A_676 = vector.broadcast %add3A_675 : i32 to vector<16xi32>
    %add3A_677 = arith.addi %mul3A_242, %add3A_676 : vector<16xi32>
    %gather3A_678 = tpu.vector_load_idx %arg11[%add3A_677] : memref<9216xf32, #tpu.memory_space<vmem>>[vector<16xi32>], vector<16xf32>,
    %add3A_679 = arith.addf %add3A_674, %gather3A_678 : vector<16xf32>
    %add3A_680 = arith.constant 1287 : i32
    %add3A_681 = vector.broadcast %add3A_680 : i32 to vector<16xi32>
    %add3A_682 = arith.addi %mul3A_242, %add3A_681 : vector<16xi32>
    %gather3A_683 = tpu.vector_load_idx %arg11[%add3A_682] : memref<9216xf32, #tpu.memory_space<vmem>>[vector<16xi32>], vector<16xf32>,
    %add3A_684 = arith.addf %add3A_679, %gather3A_683 : vector<16xf32>
    %add3A_685 = arith.constant 1288 : i32
    %add3A_686 = vector.broadcast %add3A_685 : i32 to vector<16xi32>
    %add3A_687 = arith.addi %mul3A_242, %add3A_686 : vector<16xi32>
    %gather3A_688 = tpu.vector_load_idx %arg11[%add3A_687] : memref<9216xf32, #tpu.memory_space<vmem>>[vector<16xi32>], vector<16xf32>,
    %add3A_689 = arith.addf %add3A_684, %gather3A_688 : vector<16xf32>
    %add3A_690 = arith.constant 1289 : i32
    %add3A_691 = vector.broadcast %add3A_690 : i32 to vector<16xi32>
    %add3A_692 = arith.addi %mul3A_242, %add3A_691 : vector<16xi32>
    %gather3A_693 = tpu.vector_load_idx %arg11[%add3A_692] : memref<9216xf32, #tpu.memory_space<vmem>>[vector<16xi32>], vector<16xf32>,
    %add3A_694 = arith.addf %add3A_689, %gather3A_693 : vector<16xf32>
    %add3A_695 = arith.constant 1290 : i32
    %add3A_696 = vector.broadcast %add3A_695 : i32 to vector<16xi32>
    %add3A_697 = arith.addi %mul3A_242, %add3A_696 : vector<16xi32>
    %gather3A_698 = tpu.vector_load_idx %arg11[%add3A_697] : memref<9216xf32, #tpu.memory_space<vmem>>[vector<16xi32>], vector<16xf32>,
    %add3A_699 = arith.addf %add3A_694, %gather3A_698 : vector<16xf32>
    %add3A_700 = arith.constant 1291 : i32
    %add3A_701 = vector.broadcast %add3A_700 : i32 to vector<16xi32>
    %add3A_702 = arith.addi %mul3A_242, %add3A_701 : vector<16xi32>
    %gather3A_703 = tpu.vector_load_idx %arg11[%add3A_702] : memref<9216xf32, #tpu.memory_space<vmem>>[vector<16xi32>], vector<16xf32>,
    %add3A_704 = arith.addf %add3A_699, %gather3A_703 : vector<16xf32>
    %add3A_705 = arith.constant 1292 : i32
    %add3A_706 = vector.broadcast %add3A_705 : i32 to vector<16xi32>
    %add3A_707 = arith.addi %mul3A_242, %add3A_706 : vector<16xi32>
    %gather3A_708 = tpu.vector_load_idx %arg11[%add3A_707] : memref<9216xf32, #tpu.memory_space<vmem>>[vector<16xi32>], vector<16xf32>,
    %add3A_709 = arith.addf %add3A_704, %gather3A_708 : vector<16xf32>
    %add3A_710 = arith.constant 1293 : i32
    %add3A_711 = vector.broadcast %add3A_710 : i32 to vector<16xi32>
    %add3A_712 = arith.addi %mul3A_242, %add3A_711 : vector<16xi32>
    %gather3A_713 = tpu.vector_load_idx %arg11[%add3A_712] : memref<9216xf32, #tpu.memory_space<vmem>>[vector<16xi32>], vector<16xf32>,
    %add3A_714 = arith.addf %add3A_709, %gather3A_713 : vector<16xf32>
    %add3A_715 = arith.constant 1294 : i32
    %add3A_716 = vector.broadcast %add3A_715 : i32 to vector<16xi32>
    %add3A_717 = arith.addi %mul3A_242, %add3A_716 : vector<16xi32>
    %gather3A_718 = tpu.vector_load_idx %arg11[%add3A_717] : memref<9216xf32, #tpu.memory_space<vmem>>[vector<16xi32>], vector<16xf32>,
    %add3A_719 = arith.addf %add3A_714, %gather3A_718 : vector<16xf32>
    %add3A_720 = arith.constant 1295 : i32
    %add3A_721 = vector.broadcast %add3A_720 : i32 to vector<16xi32>
    %add3A_722 = arith.addi %mul3A_242, %add3A_721 : vector<16xi32>
    %gather3A_723 = tpu.vector_load_idx %arg11[%add3A_722] : memref<9216xf32, #tpu.memory_space<vmem>>[vector<16xi32>], vector<16xf32>,
    %add3A_724 = arith.addf %add3A_719, %gather3A_723 : vector<16xf32>
    %swap3A_725 = arith.constant 80 : index
    %swap3A_726 = tpu.vector_load %arg12[%swap3A_725] {strides = array<i32>} : memref<576xf32, #tpu.memory_space<vmem>>, vector<16xf32>,
    tpu.vector_store %arg12[%swap3A_725], %add3A_724 {strides = array<i32>} : memref<576xf32, #tpu.memory_space<vmem>>, vector<16xf32>,
    %add3A_727 = arith.constant 1536 : i32
    %add3A_728 = vector.broadcast %add3A_727 : i32 to vector<16xi32>
    %add3A_729 = arith.addi %mul3A_242, %add3A_728 : vector<16xi32>
    %gather3A_730 = tpu.vector_load_idx %arg11[%add3A_729] : memref<9216xf32, #tpu.memory_space<vmem>>[vector<16xi32>], vector<16xf32>,
    %add3A_731 = arith.constant 1537 : i32
    %add3A_732 = vector.broadcast %add3A_731 : i32 to vector<16xi32>
    %add3A_733 = arith.addi %mul3A_242, %add3A_732 : vector<16xi32>
    %gather3A_734 = tpu.vector_load_idx %arg11[%add3A_733] : memref<9216xf32, #tpu.memory_space<vmem>>[vector<16xi32>], vector<16xf32>,
    %add3A_735 = arith.addf %gather3A_730, %gather3A_734 : vector<16xf32>
    %add3A_736 = arith.constant 1538 : i32
    %add3A_737 = vector.broadcast %add3A_736 : i32 to vector<16xi32>
    %add3A_738 = arith.addi %mul3A_242, %add3A_737 : vector<16xi32>
    %gather3A_739 = tpu.vector_load_idx %arg11[%add3A_738] : memref<9216xf32, #tpu.memory_space<vmem>>[vector<16xi32>], vector<16xf32>,
    %add3A_740 = arith.addf %add3A_735, %gather3A_739 : vector<16xf32>
    %add3A_741 = arith.constant 1539 : i32
    %add3A_742 = vector.broadcast %add3A_741 : i32 to vector<16xi32>
    %add3A_743 = arith.addi %mul3A_242, %add3A_742 : vector<16xi32>
    %gather3A_744 = tpu.vector_load_idx %arg11[%add3A_743] : memref<9216xf32, #tpu.memory_space<vmem>>[vector<16xi32>], vector<16xf32>,
    %add3A_745 = arith.addf %add3A_740, %gather3A_744 : vector<16xf32>
    %add3A_746 = arith.constant 1540 : i32
    %add3A_747 = vector.broadcast %add3A_746 : i32 to vector<16xi32>
    %add3A_748 = arith.addi %mul3A_242, %add3A_747 : vector<16xi32>
    %gather3A_749 = tpu.vector_load_idx %arg11[%add3A_748] : memref<9216xf32, #tpu.memory_space<vmem>>[vector<16xi32>], vector<16xf32>,
    %add3A_750 = arith.addf %add3A_745, %gather3A_749 : vector<16xf32>
    %add3A_751 = arith.constant 1541 : i32
    %add3A_752 = vector.broadcast %add3A_751 : i32 to vector<16xi32>
    %add3A_753 = arith.addi %mul3A_242, %add3A_752 : vector<16xi32>
    %gather3A_754 = tpu.vector_load_idx %arg11[%add3A_753] : memref<9216xf32, #tpu.memory_space<vmem>>[vector<16xi32>], vector<16xf32>,
    %add3A_755 = arith.addf %add3A_750, %gather3A_754 : vector<16xf32>
    %add3A_756 = arith.constant 1542 : i32
    %add3A_757 = vector.broadcast %add3A_756 : i32 to vector<16xi32>
    %add3A_758 = arith.addi %mul3A_242, %add3A_757 : vector<16xi32>
    %gather3A_759 = tpu.vector_load_idx %arg11[%add3A_758] : memref<9216xf32, #tpu.memory_space<vmem>>[vector<16xi32>], vector<16xf32>,
    %add3A_760 = arith.addf %add3A_755, %gather3A_759 : vector<16xf32>
    %add3A_761 = arith.constant 1543 : i32
    %add3A_762 = vector.broadcast %add3A_761 : i32 to vector<16xi32>
    %add3A_763 = arith.addi %mul3A_242, %add3A_762 : vector<16xi32>
    %gather3A_764 = tpu.vector_load_idx %arg11[%add3A_763] : memref<9216xf32, #tpu.memory_space<vmem>>[vector<16xi32>], vector<16xf32>,
    %add3A_765 = arith.addf %add3A_760, %gather3A_764 : vector<16xf32>
    %add3A_766 = arith.constant 1544 : i32
    %add3A_767 = vector.broadcast %add3A_766 : i32 to vector<16xi32>
    %add3A_768 = arith.addi %mul3A_242, %add3A_767 : vector<16xi32>
    %gather3A_769 = tpu.vector_load_idx %arg11[%add3A_768] : memref<9216xf32, #tpu.memory_space<vmem>>[vector<16xi32>], vector<16xf32>,
    %add3A_770 = arith.addf %add3A_765, %gather3A_769 : vector<16xf32>
    %add3A_771 = arith.constant 1545 : i32
    %add3A_772 = vector.broadcast %add3A_771 : i32 to vector<16xi32>
    %add3A_773 = arith.addi %mul3A_242, %add3A_772 : vector<16xi32>
    %gather3A_774 = tpu.vector_load_idx %arg11[%add3A_773] : memref<9216xf32, #tpu.memory_space<vmem>>[vector<16xi32>], vector<16xf32>,
    %add3A_775 = arith.addf %add3A_770, %gather3A_774 : vector<16xf32>
    %add3A_776 = arith.constant 1546 : i32
    %add3A_777 = vector.broadcast %add3A_776 : i32 to vector<16xi32>
    %add3A_778 = arith.addi %mul3A_242, %add3A_777 : vector<16xi32>
    %gather3A_779 = tpu.vector_load_idx %arg11[%add3A_778] : memref<9216xf32, #tpu.memory_space<vmem>>[vector<16xi32>], vector<16xf32>,
    %add3A_780 = arith.addf %add3A_775, %gather3A_779 : vector<16xf32>
    %add3A_781 = arith.constant 1547 : i32
    %add3A_782 = vector.broadcast %add3A_781 : i32 to vector<16xi32>
    %add3A_783 = arith.addi %mul3A_242, %add3A_782 : vector<16xi32>
    %gather3A_784 = tpu.vector_load_idx %arg11[%add3A_783] : memref<9216xf32, #tpu.memory_space<vmem>>[vector<16xi32>], vector<16xf32>,
    %add3A_785 = arith.addf %add3A_780, %gather3A_784 : vector<16xf32>
    %add3A_786 = arith.constant 1548 : i32
    %add3A_787 = vector.broadcast %add3A_786 : i32 to vector<16xi32>
    %add3A_788 = arith.addi %mul3A_242, %add3A_787 : vector<16xi32>
    %gather3A_789 = tpu.vector_load_idx %arg11[%add3A_788] : memref<9216xf32, #tpu.memory_space<vmem>>[vector<16xi32>], vector<16xf32>,
    %add3A_790 = arith.addf %add3A_785, %gather3A_789 : vector<16xf32>
    %add3A_791 = arith.constant 1549 : i32
    %add3A_792 = vector.broadcast %add3A_791 : i32 to vector<16xi32>
    %add3A_793 = arith.addi %mul3A_242, %add3A_792 : vector<16xi32>
    %gather3A_794 = tpu.vector_load_idx %arg11[%add3A_793] : memref<9216xf32, #tpu.memory_space<vmem>>[vector<16xi32>], vector<16xf32>,
    %add3A_795 = arith.addf %add3A_790, %gather3A_794 : vector<16xf32>
    %add3A_796 = arith.constant 1550 : i32
    %add3A_797 = vector.broadcast %add3A_796 : i32 to vector<16xi32>
    %add3A_798 = arith.addi %mul3A_242, %add3A_797 : vector<16xi32>
    %gather3A_799 = tpu.vector_load_idx %arg11[%add3A_798] : memref<9216xf32, #tpu.memory_space<vmem>>[vector<16xi32>], vector<16xf32>,
    %add3A_800 = arith.addf %add3A_795, %gather3A_799 : vector<16xf32>
    %add3A_801 = arith.constant 1551 : i32
    %add3A_802 = vector.broadcast %add3A_801 : i32 to vector<16xi32>
    %add3A_803 = arith.addi %mul3A_242, %add3A_802 : vector<16xi32>
    %gather3A_804 = tpu.vector_load_idx %arg11[%add3A_803] : memref<9216xf32, #tpu.memory_space<vmem>>[vector<16xi32>], vector<16xf32>,
    %add3A_805 = arith.addf %add3A_800, %gather3A_804 : vector<16xf32>
    %swap3A_806 = arith.constant 96 : index
    %swap3A_807 = tpu.vector_load %arg12[%swap3A_806] {strides = array<i32>} : memref<576xf32, #tpu.memory_space<vmem>>, vector<16xf32>,
    tpu.vector_store %arg12[%swap3A_806], %add3A_805 {strides = array<i32>} : memref<576xf32, #tpu.memory_space<vmem>>, vector<16xf32>,
    %add3A_808 = arith.constant 1792 : i32
    %add3A_809 = vector.broadcast %add3A_808 : i32 to vector<16xi32>
    %add3A_810 = arith.addi %mul3A_242, %add3A_809 : vector<16xi32>
    %gather3A_811 = tpu.vector_load_idx %arg11[%add3A_810] : memref<9216xf32, #tpu.memory_space<vmem>>[vector<16xi32>], vector<16xf32>,
    %add3A_812 = arith.constant 1793 : i32
    %add3A_813 = vector.broadcast %add3A_812 : i32 to vector<16xi32>
    %add3A_814 = arith.addi %mul3A_242, %add3A_813 : vector<16xi32>
    %gather3A_815 = tpu.vector_load_idx %arg11[%add3A_814] : memref<9216xf32, #tpu.memory_space<vmem>>[vector<16xi32>], vector<16xf32>,
    %add3A_816 = arith.addf %gather3A_811, %gather3A_815 : vector<16xf32>
    %add3A_817 = arith.constant 1794 : i32
    %add3A_818 = vector.broadcast %add3A_817 : i32 to vector<16xi32>
    %add3A_819 = arith.addi %mul3A_242, %add3A_818 : vector<16xi32>
    %gather3A_820 = tpu.vector_load_idx %arg11[%add3A_819] : memref<9216xf32, #tpu.memory_space<vmem>>[vector<16xi32>], vector<16xf32>,
    %add3A_821 = arith.addf %add3A_816, %gather3A_820 : vector<16xf32>
    %add3A_822 = arith.constant 1795 : i32
    %add3A_823 = vector.broadcast %add3A_822 : i32 to vector<16xi32>
    %add3A_824 = arith.addi %mul3A_242, %add3A_823 : vector<16xi32>
    %gather3A_825 = tpu.vector_load_idx %arg11[%add3A_824] : memref<9216xf32, #tpu.memory_space<vmem>>[vector<16xi32>], vector<16xf32>,
    %add3A_826 = arith.addf %add3A_821, %gather3A_825 : vector<16xf32>
    %add3A_827 = arith.constant 1796 : i32
    %add3A_828 = vector.broadcast %add3A_827 : i32 to vector<16xi32>
    %add3A_829 = arith.addi %mul3A_242, %add3A_828 : vector<16xi32>
    %gather3A_830 = tpu.vector_load_idx %arg11[%add3A_829] : memref<9216xf32, #tpu.memory_space<vmem>>[vector<16xi32>], vector<16xf32>,
    %add3A_831 = arith.addf %add3A_826, %gather3A_830 : vector<16xf32>
    %add3A_832 = arith.constant 1797 : i32
    %add3A_833 = vector.broadcast %add3A_832 : i32 to vector<16xi32>
    %add3A_834 = arith.addi %mul3A_242, %add3A_833 : vector<16xi32>
    %gather3A_835 = tpu.vector_load_idx %arg11[%add3A_834] : memref<9216xf32, #tpu.memory_space<vmem>>[vector<16xi32>], vector<16xf32>,
    %add3A_836 = arith.addf %add3A_831, %gather3A_835 : vector<16xf32>
    %add3A_837 = arith.constant 1798 : i32
    %add3A_838 = vector.broadcast %add3A_837 : i32 to vector<16xi32>
    %add3A_839 = arith.addi %mul3A_242, %add3A_838 : vector<16xi32>
    %gather3A_840 = tpu.vector_load_idx %arg11[%add3A_839] : memref<9216xf32, #tpu.memory_space<vmem>>[vector<16xi32>], vector<16xf32>,
    %add3A_841 = arith.addf %add3A_836, %gather3A_840 : vector<16xf32>
    %add3A_842 = arith.constant 1799 : i32
    %add3A_843 = vector.broadcast %add3A_842 : i32 to vector<16xi32>
    %add3A_844 = arith.addi %mul3A_242, %add3A_843 : vector<16xi32>
    %gather3A_845 = tpu.vector_load_idx %arg11[%add3A_844] : memref<9216xf32, #tpu.memory_space<vmem>>[vector<16xi32>], vector<16xf32>,
    %add3A_846 = arith.addf %add3A_841, %gather3A_845 : vector<16xf32>
    %add3A_847 = arith.constant 1800 : i32
    %add3A_848 = vector.broadcast %add3A_847 : i32 to vector<16xi32>
    %add3A_849 = arith.addi %mul3A_242, %add3A_848 : vector<16xi32>
    %gather3A_850 = tpu.vector_load_idx %arg11[%add3A_849] : memref<9216xf32, #tpu.memory_space<vmem>>[vector<16xi32>], vector<16xf32>,
    %add3A_851 = arith.addf %add3A_846, %gather3A_850 : vector<16xf32>
    %add3A_852 = arith.constant 1801 : i32
    %add3A_853 = vector.broadcast %add3A_852 : i32 to vector<16xi32>
    %add3A_854 = arith.addi %mul3A_242, %add3A_853 : vector<16xi32>
    %gather3A_855 = tpu.vector_load_idx %arg11[%add3A_854] : memref<9216xf32, #tpu.memory_space<vmem>>[vector<16xi32>], vector<16xf32>,
    %add3A_856 = arith.addf %add3A_851, %gather3A_855 : vector<16xf32>
    %add3A_857 = arith.constant 1802 : i32
    %add3A_858 = vector.broadcast %add3A_857 : i32 to vector<16xi32>
    %add3A_859 = arith.addi %mul3A_242, %add3A_858 : vector<16xi32>
    %gather3A_860 = tpu.vector_load_idx %arg11[%add3A_859] : memref<9216xf32, #tpu.memory_space<vmem>>[vector<16xi32>], vector<16xf32>,
    %add3A_861 = arith.addf %add3A_856, %gather3A_860 : vector<16xf32>
    %add3A_862 = arith.constant 1803 : i32
    %add3A_863 = vector.broadcast %add3A_862 : i32 to vector<16xi32>
    %add3A_864 = arith.addi %mul3A_242, %add3A_863 : vector<16xi32>
    %gather3A_865 = tpu.vector_load_idx %arg11[%add3A_864] : memref<9216xf32, #tpu.memory_space<vmem>>[vector<16xi32>], vector<16xf32>,
    %add3A_866 = arith.addf %add3A_861, %gather3A_865 : vector<16xf32>
    %add3A_867 = arith.constant 1804 : i32
    %add3A_868 = vector.broadcast %add3A_867 : i32 to vector<16xi32>
    %add3A_869 = arith.addi %mul3A_242, %add3A_868 : vector<16xi32>
    %gather3A_870 = tpu.vector_load_idx %arg11[%add3A_869] : memref<9216xf32, #tpu.memory_space<vmem>>[vector<16xi32>], vector<16xf32>,
    %add3A_871 = arith.addf %add3A_866, %gather3A_870 : vector<16xf32>
    %add3A_872 = arith.constant 1805 : i32
    %add3A_873 = vector.broadcast %add3A_872 : i32 to vector<16xi32>
    %add3A_874 = arith.addi %mul3A_242, %add3A_873 : vector<16xi32>
    %gather3A_875 = tpu.vector_load_idx %arg11[%add3A_874] : memref<9216xf32, #tpu.memory_space<vmem>>[vector<16xi32>], vector<16xf32>,
    %add3A_876 = arith.addf %add3A_871, %gather3A_875 : vector<16xf32>
    %add3A_877 = arith.constant 1806 : i32
    %add3A_878 = vector.broadcast %add3A_877 : i32 to vector<16xi32>
    %add3A_879 = arith.addi %mul3A_242, %add3A_878 : vector<16xi32>
    %gather3A_880 = tpu.vector_load_idx %arg11[%add3A_879] : memref<9216xf32, #tpu.memory_space<vmem>>[vector<16xi32>], vector<16xf32>,
    %add3A_881 = arith.addf %add3A_876, %gather3A_880 : vector<16xf32>
    %add3A_882 = arith.constant 1807 : i32
    %add3A_883 = vector.broadcast %add3A_882 : i32 to vector<16xi32>
    %add3A_884 = arith.addi %mul3A_242, %add3A_883 : vector<16xi32>
    %gather3A_885 = tpu.vector_load_idx %arg11[%add3A_884] : memref<9216xf32, #tpu.memory_space<vmem>>[vector<16xi32>], vector<16xf32>,
    %add3A_886 = arith.addf %add3A_881, %gather3A_885 : vector<16xf32>
    %swap3A_887 = arith.constant 112 : index
    %swap3A_888 = tpu.vector_load %arg12[%swap3A_887] {strides = array<i32>} : memref<576xf32, #tpu.memory_space<vmem>>, vector<16xf32>,
    tpu.vector_store %arg12[%swap3A_887], %add3A_886 {strides = array<i32>} : memref<576xf32, #tpu.memory_space<vmem>>, vector<16xf32>,
    %add3A_889 = arith.constant 2048 : i32
    %add3A_890 = vector.broadcast %add3A_889 : i32 to vector<16xi32>
    %add3A_891 = arith.addi %mul3A_242, %add3A_890 : vector<16xi32>
    %gather3A_892 = tpu.vector_load_idx %arg11[%add3A_891] : memref<9216xf32, #tpu.memory_space<vmem>>[vector<16xi32>], vector<16xf32>,
    %add3A_893 = arith.constant 2049 : i32
    %add3A_894 = vector.broadcast %add3A_893 : i32 to vector<16xi32>
    %add3A_895 = arith.addi %mul3A_242, %add3A_894 : vector<16xi32>
    %gather3A_896 = tpu.vector_load_idx %arg11[%add3A_895] : memref<9216xf32, #tpu.memory_space<vmem>>[vector<16xi32>], vector<16xf32>,
    %add3A_897 = arith.addf %gather3A_892, %gather3A_896 : vector<16xf32>
    %add3A_898 = arith.constant 2050 : i32
    %add3A_899 = vector.broadcast %add3A_898 : i32 to vector<16xi32>
    %add3A_900 = arith.addi %mul3A_242, %add3A_899 : vector<16xi32>
    %gather3A_901 = tpu.vector_load_idx %arg11[%add3A_900] : memref<9216xf32, #tpu.memory_space<vmem>>[vector<16xi32>], vector<16xf32>,
    %add3A_902 = arith.addf %add3A_897, %gather3A_901 : vector<16xf32>
    %add3A_903 = arith.constant 2051 : i32
    %add3A_904 = vector.broadcast %add3A_903 : i32 to vector<16xi32>
    %add3A_905 = arith.addi %mul3A_242, %add3A_904 : vector<16xi32>
    %gather3A_906 = tpu.vector_load_idx %arg11[%add3A_905] : memref<9216xf32, #tpu.memory_space<vmem>>[vector<16xi32>], vector<16xf32>,
    %add3A_907 = arith.addf %add3A_902, %gather3A_906 : vector<16xf32>
    %add3A_908 = arith.constant 2052 : i32
    %add3A_909 = vector.broadcast %add3A_908 : i32 to vector<16xi32>
    %add3A_910 = arith.addi %mul3A_242, %add3A_909 : vector<16xi32>
    %gather3A_911 = tpu.vector_load_idx %arg11[%add3A_910] : memref<9216xf32, #tpu.memory_space<vmem>>[vector<16xi32>], vector<16xf32>,
    %add3A_912 = arith.addf %add3A_907, %gather3A_911 : vector<16xf32>
    %add3A_913 = arith.constant 2053 : i32
    %add3A_914 = vector.broadcast %add3A_913 : i32 to vector<16xi32>
    %add3A_915 = arith.addi %mul3A_242, %add3A_914 : vector<16xi32>
    %gather3A_916 = tpu.vector_load_idx %arg11[%add3A_915] : memref<9216xf32, #tpu.memory_space<vmem>>[vector<16xi32>], vector<16xf32>,
    %add3A_917 = arith.addf %add3A_912, %gather3A_916 : vector<16xf32>
    %add3A_918 = arith.constant 2054 : i32
    %add3A_919 = vector.broadcast %add3A_918 : i32 to vector<16xi32>
    %add3A_920 = arith.addi %mul3A_242, %add3A_919 : vector<16xi32>
    %gather3A_921 = tpu.vector_load_idx %arg11[%add3A_920] : memref<9216xf32, #tpu.memory_space<vmem>>[vector<16xi32>], vector<16xf32>,
    %add3A_922 = arith.addf %add3A_917, %gather3A_921 : vector<16xf32>
    %add3A_923 = arith.constant 2055 : i32
    %add3A_924 = vector.broadcast %add3A_923 : i32 to vector<16xi32>
    %add3A_925 = arith.addi %mul3A_242, %add3A_924 : vector<16xi32>
    %gather3A_926 = tpu.vector_load_idx %arg11[%add3A_925] : memref<9216xf32, #tpu.memory_space<vmem>>[vector<16xi32>], vector<16xf32>,
    %add3A_927 = arith.addf %add3A_922, %gather3A_926 : vector<16xf32>
    %add3A_928 = arith.constant 2056 : i32
    %add3A_929 = vector.broadcast %add3A_928 : i32 to vector<16xi32>
    %add3A_930 = arith.addi %mul3A_242, %add3A_929 : vector<16xi32>
    %gather3A_931 = tpu.vector_load_idx %arg11[%add3A_930] : memref<9216xf32, #tpu.memory_space<vmem>>[vector<16xi32>], vector<16xf32>,
    %add3A_932 = arith.addf %add3A_927, %gather3A_931 : vector<16xf32>
    %add3A_933 = arith.constant 2057 : i32
    %add3A_934 = vector.broadcast %add3A_933 : i32 to vector<16xi32>
    %add3A_935 = arith.addi %mul3A_242, %add3A_934 : vector<16xi32>
    %gather3A_936 = tpu.vector_load_idx %arg11[%add3A_935] : memref<9216xf32, #tpu.memory_space<vmem>>[vector<16xi32>], vector<16xf32>,
    %add3A_937 = arith.addf %add3A_932, %gather3A_936 : vector<16xf32>
    %add3A_938 = arith.constant 2058 : i32
    %add3A_939 = vector.broadcast %add3A_938 : i32 to vector<16xi32>
    %add3A_940 = arith.addi %mul3A_242, %add3A_939 : vector<16xi32>
    %gather3A_941 = tpu.vector_load_idx %arg11[%add3A_940] : memref<9216xf32, #tpu.memory_space<vmem>>[vector<16xi32>], vector<16xf32>,
    %add3A_942 = arith.addf %add3A_937, %gather3A_941 : vector<16xf32>
    %add3A_943 = arith.constant 2059 : i32
    %add3A_944 = vector.broadcast %add3A_943 : i32 to vector<16xi32>
    %add3A_945 = arith.addi %mul3A_242, %add3A_944 : vector<16xi32>
    %gather3A_946 = tpu.vector_load_idx %arg11[%add3A_945] : memref<9216xf32, #tpu.memory_space<vmem>>[vector<16xi32>], vector<16xf32>,
    %add3A_947 = arith.addf %add3A_942, %gather3A_946 : vector<16xf32>
    %add3A_948 = arith.constant 2060 : i32
    %add3A_949 = vector.broadcast %add3A_948 : i32 to vector<16xi32>
    %add3A_950 = arith.addi %mul3A_242, %add3A_949 : vector<16xi32>
    %gather3A_951 = tpu.vector_load_idx %arg11[%add3A_950] : memref<9216xf32, #tpu.memory_space<vmem>>[vector<16xi32>], vector<16xf32>,
    %add3A_952 = arith.addf %add3A_947, %gather3A_951 : vector<16xf32>
    %add3A_953 = arith.constant 2061 : i32
    %add3A_954 = vector.broadcast %add3A_953 : i32 to vector<16xi32>
    %add3A_955 = arith.addi %mul3A_242, %add3A_954 : vector<16xi32>
    %gather3A_956 = tpu.vector_load_idx %arg11[%add3A_955] : memref<9216xf32, #tpu.memory_space<vmem>>[vector<16xi32>], vector<16xf32>,
    %add3A_957 = arith.addf %add3A_952, %gather3A_956 : vector<16xf32>
    %add3A_958 = arith.constant 2062 : i32
    %add3A_959 = vector.broadcast %add3A_958 : i32 to vector<16xi32>
    %add3A_960 = arith.addi %mul3A_242, %add3A_959 : vector<16xi32>
    %gather3A_961 = tpu.vector_load_idx %arg11[%add3A_960] : memref<9216xf32, #tpu.memory_space<vmem>>[vector<16xi32>], vector<16xf32>,
    %add3A_962 = arith.addf %add3A_957, %gather3A_961 : vector<16xf32>
    %add3A_963 = arith.constant 2063 : i32
    %add3A_964 = vector.broadcast %add3A_963 : i32 to vector<16xi32>
    %add3A_965 = arith.addi %mul3A_242, %add3A_964 : vector<16xi32>
    %gather3A_966 = tpu.vector_load_idx %arg11[%add3A_965] : memref<9216xf32, #tpu.memory_space<vmem>>[vector<16xi32>], vector<16xf32>,
    %add3A_967 = arith.addf %add3A_962, %gather3A_966 : vector<16xf32>
    %swap3A_968 = arith.constant 128 : index
    %swap3A_969 = tpu.vector_load %arg12[%swap3A_968] {strides = array<i32>} : memref<576xf32, #tpu.memory_space<vmem>>, vector<16xf32>,
    tpu.vector_store %arg12[%swap3A_968], %add3A_967 {strides = array<i32>} : memref<576xf32, #tpu.memory_space<vmem>>, vector<16xf32>,
    %add3A_970 = arith.constant 2304 : i32
    %add3A_971 = vector.broadcast %add3A_970 : i32 to vector<16xi32>
    %add3A_972 = arith.addi %mul3A_242, %add3A_971 : vector<16xi32>
    %gather3A_973 = tpu.vector_load_idx %arg11[%add3A_972] : memref<9216xf32, #tpu.memory_space<vmem>>[vector<16xi32>], vector<16xf32>,
    %add3A_974 = arith.constant 2305 : i32
    %add3A_975 = vector.broadcast %add3A_974 : i32 to vector<16xi32>
    %add3A_976 = arith.addi %mul3A_242, %add3A_975 : vector<16xi32>
    %gather3A_977 = tpu.vector_load_idx %arg11[%add3A_976] : memref<9216xf32, #tpu.memory_space<vmem>>[vector<16xi32>], vector<16xf32>,
    %add3A_978 = arith.addf %gather3A_973, %gather3A_977 : vector<16xf32>
    %add3A_979 = arith.constant 2306 : i32
    %add3A_980 = vector.broadcast %add3A_979 : i32 to vector<16xi32>
    %add3A_981 = arith.addi %mul3A_242, %add3A_980 : vector<16xi32>
    %gather3A_982 = tpu.vector_load_idx %arg11[%add3A_981] : memref<9216xf32, #tpu.memory_space<vmem>>[vector<16xi32>], vector<16xf32>,
    %add3A_983 = arith.addf %add3A_978, %gather3A_982 : vector<16xf32>
    %add3A_984 = arith.constant 2307 : i32
    %add3A_985 = vector.broadcast %add3A_984 : i32 to vector<16xi32>
    %add3A_986 = arith.addi %mul3A_242, %add3A_985 : vector<16xi32>
    %gather3A_987 = tpu.vector_load_idx %arg11[%add3A_986] : memref<9216xf32, #tpu.memory_space<vmem>>[vector<16xi32>], vector<16xf32>,
    %add3A_988 = arith.addf %add3A_983, %gather3A_987 : vector<16xf32>
    %add3A_989 = arith.constant 2308 : i32
    %add3A_990 = vector.broadcast %add3A_989 : i32 to vector<16xi32>
    %add3A_991 = arith.addi %mul3A_242, %add3A_990 : vector<16xi32>
    %gather3A_992 = tpu.vector_load_idx %arg11[%add3A_991] : memref<9216xf32, #tpu.memory_space<vmem>>[vector<16xi32>], vector<16xf32>,
    %add3A_993 = arith.addf %add3A_988, %gather3A_992 : vector<16xf32>
    %add3A_994 = arith.constant 2309 : i32
    %add3A_995 = vector.broadcast %add3A_994 : i32 to vector<16xi32>
    %add3A_996 = arith.addi %mul3A_242, %add3A_995 : vector<16xi32>
    %gather3A_997 = tpu.vector_load_idx %arg11[%add3A_996] : memref<9216xf32, #tpu.memory_space<vmem>>[vector<16xi32>], vector<16xf32>,
    %add3A_998 = arith.addf %add3A_993, %gather3A_997 : vector<16xf32>
    %add3A_999 = arith.constant 2310 : i32
    %add3A_1000 = vector.broadcast %add3A_999 : i32 to vector<16xi32>
    %add3A_1001 = arith.addi %mul3A_242, %add3A_1000 : vector<16xi32>
    %gather3A_1002 = tpu.vector_load_idx %arg11[%add3A_1001] : memref<9216xf32, #tpu.memory_space<vmem>>[vector<16xi32>], vector<16xf32>,
    %add3A_1003 = arith.addf %add3A_998, %gather3A_1002 : vector<16xf32>
    %add3A_1004 = arith.constant 2311 : i32
    %add3A_1005 = vector.broadcast %add3A_1004 : i32 to vector<16xi32>
    %add3A_1006 = arith.addi %mul3A_242, %add3A_1005 : vector<16xi32>
    %gather3A_1007 = tpu.vector_load_idx %arg11[%add3A_1006] : memref<9216xf32, #tpu.memory_space<vmem>>[vector<16xi32>], vector<16xf32>,
    %add3A_1008 = arith.addf %add3A_1003, %gather3A_1007 : vector<16xf32>
    %add3A_1009 = arith.constant 2312 : i32
    %add3A_1010 = vector.broadcast %add3A_1009 : i32 to vector<16xi32>
    %add3A_1011 = arith.addi %mul3A_242, %add3A_1010 : vector<16xi32>
    %gather3A_1012 = tpu.vector_load_idx %arg11[%add3A_1011] : memref<9216xf32, #tpu.memory_space<vmem>>[vector<16xi32>], vector<16xf32>,
    %add3A_1013 = arith.addf %add3A_1008, %gather3A_1012 : vector<16xf32>
    %add3A_1014 = arith.constant 2313 : i32
    %add3A_1015 = vector.broadcast %add3A_1014 : i32 to vector<16xi32>
    %add3A_1016 = arith.addi %mul3A_242, %add3A_1015 : vector<16xi32>
    %gather3A_1017 = tpu.vector_load_idx %arg11[%add3A_1016] : memref<9216xf32, #tpu.memory_space<vmem>>[vector<16xi32>], vector<16xf32>,
    %add3A_1018 = arith.addf %add3A_1013, %gather3A_1017 : vector<16xf32>
    %add3A_1019 = arith.constant 2314 : i32
    %add3A_1020 = vector.broadcast %add3A_1019 : i32 to vector<16xi32>
    %add3A_1021 = arith.addi %mul3A_242, %add3A_1020 : vector<16xi32>
    %gather3A_1022 = tpu.vector_load_idx %arg11[%add3A_1021] : memref<9216xf32, #tpu.memory_space<vmem>>[vector<16xi32>], vector<16xf32>,
    %add3A_1023 = arith.addf %add3A_1018, %gather3A_1022 : vector<16xf32>
    %add3A_1024 = arith.constant 2315 : i32
    %add3A_1025 = vector.broadcast %add3A_1024 : i32 to vector<16xi32>
    %add3A_1026 = arith.addi %mul3A_242, %add3A_1025 : vector<16xi32>
    %gather3A_1027 = tpu.vector_load_idx %arg11[%add3A_1026] : memref<9216xf32, #tpu.memory_space<vmem>>[vector<16xi32>], vector<16xf32>,
    %add3A_1028 = arith.addf %add3A_1023, %gather3A_1027 : vector<16xf32>
    %add3A_1029 = arith.constant 2316 : i32
    %add3A_1030 = vector.broadcast %add3A_1029 : i32 to vector<16xi32>
    %add3A_1031 = arith.addi %mul3A_242, %add3A_1030 : vector<16xi32>
    %gather3A_1032 = tpu.vector_load_idx %arg11[%add3A_1031] : memref<9216xf32, #tpu.memory_space<vmem>>[vector<16xi32>], vector<16xf32>,
    %add3A_1033 = arith.addf %add3A_1028, %gather3A_1032 : vector<16xf32>
    %add3A_1034 = arith.constant 2317 : i32
    %add3A_1035 = vector.broadcast %add3A_1034 : i32 to vector<16xi32>
    %add3A_1036 = arith.addi %mul3A_242, %add3A_1035 : vector<16xi32>
    %gather3A_1037 = tpu.vector_load_idx %arg11[%add3A_1036] : memref<9216xf32, #tpu.memory_space<vmem>>[vector<16xi32>], vector<16xf32>,
    %add3A_1038 = arith.addf %add3A_1033, %gather3A_1037 : vector<16xf32>
    %add3A_1039 = arith.constant 2318 : i32
    %add3A_1040 = vector.broadcast %add3A_1039 : i32 to vector<16xi32>
    %add3A_1041 = arith.addi %mul3A_242, %add3A_1040 : vector<16xi32>
    %gather3A_1042 = tpu.vector_load_idx %arg11[%add3A_1041] : memref<9216xf32, #tpu.memory_space<vmem>>[vector<16xi32>], vector<16xf32>,
    %add3A_1043 = arith.addf %add3A_1038, %gather3A_1042 : vector<16xf32>
    %add3A_1044 = arith.constant 2319 : i32
    %add3A_1045 = vector.broadcast %add3A_1044 : i32 to vector<16xi32>
    %add3A_1046 = arith.addi %mul3A_242, %add3A_1045 : vector<16xi32>
    %gather3A_1047 = tpu.vector_load_idx %arg11[%add3A_1046] : memref<9216xf32, #tpu.memory_space<vmem>>[vector<16xi32>], vector<16xf32>,
    %add3A_1048 = arith.addf %add3A_1043, %gather3A_1047 : vector<16xf32>
    %swap3A_1049 = arith.constant 144 : index
    %swap3A_1050 = tpu.vector_load %arg12[%swap3A_1049] {strides = array<i32>} : memref<576xf32, #tpu.memory_space<vmem>>, vector<16xf32>,
    tpu.vector_store %arg12[%swap3A_1049], %add3A_1048 {strides = array<i32>} : memref<576xf32, #tpu.memory_space<vmem>>, vector<16xf32>,
    %add3A_1051 = arith.constant 2560 : i32
    %add3A_1052 = vector.broadcast %add3A_1051 : i32 to vector<16xi32>
    %add3A_1053 = arith.addi %mul3A_242, %add3A_1052 : vector<16xi32>
    %gather3A_1054 = tpu.vector_load_idx %arg11[%add3A_1053] : memref<9216xf32, #tpu.memory_space<vmem>>[vector<16xi32>], vector<16xf32>,
    %add3A_1055 = arith.constant 2561 : i32
    %add3A_1056 = vector.broadcast %add3A_1055 : i32 to vector<16xi32>
    %add3A_1057 = arith.addi %mul3A_242, %add3A_1056 : vector<16xi32>
    %gather3A_1058 = tpu.vector_load_idx %arg11[%add3A_1057] : memref<9216xf32, #tpu.memory_space<vmem>>[vector<16xi32>], vector<16xf32>,
    %add3A_1059 = arith.addf %gather3A_1054, %gather3A_1058 : vector<16xf32>
    %add3A_1060 = arith.constant 2562 : i32
    %add3A_1061 = vector.broadcast %add3A_1060 : i32 to vector<16xi32>
    %add3A_1062 = arith.addi %mul3A_242, %add3A_1061 : vector<16xi32>
    %gather3A_1063 = tpu.vector_load_idx %arg11[%add3A_1062] : memref<9216xf32, #tpu.memory_space<vmem>>[vector<16xi32>], vector<16xf32>,
    %add3A_1064 = arith.addf %add3A_1059, %gather3A_1063 : vector<16xf32>
    %add3A_1065 = arith.constant 2563 : i32
    %add3A_1066 = vector.broadcast %add3A_1065 : i32 to vector<16xi32>
    %add3A_1067 = arith.addi %mul3A_242, %add3A_1066 : vector<16xi32>
    %gather3A_1068 = tpu.vector_load_idx %arg11[%add3A_1067] : memref<9216xf32, #tpu.memory_space<vmem>>[vector<16xi32>], vector<16xf32>,
    %add3A_1069 = arith.addf %add3A_1064, %gather3A_1068 : vector<16xf32>
    %add3A_1070 = arith.constant 2564 : i32
    %add3A_1071 = vector.broadcast %add3A_1070 : i32 to vector<16xi32>
    %add3A_1072 = arith.addi %mul3A_242, %add3A_1071 : vector<16xi32>
    %gather3A_1073 = tpu.vector_load_idx %arg11[%add3A_1072] : memref<9216xf32, #tpu.memory_space<vmem>>[vector<16xi32>], vector<16xf32>,
    %add3A_1074 = arith.addf %add3A_1069, %gather3A_1073 : vector<16xf32>
    %add3A_1075 = arith.constant 2565 : i32
    %add3A_1076 = vector.broadcast %add3A_1075 : i32 to vector<16xi32>
    %add3A_1077 = arith.addi %mul3A_242, %add3A_1076 : vector<16xi32>
    %gather3A_1078 = tpu.vector_load_idx %arg11[%add3A_1077] : memref<9216xf32, #tpu.memory_space<vmem>>[vector<16xi32>], vector<16xf32>,
    %add3A_1079 = arith.addf %add3A_1074, %gather3A_1078 : vector<16xf32>
    %add3A_1080 = arith.constant 2566 : i32
    %add3A_1081 = vector.broadcast %add3A_1080 : i32 to vector<16xi32>
    %add3A_1082 = arith.addi %mul3A_242, %add3A_1081 : vector<16xi32>
    %gather3A_1083 = tpu.vector_load_idx %arg11[%add3A_1082] : memref<9216xf32, #tpu.memory_space<vmem>>[vector<16xi32>], vector<16xf32>,
    %add3A_1084 = arith.addf %add3A_1079, %gather3A_1083 : vector<16xf32>
    %add3A_1085 = arith.constant 2567 : i32
    %add3A_1086 = vector.broadcast %add3A_1085 : i32 to vector<16xi32>
    %add3A_1087 = arith.addi %mul3A_242, %add3A_1086 : vector<16xi32>
    %gather3A_1088 = tpu.vector_load_idx %arg11[%add3A_1087] : memref<9216xf32, #tpu.memory_space<vmem>>[vector<16xi32>], vector<16xf32>,
    %add3A_1089 = arith.addf %add3A_1084, %gather3A_1088 : vector<16xf32>
    %add3A_1090 = arith.constant 2568 : i32
    %add3A_1091 = vector.broadcast %add3A_1090 : i32 to vector<16xi32>
    %add3A_1092 = arith.addi %mul3A_242, %add3A_1091 : vector<16xi32>
    %gather3A_1093 = tpu.vector_load_idx %arg11[%add3A_1092] : memref<9216xf32, #tpu.memory_space<vmem>>[vector<16xi32>], vector<16xf32>,
    %add3A_1094 = arith.addf %add3A_1089, %gather3A_1093 : vector<16xf32>
    %add3A_1095 = arith.constant 2569 : i32
    %add3A_1096 = vector.broadcast %add3A_1095 : i32 to vector<16xi32>
    %add3A_1097 = arith.addi %mul3A_242, %add3A_1096 : vector<16xi32>
    %gather3A_1098 = tpu.vector_load_idx %arg11[%add3A_1097] : memref<9216xf32, #tpu.memory_space<vmem>>[vector<16xi32>], vector<16xf32>,
    %add3A_1099 = arith.addf %add3A_1094, %gather3A_1098 : vector<16xf32>
    %add3A_1100 = arith.constant 2570 : i32
    %add3A_1101 = vector.broadcast %add3A_1100 : i32 to vector<16xi32>
    %add3A_1102 = arith.addi %mul3A_242, %add3A_1101 : vector<16xi32>
    %gather3A_1103 = tpu.vector_load_idx %arg11[%add3A_1102] : memref<9216xf32, #tpu.memory_space<vmem>>[vector<16xi32>], vector<16xf32>,
    %add3A_1104 = arith.addf %add3A_1099, %gather3A_1103 : vector<16xf32>
    %add3A_1105 = arith.constant 2571 : i32
    %add3A_1106 = vector.broadcast %add3A_1105 : i32 to vector<16xi32>
    %add3A_1107 = arith.addi %mul3A_242, %add3A_1106 : vector<16xi32>
    %gather3A_1108 = tpu.vector_load_idx %arg11[%add3A_1107] : memref<9216xf32, #tpu.memory_space<vmem>>[vector<16xi32>], vector<16xf32>,
    %add3A_1109 = arith.addf %add3A_1104, %gather3A_1108 : vector<16xf32>
    %add3A_1110 = arith.constant 2572 : i32
    %add3A_1111 = vector.broadcast %add3A_1110 : i32 to vector<16xi32>
    %add3A_1112 = arith.addi %mul3A_242, %add3A_1111 : vector<16xi32>
    %gather3A_1113 = tpu.vector_load_idx %arg11[%add3A_1112] : memref<9216xf32, #tpu.memory_space<vmem>>[vector<16xi32>], vector<16xf32>,
    %add3A_1114 = arith.addf %add3A_1109, %gather3A_1113 : vector<16xf32>
    %add3A_1115 = arith.constant 2573 : i32
    %add3A_1116 = vector.broadcast %add3A_1115 : i32 to vector<16xi32>
    %add3A_1117 = arith.addi %mul3A_242, %add3A_1116 : vector<16xi32>
    %gather3A_1118 = tpu.vector_load_idx %arg11[%add3A_1117] : memref<9216xf32, #tpu.memory_space<vmem>>[vector<16xi32>], vector<16xf32>,
    %add3A_1119 = arith.addf %add3A_1114, %gather3A_1118 : vector<16xf32>
    %add3A_1120 = arith.constant 2574 : i32
    %add3A_1121 = vector.broadcast %add3A_1120 : i32 to vector<16xi32>
    %add3A_1122 = arith.addi %mul3A_242, %add3A_1121 : vector<16xi32>
    %gather3A_1123 = tpu.vector_load_idx %arg11[%add3A_1122] : memref<9216xf32, #tpu.memory_space<vmem>>[vector<16xi32>], vector<16xf32>,
    %add3A_1124 = arith.addf %add3A_1119, %gather3A_1123 : vector<16xf32>
    %add3A_1125 = arith.constant 2575 : i32
    %add3A_1126 = vector.broadcast %add3A_1125 : i32 to vector<16xi32>
    %add3A_1127 = arith.addi %mul3A_242, %add3A_1126 : vector<16xi32>
    %gather3A_1128 = tpu.vector_load_idx %arg11[%add3A_1127] : memref<9216xf32, #tpu.memory_space<vmem>>[vector<16xi32>], vector<16xf32>,
    %add3A_1129 = arith.addf %add3A_1124, %gather3A_1128 : vector<16xf32>
    %swap3A_1130 = arith.constant 160 : index
    %swap3A_1131 = tpu.vector_load %arg12[%swap3A_1130] {strides = array<i32>} : memref<576xf32, #tpu.memory_space<vmem>>, vector<16xf32>,
    tpu.vector_store %arg12[%swap3A_1130], %add3A_1129 {strides = array<i32>} : memref<576xf32, #tpu.memory_space<vmem>>, vector<16xf32>,
    %add3A_1132 = arith.constant 2816 : i32
    %add3A_1133 = vector.broadcast %add3A_1132 : i32 to vector<16xi32>
    %add3A_1134 = arith.addi %mul3A_242, %add3A_1133 : vector<16xi32>
    %gather3A_1135 = tpu.vector_load_idx %arg11[%add3A_1134] : memref<9216xf32, #tpu.memory_space<vmem>>[vector<16xi32>], vector<16xf32>,
    %add3A_1136 = arith.constant 2817 : i32
    %add3A_1137 = vector.broadcast %add3A_1136 : i32 to vector<16xi32>
    %add3A_1138 = arith.addi %mul3A_242, %add3A_1137 : vector<16xi32>
    %gather3A_1139 = tpu.vector_load_idx %arg11[%add3A_1138] : memref<9216xf32, #tpu.memory_space<vmem>>[vector<16xi32>], vector<16xf32>,
    %add3A_1140 = arith.addf %gather3A_1135, %gather3A_1139 : vector<16xf32>
    %add3A_1141 = arith.constant 2818 : i32
    %add3A_1142 = vector.broadcast %add3A_1141 : i32 to vector<16xi32>
    %add3A_1143 = arith.addi %mul3A_242, %add3A_1142 : vector<16xi32>
    %gather3A_1144 = tpu.vector_load_idx %arg11[%add3A_1143] : memref<9216xf32, #tpu.memory_space<vmem>>[vector<16xi32>], vector<16xf32>,
    %add3A_1145 = arith.addf %add3A_1140, %gather3A_1144 : vector<16xf32>
    %add3A_1146 = arith.constant 2819 : i32
    %add3A_1147 = vector.broadcast %add3A_1146 : i32 to vector<16xi32>
    %add3A_1148 = arith.addi %mul3A_242, %add3A_1147 : vector<16xi32>
    %gather3A_1149 = tpu.vector_load_idx %arg11[%add3A_1148] : memref<9216xf32, #tpu.memory_space<vmem>>[vector<16xi32>], vector<16xf32>,
    %add3A_1150 = arith.addf %add3A_1145, %gather3A_1149 : vector<16xf32>
    %add3A_1151 = arith.constant 2820 : i32
    %add3A_1152 = vector.broadcast %add3A_1151 : i32 to vector<16xi32>
    %add3A_1153 = arith.addi %mul3A_242, %add3A_1152 : vector<16xi32>
    %gather3A_1154 = tpu.vector_load_idx %arg11[%add3A_1153] : memref<9216xf32, #tpu.memory_space<vmem>>[vector<16xi32>], vector<16xf32>,
    %add3A_1155 = arith.addf %add3A_1150, %gather3A_1154 : vector<16xf32>
    %add3A_1156 = arith.constant 2821 : i32
    %add3A_1157 = vector.broadcast %add3A_1156 : i32 to vector<16xi32>
    %add3A_1158 = arith.addi %mul3A_242, %add3A_1157 : vector<16xi32>
    %gather3A_1159 = tpu.vector_load_idx %arg11[%add3A_1158] : memref<9216xf32, #tpu.memory_space<vmem>>[vector<16xi32>], vector<16xf32>,
    %add3A_1160 = arith.addf %add3A_1155, %gather3A_1159 : vector<16xf32>
    %add3A_1161 = arith.constant 2822 : i32
    %add3A_1162 = vector.broadcast %add3A_1161 : i32 to vector<16xi32>
    %add3A_1163 = arith.addi %mul3A_242, %add3A_1162 : vector<16xi32>
    %gather3A_1164 = tpu.vector_load_idx %arg11[%add3A_1163] : memref<9216xf32, #tpu.memory_space<vmem>>[vector<16xi32>], vector<16xf32>,
    %add3A_1165 = arith.addf %add3A_1160, %gather3A_1164 : vector<16xf32>
    %add3A_1166 = arith.constant 2823 : i32
    %add3A_1167 = vector.broadcast %add3A_1166 : i32 to vector<16xi32>
    %add3A_1168 = arith.addi %mul3A_242, %add3A_1167 : vector<16xi32>
    %gather3A_1169 = tpu.vector_load_idx %arg11[%add3A_1168] : memref<9216xf32, #tpu.memory_space<vmem>>[vector<16xi32>], vector<16xf32>,
    %add3A_1170 = arith.addf %add3A_1165, %gather3A_1169 : vector<16xf32>
    %add3A_1171 = arith.constant 2824 : i32
    %add3A_1172 = vector.broadcast %add3A_1171 : i32 to vector<16xi32>
    %add3A_1173 = arith.addi %mul3A_242, %add3A_1172 : vector<16xi32>
    %gather3A_1174 = tpu.vector_load_idx %arg11[%add3A_1173] : memref<9216xf32, #tpu.memory_space<vmem>>[vector<16xi32>], vector<16xf32>,
    %add3A_1175 = arith.addf %add3A_1170, %gather3A_1174 : vector<16xf32>
    %add3A_1176 = arith.constant 2825 : i32
    %add3A_1177 = vector.broadcast %add3A_1176 : i32 to vector<16xi32>
    %add3A_1178 = arith.addi %mul3A_242, %add3A_1177 : vector<16xi32>
    %gather3A_1179 = tpu.vector_load_idx %arg11[%add3A_1178] : memref<9216xf32, #tpu.memory_space<vmem>>[vector<16xi32>], vector<16xf32>,
    %add3A_1180 = arith.addf %add3A_1175, %gather3A_1179 : vector<16xf32>
    %add3A_1181 = arith.constant 2826 : i32
    %add3A_1182 = vector.broadcast %add3A_1181 : i32 to vector<16xi32>
    %add3A_1183 = arith.addi %mul3A_242, %add3A_1182 : vector<16xi32>
    %gather3A_1184 = tpu.vector_load_idx %arg11[%add3A_1183] : memref<9216xf32, #tpu.memory_space<vmem>>[vector<16xi32>], vector<16xf32>,
    %add3A_1185 = arith.addf %add3A_1180, %gather3A_1184 : vector<16xf32>
    %add3A_1186 = arith.constant 2827 : i32
    %add3A_1187 = vector.broadcast %add3A_1186 : i32 to vector<16xi32>
    %add3A_1188 = arith.addi %mul3A_242, %add3A_1187 : vector<16xi32>
    %gather3A_1189 = tpu.vector_load_idx %arg11[%add3A_1188] : memref<9216xf32, #tpu.memory_space<vmem>>[vector<16xi32>], vector<16xf32>,
    %add3A_1190 = arith.addf %add3A_1185, %gather3A_1189 : vector<16xf32>
    %add3A_1191 = arith.constant 2828 : i32
    %add3A_1192 = vector.broadcast %add3A_1191 : i32 to vector<16xi32>
    %add3A_1193 = arith.addi %mul3A_242, %add3A_1192 : vector<16xi32>
    %gather3A_1194 = tpu.vector_load_idx %arg11[%add3A_1193] : memref<9216xf32, #tpu.memory_space<vmem>>[vector<16xi32>], vector<16xf32>,
    %add3A_1195 = arith.addf %add3A_1190, %gather3A_1194 : vector<16xf32>
    %add3A_1196 = arith.constant 2829 : i32
    %add3A_1197 = vector.broadcast %add3A_1196 : i32 to vector<16xi32>
    %add3A_1198 = arith.addi %mul3A_242, %add3A_1197 : vector<16xi32>
    %gather3A_1199 = tpu.vector_load_idx %arg11[%add3A_1198] : memref<9216xf32, #tpu.memory_space<vmem>>[vector<16xi32>], vector<16xf32>,
    %add3A_1200 = arith.addf %add3A_1195, %gather3A_1199 : vector<16xf32>
    %add3A_1201 = arith.constant 2830 : i32
    %add3A_1202 = vector.broadcast %add3A_1201 : i32 to vector<16xi32>
    %add3A_1203 = arith.addi %mul3A_242, %add3A_1202 : vector<16xi32>
    %gather3A_1204 = tpu.vector_load_idx %arg11[%add3A_1203] : memref<9216xf32, #tpu.memory_space<vmem>>[vector<16xi32>], vector<16xf32>,
    %add3A_1205 = arith.addf %add3A_1200, %gather3A_1204 : vector<16xf32>
    %add3A_1206 = arith.constant 2831 : i32
    %add3A_1207 = vector.broadcast %add3A_1206 : i32 to vector<16xi32>
    %add3A_1208 = arith.addi %mul3A_242, %add3A_1207 : vector<16xi32>
    %gather3A_1209 = tpu.vector_load_idx %arg11[%add3A_1208] : memref<9216xf32, #tpu.memory_space<vmem>>[vector<16xi32>], vector<16xf32>,
    %add3A_1210 = arith.addf %add3A_1205, %gather3A_1209 : vector<16xf32>
    %swap3A_1211 = arith.constant 176 : index
    %swap3A_1212 = tpu.vector_load %arg12[%swap3A_1211] {strides = array<i32>} : memref<576xf32, #tpu.memory_space<vmem>>, vector<16xf32>,
    tpu.vector_store %arg12[%swap3A_1211], %add3A_1210 {strides = array<i32>} : memref<576xf32, #tpu.memory_space<vmem>>, vector<16xf32>,
    %add3A_1213 = arith.constant 3072 : i32
    %add3A_1214 = vector.broadcast %add3A_1213 : i32 to vector<16xi32>
    %add3A_1215 = arith.addi %mul3A_242, %add3A_1214 : vector<16xi32>
    %gather3A_1216 = tpu.vector_load_idx %arg11[%add3A_1215] : memref<9216xf32, #tpu.memory_space<vmem>>[vector<16xi32>], vector<16xf32>,
    %add3A_1217 = arith.constant 3073 : i32
    %add3A_1218 = vector.broadcast %add3A_1217 : i32 to vector<16xi32>
    %add3A_1219 = arith.addi %mul3A_242, %add3A_1218 : vector<16xi32>
    %gather3A_1220 = tpu.vector_load_idx %arg11[%add3A_1219] : memref<9216xf32, #tpu.memory_space<vmem>>[vector<16xi32>], vector<16xf32>,
    %add3A_1221 = arith.addf %gather3A_1216, %gather3A_1220 : vector<16xf32>
    %add3A_1222 = arith.constant 3074 : i32
    %add3A_1223 = vector.broadcast %add3A_1222 : i32 to vector<16xi32>
    %add3A_1224 = arith.addi %mul3A_242, %add3A_1223 : vector<16xi32>
    %gather3A_1225 = tpu.vector_load_idx %arg11[%add3A_1224] : memref<9216xf32, #tpu.memory_space<vmem>>[vector<16xi32>], vector<16xf32>,
    %add3A_1226 = arith.addf %add3A_1221, %gather3A_1225 : vector<16xf32>
    %add3A_1227 = arith.constant 3075 : i32
    %add3A_1228 = vector.broadcast %add3A_1227 : i32 to vector<16xi32>
    %add3A_1229 = arith.addi %mul3A_242, %add3A_1228 : vector<16xi32>
    %gather3A_1230 = tpu.vector_load_idx %arg11[%add3A_1229] : memref<9216xf32, #tpu.memory_space<vmem>>[vector<16xi32>], vector<16xf32>,
    %add3A_1231 = arith.addf %add3A_1226, %gather3A_1230 : vector<16xf32>
    %add3A_1232 = arith.constant 3076 : i32
    %add3A_1233 = vector.broadcast %add3A_1232 : i32 to vector<16xi32>
    %add3A_1234 = arith.addi %mul3A_242, %add3A_1233 : vector<16xi32>
    %gather3A_1235 = tpu.vector_load_idx %arg11[%add3A_1234] : memref<9216xf32, #tpu.memory_space<vmem>>[vector<16xi32>], vector<16xf32>,
    %add3A_1236 = arith.addf %add3A_1231, %gather3A_1235 : vector<16xf32>
    %add3A_1237 = arith.constant 3077 : i32
    %add3A_1238 = vector.broadcast %add3A_1237 : i32 to vector<16xi32>
    %add3A_1239 = arith.addi %mul3A_242, %add3A_1238 : vector<16xi32>
    %gather3A_1240 = tpu.vector_load_idx %arg11[%add3A_1239] : memref<9216xf32, #tpu.memory_space<vmem>>[vector<16xi32>], vector<16xf32>,
    %add3A_1241 = arith.addf %add3A_1236, %gather3A_1240 : vector<16xf32>
    %add3A_1242 = arith.constant 3078 : i32
    %add3A_1243 = vector.broadcast %add3A_1242 : i32 to vector<16xi32>
    %add3A_1244 = arith.addi %mul3A_242, %add3A_1243 : vector<16xi32>
    %gather3A_1245 = tpu.vector_load_idx %arg11[%add3A_1244] : memref<9216xf32, #tpu.memory_space<vmem>>[vector<16xi32>], vector<16xf32>,
    %add3A_1246 = arith.addf %add3A_1241, %gather3A_1245 : vector<16xf32>
    %add3A_1247 = arith.constant 3079 : i32
    %add3A_1248 = vector.broadcast %add3A_1247 : i32 to vector<16xi32>
    %add3A_1249 = arith.addi %mul3A_242, %add3A_1248 : vector<16xi32>
    %gather3A_1250 = tpu.vector_load_idx %arg11[%add3A_1249] : memref<9216xf32, #tpu.memory_space<vmem>>[vector<16xi32>], vector<16xf32>,
    %add3A_1251 = arith.addf %add3A_1246, %gather3A_1250 : vector<16xf32>
    %add3A_1252 = arith.constant 3080 : i32
    %add3A_1253 = vector.broadcast %add3A_1252 : i32 to vector<16xi32>
    %add3A_1254 = arith.addi %mul3A_242, %add3A_1253 : vector<16xi32>
    %gather3A_1255 = tpu.vector_load_idx %arg11[%add3A_1254] : memref<9216xf32, #tpu.memory_space<vmem>>[vector<16xi32>], vector<16xf32>,
    %add3A_1256 = arith.addf %add3A_1251, %gather3A_1255 : vector<16xf32>
    %add3A_1257 = arith.constant 3081 : i32
    %add3A_1258 = vector.broadcast %add3A_1257 : i32 to vector<16xi32>
    %add3A_1259 = arith.addi %mul3A_242, %add3A_1258 : vector<16xi32>
    %gather3A_1260 = tpu.vector_load_idx %arg11[%add3A_1259] : memref<9216xf32, #tpu.memory_space<vmem>>[vector<16xi32>], vector<16xf32>,
    %add3A_1261 = arith.addf %add3A_1256, %gather3A_1260 : vector<16xf32>
    %add3A_1262 = arith.constant 3082 : i32
    %add3A_1263 = vector.broadcast %add3A_1262 : i32 to vector<16xi32>
    %add3A_1264 = arith.addi %mul3A_242, %add3A_1263 : vector<16xi32>
    %gather3A_1265 = tpu.vector_load_idx %arg11[%add3A_1264] : memref<9216xf32, #tpu.memory_space<vmem>>[vector<16xi32>], vector<16xf32>,
    %add3A_1266 = arith.addf %add3A_1261, %gather3A_1265 : vector<16xf32>
    %add3A_1267 = arith.constant 3083 : i32
    %add3A_1268 = vector.broadcast %add3A_1267 : i32 to vector<16xi32>
    %add3A_1269 = arith.addi %mul3A_242, %add3A_1268 : vector<16xi32>
    %gather3A_1270 = tpu.vector_load_idx %arg11[%add3A_1269] : memref<9216xf32, #tpu.memory_space<vmem>>[vector<16xi32>], vector<16xf32>,
    %add3A_1271 = arith.addf %add3A_1266, %gather3A_1270 : vector<16xf32>
    %add3A_1272 = arith.constant 3084 : i32
    %add3A_1273 = vector.broadcast %add3A_1272 : i32 to vector<16xi32>
    %add3A_1274 = arith.addi %mul3A_242, %add3A_1273 : vector<16xi32>
    %gather3A_1275 = tpu.vector_load_idx %arg11[%add3A_1274] : memref<9216xf32, #tpu.memory_space<vmem>>[vector<16xi32>], vector<16xf32>,
    %add3A_1276 = arith.addf %add3A_1271, %gather3A_1275 : vector<16xf32>
    %add3A_1277 = arith.constant 3085 : i32
    %add3A_1278 = vector.broadcast %add3A_1277 : i32 to vector<16xi32>
    %add3A_1279 = arith.addi %mul3A_242, %add3A_1278 : vector<16xi32>
    %gather3A_1280 = tpu.vector_load_idx %arg11[%add3A_1279] : memref<9216xf32, #tpu.memory_space<vmem>>[vector<16xi32>], vector<16xf32>,
    %add3A_1281 = arith.addf %add3A_1276, %gather3A_1280 : vector<16xf32>
    %add3A_1282 = arith.constant 3086 : i32
    %add3A_1283 = vector.broadcast %add3A_1282 : i32 to vector<16xi32>
    %add3A_1284 = arith.addi %mul3A_242, %add3A_1283 : vector<16xi32>
    %gather3A_1285 = tpu.vector_load_idx %arg11[%add3A_1284] : memref<9216xf32, #tpu.memory_space<vmem>>[vector<16xi32>], vector<16xf32>,
    %add3A_1286 = arith.addf %add3A_1281, %gather3A_1285 : vector<16xf32>
    %add3A_1287 = arith.constant 3087 : i32
    %add3A_1288 = vector.broadcast %add3A_1287 : i32 to vector<16xi32>
    %add3A_1289 = arith.addi %mul3A_242, %add3A_1288 : vector<16xi32>
    %gather3A_1290 = tpu.vector_load_idx %arg11[%add3A_1289] : memref<9216xf32, #tpu.memory_space<vmem>>[vector<16xi32>], vector<16xf32>,
    %add3A_1291 = arith.addf %add3A_1286, %gather3A_1290 : vector<16xf32>
    %swap3A_1292 = arith.constant 192 : index
    %swap3A_1293 = tpu.vector_load %arg12[%swap3A_1292] {strides = array<i32>} : memref<576xf32, #tpu.memory_space<vmem>>, vector<16xf32>,
    tpu.vector_store %arg12[%swap3A_1292], %add3A_1291 {strides = array<i32>} : memref<576xf32, #tpu.memory_space<vmem>>, vector<16xf32>,
    %add3A_1294 = arith.constant 3328 : i32
    %add3A_1295 = vector.broadcast %add3A_1294 : i32 to vector<16xi32>
    %add3A_1296 = arith.addi %mul3A_242, %add3A_1295 : vector<16xi32>
    %gather3A_1297 = tpu.vector_load_idx %arg11[%add3A_1296] : memref<9216xf32, #tpu.memory_space<vmem>>[vector<16xi32>], vector<16xf32>,
    %add3A_1298 = arith.constant 3329 : i32
    %add3A_1299 = vector.broadcast %add3A_1298 : i32 to vector<16xi32>
    %add3A_1300 = arith.addi %mul3A_242, %add3A_1299 : vector<16xi32>
    %gather3A_1301 = tpu.vector_load_idx %arg11[%add3A_1300] : memref<9216xf32, #tpu.memory_space<vmem>>[vector<16xi32>], vector<16xf32>,
    %add3A_1302 = arith.addf %gather3A_1297, %gather3A_1301 : vector<16xf32>
    %add3A_1303 = arith.constant 3330 : i32
    %add3A_1304 = vector.broadcast %add3A_1303 : i32 to vector<16xi32>
    %add3A_1305 = arith.addi %mul3A_242, %add3A_1304 : vector<16xi32>
    %gather3A_1306 = tpu.vector_load_idx %arg11[%add3A_1305] : memref<9216xf32, #tpu.memory_space<vmem>>[vector<16xi32>], vector<16xf32>,
    %add3A_1307 = arith.addf %add3A_1302, %gather3A_1306 : vector<16xf32>
    %add3A_1308 = arith.constant 3331 : i32
    %add3A_1309 = vector.broadcast %add3A_1308 : i32 to vector<16xi32>
    %add3A_1310 = arith.addi %mul3A_242, %add3A_1309 : vector<16xi32>
    %gather3A_1311 = tpu.vector_load_idx %arg11[%add3A_1310] : memref<9216xf32, #tpu.memory_space<vmem>>[vector<16xi32>], vector<16xf32>,
    %add3A_1312 = arith.addf %add3A_1307, %gather3A_1311 : vector<16xf32>
    %add3A_1313 = arith.constant 3332 : i32
    %add3A_1314 = vector.broadcast %add3A_1313 : i32 to vector<16xi32>
    %add3A_1315 = arith.addi %mul3A_242, %add3A_1314 : vector<16xi32>
    %gather3A_1316 = tpu.vector_load_idx %arg11[%add3A_1315] : memref<9216xf32, #tpu.memory_space<vmem>>[vector<16xi32>], vector<16xf32>,
    %add3A_1317 = arith.addf %add3A_1312, %gather3A_1316 : vector<16xf32>
    %add3A_1318 = arith.constant 3333 : i32
    %add3A_1319 = vector.broadcast %add3A_1318 : i32 to vector<16xi32>
    %add3A_1320 = arith.addi %mul3A_242, %add3A_1319 : vector<16xi32>
    %gather3A_1321 = tpu.vector_load_idx %arg11[%add3A_1320] : memref<9216xf32, #tpu.memory_space<vmem>>[vector<16xi32>], vector<16xf32>,
    %add3A_1322 = arith.addf %add3A_1317, %gather3A_1321 : vector<16xf32>
    %add3A_1323 = arith.constant 3334 : i32
    %add3A_1324 = vector.broadcast %add3A_1323 : i32 to vector<16xi32>
    %add3A_1325 = arith.addi %mul3A_242, %add3A_1324 : vector<16xi32>
    %gather3A_1326 = tpu.vector_load_idx %arg11[%add3A_1325] : memref<9216xf32, #tpu.memory_space<vmem>>[vector<16xi32>], vector<16xf32>,
    %add3A_1327 = arith.addf %add3A_1322, %gather3A_1326 : vector<16xf32>
    %add3A_1328 = arith.constant 3335 : i32
    %add3A_1329 = vector.broadcast %add3A_1328 : i32 to vector<16xi32>
    %add3A_1330 = arith.addi %mul3A_242, %add3A_1329 : vector<16xi32>
    %gather3A_1331 = tpu.vector_load_idx %arg11[%add3A_1330] : memref<9216xf32, #tpu.memory_space<vmem>>[vector<16xi32>], vector<16xf32>,
    %add3A_1332 = arith.addf %add3A_1327, %gather3A_1331 : vector<16xf32>
    %add3A_1333 = arith.constant 3336 : i32
    %add3A_1334 = vector.broadcast %add3A_1333 : i32 to vector<16xi32>
    %add3A_1335 = arith.addi %mul3A_242, %add3A_1334 : vector<16xi32>
    %gather3A_1336 = tpu.vector_load_idx %arg11[%add3A_1335] : memref<9216xf32, #tpu.memory_space<vmem>>[vector<16xi32>], vector<16xf32>,
    %add3A_1337 = arith.addf %add3A_1332, %gather3A_1336 : vector<16xf32>
    %add3A_1338 = arith.constant 3337 : i32
    %add3A_1339 = vector.broadcast %add3A_1338 : i32 to vector<16xi32>
    %add3A_1340 = arith.addi %mul3A_242, %add3A_1339 : vector<16xi32>
    %gather3A_1341 = tpu.vector_load_idx %arg11[%add3A_1340] : memref<9216xf32, #tpu.memory_space<vmem>>[vector<16xi32>], vector<16xf32>,
    %add3A_1342 = arith.addf %add3A_1337, %gather3A_1341 : vector<16xf32>
    %add3A_1343 = arith.constant 3338 : i32
    %add3A_1344 = vector.broadcast %add3A_1343 : i32 to vector<16xi32>
    %add3A_1345 = arith.addi %mul3A_242, %add3A_1344 : vector<16xi32>
    %gather3A_1346 = tpu.vector_load_idx %arg11[%add3A_1345] : memref<9216xf32, #tpu.memory_space<vmem>>[vector<16xi32>], vector<16xf32>,
    %add3A_1347 = arith.addf %add3A_1342, %gather3A_1346 : vector<16xf32>
    %add3A_1348 = arith.constant 3339 : i32
    %add3A_1349 = vector.broadcast %add3A_1348 : i32 to vector<16xi32>
    %add3A_1350 = arith.addi %mul3A_242, %add3A_1349 : vector<16xi32>
    %gather3A_1351 = tpu.vector_load_idx %arg11[%add3A_1350] : memref<9216xf32, #tpu.memory_space<vmem>>[vector<16xi32>], vector<16xf32>,
    %add3A_1352 = arith.addf %add3A_1347, %gather3A_1351 : vector<16xf32>
    %add3A_1353 = arith.constant 3340 : i32
    %add3A_1354 = vector.broadcast %add3A_1353 : i32 to vector<16xi32>
    %add3A_1355 = arith.addi %mul3A_242, %add3A_1354 : vector<16xi32>
    %gather3A_1356 = tpu.vector_load_idx %arg11[%add3A_1355] : memref<9216xf32, #tpu.memory_space<vmem>>[vector<16xi32>], vector<16xf32>,
    %add3A_1357 = arith.addf %add3A_1352, %gather3A_1356 : vector<16xf32>
    %add3A_1358 = arith.constant 3341 : i32
    %add3A_1359 = vector.broadcast %add3A_1358 : i32 to vector<16xi32>
    %add3A_1360 = arith.addi %mul3A_242, %add3A_1359 : vector<16xi32>
    %gather3A_1361 = tpu.vector_load_idx %arg11[%add3A_1360] : memref<9216xf32, #tpu.memory_space<vmem>>[vector<16xi32>], vector<16xf32>,
    %add3A_1362 = arith.addf %add3A_1357, %gather3A_1361 : vector<16xf32>
    %add3A_1363 = arith.constant 3342 : i32
    %add3A_1364 = vector.broadcast %add3A_1363 : i32 to vector<16xi32>
    %add3A_1365 = arith.addi %mul3A_242, %add3A_1364 : vector<16xi32>
    %gather3A_1366 = tpu.vector_load_idx %arg11[%add3A_1365] : memref<9216xf32, #tpu.memory_space<vmem>>[vector<16xi32>], vector<16xf32>,
    %add3A_1367 = arith.addf %add3A_1362, %gather3A_1366 : vector<16xf32>
    %add3A_1368 = arith.constant 3343 : i32
    %add3A_1369 = vector.broadcast %add3A_1368 : i32 to vector<16xi32>
    %add3A_1370 = arith.addi %mul3A_242, %add3A_1369 : vector<16xi32>
    %gather3A_1371 = tpu.vector_load_idx %arg11[%add3A_1370] : memref<9216xf32, #tpu.memory_space<vmem>>[vector<16xi32>], vector<16xf32>,
    %add3A_1372 = arith.addf %add3A_1367, %gather3A_1371 : vector<16xf32>
    %swap3A_1373 = arith.constant 208 : index
    %swap3A_1374 = tpu.vector_load %arg12[%swap3A_1373] {strides = array<i32>} : memref<576xf32, #tpu.memory_space<vmem>>, vector<16xf32>,
    tpu.vector_store %arg12[%swap3A_1373], %add3A_1372 {strides = array<i32>} : memref<576xf32, #tpu.memory_space<vmem>>, vector<16xf32>,
    %add3A_1375 = arith.constant 3584 : i32
    %add3A_1376 = vector.broadcast %add3A_1375 : i32 to vector<16xi32>
    %add3A_1377 = arith.addi %mul3A_242, %add3A_1376 : vector<16xi32>
    %gather3A_1378 = tpu.vector_load_idx %arg11[%add3A_1377] : memref<9216xf32, #tpu.memory_space<vmem>>[vector<16xi32>], vector<16xf32>,
    %add3A_1379 = arith.constant 3585 : i32
    %add3A_1380 = vector.broadcast %add3A_1379 : i32 to vector<16xi32>
    %add3A_1381 = arith.addi %mul3A_242, %add3A_1380 : vector<16xi32>
    %gather3A_1382 = tpu.vector_load_idx %arg11[%add3A_1381] : memref<9216xf32, #tpu.memory_space<vmem>>[vector<16xi32>], vector<16xf32>,
    %add3A_1383 = arith.addf %gather3A_1378, %gather3A_1382 : vector<16xf32>
    %add3A_1384 = arith.constant 3586 : i32
    %add3A_1385 = vector.broadcast %add3A_1384 : i32 to vector<16xi32>
    %add3A_1386 = arith.addi %mul3A_242, %add3A_1385 : vector<16xi32>
    %gather3A_1387 = tpu.vector_load_idx %arg11[%add3A_1386] : memref<9216xf32, #tpu.memory_space<vmem>>[vector<16xi32>], vector<16xf32>,
    %add3A_1388 = arith.addf %add3A_1383, %gather3A_1387 : vector<16xf32>
    %add3A_1389 = arith.constant 3587 : i32
    %add3A_1390 = vector.broadcast %add3A_1389 : i32 to vector<16xi32>
    %add3A_1391 = arith.addi %mul3A_242, %add3A_1390 : vector<16xi32>
    %gather3A_1392 = tpu.vector_load_idx %arg11[%add3A_1391] : memref<9216xf32, #tpu.memory_space<vmem>>[vector<16xi32>], vector<16xf32>,
    %add3A_1393 = arith.addf %add3A_1388, %gather3A_1392 : vector<16xf32>
    %add3A_1394 = arith.constant 3588 : i32
    %add3A_1395 = vector.broadcast %add3A_1394 : i32 to vector<16xi32>
    %add3A_1396 = arith.addi %mul3A_242, %add3A_1395 : vector<16xi32>
    %gather3A_1397 = tpu.vector_load_idx %arg11[%add3A_1396] : memref<9216xf32, #tpu.memory_space<vmem>>[vector<16xi32>], vector<16xf32>,
    %add3A_1398 = arith.addf %add3A_1393, %gather3A_1397 : vector<16xf32>
    %add3A_1399 = arith.constant 3589 : i32
    %add3A_1400 = vector.broadcast %add3A_1399 : i32 to vector<16xi32>
    %add3A_1401 = arith.addi %mul3A_242, %add3A_1400 : vector<16xi32>
    %gather3A_1402 = tpu.vector_load_idx %arg11[%add3A_1401] : memref<9216xf32, #tpu.memory_space<vmem>>[vector<16xi32>], vector<16xf32>,
    %add3A_1403 = arith.addf %add3A_1398, %gather3A_1402 : vector<16xf32>
    %add3A_1404 = arith.constant 3590 : i32
    %add3A_1405 = vector.broadcast %add3A_1404 : i32 to vector<16xi32>
    %add3A_1406 = arith.addi %mul3A_242, %add3A_1405 : vector<16xi32>
    %gather3A_1407 = tpu.vector_load_idx %arg11[%add3A_1406] : memref<9216xf32, #tpu.memory_space<vmem>>[vector<16xi32>], vector<16xf32>,
    %add3A_1408 = arith.addf %add3A_1403, %gather3A_1407 : vector<16xf32>
    %add3A_1409 = arith.constant 3591 : i32
    %add3A_1410 = vector.broadcast %add3A_1409 : i32 to vector<16xi32>
    %add3A_1411 = arith.addi %mul3A_242, %add3A_1410 : vector<16xi32>
    %gather3A_1412 = tpu.vector_load_idx %arg11[%add3A_1411] : memref<9216xf32, #tpu.memory_space<vmem>>[vector<16xi32>], vector<16xf32>,
    %add3A_1413 = arith.addf %add3A_1408, %gather3A_1412 : vector<16xf32>
    %add3A_1414 = arith.constant 3592 : i32
    %add3A_1415 = vector.broadcast %add3A_1414 : i32 to vector<16xi32>
    %add3A_1416 = arith.addi %mul3A_242, %add3A_1415 : vector<16xi32>
    %gather3A_1417 = tpu.vector_load_idx %arg11[%add3A_1416] : memref<9216xf32, #tpu.memory_space<vmem>>[vector<16xi32>], vector<16xf32>,
    %add3A_1418 = arith.addf %add3A_1413, %gather3A_1417 : vector<16xf32>
    %add3A_1419 = arith.constant 3593 : i32
    %add3A_1420 = vector.broadcast %add3A_1419 : i32 to vector<16xi32>
    %add3A_1421 = arith.addi %mul3A_242, %add3A_1420 : vector<16xi32>
    %gather3A_1422 = tpu.vector_load_idx %arg11[%add3A_1421] : memref<9216xf32, #tpu.memory_space<vmem>>[vector<16xi32>], vector<16xf32>,
    %add3A_1423 = arith.addf %add3A_1418, %gather3A_1422 : vector<16xf32>
    %add3A_1424 = arith.constant 3594 : i32
    %add3A_1425 = vector.broadcast %add3A_1424 : i32 to vector<16xi32>
    %add3A_1426 = arith.addi %mul3A_242, %add3A_1425 : vector<16xi32>
    %gather3A_1427 = tpu.vector_load_idx %arg11[%add3A_1426] : memref<9216xf32, #tpu.memory_space<vmem>>[vector<16xi32>], vector<16xf32>,
    %add3A_1428 = arith.addf %add3A_1423, %gather3A_1427 : vector<16xf32>
    %add3A_1429 = arith.constant 3595 : i32
    %add3A_1430 = vector.broadcast %add3A_1429 : i32 to vector<16xi32>
    %add3A_1431 = arith.addi %mul3A_242, %add3A_1430 : vector<16xi32>
    %gather3A_1432 = tpu.vector_load_idx %arg11[%add3A_1431] : memref<9216xf32, #tpu.memory_space<vmem>>[vector<16xi32>], vector<16xf32>,
    %add3A_1433 = arith.addf %add3A_1428, %gather3A_1432 : vector<16xf32>
    %add3A_1434 = arith.constant 3596 : i32
    %add3A_1435 = vector.broadcast %add3A_1434 : i32 to vector<16xi32>
    %add3A_1436 = arith.addi %mul3A_242, %add3A_1435 : vector<16xi32>
    %gather3A_1437 = tpu.vector_load_idx %arg11[%add3A_1436] : memref<9216xf32, #tpu.memory_space<vmem>>[vector<16xi32>], vector<16xf32>,
    %add3A_1438 = arith.addf %add3A_1433, %gather3A_1437 : vector<16xf32>
    %add3A_1439 = arith.constant 3597 : i32
    %add3A_1440 = vector.broadcast %add3A_1439 : i32 to vector<16xi32>
    %add3A_1441 = arith.addi %mul3A_242, %add3A_1440 : vector<16xi32>
    %gather3A_1442 = tpu.vector_load_idx %arg11[%add3A_1441] : memref<9216xf32, #tpu.memory_space<vmem>>[vector<16xi32>], vector<16xf32>,
    %add3A_1443 = arith.addf %add3A_1438, %gather3A_1442 : vector<16xf32>
    %add3A_1444 = arith.constant 3598 : i32
    %add3A_1445 = vector.broadcast %add3A_1444 : i32 to vector<16xi32>
    %add3A_1446 = arith.addi %mul3A_242, %add3A_1445 : vector<16xi32>
    %gather3A_1447 = tpu.vector_load_idx %arg11[%add3A_1446] : memref<9216xf32, #tpu.memory_space<vmem>>[vector<16xi32>], vector<16xf32>,
    %add3A_1448 = arith.addf %add3A_1443, %gather3A_1447 : vector<16xf32>
    %add3A_1449 = arith.constant 3599 : i32
    %add3A_1450 = vector.broadcast %add3A_1449 : i32 to vector<16xi32>
    %add3A_1451 = arith.addi %mul3A_242, %add3A_1450 : vector<16xi32>
    %gather3A_1452 = tpu.vector_load_idx %arg11[%add3A_1451] : memref<9216xf32, #tpu.memory_space<vmem>>[vector<16xi32>], vector<16xf32>,
    %add3A_1453 = arith.addf %add3A_1448, %gather3A_1452 : vector<16xf32>
    %swap3A_1454 = arith.constant 224 : index
    %swap3A_1455 = tpu.vector_load %arg12[%swap3A_1454] {strides = array<i32>} : memref<576xf32, #tpu.memory_space<vmem>>, vector<16xf32>,
    tpu.vector_store %arg12[%swap3A_1454], %add3A_1453 {strides = array<i32>} : memref<576xf32, #tpu.memory_space<vmem>>, vector<16xf32>,
    %add3A_1456 = arith.constant 3840 : i32
    %add3A_1457 = vector.broadcast %add3A_1456 : i32 to vector<16xi32>
    %add3A_1458 = arith.addi %mul3A_242, %add3A_1457 : vector<16xi32>
    %gather3A_1459 = tpu.vector_load_idx %arg11[%add3A_1458] : memref<9216xf32, #tpu.memory_space<vmem>>[vector<16xi32>], vector<16xf32>,
    %add3A_1460 = arith.constant 3841 : i32
    %add3A_1461 = vector.broadcast %add3A_1460 : i32 to vector<16xi32>
    %add3A_1462 = arith.addi %mul3A_242, %add3A_1461 : vector<16xi32>
    %gather3A_1463 = tpu.vector_load_idx %arg11[%add3A_1462] : memref<9216xf32, #tpu.memory_space<vmem>>[vector<16xi32>], vector<16xf32>,
    %add3A_1464 = arith.addf %gather3A_1459, %gather3A_1463 : vector<16xf32>
    %add3A_1465 = arith.constant 3842 : i32
    %add3A_1466 = vector.broadcast %add3A_1465 : i32 to vector<16xi32>
    %add3A_1467 = arith.addi %mul3A_242, %add3A_1466 : vector<16xi32>
    %gather3A_1468 = tpu.vector_load_idx %arg11[%add3A_1467] : memref<9216xf32, #tpu.memory_space<vmem>>[vector<16xi32>], vector<16xf32>,
    %add3A_1469 = arith.addf %add3A_1464, %gather3A_1468 : vector<16xf32>
    %add3A_1470 = arith.constant 3843 : i32
    %add3A_1471 = vector.broadcast %add3A_1470 : i32 to vector<16xi32>
    %add3A_1472 = arith.addi %mul3A_242, %add3A_1471 : vector<16xi32>
    %gather3A_1473 = tpu.vector_load_idx %arg11[%add3A_1472] : memref<9216xf32, #tpu.memory_space<vmem>>[vector<16xi32>], vector<16xf32>,
    %add3A_1474 = arith.addf %add3A_1469, %gather3A_1473 : vector<16xf32>
    %add3A_1475 = arith.constant 3844 : i32
    %add3A_1476 = vector.broadcast %add3A_1475 : i32 to vector<16xi32>
    %add3A_1477 = arith.addi %mul3A_242, %add3A_1476 : vector<16xi32>
    %gather3A_1478 = tpu.vector_load_idx %arg11[%add3A_1477] : memref<9216xf32, #tpu.memory_space<vmem>>[vector<16xi32>], vector<16xf32>,
    %add3A_1479 = arith.addf %add3A_1474, %gather3A_1478 : vector<16xf32>
    %add3A_1480 = arith.constant 3845 : i32
    %add3A_1481 = vector.broadcast %add3A_1480 : i32 to vector<16xi32>
    %add3A_1482 = arith.addi %mul3A_242, %add3A_1481 : vector<16xi32>
    %gather3A_1483 = tpu.vector_load_idx %arg11[%add3A_1482] : memref<9216xf32, #tpu.memory_space<vmem>>[vector<16xi32>], vector<16xf32>,
    %add3A_1484 = arith.addf %add3A_1479, %gather3A_1483 : vector<16xf32>
    %add3A_1485 = arith.constant 3846 : i32
    %add3A_1486 = vector.broadcast %add3A_1485 : i32 to vector<16xi32>
    %add3A_1487 = arith.addi %mul3A_242, %add3A_1486 : vector<16xi32>
    %gather3A_1488 = tpu.vector_load_idx %arg11[%add3A_1487] : memref<9216xf32, #tpu.memory_space<vmem>>[vector<16xi32>], vector<16xf32>,
    %add3A_1489 = arith.addf %add3A_1484, %gather3A_1488 : vector<16xf32>
    %add3A_1490 = arith.constant 3847 : i32
    %add3A_1491 = vector.broadcast %add3A_1490 : i32 to vector<16xi32>
    %add3A_1492 = arith.addi %mul3A_242, %add3A_1491 : vector<16xi32>
    %gather3A_1493 = tpu.vector_load_idx %arg11[%add3A_1492] : memref<9216xf32, #tpu.memory_space<vmem>>[vector<16xi32>], vector<16xf32>,
    %add3A_1494 = arith.addf %add3A_1489, %gather3A_1493 : vector<16xf32>
    %add3A_1495 = arith.constant 3848 : i32
    %add3A_1496 = vector.broadcast %add3A_1495 : i32 to vector<16xi32>
    %add3A_1497 = arith.addi %mul3A_242, %add3A_1496 : vector<16xi32>
    %gather3A_1498 = tpu.vector_load_idx %arg11[%add3A_1497] : memref<9216xf32, #tpu.memory_space<vmem>>[vector<16xi32>], vector<16xf32>,
    %add3A_1499 = arith.addf %add3A_1494, %gather3A_1498 : vector<16xf32>
    %add3A_1500 = arith.constant 3849 : i32
    %add3A_1501 = vector.broadcast %add3A_1500 : i32 to vector<16xi32>
    %add3A_1502 = arith.addi %mul3A_242, %add3A_1501 : vector<16xi32>
    %gather3A_1503 = tpu.vector_load_idx %arg11[%add3A_1502] : memref<9216xf32, #tpu.memory_space<vmem>>[vector<16xi32>], vector<16xf32>,
    %add3A_1504 = arith.addf %add3A_1499, %gather3A_1503 : vector<16xf32>
    %add3A_1505 = arith.constant 3850 : i32
    %add3A_1506 = vector.broadcast %add3A_1505 : i32 to vector<16xi32>
    %add3A_1507 = arith.addi %mul3A_242, %add3A_1506 : vector<16xi32>
    %gather3A_1508 = tpu.vector_load_idx %arg11[%add3A_1507] : memref<9216xf32, #tpu.memory_space<vmem>>[vector<16xi32>], vector<16xf32>,
    %add3A_1509 = arith.addf %add3A_1504, %gather3A_1508 : vector<16xf32>
    %add3A_1510 = arith.constant 3851 : i32
    %add3A_1511 = vector.broadcast %add3A_1510 : i32 to vector<16xi32>
    %add3A_1512 = arith.addi %mul3A_242, %add3A_1511 : vector<16xi32>
    %gather3A_1513 = tpu.vector_load_idx %arg11[%add3A_1512] : memref<9216xf32, #tpu.memory_space<vmem>>[vector<16xi32>], vector<16xf32>,
    %add3A_1514 = arith.addf %add3A_1509, %gather3A_1513 : vector<16xf32>
    %add3A_1515 = arith.constant 3852 : i32
    %add3A_1516 = vector.broadcast %add3A_1515 : i32 to vector<16xi32>
    %add3A_1517 = arith.addi %mul3A_242, %add3A_1516 : vector<16xi32>
    %gather3A_1518 = tpu.vector_load_idx %arg11[%add3A_1517] : memref<9216xf32, #tpu.memory_space<vmem>>[vector<16xi32>], vector<16xf32>,
    %add3A_1519 = arith.addf %add3A_1514, %gather3A_1518 : vector<16xf32>
    %add3A_1520 = arith.constant 3853 : i32
    %add3A_1521 = vector.broadcast %add3A_1520 : i32 to vector<16xi32>
    %add3A_1522 = arith.addi %mul3A_242, %add3A_1521 : vector<16xi32>
    %gather3A_1523 = tpu.vector_load_idx %arg11[%add3A_1522] : memref<9216xf32, #tpu.memory_space<vmem>>[vector<16xi32>], vector<16xf32>,
    %add3A_1524 = arith.addf %add3A_1519, %gather3A_1523 : vector<16xf32>
    %add3A_1525 = arith.constant 3854 : i32
    %add3A_1526 = vector.broadcast %add3A_1525 : i32 to vector<16xi32>
    %add3A_1527 = arith.addi %mul3A_242, %add3A_1526 : vector<16xi32>
    %gather3A_1528 = tpu.vector_load_idx %arg11[%add3A_1527] : memref<9216xf32, #tpu.memory_space<vmem>>[vector<16xi32>], vector<16xf32>,
    %add3A_1529 = arith.addf %add3A_1524, %gather3A_1528 : vector<16xf32>
    %add3A_1530 = arith.constant 3855 : i32
    %add3A_1531 = vector.broadcast %add3A_1530 : i32 to vector<16xi32>
    %add3A_1532 = arith.addi %mul3A_242, %add3A_1531 : vector<16xi32>
    %gather3A_1533 = tpu.vector_load_idx %arg11[%add3A_1532] : memref<9216xf32, #tpu.memory_space<vmem>>[vector<16xi32>], vector<16xf32>,
    %add3A_1534 = arith.addf %add3A_1529, %gather3A_1533 : vector<16xf32>
    %swap3A_1535 = arith.constant 240 : index
    %swap3A_1536 = tpu.vector_load %arg12[%swap3A_1535] {strides = array<i32>} : memref<576xf32, #tpu.memory_space<vmem>>, vector<16xf32>,
    tpu.vector_store %arg12[%swap3A_1535], %add3A_1534 {strides = array<i32>} : memref<576xf32, #tpu.memory_space<vmem>>, vector<16xf32>,
    %add3A_1537 = arith.constant 4096 : i32
    %add3A_1538 = vector.broadcast %add3A_1537 : i32 to vector<16xi32>
    %add3A_1539 = arith.addi %mul3A_242, %add3A_1538 : vector<16xi32>
    %gather3A_1540 = tpu.vector_load_idx %arg11[%add3A_1539] : memref<9216xf32, #tpu.memory_space<vmem>>[vector<16xi32>], vector<16xf32>,
    %add3A_1541 = arith.constant 4097 : i32
    %add3A_1542 = vector.broadcast %add3A_1541 : i32 to vector<16xi32>
    %add3A_1543 = arith.addi %mul3A_242, %add3A_1542 : vector<16xi32>
    %gather3A_1544 = tpu.vector_load_idx %arg11[%add3A_1543] : memref<9216xf32, #tpu.memory_space<vmem>>[vector<16xi32>], vector<16xf32>,
    %add3A_1545 = arith.addf %gather3A_1540, %gather3A_1544 : vector<16xf32>
    %add3A_1546 = arith.constant 4098 : i32
    %add3A_1547 = vector.broadcast %add3A_1546 : i32 to vector<16xi32>
    %add3A_1548 = arith.addi %mul3A_242, %add3A_1547 : vector<16xi32>
    %gather3A_1549 = tpu.vector_load_idx %arg11[%add3A_1548] : memref<9216xf32, #tpu.memory_space<vmem>>[vector<16xi32>], vector<16xf32>,
    %add3A_1550 = arith.addf %add3A_1545, %gather3A_1549 : vector<16xf32>
    %add3A_1551 = arith.constant 4099 : i32
    %add3A_1552 = vector.broadcast %add3A_1551 : i32 to vector<16xi32>
    %add3A_1553 = arith.addi %mul3A_242, %add3A_1552 : vector<16xi32>
    %gather3A_1554 = tpu.vector_load_idx %arg11[%add3A_1553] : memref<9216xf32, #tpu.memory_space<vmem>>[vector<16xi32>], vector<16xf32>,
    %add3A_1555 = arith.addf %add3A_1550, %gather3A_1554 : vector<16xf32>
    %add3A_1556 = arith.constant 4100 : i32
    %add3A_1557 = vector.broadcast %add3A_1556 : i32 to vector<16xi32>
    %add3A_1558 = arith.addi %mul3A_242, %add3A_1557 : vector<16xi32>
    %gather3A_1559 = tpu.vector_load_idx %arg11[%add3A_1558] : memref<9216xf32, #tpu.memory_space<vmem>>[vector<16xi32>], vector<16xf32>,
    %add3A_1560 = arith.addf %add3A_1555, %gather3A_1559 : vector<16xf32>
    %add3A_1561 = arith.constant 4101 : i32
    %add3A_1562 = vector.broadcast %add3A_1561 : i32 to vector<16xi32>
    %add3A_1563 = arith.addi %mul3A_242, %add3A_1562 : vector<16xi32>
    %gather3A_1564 = tpu.vector_load_idx %arg11[%add3A_1563] : memref<9216xf32, #tpu.memory_space<vmem>>[vector<16xi32>], vector<16xf32>,
    %add3A_1565 = arith.addf %add3A_1560, %gather3A_1564 : vector<16xf32>
    %add3A_1566 = arith.constant 4102 : i32
    %add3A_1567 = vector.broadcast %add3A_1566 : i32 to vector<16xi32>
    %add3A_1568 = arith.addi %mul3A_242, %add3A_1567 : vector<16xi32>
    %gather3A_1569 = tpu.vector_load_idx %arg11[%add3A_1568] : memref<9216xf32, #tpu.memory_space<vmem>>[vector<16xi32>], vector<16xf32>,
    %add3A_1570 = arith.addf %add3A_1565, %gather3A_1569 : vector<16xf32>
    %add3A_1571 = arith.constant 4103 : i32
    %add3A_1572 = vector.broadcast %add3A_1571 : i32 to vector<16xi32>
    %add3A_1573 = arith.addi %mul3A_242, %add3A_1572 : vector<16xi32>
    %gather3A_1574 = tpu.vector_load_idx %arg11[%add3A_1573] : memref<9216xf32, #tpu.memory_space<vmem>>[vector<16xi32>], vector<16xf32>,
    %add3A_1575 = arith.addf %add3A_1570, %gather3A_1574 : vector<16xf32>
    %add3A_1576 = arith.constant 4104 : i32
    %add3A_1577 = vector.broadcast %add3A_1576 : i32 to vector<16xi32>
    %add3A_1578 = arith.addi %mul3A_242, %add3A_1577 : vector<16xi32>
    %gather3A_1579 = tpu.vector_load_idx %arg11[%add3A_1578] : memref<9216xf32, #tpu.memory_space<vmem>>[vector<16xi32>], vector<16xf32>,
    %add3A_1580 = arith.addf %add3A_1575, %gather3A_1579 : vector<16xf32>
    %add3A_1581 = arith.constant 4105 : i32
    %add3A_1582 = vector.broadcast %add3A_1581 : i32 to vector<16xi32>
    %add3A_1583 = arith.addi %mul3A_242, %add3A_1582 : vector<16xi32>
    %gather3A_1584 = tpu.vector_load_idx %arg11[%add3A_1583] : memref<9216xf32, #tpu.memory_space<vmem>>[vector<16xi32>], vector<16xf32>,
    %add3A_1585 = arith.addf %add3A_1580, %gather3A_1584 : vector<16xf32>
    %add3A_1586 = arith.constant 4106 : i32
    %add3A_1587 = vector.broadcast %add3A_1586 : i32 to vector<16xi32>
    %add3A_1588 = arith.addi %mul3A_242, %add3A_1587 : vector<16xi32>
    %gather3A_1589 = tpu.vector_load_idx %arg11[%add3A_1588] : memref<9216xf32, #tpu.memory_space<vmem>>[vector<16xi32>], vector<16xf32>,
    %add3A_1590 = arith.addf %add3A_1585, %gather3A_1589 : vector<16xf32>
    %add3A_1591 = arith.constant 4107 : i32
    %add3A_1592 = vector.broadcast %add3A_1591 : i32 to vector<16xi32>
    %add3A_1593 = arith.addi %mul3A_242, %add3A_1592 : vector<16xi32>
    %gather3A_1594 = tpu.vector_load_idx %arg11[%add3A_1593] : memref<9216xf32, #tpu.memory_space<vmem>>[vector<16xi32>], vector<16xf32>,
    %add3A_1595 = arith.addf %add3A_1590, %gather3A_1594 : vector<16xf32>
    %add3A_1596 = arith.constant 4108 : i32
    %add3A_1597 = vector.broadcast %add3A_1596 : i32 to vector<16xi32>
    %add3A_1598 = arith.addi %mul3A_242, %add3A_1597 : vector<16xi32>
    %gather3A_1599 = tpu.vector_load_idx %arg11[%add3A_1598] : memref<9216xf32, #tpu.memory_space<vmem>>[vector<16xi32>], vector<16xf32>,
    %add3A_1600 = arith.addf %add3A_1595, %gather3A_1599 : vector<16xf32>
    %add3A_1601 = arith.constant 4109 : i32
    %add3A_1602 = vector.broadcast %add3A_1601 : i32 to vector<16xi32>
    %add3A_1603 = arith.addi %mul3A_242, %add3A_1602 : vector<16xi32>
    %gather3A_1604 = tpu.vector_load_idx %arg11[%add3A_1603] : memref<9216xf32, #tpu.memory_space<vmem>>[vector<16xi32>], vector<16xf32>,
    %add3A_1605 = arith.addf %add3A_1600, %gather3A_1604 : vector<16xf32>
    %add3A_1606 = arith.constant 4110 : i32
    %add3A_1607 = vector.broadcast %add3A_1606 : i32 to vector<16xi32>
    %add3A_1608 = arith.addi %mul3A_242, %add3A_1607 : vector<16xi32>
    %gather3A_1609 = tpu.vector_load_idx %arg11[%add3A_1608] : memref<9216xf32, #tpu.memory_space<vmem>>[vector<16xi32>], vector<16xf32>,
    %add3A_1610 = arith.addf %add3A_1605, %gather3A_1609 : vector<16xf32>
    %add3A_1611 = arith.constant 4111 : i32
    %add3A_1612 = vector.broadcast %add3A_1611 : i32 to vector<16xi32>
    %add3A_1613 = arith.addi %mul3A_242, %add3A_1612 : vector<16xi32>
    %gather3A_1614 = tpu.vector_load_idx %arg11[%add3A_1613] : memref<9216xf32, #tpu.memory_space<vmem>>[vector<16xi32>], vector<16xf32>,
    %add3A_1615 = arith.addf %add3A_1610, %gather3A_1614 : vector<16xf32>
    %swap3A_1616 = arith.constant 256 : index
    %swap3A_1617 = tpu.vector_load %arg12[%swap3A_1616] {strides = array<i32>} : memref<576xf32, #tpu.memory_space<vmem>>, vector<16xf32>,
    tpu.vector_store %arg12[%swap3A_1616], %add3A_1615 {strides = array<i32>} : memref<576xf32, #tpu.memory_space<vmem>>, vector<16xf32>,
    %add3A_1618 = arith.constant 4352 : i32
    %add3A_1619 = vector.broadcast %add3A_1618 : i32 to vector<16xi32>
    %add3A_1620 = arith.addi %mul3A_242, %add3A_1619 : vector<16xi32>
    %gather3A_1621 = tpu.vector_load_idx %arg11[%add3A_1620] : memref<9216xf32, #tpu.memory_space<vmem>>[vector<16xi32>], vector<16xf32>,
    %add3A_1622 = arith.constant 4353 : i32
    %add3A_1623 = vector.broadcast %add3A_1622 : i32 to vector<16xi32>
    %add3A_1624 = arith.addi %mul3A_242, %add3A_1623 : vector<16xi32>
    %gather3A_1625 = tpu.vector_load_idx %arg11[%add3A_1624] : memref<9216xf32, #tpu.memory_space<vmem>>[vector<16xi32>], vector<16xf32>,
    %add3A_1626 = arith.addf %gather3A_1621, %gather3A_1625 : vector<16xf32>
    %add3A_1627 = arith.constant 4354 : i32
    %add3A_1628 = vector.broadcast %add3A_1627 : i32 to vector<16xi32>
    %add3A_1629 = arith.addi %mul3A_242, %add3A_1628 : vector<16xi32>
    %gather3A_1630 = tpu.vector_load_idx %arg11[%add3A_1629] : memref<9216xf32, #tpu.memory_space<vmem>>[vector<16xi32>], vector<16xf32>,
    %add3A_1631 = arith.addf %add3A_1626, %gather3A_1630 : vector<16xf32>
    %add3A_1632 = arith.constant 4355 : i32
    %add3A_1633 = vector.broadcast %add3A_1632 : i32 to vector<16xi32>
    %add3A_1634 = arith.addi %mul3A_242, %add3A_1633 : vector<16xi32>
    %gather3A_1635 = tpu.vector_load_idx %arg11[%add3A_1634] : memref<9216xf32, #tpu.memory_space<vmem>>[vector<16xi32>], vector<16xf32>,
    %add3A_1636 = arith.addf %add3A_1631, %gather3A_1635 : vector<16xf32>
    %add3A_1637 = arith.constant 4356 : i32
    %add3A_1638 = vector.broadcast %add3A_1637 : i32 to vector<16xi32>
    %add3A_1639 = arith.addi %mul3A_242, %add3A_1638 : vector<16xi32>
    %gather3A_1640 = tpu.vector_load_idx %arg11[%add3A_1639] : memref<9216xf32, #tpu.memory_space<vmem>>[vector<16xi32>], vector<16xf32>,
    %add3A_1641 = arith.addf %add3A_1636, %gather3A_1640 : vector<16xf32>
    %add3A_1642 = arith.constant 4357 : i32
    %add3A_1643 = vector.broadcast %add3A_1642 : i32 to vector<16xi32>
    %add3A_1644 = arith.addi %mul3A_242, %add3A_1643 : vector<16xi32>
    %gather3A_1645 = tpu.vector_load_idx %arg11[%add3A_1644] : memref<9216xf32, #tpu.memory_space<vmem>>[vector<16xi32>], vector<16xf32>,
    %add3A_1646 = arith.addf %add3A_1641, %gather3A_1645 : vector<16xf32>
    %add3A_1647 = arith.constant 4358 : i32
    %add3A_1648 = vector.broadcast %add3A_1647 : i32 to vector<16xi32>
    %add3A_1649 = arith.addi %mul3A_242, %add3A_1648 : vector<16xi32>
    %gather3A_1650 = tpu.vector_load_idx %arg11[%add3A_1649] : memref<9216xf32, #tpu.memory_space<vmem>>[vector<16xi32>], vector<16xf32>,
    %add3A_1651 = arith.addf %add3A_1646, %gather3A_1650 : vector<16xf32>
    %add3A_1652 = arith.constant 4359 : i32
    %add3A_1653 = vector.broadcast %add3A_1652 : i32 to vector<16xi32>
    %add3A_1654 = arith.addi %mul3A_242, %add3A_1653 : vector<16xi32>
    %gather3A_1655 = tpu.vector_load_idx %arg11[%add3A_1654] : memref<9216xf32, #tpu.memory_space<vmem>>[vector<16xi32>], vector<16xf32>,
    %add3A_1656 = arith.addf %add3A_1651, %gather3A_1655 : vector<16xf32>
    %add3A_1657 = arith.constant 4360 : i32
    %add3A_1658 = vector.broadcast %add3A_1657 : i32 to vector<16xi32>
    %add3A_1659 = arith.addi %mul3A_242, %add3A_1658 : vector<16xi32>
    %gather3A_1660 = tpu.vector_load_idx %arg11[%add3A_1659] : memref<9216xf32, #tpu.memory_space<vmem>>[vector<16xi32>], vector<16xf32>,
    %add3A_1661 = arith.addf %add3A_1656, %gather3A_1660 : vector<16xf32>
    %add3A_1662 = arith.constant 4361 : i32
    %add3A_1663 = vector.broadcast %add3A_1662 : i32 to vector<16xi32>
    %add3A_1664 = arith.addi %mul3A_242, %add3A_1663 : vector<16xi32>
    %gather3A_1665 = tpu.vector_load_idx %arg11[%add3A_1664] : memref<9216xf32, #tpu.memory_space<vmem>>[vector<16xi32>], vector<16xf32>,
    %add3A_1666 = arith.addf %add3A_1661, %gather3A_1665 : vector<16xf32>
    %add3A_1667 = arith.constant 4362 : i32
    %add3A_1668 = vector.broadcast %add3A_1667 : i32 to vector<16xi32>
    %add3A_1669 = arith.addi %mul3A_242, %add3A_1668 : vector<16xi32>
    %gather3A_1670 = tpu.vector_load_idx %arg11[%add3A_1669] : memref<9216xf32, #tpu.memory_space<vmem>>[vector<16xi32>], vector<16xf32>,
    %add3A_1671 = arith.addf %add3A_1666, %gather3A_1670 : vector<16xf32>
    %add3A_1672 = arith.constant 4363 : i32
    %add3A_1673 = vector.broadcast %add3A_1672 : i32 to vector<16xi32>
    %add3A_1674 = arith.addi %mul3A_242, %add3A_1673 : vector<16xi32>
    %gather3A_1675 = tpu.vector_load_idx %arg11[%add3A_1674] : memref<9216xf32, #tpu.memory_space<vmem>>[vector<16xi32>], vector<16xf32>,
    %add3A_1676 = arith.addf %add3A_1671, %gather3A_1675 : vector<16xf32>
    %add3A_1677 = arith.constant 4364 : i32
    %add3A_1678 = vector.broadcast %add3A_1677 : i32 to vector<16xi32>
    %add3A_1679 = arith.addi %mul3A_242, %add3A_1678 : vector<16xi32>
    %gather3A_1680 = tpu.vector_load_idx %arg11[%add3A_1679] : memref<9216xf32, #tpu.memory_space<vmem>>[vector<16xi32>], vector<16xf32>,
    %add3A_1681 = arith.addf %add3A_1676, %gather3A_1680 : vector<16xf32>
    %add3A_1682 = arith.constant 4365 : i32
    %add3A_1683 = vector.broadcast %add3A_1682 : i32 to vector<16xi32>
    %add3A_1684 = arith.addi %mul3A_242, %add3A_1683 : vector<16xi32>
    %gather3A_1685 = tpu.vector_load_idx %arg11[%add3A_1684] : memref<9216xf32, #tpu.memory_space<vmem>>[vector<16xi32>], vector<16xf32>,
    %add3A_1686 = arith.addf %add3A_1681, %gather3A_1685 : vector<16xf32>
    %add3A_1687 = arith.constant 4366 : i32
    %add3A_1688 = vector.broadcast %add3A_1687 : i32 to vector<16xi32>
    %add3A_1689 = arith.addi %mul3A_242, %add3A_1688 : vector<16xi32>
    %gather3A_1690 = tpu.vector_load_idx %arg11[%add3A_1689] : memref<9216xf32, #tpu.memory_space<vmem>>[vector<16xi32>], vector<16xf32>,
    %add3A_1691 = arith.addf %add3A_1686, %gather3A_1690 : vector<16xf32>
    %add3A_1692 = arith.constant 4367 : i32
    %add3A_1693 = vector.broadcast %add3A_1692 : i32 to vector<16xi32>
    %add3A_1694 = arith.addi %mul3A_242, %add3A_1693 : vector<16xi32>
    %gather3A_1695 = tpu.vector_load_idx %arg11[%add3A_1694] : memref<9216xf32, #tpu.memory_space<vmem>>[vector<16xi32>], vector<16xf32>,
    %add3A_1696 = arith.addf %add3A_1691, %gather3A_1695 : vector<16xf32>
    %swap3A_1697 = arith.constant 272 : index
    %swap3A_1698 = tpu.vector_load %arg12[%swap3A_1697] {strides = array<i32>} : memref<576xf32, #tpu.memory_space<vmem>>, vector<16xf32>,
    tpu.vector_store %arg12[%swap3A_1697], %add3A_1696 {strides = array<i32>} : memref<576xf32, #tpu.memory_space<vmem>>, vector<16xf32>,
    %add3A_1699 = arith.constant 4608 : i32
    %add3A_1700 = vector.broadcast %add3A_1699 : i32 to vector<16xi32>
    %add3A_1701 = arith.addi %mul3A_242, %add3A_1700 : vector<16xi32>
    %gather3A_1702 = tpu.vector_load_idx %arg11[%add3A_1701] : memref<9216xf32, #tpu.memory_space<vmem>>[vector<16xi32>], vector<16xf32>,
    %add3A_1703 = arith.constant 4609 : i32
    %add3A_1704 = vector.broadcast %add3A_1703 : i32 to vector<16xi32>
    %add3A_1705 = arith.addi %mul3A_242, %add3A_1704 : vector<16xi32>
    %gather3A_1706 = tpu.vector_load_idx %arg11[%add3A_1705] : memref<9216xf32, #tpu.memory_space<vmem>>[vector<16xi32>], vector<16xf32>,
    %add3A_1707 = arith.addf %gather3A_1702, %gather3A_1706 : vector<16xf32>
    %add3A_1708 = arith.constant 4610 : i32
    %add3A_1709 = vector.broadcast %add3A_1708 : i32 to vector<16xi32>
    %add3A_1710 = arith.addi %mul3A_242, %add3A_1709 : vector<16xi32>
    %gather3A_1711 = tpu.vector_load_idx %arg11[%add3A_1710] : memref<9216xf32, #tpu.memory_space<vmem>>[vector<16xi32>], vector<16xf32>,
    %add3A_1712 = arith.addf %add3A_1707, %gather3A_1711 : vector<16xf32>
    %add3A_1713 = arith.constant 4611 : i32
    %add3A_1714 = vector.broadcast %add3A_1713 : i32 to vector<16xi32>
    %add3A_1715 = arith.addi %mul3A_242, %add3A_1714 : vector<16xi32>
    %gather3A_1716 = tpu.vector_load_idx %arg11[%add3A_1715] : memref<9216xf32, #tpu.memory_space<vmem>>[vector<16xi32>], vector<16xf32>,
    %add3A_1717 = arith.addf %add3A_1712, %gather3A_1716 : vector<16xf32>
    %add3A_1718 = arith.constant 4612 : i32
    %add3A_1719 = vector.broadcast %add3A_1718 : i32 to vector<16xi32>
    %add3A_1720 = arith.addi %mul3A_242, %add3A_1719 : vector<16xi32>
    %gather3A_1721 = tpu.vector_load_idx %arg11[%add3A_1720] : memref<9216xf32, #tpu.memory_space<vmem>>[vector<16xi32>], vector<16xf32>,
    %add3A_1722 = arith.addf %add3A_1717, %gather3A_1721 : vector<16xf32>
    %add3A_1723 = arith.constant 4613 : i32
    %add3A_1724 = vector.broadcast %add3A_1723 : i32 to vector<16xi32>
    %add3A_1725 = arith.addi %mul3A_242, %add3A_1724 : vector<16xi32>
    %gather3A_1726 = tpu.vector_load_idx %arg11[%add3A_1725] : memref<9216xf32, #tpu.memory_space<vmem>>[vector<16xi32>], vector<16xf32>,
    %add3A_1727 = arith.addf %add3A_1722, %gather3A_1726 : vector<16xf32>
    %add3A_1728 = arith.constant 4614 : i32
    %add3A_1729 = vector.broadcast %add3A_1728 : i32 to vector<16xi32>
    %add3A_1730 = arith.addi %mul3A_242, %add3A_1729 : vector<16xi32>
    %gather3A_1731 = tpu.vector_load_idx %arg11[%add3A_1730] : memref<9216xf32, #tpu.memory_space<vmem>>[vector<16xi32>], vector<16xf32>,
    %add3A_1732 = arith.addf %add3A_1727, %gather3A_1731 : vector<16xf32>
    %add3A_1733 = arith.constant 4615 : i32
    %add3A_1734 = vector.broadcast %add3A_1733 : i32 to vector<16xi32>
    %add3A_1735 = arith.addi %mul3A_242, %add3A_1734 : vector<16xi32>
    %gather3A_1736 = tpu.vector_load_idx %arg11[%add3A_1735] : memref<9216xf32, #tpu.memory_space<vmem>>[vector<16xi32>], vector<16xf32>,
    %add3A_1737 = arith.addf %add3A_1732, %gather3A_1736 : vector<16xf32>
    %add3A_1738 = arith.constant 4616 : i32
    %add3A_1739 = vector.broadcast %add3A_1738 : i32 to vector<16xi32>
    %add3A_1740 = arith.addi %mul3A_242, %add3A_1739 : vector<16xi32>
    %gather3A_1741 = tpu.vector_load_idx %arg11[%add3A_1740] : memref<9216xf32, #tpu.memory_space<vmem>>[vector<16xi32>], vector<16xf32>,
    %add3A_1742 = arith.addf %add3A_1737, %gather3A_1741 : vector<16xf32>
    %add3A_1743 = arith.constant 4617 : i32
    %add3A_1744 = vector.broadcast %add3A_1743 : i32 to vector<16xi32>
    %add3A_1745 = arith.addi %mul3A_242, %add3A_1744 : vector<16xi32>
    %gather3A_1746 = tpu.vector_load_idx %arg11[%add3A_1745] : memref<9216xf32, #tpu.memory_space<vmem>>[vector<16xi32>], vector<16xf32>,
    %add3A_1747 = arith.addf %add3A_1742, %gather3A_1746 : vector<16xf32>
    %add3A_1748 = arith.constant 4618 : i32
    %add3A_1749 = vector.broadcast %add3A_1748 : i32 to vector<16xi32>
    %add3A_1750 = arith.addi %mul3A_242, %add3A_1749 : vector<16xi32>
    %gather3A_1751 = tpu.vector_load_idx %arg11[%add3A_1750] : memref<9216xf32, #tpu.memory_space<vmem>>[vector<16xi32>], vector<16xf32>,
    %add3A_1752 = arith.addf %add3A_1747, %gather3A_1751 : vector<16xf32>
    %add3A_1753 = arith.constant 4619 : i32
    %add3A_1754 = vector.broadcast %add3A_1753 : i32 to vector<16xi32>
    %add3A_1755 = arith.addi %mul3A_242, %add3A_1754 : vector<16xi32>
    %gather3A_1756 = tpu.vector_load_idx %arg11[%add3A_1755] : memref<9216xf32, #tpu.memory_space<vmem>>[vector<16xi32>], vector<16xf32>,
    %add3A_1757 = arith.addf %add3A_1752, %gather3A_1756 : vector<16xf32>
    %add3A_1758 = arith.constant 4620 : i32
    %add3A_1759 = vector.broadcast %add3A_1758 : i32 to vector<16xi32>
    %add3A_1760 = arith.addi %mul3A_242, %add3A_1759 : vector<16xi32>
    %gather3A_1761 = tpu.vector_load_idx %arg11[%add3A_1760] : memref<9216xf32, #tpu.memory_space<vmem>>[vector<16xi32>], vector<16xf32>,
    %add3A_1762 = arith.addf %add3A_1757, %gather3A_1761 : vector<16xf32>
    %add3A_1763 = arith.constant 4621 : i32
    %add3A_1764 = vector.broadcast %add3A_1763 : i32 to vector<16xi32>
    %add3A_1765 = arith.addi %mul3A_242, %add3A_1764 : vector<16xi32>
    %gather3A_1766 = tpu.vector_load_idx %arg11[%add3A_1765] : memref<9216xf32, #tpu.memory_space<vmem>>[vector<16xi32>], vector<16xf32>,
    %add3A_1767 = arith.addf %add3A_1762, %gather3A_1766 : vector<16xf32>
    %add3A_1768 = arith.constant 4622 : i32
    %add3A_1769 = vector.broadcast %add3A_1768 : i32 to vector<16xi32>
    %add3A_1770 = arith.addi %mul3A_242, %add3A_1769 : vector<16xi32>
    %gather3A_1771 = tpu.vector_load_idx %arg11[%add3A_1770] : memref<9216xf32, #tpu.memory_space<vmem>>[vector<16xi32>], vector<16xf32>,
    %add3A_1772 = arith.addf %add3A_1767, %gather3A_1771 : vector<16xf32>
    %add3A_1773 = arith.constant 4623 : i32
    %add3A_1774 = vector.broadcast %add3A_1773 : i32 to vector<16xi32>
    %add3A_1775 = arith.addi %mul3A_242, %add3A_1774 : vector<16xi32>
    %gather3A_1776 = tpu.vector_load_idx %arg11[%add3A_1775] : memref<9216xf32, #tpu.memory_space<vmem>>[vector<16xi32>], vector<16xf32>,
    %add3A_1777 = arith.addf %add3A_1772, %gather3A_1776 : vector<16xf32>
    %swap3A_1778 = arith.constant 288 : index
    %swap3A_1779 = tpu.vector_load %arg12[%swap3A_1778] {strides = array<i32>} : memref<576xf32, #tpu.memory_space<vmem>>, vector<16xf32>,
    tpu.vector_store %arg12[%swap3A_1778], %add3A_1777 {strides = array<i32>} : memref<576xf32, #tpu.memory_space<vmem>>, vector<16xf32>,
    %add3A_1780 = arith.constant 4864 : i32
    %add3A_1781 = vector.broadcast %add3A_1780 : i32 to vector<16xi32>
    %add3A_1782 = arith.addi %mul3A_242, %add3A_1781 : vector<16xi32>
    %gather3A_1783 = tpu.vector_load_idx %arg11[%add3A_1782] : memref<9216xf32, #tpu.memory_space<vmem>>[vector<16xi32>], vector<16xf32>,
    %add3A_1784 = arith.constant 4865 : i32
    %add3A_1785 = vector.broadcast %add3A_1784 : i32 to vector<16xi32>
    %add3A_1786 = arith.addi %mul3A_242, %add3A_1785 : vector<16xi32>
    %gather3A_1787 = tpu.vector_load_idx %arg11[%add3A_1786] : memref<9216xf32, #tpu.memory_space<vmem>>[vector<16xi32>], vector<16xf32>,
    %add3A_1788 = arith.addf %gather3A_1783, %gather3A_1787 : vector<16xf32>
    %add3A_1789 = arith.constant 4866 : i32
    %add3A_1790 = vector.broadcast %add3A_1789 : i32 to vector<16xi32>
    %add3A_1791 = arith.addi %mul3A_242, %add3A_1790 : vector<16xi32>
    %gather3A_1792 = tpu.vector_load_idx %arg11[%add3A_1791] : memref<9216xf32, #tpu.memory_space<vmem>>[vector<16xi32>], vector<16xf32>,
    %add3A_1793 = arith.addf %add3A_1788, %gather3A_1792 : vector<16xf32>
    %add3A_1794 = arith.constant 4867 : i32
    %add3A_1795 = vector.broadcast %add3A_1794 : i32 to vector<16xi32>
    %add3A_1796 = arith.addi %mul3A_242, %add3A_1795 : vector<16xi32>
    %gather3A_1797 = tpu.vector_load_idx %arg11[%add3A_1796] : memref<9216xf32, #tpu.memory_space<vmem>>[vector<16xi32>], vector<16xf32>,
    %add3A_1798 = arith.addf %add3A_1793, %gather3A_1797 : vector<16xf32>
    %add3A_1799 = arith.constant 4868 : i32
    %add3A_1800 = vector.broadcast %add3A_1799 : i32 to vector<16xi32>
    %add3A_1801 = arith.addi %mul3A_242, %add3A_1800 : vector<16xi32>
    %gather3A_1802 = tpu.vector_load_idx %arg11[%add3A_1801] : memref<9216xf32, #tpu.memory_space<vmem>>[vector<16xi32>], vector<16xf32>,
    %add3A_1803 = arith.addf %add3A_1798, %gather3A_1802 : vector<16xf32>
    %add3A_1804 = arith.constant 4869 : i32
    %add3A_1805 = vector.broadcast %add3A_1804 : i32 to vector<16xi32>
    %add3A_1806 = arith.addi %mul3A_242, %add3A_1805 : vector<16xi32>
    %gather3A_1807 = tpu.vector_load_idx %arg11[%add3A_1806] : memref<9216xf32, #tpu.memory_space<vmem>>[vector<16xi32>], vector<16xf32>,
    %add3A_1808 = arith.addf %add3A_1803, %gather3A_1807 : vector<16xf32>
    %add3A_1809 = arith.constant 4870 : i32
    %add3A_1810 = vector.broadcast %add3A_1809 : i32 to vector<16xi32>
    %add3A_1811 = arith.addi %mul3A_242, %add3A_1810 : vector<16xi32>
    %gather3A_1812 = tpu.vector_load_idx %arg11[%add3A_1811] : memref<9216xf32, #tpu.memory_space<vmem>>[vector<16xi32>], vector<16xf32>,
    %add3A_1813 = arith.addf %add3A_1808, %gather3A_1812 : vector<16xf32>
    %add3A_1814 = arith.constant 4871 : i32
    %add3A_1815 = vector.broadcast %add3A_1814 : i32 to vector<16xi32>
    %add3A_1816 = arith.addi %mul3A_242, %add3A_1815 : vector<16xi32>
    %gather3A_1817 = tpu.vector_load_idx %arg11[%add3A_1816] : memref<9216xf32, #tpu.memory_space<vmem>>[vector<16xi32>], vector<16xf32>,
    %add3A_1818 = arith.addf %add3A_1813, %gather3A_1817 : vector<16xf32>
    %add3A_1819 = arith.constant 4872 : i32
    %add3A_1820 = vector.broadcast %add3A_1819 : i32 to vector<16xi32>
    %add3A_1821 = arith.addi %mul3A_242, %add3A_1820 : vector<16xi32>
    %gather3A_1822 = tpu.vector_load_idx %arg11[%add3A_1821] : memref<9216xf32, #tpu.memory_space<vmem>>[vector<16xi32>], vector<16xf32>,
    %add3A_1823 = arith.addf %add3A_1818, %gather3A_1822 : vector<16xf32>
    %add3A_1824 = arith.constant 4873 : i32
    %add3A_1825 = vector.broadcast %add3A_1824 : i32 to vector<16xi32>
    %add3A_1826 = arith.addi %mul3A_242, %add3A_1825 : vector<16xi32>
    %gather3A_1827 = tpu.vector_load_idx %arg11[%add3A_1826] : memref<9216xf32, #tpu.memory_space<vmem>>[vector<16xi32>], vector<16xf32>,
    %add3A_1828 = arith.addf %add3A_1823, %gather3A_1827 : vector<16xf32>
    %add3A_1829 = arith.constant 4874 : i32
    %add3A_1830 = vector.broadcast %add3A_1829 : i32 to vector<16xi32>
    %add3A_1831 = arith.addi %mul3A_242, %add3A_1830 : vector<16xi32>
    %gather3A_1832 = tpu.vector_load_idx %arg11[%add3A_1831] : memref<9216xf32, #tpu.memory_space<vmem>>[vector<16xi32>], vector<16xf32>,
    %add3A_1833 = arith.addf %add3A_1828, %gather3A_1832 : vector<16xf32>
    %add3A_1834 = arith.constant 4875 : i32
    %add3A_1835 = vector.broadcast %add3A_1834 : i32 to vector<16xi32>
    %add3A_1836 = arith.addi %mul3A_242, %add3A_1835 : vector<16xi32>
    %gather3A_1837 = tpu.vector_load_idx %arg11[%add3A_1836] : memref<9216xf32, #tpu.memory_space<vmem>>[vector<16xi32>], vector<16xf32>,
    %add3A_1838 = arith.addf %add3A_1833, %gather3A_1837 : vector<16xf32>
    %add3A_1839 = arith.constant 4876 : i32
    %add3A_1840 = vector.broadcast %add3A_1839 : i32 to vector<16xi32>
    %add3A_1841 = arith.addi %mul3A_242, %add3A_1840 : vector<16xi32>
    %gather3A_1842 = tpu.vector_load_idx %arg11[%add3A_1841] : memref<9216xf32, #tpu.memory_space<vmem>>[vector<16xi32>], vector<16xf32>,
    %add3A_1843 = arith.addf %add3A_1838, %gather3A_1842 : vector<16xf32>
    %add3A_1844 = arith.constant 4877 : i32
    %add3A_1845 = vector.broadcast %add3A_1844 : i32 to vector<16xi32>
    %add3A_1846 = arith.addi %mul3A_242, %add3A_1845 : vector<16xi32>
    %gather3A_1847 = tpu.vector_load_idx %arg11[%add3A_1846] : memref<9216xf32, #tpu.memory_space<vmem>>[vector<16xi32>], vector<16xf32>,
    %add3A_1848 = arith.addf %add3A_1843, %gather3A_1847 : vector<16xf32>
    %add3A_1849 = arith.constant 4878 : i32
    %add3A_1850 = vector.broadcast %add3A_1849 : i32 to vector<16xi32>
    %add3A_1851 = arith.addi %mul3A_242, %add3A_1850 : vector<16xi32>
    %gather3A_1852 = tpu.vector_load_idx %arg11[%add3A_1851] : memref<9216xf32, #tpu.memory_space<vmem>>[vector<16xi32>], vector<16xf32>,
    %add3A_1853 = arith.addf %add3A_1848, %gather3A_1852 : vector<16xf32>
    %add3A_1854 = arith.constant 4879 : i32
    %add3A_1855 = vector.broadcast %add3A_1854 : i32 to vector<16xi32>
    %add3A_1856 = arith.addi %mul3A_242, %add3A_1855 : vector<16xi32>
    %gather3A_1857 = tpu.vector_load_idx %arg11[%add3A_1856] : memref<9216xf32, #tpu.memory_space<vmem>>[vector<16xi32>], vector<16xf32>,
    %add3A_1858 = arith.addf %add3A_1853, %gather3A_1857 : vector<16xf32>
    %swap3A_1859 = arith.constant 304 : index
    %swap3A_1860 = tpu.vector_load %arg12[%swap3A_1859] {strides = array<i32>} : memref<576xf32, #tpu.memory_space<vmem>>, vector<16xf32>,
    tpu.vector_store %arg12[%swap3A_1859], %add3A_1858 {strides = array<i32>} : memref<576xf32, #tpu.memory_space<vmem>>, vector<16xf32>,
    %add3A_1861 = arith.constant 5120 : i32
    %add3A_1862 = vector.broadcast %add3A_1861 : i32 to vector<16xi32>
    %add3A_1863 = arith.addi %mul3A_242, %add3A_1862 : vector<16xi32>
    %gather3A_1864 = tpu.vector_load_idx %arg11[%add3A_1863] : memref<9216xf32, #tpu.memory_space<vmem>>[vector<16xi32>], vector<16xf32>,
    %add3A_1865 = arith.constant 5121 : i32
    %add3A_1866 = vector.broadcast %add3A_1865 : i32 to vector<16xi32>
    %add3A_1867 = arith.addi %mul3A_242, %add3A_1866 : vector<16xi32>
    %gather3A_1868 = tpu.vector_load_idx %arg11[%add3A_1867] : memref<9216xf32, #tpu.memory_space<vmem>>[vector<16xi32>], vector<16xf32>,
    %add3A_1869 = arith.addf %gather3A_1864, %gather3A_1868 : vector<16xf32>
    %add3A_1870 = arith.constant 5122 : i32
    %add3A_1871 = vector.broadcast %add3A_1870 : i32 to vector<16xi32>
    %add3A_1872 = arith.addi %mul3A_242, %add3A_1871 : vector<16xi32>
    %gather3A_1873 = tpu.vector_load_idx %arg11[%add3A_1872] : memref<9216xf32, #tpu.memory_space<vmem>>[vector<16xi32>], vector<16xf32>,
    %add3A_1874 = arith.addf %add3A_1869, %gather3A_1873 : vector<16xf32>
    %add3A_1875 = arith.constant 5123 : i32
    %add3A_1876 = vector.broadcast %add3A_1875 : i32 to vector<16xi32>
    %add3A_1877 = arith.addi %mul3A_242, %add3A_1876 : vector<16xi32>
    %gather3A_1878 = tpu.vector_load_idx %arg11[%add3A_1877] : memref<9216xf32, #tpu.memory_space<vmem>>[vector<16xi32>], vector<16xf32>,
    %add3A_1879 = arith.addf %add3A_1874, %gather3A_1878 : vector<16xf32>
    %add3A_1880 = arith.constant 5124 : i32
    %add3A_1881 = vector.broadcast %add3A_1880 : i32 to vector<16xi32>
    %add3A_1882 = arith.addi %mul3A_242, %add3A_1881 : vector<16xi32>
    %gather3A_1883 = tpu.vector_load_idx %arg11[%add3A_1882] : memref<9216xf32, #tpu.memory_space<vmem>>[vector<16xi32>], vector<16xf32>,
    %add3A_1884 = arith.addf %add3A_1879, %gather3A_1883 : vector<16xf32>
    %add3A_1885 = arith.constant 5125 : i32
    %add3A_1886 = vector.broadcast %add3A_1885 : i32 to vector<16xi32>
    %add3A_1887 = arith.addi %mul3A_242, %add3A_1886 : vector<16xi32>
    %gather3A_1888 = tpu.vector_load_idx %arg11[%add3A_1887] : memref<9216xf32, #tpu.memory_space<vmem>>[vector<16xi32>], vector<16xf32>,
    %add3A_1889 = arith.addf %add3A_1884, %gather3A_1888 : vector<16xf32>
    %add3A_1890 = arith.constant 5126 : i32
    %add3A_1891 = vector.broadcast %add3A_1890 : i32 to vector<16xi32>
    %add3A_1892 = arith.addi %mul3A_242, %add3A_1891 : vector<16xi32>
    %gather3A_1893 = tpu.vector_load_idx %arg11[%add3A_1892] : memref<9216xf32, #tpu.memory_space<vmem>>[vector<16xi32>], vector<16xf32>,
    %add3A_1894 = arith.addf %add3A_1889, %gather3A_1893 : vector<16xf32>
    %add3A_1895 = arith.constant 5127 : i32
    %add3A_1896 = vector.broadcast %add3A_1895 : i32 to vector<16xi32>
    %add3A_1897 = arith.addi %mul3A_242, %add3A_1896 : vector<16xi32>
    %gather3A_1898 = tpu.vector_load_idx %arg11[%add3A_1897] : memref<9216xf32, #tpu.memory_space<vmem>>[vector<16xi32>], vector<16xf32>,
    %add3A_1899 = arith.addf %add3A_1894, %gather3A_1898 : vector<16xf32>
    %add3A_1900 = arith.constant 5128 : i32
    %add3A_1901 = vector.broadcast %add3A_1900 : i32 to vector<16xi32>
    %add3A_1902 = arith.addi %mul3A_242, %add3A_1901 : vector<16xi32>
    %gather3A_1903 = tpu.vector_load_idx %arg11[%add3A_1902] : memref<9216xf32, #tpu.memory_space<vmem>>[vector<16xi32>], vector<16xf32>,
    %add3A_1904 = arith.addf %add3A_1899, %gather3A_1903 : vector<16xf32>
    %add3A_1905 = arith.constant 5129 : i32
    %add3A_1906 = vector.broadcast %add3A_1905 : i32 to vector<16xi32>
    %add3A_1907 = arith.addi %mul3A_242, %add3A_1906 : vector<16xi32>
    %gather3A_1908 = tpu.vector_load_idx %arg11[%add3A_1907] : memref<9216xf32, #tpu.memory_space<vmem>>[vector<16xi32>], vector<16xf32>,
    %add3A_1909 = arith.addf %add3A_1904, %gather3A_1908 : vector<16xf32>
    %add3A_1910 = arith.constant 5130 : i32
    %add3A_1911 = vector.broadcast %add3A_1910 : i32 to vector<16xi32>
    %add3A_1912 = arith.addi %mul3A_242, %add3A_1911 : vector<16xi32>
    %gather3A_1913 = tpu.vector_load_idx %arg11[%add3A_1912] : memref<9216xf32, #tpu.memory_space<vmem>>[vector<16xi32>], vector<16xf32>,
    %add3A_1914 = arith.addf %add3A_1909, %gather3A_1913 : vector<16xf32>
    %add3A_1915 = arith.constant 5131 : i32
    %add3A_1916 = vector.broadcast %add3A_1915 : i32 to vector<16xi32>
    %add3A_1917 = arith.addi %mul3A_242, %add3A_1916 : vector<16xi32>
    %gather3A_1918 = tpu.vector_load_idx %arg11[%add3A_1917] : memref<9216xf32, #tpu.memory_space<vmem>>[vector<16xi32>], vector<16xf32>,
    %add3A_1919 = arith.addf %add3A_1914, %gather3A_1918 : vector<16xf32>
    %add3A_1920 = arith.constant 5132 : i32
    %add3A_1921 = vector.broadcast %add3A_1920 : i32 to vector<16xi32>
    %add3A_1922 = arith.addi %mul3A_242, %add3A_1921 : vector<16xi32>
    %gather3A_1923 = tpu.vector_load_idx %arg11[%add3A_1922] : memref<9216xf32, #tpu.memory_space<vmem>>[vector<16xi32>], vector<16xf32>,
    %add3A_1924 = arith.addf %add3A_1919, %gather3A_1923 : vector<16xf32>
    %add3A_1925 = arith.constant 5133 : i32
    %add3A_1926 = vector.broadcast %add3A_1925 : i32 to vector<16xi32>
    %add3A_1927 = arith.addi %mul3A_242, %add3A_1926 : vector<16xi32>
    %gather3A_1928 = tpu.vector_load_idx %arg11[%add3A_1927] : memref<9216xf32, #tpu.memory_space<vmem>>[vector<16xi32>], vector<16xf32>,
    %add3A_1929 = arith.addf %add3A_1924, %gather3A_1928 : vector<16xf32>
    %add3A_1930 = arith.constant 5134 : i32
    %add3A_1931 = vector.broadcast %add3A_1930 : i32 to vector<16xi32>
    %add3A_1932 = arith.addi %mul3A_242, %add3A_1931 : vector<16xi32>
    %gather3A_1933 = tpu.vector_load_idx %arg11[%add3A_1932] : memref<9216xf32, #tpu.memory_space<vmem>>[vector<16xi32>], vector<16xf32>,
    %add3A_1934 = arith.addf %add3A_1929, %gather3A_1933 : vector<16xf32>
    %add3A_1935 = arith.constant 5135 : i32
    %add3A_1936 = vector.broadcast %add3A_1935 : i32 to vector<16xi32>
    %add3A_1937 = arith.addi %mul3A_242, %add3A_1936 : vector<16xi32>
    %gather3A_1938 = tpu.vector_load_idx %arg11[%add3A_1937] : memref<9216xf32, #tpu.memory_space<vmem>>[vector<16xi32>], vector<16xf32>,
    %add3A_1939 = arith.addf %add3A_1934, %gather3A_1938 : vector<16xf32>
    %swap3A_1940 = arith.constant 320 : index
    %swap3A_1941 = tpu.vector_load %arg12[%swap3A_1940] {strides = array<i32>} : memref<576xf32, #tpu.memory_space<vmem>>, vector<16xf32>,
    tpu.vector_store %arg12[%swap3A_1940], %add3A_1939 {strides = array<i32>} : memref<576xf32, #tpu.memory_space<vmem>>, vector<16xf32>,
    %add3A_1942 = arith.constant 5376 : i32
    %add3A_1943 = vector.broadcast %add3A_1942 : i32 to vector<16xi32>
    %add3A_1944 = arith.addi %mul3A_242, %add3A_1943 : vector<16xi32>
    %gather3A_1945 = tpu.vector_load_idx %arg11[%add3A_1944] : memref<9216xf32, #tpu.memory_space<vmem>>[vector<16xi32>], vector<16xf32>,
    %add3A_1946 = arith.constant 5377 : i32
    %add3A_1947 = vector.broadcast %add3A_1946 : i32 to vector<16xi32>
    %add3A_1948 = arith.addi %mul3A_242, %add3A_1947 : vector<16xi32>
    %gather3A_1949 = tpu.vector_load_idx %arg11[%add3A_1948] : memref<9216xf32, #tpu.memory_space<vmem>>[vector<16xi32>], vector<16xf32>,
    %add3A_1950 = arith.addf %gather3A_1945, %gather3A_1949 : vector<16xf32>
    %add3A_1951 = arith.constant 5378 : i32
    %add3A_1952 = vector.broadcast %add3A_1951 : i32 to vector<16xi32>
    %add3A_1953 = arith.addi %mul3A_242, %add3A_1952 : vector<16xi32>
    %gather3A_1954 = tpu.vector_load_idx %arg11[%add3A_1953] : memref<9216xf32, #tpu.memory_space<vmem>>[vector<16xi32>], vector<16xf32>,
    %add3A_1955 = arith.addf %add3A_1950, %gather3A_1954 : vector<16xf32>
    %add3A_1956 = arith.constant 5379 : i32
    %add3A_1957 = vector.broadcast %add3A_1956 : i32 to vector<16xi32>
    %add3A_1958 = arith.addi %mul3A_242, %add3A_1957 : vector<16xi32>
    %gather3A_1959 = tpu.vector_load_idx %arg11[%add3A_1958] : memref<9216xf32, #tpu.memory_space<vmem>>[vector<16xi32>], vector<16xf32>,
    %add3A_1960 = arith.addf %add3A_1955, %gather3A_1959 : vector<16xf32>
    %add3A_1961 = arith.constant 5380 : i32
    %add3A_1962 = vector.broadcast %add3A_1961 : i32 to vector<16xi32>
    %add3A_1963 = arith.addi %mul3A_242, %add3A_1962 : vector<16xi32>
    %gather3A_1964 = tpu.vector_load_idx %arg11[%add3A_1963] : memref<9216xf32, #tpu.memory_space<vmem>>[vector<16xi32>], vector<16xf32>,
    %add3A_1965 = arith.addf %add3A_1960, %gather3A_1964 : vector<16xf32>
    %add3A_1966 = arith.constant 5381 : i32
    %add3A_1967 = vector.broadcast %add3A_1966 : i32 to vector<16xi32>
    %add3A_1968 = arith.addi %mul3A_242, %add3A_1967 : vector<16xi32>
    %gather3A_1969 = tpu.vector_load_idx %arg11[%add3A_1968] : memref<9216xf32, #tpu.memory_space<vmem>>[vector<16xi32>], vector<16xf32>,
    %add3A_1970 = arith.addf %add3A_1965, %gather3A_1969 : vector<16xf32>
    %add3A_1971 = arith.constant 5382 : i32
    %add3A_1972 = vector.broadcast %add3A_1971 : i32 to vector<16xi32>
    %add3A_1973 = arith.addi %mul3A_242, %add3A_1972 : vector<16xi32>
    %gather3A_1974 = tpu.vector_load_idx %arg11[%add3A_1973] : memref<9216xf32, #tpu.memory_space<vmem>>[vector<16xi32>], vector<16xf32>,
    %add3A_1975 = arith.addf %add3A_1970, %gather3A_1974 : vector<16xf32>
    %add3A_1976 = arith.constant 5383 : i32
    %add3A_1977 = vector.broadcast %add3A_1976 : i32 to vector<16xi32>
    %add3A_1978 = arith.addi %mul3A_242, %add3A_1977 : vector<16xi32>
    %gather3A_1979 = tpu.vector_load_idx %arg11[%add3A_1978] : memref<9216xf32, #tpu.memory_space<vmem>>[vector<16xi32>], vector<16xf32>,
    %add3A_1980 = arith.addf %add3A_1975, %gather3A_1979 : vector<16xf32>
    %add3A_1981 = arith.constant 5384 : i32
    %add3A_1982 = vector.broadcast %add3A_1981 : i32 to vector<16xi32>
    %add3A_1983 = arith.addi %mul3A_242, %add3A_1982 : vector<16xi32>
    %gather3A_1984 = tpu.vector_load_idx %arg11[%add3A_1983] : memref<9216xf32, #tpu.memory_space<vmem>>[vector<16xi32>], vector<16xf32>,
    %add3A_1985 = arith.addf %add3A_1980, %gather3A_1984 : vector<16xf32>
    %add3A_1986 = arith.constant 5385 : i32
    %add3A_1987 = vector.broadcast %add3A_1986 : i32 to vector<16xi32>
    %add3A_1988 = arith.addi %mul3A_242, %add3A_1987 : vector<16xi32>
    %gather3A_1989 = tpu.vector_load_idx %arg11[%add3A_1988] : memref<9216xf32, #tpu.memory_space<vmem>>[vector<16xi32>], vector<16xf32>,
    %add3A_1990 = arith.addf %add3A_1985, %gather3A_1989 : vector<16xf32>
    %add3A_1991 = arith.constant 5386 : i32
    %add3A_1992 = vector.broadcast %add3A_1991 : i32 to vector<16xi32>
    %add3A_1993 = arith.addi %mul3A_242, %add3A_1992 : vector<16xi32>
    %gather3A_1994 = tpu.vector_load_idx %arg11[%add3A_1993] : memref<9216xf32, #tpu.memory_space<vmem>>[vector<16xi32>], vector<16xf32>,
    %add3A_1995 = arith.addf %add3A_1990, %gather3A_1994 : vector<16xf32>
    %add3A_1996 = arith.constant 5387 : i32
    %add3A_1997 = vector.broadcast %add3A_1996 : i32 to vector<16xi32>
    %add3A_1998 = arith.addi %mul3A_242, %add3A_1997 : vector<16xi32>
    %gather3A_1999 = tpu.vector_load_idx %arg11[%add3A_1998] : memref<9216xf32, #tpu.memory_space<vmem>>[vector<16xi32>], vector<16xf32>,
    %add3A_2000 = arith.addf %add3A_1995, %gather3A_1999 : vector<16xf32>
    %add3A_2001 = arith.constant 5388 : i32
    %add3A_2002 = vector.broadcast %add3A_2001 : i32 to vector<16xi32>
    %add3A_2003 = arith.addi %mul3A_242, %add3A_2002 : vector<16xi32>
    %gather3A_2004 = tpu.vector_load_idx %arg11[%add3A_2003] : memref<9216xf32, #tpu.memory_space<vmem>>[vector<16xi32>], vector<16xf32>,
    %add3A_2005 = arith.addf %add3A_2000, %gather3A_2004 : vector<16xf32>
    %add3A_2006 = arith.constant 5389 : i32
    %add3A_2007 = vector.broadcast %add3A_2006 : i32 to vector<16xi32>
    %add3A_2008 = arith.addi %mul3A_242, %add3A_2007 : vector<16xi32>
    %gather3A_2009 = tpu.vector_load_idx %arg11[%add3A_2008] : memref<9216xf32, #tpu.memory_space<vmem>>[vector<16xi32>], vector<16xf32>,
    %add3A_2010 = arith.addf %add3A_2005, %gather3A_2009 : vector<16xf32>
    %add3A_2011 = arith.constant 5390 : i32
    %add3A_2012 = vector.broadcast %add3A_2011 : i32 to vector<16xi32>
    %add3A_2013 = arith.addi %mul3A_242, %add3A_2012 : vector<16xi32>
    %gather3A_2014 = tpu.vector_load_idx %arg11[%add3A_2013] : memref<9216xf32, #tpu.memory_space<vmem>>[vector<16xi32>], vector<16xf32>,
    %add3A_2015 = arith.addf %add3A_2010, %gather3A_2014 : vector<16xf32>
    %add3A_2016 = arith.constant 5391 : i32
    %add3A_2017 = vector.broadcast %add3A_2016 : i32 to vector<16xi32>
    %add3A_2018 = arith.addi %mul3A_242, %add3A_2017 : vector<16xi32>
    %gather3A_2019 = tpu.vector_load_idx %arg11[%add3A_2018] : memref<9216xf32, #tpu.memory_space<vmem>>[vector<16xi32>], vector<16xf32>,
    %add3A_2020 = arith.addf %add3A_2015, %gather3A_2019 : vector<16xf32>
    %swap3A_2021 = arith.constant 336 : index
    %swap3A_2022 = tpu.vector_load %arg12[%swap3A_2021] {strides = array<i32>} : memref<576xf32, #tpu.memory_space<vmem>>, vector<16xf32>,
    tpu.vector_store %arg12[%swap3A_2021], %add3A_2020 {strides = array<i32>} : memref<576xf32, #tpu.memory_space<vmem>>, vector<16xf32>,
    %add3A_2023 = arith.constant 5632 : i32
    %add3A_2024 = vector.broadcast %add3A_2023 : i32 to vector<16xi32>
    %add3A_2025 = arith.addi %mul3A_242, %add3A_2024 : vector<16xi32>
    %gather3A_2026 = tpu.vector_load_idx %arg11[%add3A_2025] : memref<9216xf32, #tpu.memory_space<vmem>>[vector<16xi32>], vector<16xf32>,
    %add3A_2027 = arith.constant 5633 : i32
    %add3A_2028 = vector.broadcast %add3A_2027 : i32 to vector<16xi32>
    %add3A_2029 = arith.addi %mul3A_242, %add3A_2028 : vector<16xi32>
    %gather3A_2030 = tpu.vector_load_idx %arg11[%add3A_2029] : memref<9216xf32, #tpu.memory_space<vmem>>[vector<16xi32>], vector<16xf32>,
    %add3A_2031 = arith.addf %gather3A_2026, %gather3A_2030 : vector<16xf32>
    %add3A_2032 = arith.constant 5634 : i32
    %add3A_2033 = vector.broadcast %add3A_2032 : i32 to vector<16xi32>
    %add3A_2034 = arith.addi %mul3A_242, %add3A_2033 : vector<16xi32>
    %gather3A_2035 = tpu.vector_load_idx %arg11[%add3A_2034] : memref<9216xf32, #tpu.memory_space<vmem>>[vector<16xi32>], vector<16xf32>,
    %add3A_2036 = arith.addf %add3A_2031, %gather3A_2035 : vector<16xf32>
    %add3A_2037 = arith.constant 5635 : i32
    %add3A_2038 = vector.broadcast %add3A_2037 : i32 to vector<16xi32>
    %add3A_2039 = arith.addi %mul3A_242, %add3A_2038 : vector<16xi32>
    %gather3A_2040 = tpu.vector_load_idx %arg11[%add3A_2039] : memref<9216xf32, #tpu.memory_space<vmem>>[vector<16xi32>], vector<16xf32>,
    %add3A_2041 = arith.addf %add3A_2036, %gather3A_2040 : vector<16xf32>
    %add3A_2042 = arith.constant 5636 : i32
    %add3A_2043 = vector.broadcast %add3A_2042 : i32 to vector<16xi32>
    %add3A_2044 = arith.addi %mul3A_242, %add3A_2043 : vector<16xi32>
    %gather3A_2045 = tpu.vector_load_idx %arg11[%add3A_2044] : memref<9216xf32, #tpu.memory_space<vmem>>[vector<16xi32>], vector<16xf32>,
    %add3A_2046 = arith.addf %add3A_2041, %gather3A_2045 : vector<16xf32>
    %add3A_2047 = arith.constant 5637 : i32
    %add3A_2048 = vector.broadcast %add3A_2047 : i32 to vector<16xi32>
    %add3A_2049 = arith.addi %mul3A_242, %add3A_2048 : vector<16xi32>
    %gather3A_2050 = tpu.vector_load_idx %arg11[%add3A_2049] : memref<9216xf32, #tpu.memory_space<vmem>>[vector<16xi32>], vector<16xf32>,
    %add3A_2051 = arith.addf %add3A_2046, %gather3A_2050 : vector<16xf32>
    %add3A_2052 = arith.constant 5638 : i32
    %add3A_2053 = vector.broadcast %add3A_2052 : i32 to vector<16xi32>
    %add3A_2054 = arith.addi %mul3A_242, %add3A_2053 : vector<16xi32>
    %gather3A_2055 = tpu.vector_load_idx %arg11[%add3A_2054] : memref<9216xf32, #tpu.memory_space<vmem>>[vector<16xi32>], vector<16xf32>,
    %add3A_2056 = arith.addf %add3A_2051, %gather3A_2055 : vector<16xf32>
    %add3A_2057 = arith.constant 5639 : i32
    %add3A_2058 = vector.broadcast %add3A_2057 : i32 to vector<16xi32>
    %add3A_2059 = arith.addi %mul3A_242, %add3A_2058 : vector<16xi32>
    %gather3A_2060 = tpu.vector_load_idx %arg11[%add3A_2059] : memref<9216xf32, #tpu.memory_space<vmem>>[vector<16xi32>], vector<16xf32>,
    %add3A_2061 = arith.addf %add3A_2056, %gather3A_2060 : vector<16xf32>
    %add3A_2062 = arith.constant 5640 : i32
    %add3A_2063 = vector.broadcast %add3A_2062 : i32 to vector<16xi32>
    %add3A_2064 = arith.addi %mul3A_242, %add3A_2063 : vector<16xi32>
    %gather3A_2065 = tpu.vector_load_idx %arg11[%add3A_2064] : memref<9216xf32, #tpu.memory_space<vmem>>[vector<16xi32>], vector<16xf32>,
    %add3A_2066 = arith.addf %add3A_2061, %gather3A_2065 : vector<16xf32>
    %add3A_2067 = arith.constant 5641 : i32
    %add3A_2068 = vector.broadcast %add3A_2067 : i32 to vector<16xi32>
    %add3A_2069 = arith.addi %mul3A_242, %add3A_2068 : vector<16xi32>
    %gather3A_2070 = tpu.vector_load_idx %arg11[%add3A_2069] : memref<9216xf32, #tpu.memory_space<vmem>>[vector<16xi32>], vector<16xf32>,
    %add3A_2071 = arith.addf %add3A_2066, %gather3A_2070 : vector<16xf32>
    %add3A_2072 = arith.constant 5642 : i32
    %add3A_2073 = vector.broadcast %add3A_2072 : i32 to vector<16xi32>
    %add3A_2074 = arith.addi %mul3A_242, %add3A_2073 : vector<16xi32>
    %gather3A_2075 = tpu.vector_load_idx %arg11[%add3A_2074] : memref<9216xf32, #tpu.memory_space<vmem>>[vector<16xi32>], vector<16xf32>,
    %add3A_2076 = arith.addf %add3A_2071, %gather3A_2075 : vector<16xf32>
    %add3A_2077 = arith.constant 5643 : i32
    %add3A_2078 = vector.broadcast %add3A_2077 : i32 to vector<16xi32>
    %add3A_2079 = arith.addi %mul3A_242, %add3A_2078 : vector<16xi32>
    %gather3A_2080 = tpu.vector_load_idx %arg11[%add3A_2079] : memref<9216xf32, #tpu.memory_space<vmem>>[vector<16xi32>], vector<16xf32>,
    %add3A_2081 = arith.addf %add3A_2076, %gather3A_2080 : vector<16xf32>
    %add3A_2082 = arith.constant 5644 : i32
    %add3A_2083 = vector.broadcast %add3A_2082 : i32 to vector<16xi32>
    %add3A_2084 = arith.addi %mul3A_242, %add3A_2083 : vector<16xi32>
    %gather3A_2085 = tpu.vector_load_idx %arg11[%add3A_2084] : memref<9216xf32, #tpu.memory_space<vmem>>[vector<16xi32>], vector<16xf32>,
    %add3A_2086 = arith.addf %add3A_2081, %gather3A_2085 : vector<16xf32>
    %add3A_2087 = arith.constant 5645 : i32
    %add3A_2088 = vector.broadcast %add3A_2087 : i32 to vector<16xi32>
    %add3A_2089 = arith.addi %mul3A_242, %add3A_2088 : vector<16xi32>
    %gather3A_2090 = tpu.vector_load_idx %arg11[%add3A_2089] : memref<9216xf32, #tpu.memory_space<vmem>>[vector<16xi32>], vector<16xf32>,
    %add3A_2091 = arith.addf %add3A_2086, %gather3A_2090 : vector<16xf32>
    %add3A_2092 = arith.constant 5646 : i32
    %add3A_2093 = vector.broadcast %add3A_2092 : i32 to vector<16xi32>
    %add3A_2094 = arith.addi %mul3A_242, %add3A_2093 : vector<16xi32>
    %gather3A_2095 = tpu.vector_load_idx %arg11[%add3A_2094] : memref<9216xf32, #tpu.memory_space<vmem>>[vector<16xi32>], vector<16xf32>,
    %add3A_2096 = arith.addf %add3A_2091, %gather3A_2095 : vector<16xf32>
    %add3A_2097 = arith.constant 5647 : i32
    %add3A_2098 = vector.broadcast %add3A_2097 : i32 to vector<16xi32>
    %add3A_2099 = arith.addi %mul3A_242, %add3A_2098 : vector<16xi32>
    %gather3A_2100 = tpu.vector_load_idx %arg11[%add3A_2099] : memref<9216xf32, #tpu.memory_space<vmem>>[vector<16xi32>], vector<16xf32>,
    %add3A_2101 = arith.addf %add3A_2096, %gather3A_2100 : vector<16xf32>
    %swap3A_2102 = arith.constant 352 : index
    %swap3A_2103 = tpu.vector_load %arg12[%swap3A_2102] {strides = array<i32>} : memref<576xf32, #tpu.memory_space<vmem>>, vector<16xf32>,
    tpu.vector_store %arg12[%swap3A_2102], %add3A_2101 {strides = array<i32>} : memref<576xf32, #tpu.memory_space<vmem>>, vector<16xf32>,
    %add3A_2104 = arith.constant 5888 : i32
    %add3A_2105 = vector.broadcast %add3A_2104 : i32 to vector<16xi32>
    %add3A_2106 = arith.addi %mul3A_242, %add3A_2105 : vector<16xi32>
    %gather3A_2107 = tpu.vector_load_idx %arg11[%add3A_2106] : memref<9216xf32, #tpu.memory_space<vmem>>[vector<16xi32>], vector<16xf32>,
    %add3A_2108 = arith.constant 5889 : i32
    %add3A_2109 = vector.broadcast %add3A_2108 : i32 to vector<16xi32>
    %add3A_2110 = arith.addi %mul3A_242, %add3A_2109 : vector<16xi32>
    %gather3A_2111 = tpu.vector_load_idx %arg11[%add3A_2110] : memref<9216xf32, #tpu.memory_space<vmem>>[vector<16xi32>], vector<16xf32>,
    %add3A_2112 = arith.addf %gather3A_2107, %gather3A_2111 : vector<16xf32>
    %add3A_2113 = arith.constant 5890 : i32
    %add3A_2114 = vector.broadcast %add3A_2113 : i32 to vector<16xi32>
    %add3A_2115 = arith.addi %mul3A_242, %add3A_2114 : vector<16xi32>
    %gather3A_2116 = tpu.vector_load_idx %arg11[%add3A_2115] : memref<9216xf32, #tpu.memory_space<vmem>>[vector<16xi32>], vector<16xf32>,
    %add3A_2117 = arith.addf %add3A_2112, %gather3A_2116 : vector<16xf32>
    %add3A_2118 = arith.constant 5891 : i32
    %add3A_2119 = vector.broadcast %add3A_2118 : i32 to vector<16xi32>
    %add3A_2120 = arith.addi %mul3A_242, %add3A_2119 : vector<16xi32>
    %gather3A_2121 = tpu.vector_load_idx %arg11[%add3A_2120] : memref<9216xf32, #tpu.memory_space<vmem>>[vector<16xi32>], vector<16xf32>,
    %add3A_2122 = arith.addf %add3A_2117, %gather3A_2121 : vector<16xf32>
    %add3A_2123 = arith.constant 5892 : i32
    %add3A_2124 = vector.broadcast %add3A_2123 : i32 to vector<16xi32>
    %add3A_2125 = arith.addi %mul3A_242, %add3A_2124 : vector<16xi32>
    %gather3A_2126 = tpu.vector_load_idx %arg11[%add3A_2125] : memref<9216xf32, #tpu.memory_space<vmem>>[vector<16xi32>], vector<16xf32>,
    %add3A_2127 = arith.addf %add3A_2122, %gather3A_2126 : vector<16xf32>
    %add3A_2128 = arith.constant 5893 : i32
    %add3A_2129 = vector.broadcast %add3A_2128 : i32 to vector<16xi32>
    %add3A_2130 = arith.addi %mul3A_242, %add3A_2129 : vector<16xi32>
    %gather3A_2131 = tpu.vector_load_idx %arg11[%add3A_2130] : memref<9216xf32, #tpu.memory_space<vmem>>[vector<16xi32>], vector<16xf32>,
    %add3A_2132 = arith.addf %add3A_2127, %gather3A_2131 : vector<16xf32>
    %add3A_2133 = arith.constant 5894 : i32
    %add3A_2134 = vector.broadcast %add3A_2133 : i32 to vector<16xi32>
    %add3A_2135 = arith.addi %mul3A_242, %add3A_2134 : vector<16xi32>
    %gather3A_2136 = tpu.vector_load_idx %arg11[%add3A_2135] : memref<9216xf32, #tpu.memory_space<vmem>>[vector<16xi32>], vector<16xf32>,
    %add3A_2137 = arith.addf %add3A_2132, %gather3A_2136 : vector<16xf32>
    %add3A_2138 = arith.constant 5895 : i32
    %add3A_2139 = vector.broadcast %add3A_2138 : i32 to vector<16xi32>
    %add3A_2140 = arith.addi %mul3A_242, %add3A_2139 : vector<16xi32>
    %gather3A_2141 = tpu.vector_load_idx %arg11[%add3A_2140] : memref<9216xf32, #tpu.memory_space<vmem>>[vector<16xi32>], vector<16xf32>,
    %add3A_2142 = arith.addf %add3A_2137, %gather3A_2141 : vector<16xf32>
    %add3A_2143 = arith.constant 5896 : i32
    %add3A_2144 = vector.broadcast %add3A_2143 : i32 to vector<16xi32>
    %add3A_2145 = arith.addi %mul3A_242, %add3A_2144 : vector<16xi32>
    %gather3A_2146 = tpu.vector_load_idx %arg11[%add3A_2145] : memref<9216xf32, #tpu.memory_space<vmem>>[vector<16xi32>], vector<16xf32>,
    %add3A_2147 = arith.addf %add3A_2142, %gather3A_2146 : vector<16xf32>
    %add3A_2148 = arith.constant 5897 : i32
    %add3A_2149 = vector.broadcast %add3A_2148 : i32 to vector<16xi32>
    %add3A_2150 = arith.addi %mul3A_242, %add3A_2149 : vector<16xi32>
    %gather3A_2151 = tpu.vector_load_idx %arg11[%add3A_2150] : memref<9216xf32, #tpu.memory_space<vmem>>[vector<16xi32>], vector<16xf32>,
    %add3A_2152 = arith.addf %add3A_2147, %gather3A_2151 : vector<16xf32>
    %add3A_2153 = arith.constant 5898 : i32
    %add3A_2154 = vector.broadcast %add3A_2153 : i32 to vector<16xi32>
    %add3A_2155 = arith.addi %mul3A_242, %add3A_2154 : vector<16xi32>
    %gather3A_2156 = tpu.vector_load_idx %arg11[%add3A_2155] : memref<9216xf32, #tpu.memory_space<vmem>>[vector<16xi32>], vector<16xf32>,
    %add3A_2157 = arith.addf %add3A_2152, %gather3A_2156 : vector<16xf32>
    %add3A_2158 = arith.constant 5899 : i32
    %add3A_2159 = vector.broadcast %add3A_2158 : i32 to vector<16xi32>
    %add3A_2160 = arith.addi %mul3A_242, %add3A_2159 : vector<16xi32>
    %gather3A_2161 = tpu.vector_load_idx %arg11[%add3A_2160] : memref<9216xf32, #tpu.memory_space<vmem>>[vector<16xi32>], vector<16xf32>,
    %add3A_2162 = arith.addf %add3A_2157, %gather3A_2161 : vector<16xf32>
    %add3A_2163 = arith.constant 5900 : i32
    %add3A_2164 = vector.broadcast %add3A_2163 : i32 to vector<16xi32>
    %add3A_2165 = arith.addi %mul3A_242, %add3A_2164 : vector<16xi32>
    %gather3A_2166 = tpu.vector_load_idx %arg11[%add3A_2165] : memref<9216xf32, #tpu.memory_space<vmem>>[vector<16xi32>], vector<16xf32>,
    %add3A_2167 = arith.addf %add3A_2162, %gather3A_2166 : vector<16xf32>
    %add3A_2168 = arith.constant 5901 : i32
    %add3A_2169 = vector.broadcast %add3A_2168 : i32 to vector<16xi32>
    %add3A_2170 = arith.addi %mul3A_242, %add3A_2169 : vector<16xi32>
    %gather3A_2171 = tpu.vector_load_idx %arg11[%add3A_2170] : memref<9216xf32, #tpu.memory_space<vmem>>[vector<16xi32>], vector<16xf32>,
    %add3A_2172 = arith.addf %add3A_2167, %gather3A_2171 : vector<16xf32>
    %add3A_2173 = arith.constant 5902 : i32
    %add3A_2174 = vector.broadcast %add3A_2173 : i32 to vector<16xi32>
    %add3A_2175 = arith.addi %mul3A_242, %add3A_2174 : vector<16xi32>
    %gather3A_2176 = tpu.vector_load_idx %arg11[%add3A_2175] : memref<9216xf32, #tpu.memory_space<vmem>>[vector<16xi32>], vector<16xf32>,
    %add3A_2177 = arith.addf %add3A_2172, %gather3A_2176 : vector<16xf32>
    %add3A_2178 = arith.constant 5903 : i32
    %add3A_2179 = vector.broadcast %add3A_2178 : i32 to vector<16xi32>
    %add3A_2180 = arith.addi %mul3A_242, %add3A_2179 : vector<16xi32>
    %gather3A_2181 = tpu.vector_load_idx %arg11[%add3A_2180] : memref<9216xf32, #tpu.memory_space<vmem>>[vector<16xi32>], vector<16xf32>,
    %add3A_2182 = arith.addf %add3A_2177, %gather3A_2181 : vector<16xf32>
    %swap3A_2183 = arith.constant 368 : index
    %swap3A_2184 = tpu.vector_load %arg12[%swap3A_2183] {strides = array<i32>} : memref<576xf32, #tpu.memory_space<vmem>>, vector<16xf32>,
    tpu.vector_store %arg12[%swap3A_2183], %add3A_2182 {strides = array<i32>} : memref<576xf32, #tpu.memory_space<vmem>>, vector<16xf32>,
    %add3A_2185 = arith.constant 6144 : i32
    %add3A_2186 = vector.broadcast %add3A_2185 : i32 to vector<16xi32>
    %add3A_2187 = arith.addi %mul3A_242, %add3A_2186 : vector<16xi32>
    %gather3A_2188 = tpu.vector_load_idx %arg11[%add3A_2187] : memref<9216xf32, #tpu.memory_space<vmem>>[vector<16xi32>], vector<16xf32>,
    %add3A_2189 = arith.constant 6145 : i32
    %add3A_2190 = vector.broadcast %add3A_2189 : i32 to vector<16xi32>
    %add3A_2191 = arith.addi %mul3A_242, %add3A_2190 : vector<16xi32>
    %gather3A_2192 = tpu.vector_load_idx %arg11[%add3A_2191] : memref<9216xf32, #tpu.memory_space<vmem>>[vector<16xi32>], vector<16xf32>,
    %add3A_2193 = arith.addf %gather3A_2188, %gather3A_2192 : vector<16xf32>
    %add3A_2194 = arith.constant 6146 : i32
    %add3A_2195 = vector.broadcast %add3A_2194 : i32 to vector<16xi32>
    %add3A_2196 = arith.addi %mul3A_242, %add3A_2195 : vector<16xi32>
    %gather3A_2197 = tpu.vector_load_idx %arg11[%add3A_2196] : memref<9216xf32, #tpu.memory_space<vmem>>[vector<16xi32>], vector<16xf32>,
    %add3A_2198 = arith.addf %add3A_2193, %gather3A_2197 : vector<16xf32>
    %add3A_2199 = arith.constant 6147 : i32
    %add3A_2200 = vector.broadcast %add3A_2199 : i32 to vector<16xi32>
    %add3A_2201 = arith.addi %mul3A_242, %add3A_2200 : vector<16xi32>
    %gather3A_2202 = tpu.vector_load_idx %arg11[%add3A_2201] : memref<9216xf32, #tpu.memory_space<vmem>>[vector<16xi32>], vector<16xf32>,
    %add3A_2203 = arith.addf %add3A_2198, %gather3A_2202 : vector<16xf32>
    %add3A_2204 = arith.constant 6148 : i32
    %add3A_2205 = vector.broadcast %add3A_2204 : i32 to vector<16xi32>
    %add3A_2206 = arith.addi %mul3A_242, %add3A_2205 : vector<16xi32>
    %gather3A_2207 = tpu.vector_load_idx %arg11[%add3A_2206] : memref<9216xf32, #tpu.memory_space<vmem>>[vector<16xi32>], vector<16xf32>,
    %add3A_2208 = arith.addf %add3A_2203, %gather3A_2207 : vector<16xf32>
    %add3A_2209 = arith.constant 6149 : i32
    %add3A_2210 = vector.broadcast %add3A_2209 : i32 to vector<16xi32>
    %add3A_2211 = arith.addi %mul3A_242, %add3A_2210 : vector<16xi32>
    %gather3A_2212 = tpu.vector_load_idx %arg11[%add3A_2211] : memref<9216xf32, #tpu.memory_space<vmem>>[vector<16xi32>], vector<16xf32>,
    %add3A_2213 = arith.addf %add3A_2208, %gather3A_2212 : vector<16xf32>
    %add3A_2214 = arith.constant 6150 : i32
    %add3A_2215 = vector.broadcast %add3A_2214 : i32 to vector<16xi32>
    %add3A_2216 = arith.addi %mul3A_242, %add3A_2215 : vector<16xi32>
    %gather3A_2217 = tpu.vector_load_idx %arg11[%add3A_2216] : memref<9216xf32, #tpu.memory_space<vmem>>[vector<16xi32>], vector<16xf32>,
    %add3A_2218 = arith.addf %add3A_2213, %gather3A_2217 : vector<16xf32>
    %add3A_2219 = arith.constant 6151 : i32
    %add3A_2220 = vector.broadcast %add3A_2219 : i32 to vector<16xi32>
    %add3A_2221 = arith.addi %mul3A_242, %add3A_2220 : vector<16xi32>
    %gather3A_2222 = tpu.vector_load_idx %arg11[%add3A_2221] : memref<9216xf32, #tpu.memory_space<vmem>>[vector<16xi32>], vector<16xf32>,
    %add3A_2223 = arith.addf %add3A_2218, %gather3A_2222 : vector<16xf32>
    %add3A_2224 = arith.constant 6152 : i32
    %add3A_2225 = vector.broadcast %add3A_2224 : i32 to vector<16xi32>
    %add3A_2226 = arith.addi %mul3A_242, %add3A_2225 : vector<16xi32>
    %gather3A_2227 = tpu.vector_load_idx %arg11[%add3A_2226] : memref<9216xf32, #tpu.memory_space<vmem>>[vector<16xi32>], vector<16xf32>,
    %add3A_2228 = arith.addf %add3A_2223, %gather3A_2227 : vector<16xf32>
    %add3A_2229 = arith.constant 6153 : i32
    %add3A_2230 = vector.broadcast %add3A_2229 : i32 to vector<16xi32>
    %add3A_2231 = arith.addi %mul3A_242, %add3A_2230 : vector<16xi32>
    %gather3A_2232 = tpu.vector_load_idx %arg11[%add3A_2231] : memref<9216xf32, #tpu.memory_space<vmem>>[vector<16xi32>], vector<16xf32>,
    %add3A_2233 = arith.addf %add3A_2228, %gather3A_2232 : vector<16xf32>
    %add3A_2234 = arith.constant 6154 : i32
    %add3A_2235 = vector.broadcast %add3A_2234 : i32 to vector<16xi32>
    %add3A_2236 = arith.addi %mul3A_242, %add3A_2235 : vector<16xi32>
    %gather3A_2237 = tpu.vector_load_idx %arg11[%add3A_2236] : memref<9216xf32, #tpu.memory_space<vmem>>[vector<16xi32>], vector<16xf32>,
    %add3A_2238 = arith.addf %add3A_2233, %gather3A_2237 : vector<16xf32>
    %add3A_2239 = arith.constant 6155 : i32
    %add3A_2240 = vector.broadcast %add3A_2239 : i32 to vector<16xi32>
    %add3A_2241 = arith.addi %mul3A_242, %add3A_2240 : vector<16xi32>
    %gather3A_2242 = tpu.vector_load_idx %arg11[%add3A_2241] : memref<9216xf32, #tpu.memory_space<vmem>>[vector<16xi32>], vector<16xf32>,
    %add3A_2243 = arith.addf %add3A_2238, %gather3A_2242 : vector<16xf32>
    %add3A_2244 = arith.constant 6156 : i32
    %add3A_2245 = vector.broadcast %add3A_2244 : i32 to vector<16xi32>
    %add3A_2246 = arith.addi %mul3A_242, %add3A_2245 : vector<16xi32>
    %gather3A_2247 = tpu.vector_load_idx %arg11[%add3A_2246] : memref<9216xf32, #tpu.memory_space<vmem>>[vector<16xi32>], vector<16xf32>,
    %add3A_2248 = arith.addf %add3A_2243, %gather3A_2247 : vector<16xf32>
    %add3A_2249 = arith.constant 6157 : i32
    %add3A_2250 = vector.broadcast %add3A_2249 : i32 to vector<16xi32>
    %add3A_2251 = arith.addi %mul3A_242, %add3A_2250 : vector<16xi32>
    %gather3A_2252 = tpu.vector_load_idx %arg11[%add3A_2251] : memref<9216xf32, #tpu.memory_space<vmem>>[vector<16xi32>], vector<16xf32>,
    %add3A_2253 = arith.addf %add3A_2248, %gather3A_2252 : vector<16xf32>
    %add3A_2254 = arith.constant 6158 : i32
    %add3A_2255 = vector.broadcast %add3A_2254 : i32 to vector<16xi32>
    %add3A_2256 = arith.addi %mul3A_242, %add3A_2255 : vector<16xi32>
    %gather3A_2257 = tpu.vector_load_idx %arg11[%add3A_2256] : memref<9216xf32, #tpu.memory_space<vmem>>[vector<16xi32>], vector<16xf32>,
    %add3A_2258 = arith.addf %add3A_2253, %gather3A_2257 : vector<16xf32>
    %add3A_2259 = arith.constant 6159 : i32
    %add3A_2260 = vector.broadcast %add3A_2259 : i32 to vector<16xi32>
    %add3A_2261 = arith.addi %mul3A_242, %add3A_2260 : vector<16xi32>
    %gather3A_2262 = tpu.vector_load_idx %arg11[%add3A_2261] : memref<9216xf32, #tpu.memory_space<vmem>>[vector<16xi32>], vector<16xf32>,
    %add3A_2263 = arith.addf %add3A_2258, %gather3A_2262 : vector<16xf32>
    %swap3A_2264 = arith.constant 384 : index
    %swap3A_2265 = tpu.vector_load %arg12[%swap3A_2264] {strides = array<i32>} : memref<576xf32, #tpu.memory_space<vmem>>, vector<16xf32>,
    tpu.vector_store %arg12[%swap3A_2264], %add3A_2263 {strides = array<i32>} : memref<576xf32, #tpu.memory_space<vmem>>, vector<16xf32>,
    %add3A_2266 = arith.constant 6400 : i32
    %add3A_2267 = vector.broadcast %add3A_2266 : i32 to vector<16xi32>
    %add3A_2268 = arith.addi %mul3A_242, %add3A_2267 : vector<16xi32>
    %gather3A_2269 = tpu.vector_load_idx %arg11[%add3A_2268] : memref<9216xf32, #tpu.memory_space<vmem>>[vector<16xi32>], vector<16xf32>,
    %add3A_2270 = arith.constant 6401 : i32
    %add3A_2271 = vector.broadcast %add3A_2270 : i32 to vector<16xi32>
    %add3A_2272 = arith.addi %mul3A_242, %add3A_2271 : vector<16xi32>
    %gather3A_2273 = tpu.vector_load_idx %arg11[%add3A_2272] : memref<9216xf32, #tpu.memory_space<vmem>>[vector<16xi32>], vector<16xf32>,
    %add3A_2274 = arith.addf %gather3A_2269, %gather3A_2273 : vector<16xf32>
    %add3A_2275 = arith.constant 6402 : i32
    %add3A_2276 = vector.broadcast %add3A_2275 : i32 to vector<16xi32>
    %add3A_2277 = arith.addi %mul3A_242, %add3A_2276 : vector<16xi32>
    %gather3A_2278 = tpu.vector_load_idx %arg11[%add3A_2277] : memref<9216xf32, #tpu.memory_space<vmem>>[vector<16xi32>], vector<16xf32>,
    %add3A_2279 = arith.addf %add3A_2274, %gather3A_2278 : vector<16xf32>
    %add3A_2280 = arith.constant 6403 : i32
    %add3A_2281 = vector.broadcast %add3A_2280 : i32 to vector<16xi32>
    %add3A_2282 = arith.addi %mul3A_242, %add3A_2281 : vector<16xi32>
    %gather3A_2283 = tpu.vector_load_idx %arg11[%add3A_2282] : memref<9216xf32, #tpu.memory_space<vmem>>[vector<16xi32>], vector<16xf32>,
    %add3A_2284 = arith.addf %add3A_2279, %gather3A_2283 : vector<16xf32>
    %add3A_2285 = arith.constant 6404 : i32
    %add3A_2286 = vector.broadcast %add3A_2285 : i32 to vector<16xi32>
    %add3A_2287 = arith.addi %mul3A_242, %add3A_2286 : vector<16xi32>
    %gather3A_2288 = tpu.vector_load_idx %arg11[%add3A_2287] : memref<9216xf32, #tpu.memory_space<vmem>>[vector<16xi32>], vector<16xf32>,
    %add3A_2289 = arith.addf %add3A_2284, %gather3A_2288 : vector<16xf32>
    %add3A_2290 = arith.constant 6405 : i32
    %add3A_2291 = vector.broadcast %add3A_2290 : i32 to vector<16xi32>
    %add3A_2292 = arith.addi %mul3A_242, %add3A_2291 : vector<16xi32>
    %gather3A_2293 = tpu.vector_load_idx %arg11[%add3A_2292] : memref<9216xf32, #tpu.memory_space<vmem>>[vector<16xi32>], vector<16xf32>,
    %add3A_2294 = arith.addf %add3A_2289, %gather3A_2293 : vector<16xf32>
    %add3A_2295 = arith.constant 6406 : i32
    %add3A_2296 = vector.broadcast %add3A_2295 : i32 to vector<16xi32>
    %add3A_2297 = arith.addi %mul3A_242, %add3A_2296 : vector<16xi32>
    %gather3A_2298 = tpu.vector_load_idx %arg11[%add3A_2297] : memref<9216xf32, #tpu.memory_space<vmem>>[vector<16xi32>], vector<16xf32>,
    %add3A_2299 = arith.addf %add3A_2294, %gather3A_2298 : vector<16xf32>
    %add3A_2300 = arith.constant 6407 : i32
    %add3A_2301 = vector.broadcast %add3A_2300 : i32 to vector<16xi32>
    %add3A_2302 = arith.addi %mul3A_242, %add3A_2301 : vector<16xi32>
    %gather3A_2303 = tpu.vector_load_idx %arg11[%add3A_2302] : memref<9216xf32, #tpu.memory_space<vmem>>[vector<16xi32>], vector<16xf32>,
    %add3A_2304 = arith.addf %add3A_2299, %gather3A_2303 : vector<16xf32>
    %add3A_2305 = arith.constant 6408 : i32
    %add3A_2306 = vector.broadcast %add3A_2305 : i32 to vector<16xi32>
    %add3A_2307 = arith.addi %mul3A_242, %add3A_2306 : vector<16xi32>
    %gather3A_2308 = tpu.vector_load_idx %arg11[%add3A_2307] : memref<9216xf32, #tpu.memory_space<vmem>>[vector<16xi32>], vector<16xf32>,
    %add3A_2309 = arith.addf %add3A_2304, %gather3A_2308 : vector<16xf32>
    %add3A_2310 = arith.constant 6409 : i32
    %add3A_2311 = vector.broadcast %add3A_2310 : i32 to vector<16xi32>
    %add3A_2312 = arith.addi %mul3A_242, %add3A_2311 : vector<16xi32>
    %gather3A_2313 = tpu.vector_load_idx %arg11[%add3A_2312] : memref<9216xf32, #tpu.memory_space<vmem>>[vector<16xi32>], vector<16xf32>,
    %add3A_2314 = arith.addf %add3A_2309, %gather3A_2313 : vector<16xf32>
    %add3A_2315 = arith.constant 6410 : i32
    %add3A_2316 = vector.broadcast %add3A_2315 : i32 to vector<16xi32>
    %add3A_2317 = arith.addi %mul3A_242, %add3A_2316 : vector<16xi32>
    %gather3A_2318 = tpu.vector_load_idx %arg11[%add3A_2317] : memref<9216xf32, #tpu.memory_space<vmem>>[vector<16xi32>], vector<16xf32>,
    %add3A_2319 = arith.addf %add3A_2314, %gather3A_2318 : vector<16xf32>
    %add3A_2320 = arith.constant 6411 : i32
    %add3A_2321 = vector.broadcast %add3A_2320 : i32 to vector<16xi32>
    %add3A_2322 = arith.addi %mul3A_242, %add3A_2321 : vector<16xi32>
    %gather3A_2323 = tpu.vector_load_idx %arg11[%add3A_2322] : memref<9216xf32, #tpu.memory_space<vmem>>[vector<16xi32>], vector<16xf32>,
    %add3A_2324 = arith.addf %add3A_2319, %gather3A_2323 : vector<16xf32>
    %add3A_2325 = arith.constant 6412 : i32
    %add3A_2326 = vector.broadcast %add3A_2325 : i32 to vector<16xi32>
    %add3A_2327 = arith.addi %mul3A_242, %add3A_2326 : vector<16xi32>
    %gather3A_2328 = tpu.vector_load_idx %arg11[%add3A_2327] : memref<9216xf32, #tpu.memory_space<vmem>>[vector<16xi32>], vector<16xf32>,
    %add3A_2329 = arith.addf %add3A_2324, %gather3A_2328 : vector<16xf32>
    %add3A_2330 = arith.constant 6413 : i32
    %add3A_2331 = vector.broadcast %add3A_2330 : i32 to vector<16xi32>
    %add3A_2332 = arith.addi %mul3A_242, %add3A_2331 : vector<16xi32>
    %gather3A_2333 = tpu.vector_load_idx %arg11[%add3A_2332] : memref<9216xf32, #tpu.memory_space<vmem>>[vector<16xi32>], vector<16xf32>,
    %add3A_2334 = arith.addf %add3A_2329, %gather3A_2333 : vector<16xf32>
    %add3A_2335 = arith.constant 6414 : i32
    %add3A_2336 = vector.broadcast %add3A_2335 : i32 to vector<16xi32>
    %add3A_2337 = arith.addi %mul3A_242, %add3A_2336 : vector<16xi32>
    %gather3A_2338 = tpu.vector_load_idx %arg11[%add3A_2337] : memref<9216xf32, #tpu.memory_space<vmem>>[vector<16xi32>], vector<16xf32>,
    %add3A_2339 = arith.addf %add3A_2334, %gather3A_2338 : vector<16xf32>
    %add3A_2340 = arith.constant 6415 : i32
    %add3A_2341 = vector.broadcast %add3A_2340 : i32 to vector<16xi32>
    %add3A_2342 = arith.addi %mul3A_242, %add3A_2341 : vector<16xi32>
    %gather3A_2343 = tpu.vector_load_idx %arg11[%add3A_2342] : memref<9216xf32, #tpu.memory_space<vmem>>[vector<16xi32>], vector<16xf32>,
    %add3A_2344 = arith.addf %add3A_2339, %gather3A_2343 : vector<16xf32>
    %swap3A_2345 = arith.constant 400 : index
    %swap3A_2346 = tpu.vector_load %arg12[%swap3A_2345] {strides = array<i32>} : memref<576xf32, #tpu.memory_space<vmem>>, vector<16xf32>,
    tpu.vector_store %arg12[%swap3A_2345], %add3A_2344 {strides = array<i32>} : memref<576xf32, #tpu.memory_space<vmem>>, vector<16xf32>,
    %add3A_2347 = arith.constant 6656 : i32
    %add3A_2348 = vector.broadcast %add3A_2347 : i32 to vector<16xi32>
    %add3A_2349 = arith.addi %mul3A_242, %add3A_2348 : vector<16xi32>
    %gather3A_2350 = tpu.vector_load_idx %arg11[%add3A_2349] : memref<9216xf32, #tpu.memory_space<vmem>>[vector<16xi32>], vector<16xf32>,
    %add3A_2351 = arith.constant 6657 : i32
    %add3A_2352 = vector.broadcast %add3A_2351 : i32 to vector<16xi32>
    %add3A_2353 = arith.addi %mul3A_242, %add3A_2352 : vector<16xi32>
    %gather3A_2354 = tpu.vector_load_idx %arg11[%add3A_2353] : memref<9216xf32, #tpu.memory_space<vmem>>[vector<16xi32>], vector<16xf32>,
    %add3A_2355 = arith.addf %gather3A_2350, %gather3A_2354 : vector<16xf32>
    %add3A_2356 = arith.constant 6658 : i32
    %add3A_2357 = vector.broadcast %add3A_2356 : i32 to vector<16xi32>
    %add3A_2358 = arith.addi %mul3A_242, %add3A_2357 : vector<16xi32>
    %gather3A_2359 = tpu.vector_load_idx %arg11[%add3A_2358] : memref<9216xf32, #tpu.memory_space<vmem>>[vector<16xi32>], vector<16xf32>,
    %add3A_2360 = arith.addf %add3A_2355, %gather3A_2359 : vector<16xf32>
    %add3A_2361 = arith.constant 6659 : i32
    %add3A_2362 = vector.broadcast %add3A_2361 : i32 to vector<16xi32>
    %add3A_2363 = arith.addi %mul3A_242, %add3A_2362 : vector<16xi32>
    %gather3A_2364 = tpu.vector_load_idx %arg11[%add3A_2363] : memref<9216xf32, #tpu.memory_space<vmem>>[vector<16xi32>], vector<16xf32>,
    %add3A_2365 = arith.addf %add3A_2360, %gather3A_2364 : vector<16xf32>
    %add3A_2366 = arith.constant 6660 : i32
    %add3A_2367 = vector.broadcast %add3A_2366 : i32 to vector<16xi32>
    %add3A_2368 = arith.addi %mul3A_242, %add3A_2367 : vector<16xi32>
    %gather3A_2369 = tpu.vector_load_idx %arg11[%add3A_2368] : memref<9216xf32, #tpu.memory_space<vmem>>[vector<16xi32>], vector<16xf32>,
    %add3A_2370 = arith.addf %add3A_2365, %gather3A_2369 : vector<16xf32>
    %add3A_2371 = arith.constant 6661 : i32
    %add3A_2372 = vector.broadcast %add3A_2371 : i32 to vector<16xi32>
    %add3A_2373 = arith.addi %mul3A_242, %add3A_2372 : vector<16xi32>
    %gather3A_2374 = tpu.vector_load_idx %arg11[%add3A_2373] : memref<9216xf32, #tpu.memory_space<vmem>>[vector<16xi32>], vector<16xf32>,
    %add3A_2375 = arith.addf %add3A_2370, %gather3A_2374 : vector<16xf32>
    %add3A_2376 = arith.constant 6662 : i32
    %add3A_2377 = vector.broadcast %add3A_2376 : i32 to vector<16xi32>
    %add3A_2378 = arith.addi %mul3A_242, %add3A_2377 : vector<16xi32>
    %gather3A_2379 = tpu.vector_load_idx %arg11[%add3A_2378] : memref<9216xf32, #tpu.memory_space<vmem>>[vector<16xi32>], vector<16xf32>,
    %add3A_2380 = arith.addf %add3A_2375, %gather3A_2379 : vector<16xf32>
    %add3A_2381 = arith.constant 6663 : i32
    %add3A_2382 = vector.broadcast %add3A_2381 : i32 to vector<16xi32>
    %add3A_2383 = arith.addi %mul3A_242, %add3A_2382 : vector<16xi32>
    %gather3A_2384 = tpu.vector_load_idx %arg11[%add3A_2383] : memref<9216xf32, #tpu.memory_space<vmem>>[vector<16xi32>], vector<16xf32>,
    %add3A_2385 = arith.addf %add3A_2380, %gather3A_2384 : vector<16xf32>
    %add3A_2386 = arith.constant 6664 : i32
    %add3A_2387 = vector.broadcast %add3A_2386 : i32 to vector<16xi32>
    %add3A_2388 = arith.addi %mul3A_242, %add3A_2387 : vector<16xi32>
    %gather3A_2389 = tpu.vector_load_idx %arg11[%add3A_2388] : memref<9216xf32, #tpu.memory_space<vmem>>[vector<16xi32>], vector<16xf32>,
    %add3A_2390 = arith.addf %add3A_2385, %gather3A_2389 : vector<16xf32>
    %add3A_2391 = arith.constant 6665 : i32
    %add3A_2392 = vector.broadcast %add3A_2391 : i32 to vector<16xi32>
    %add3A_2393 = arith.addi %mul3A_242, %add3A_2392 : vector<16xi32>
    %gather3A_2394 = tpu.vector_load_idx %arg11[%add3A_2393] : memref<9216xf32, #tpu.memory_space<vmem>>[vector<16xi32>], vector<16xf32>,
    %add3A_2395 = arith.addf %add3A_2390, %gather3A_2394 : vector<16xf32>
    %add3A_2396 = arith.constant 6666 : i32
    %add3A_2397 = vector.broadcast %add3A_2396 : i32 to vector<16xi32>
    %add3A_2398 = arith.addi %mul3A_242, %add3A_2397 : vector<16xi32>
    %gather3A_2399 = tpu.vector_load_idx %arg11[%add3A_2398] : memref<9216xf32, #tpu.memory_space<vmem>>[vector<16xi32>], vector<16xf32>,
    %add3A_2400 = arith.addf %add3A_2395, %gather3A_2399 : vector<16xf32>
    %add3A_2401 = arith.constant 6667 : i32
    %add3A_2402 = vector.broadcast %add3A_2401 : i32 to vector<16xi32>
    %add3A_2403 = arith.addi %mul3A_242, %add3A_2402 : vector<16xi32>
    %gather3A_2404 = tpu.vector_load_idx %arg11[%add3A_2403] : memref<9216xf32, #tpu.memory_space<vmem>>[vector<16xi32>], vector<16xf32>,
    %add3A_2405 = arith.addf %add3A_2400, %gather3A_2404 : vector<16xf32>
    %add3A_2406 = arith.constant 6668 : i32
    %add3A_2407 = vector.broadcast %add3A_2406 : i32 to vector<16xi32>
    %add3A_2408 = arith.addi %mul3A_242, %add3A_2407 : vector<16xi32>
    %gather3A_2409 = tpu.vector_load_idx %arg11[%add3A_2408] : memref<9216xf32, #tpu.memory_space<vmem>>[vector<16xi32>], vector<16xf32>,
    %add3A_2410 = arith.addf %add3A_2405, %gather3A_2409 : vector<16xf32>
    %add3A_2411 = arith.constant 6669 : i32
    %add3A_2412 = vector.broadcast %add3A_2411 : i32 to vector<16xi32>
    %add3A_2413 = arith.addi %mul3A_242, %add3A_2412 : vector<16xi32>
    %gather3A_2414 = tpu.vector_load_idx %arg11[%add3A_2413] : memref<9216xf32, #tpu.memory_space<vmem>>[vector<16xi32>], vector<16xf32>,
    %add3A_2415 = arith.addf %add3A_2410, %gather3A_2414 : vector<16xf32>
    %add3A_2416 = arith.constant 6670 : i32
    %add3A_2417 = vector.broadcast %add3A_2416 : i32 to vector<16xi32>
    %add3A_2418 = arith.addi %mul3A_242, %add3A_2417 : vector<16xi32>
    %gather3A_2419 = tpu.vector_load_idx %arg11[%add3A_2418] : memref<9216xf32, #tpu.memory_space<vmem>>[vector<16xi32>], vector<16xf32>,
    %add3A_2420 = arith.addf %add3A_2415, %gather3A_2419 : vector<16xf32>
    %add3A_2421 = arith.constant 6671 : i32
    %add3A_2422 = vector.broadcast %add3A_2421 : i32 to vector<16xi32>
    %add3A_2423 = arith.addi %mul3A_242, %add3A_2422 : vector<16xi32>
    %gather3A_2424 = tpu.vector_load_idx %arg11[%add3A_2423] : memref<9216xf32, #tpu.memory_space<vmem>>[vector<16xi32>], vector<16xf32>,
    %add3A_2425 = arith.addf %add3A_2420, %gather3A_2424 : vector<16xf32>
    %swap3A_2426 = arith.constant 416 : index
    %swap3A_2427 = tpu.vector_load %arg12[%swap3A_2426] {strides = array<i32>} : memref<576xf32, #tpu.memory_space<vmem>>, vector<16xf32>,
    tpu.vector_store %arg12[%swap3A_2426], %add3A_2425 {strides = array<i32>} : memref<576xf32, #tpu.memory_space<vmem>>, vector<16xf32>,
    %add3A_2428 = arith.constant 6912 : i32
    %add3A_2429 = vector.broadcast %add3A_2428 : i32 to vector<16xi32>
    %add3A_2430 = arith.addi %mul3A_242, %add3A_2429 : vector<16xi32>
    %gather3A_2431 = tpu.vector_load_idx %arg11[%add3A_2430] : memref<9216xf32, #tpu.memory_space<vmem>>[vector<16xi32>], vector<16xf32>,
    %add3A_2432 = arith.constant 6913 : i32
    %add3A_2433 = vector.broadcast %add3A_2432 : i32 to vector<16xi32>
    %add3A_2434 = arith.addi %mul3A_242, %add3A_2433 : vector<16xi32>
    %gather3A_2435 = tpu.vector_load_idx %arg11[%add3A_2434] : memref<9216xf32, #tpu.memory_space<vmem>>[vector<16xi32>], vector<16xf32>,
    %add3A_2436 = arith.addf %gather3A_2431, %gather3A_2435 : vector<16xf32>
    %add3A_2437 = arith.constant 6914 : i32
    %add3A_2438 = vector.broadcast %add3A_2437 : i32 to vector<16xi32>
    %add3A_2439 = arith.addi %mul3A_242, %add3A_2438 : vector<16xi32>
    %gather3A_2440 = tpu.vector_load_idx %arg11[%add3A_2439] : memref<9216xf32, #tpu.memory_space<vmem>>[vector<16xi32>], vector<16xf32>,
    %add3A_2441 = arith.addf %add3A_2436, %gather3A_2440 : vector<16xf32>
    %add3A_2442 = arith.constant 6915 : i32
    %add3A_2443 = vector.broadcast %add3A_2442 : i32 to vector<16xi32>
    %add3A_2444 = arith.addi %mul3A_242, %add3A_2443 : vector<16xi32>
    %gather3A_2445 = tpu.vector_load_idx %arg11[%add3A_2444] : memref<9216xf32, #tpu.memory_space<vmem>>[vector<16xi32>], vector<16xf32>,
    %add3A_2446 = arith.addf %add3A_2441, %gather3A_2445 : vector<16xf32>
    %add3A_2447 = arith.constant 6916 : i32
    %add3A_2448 = vector.broadcast %add3A_2447 : i32 to vector<16xi32>
    %add3A_2449 = arith.addi %mul3A_242, %add3A_2448 : vector<16xi32>
    %gather3A_2450 = tpu.vector_load_idx %arg11[%add3A_2449] : memref<9216xf32, #tpu.memory_space<vmem>>[vector<16xi32>], vector<16xf32>,
    %add3A_2451 = arith.addf %add3A_2446, %gather3A_2450 : vector<16xf32>
    %add3A_2452 = arith.constant 6917 : i32
    %add3A_2453 = vector.broadcast %add3A_2452 : i32 to vector<16xi32>
    %add3A_2454 = arith.addi %mul3A_242, %add3A_2453 : vector<16xi32>
    %gather3A_2455 = tpu.vector_load_idx %arg11[%add3A_2454] : memref<9216xf32, #tpu.memory_space<vmem>>[vector<16xi32>], vector<16xf32>,
    %add3A_2456 = arith.addf %add3A_2451, %gather3A_2455 : vector<16xf32>
    %add3A_2457 = arith.constant 6918 : i32
    %add3A_2458 = vector.broadcast %add3A_2457 : i32 to vector<16xi32>
    %add3A_2459 = arith.addi %mul3A_242, %add3A_2458 : vector<16xi32>
    %gather3A_2460 = tpu.vector_load_idx %arg11[%add3A_2459] : memref<9216xf32, #tpu.memory_space<vmem>>[vector<16xi32>], vector<16xf32>,
    %add3A_2461 = arith.addf %add3A_2456, %gather3A_2460 : vector<16xf32>
    %add3A_2462 = arith.constant 6919 : i32
    %add3A_2463 = vector.broadcast %add3A_2462 : i32 to vector<16xi32>
    %add3A_2464 = arith.addi %mul3A_242, %add3A_2463 : vector<16xi32>
    %gather3A_2465 = tpu.vector_load_idx %arg11[%add3A_2464] : memref<9216xf32, #tpu.memory_space<vmem>>[vector<16xi32>], vector<16xf32>,
    %add3A_2466 = arith.addf %add3A_2461, %gather3A_2465 : vector<16xf32>
    %add3A_2467 = arith.constant 6920 : i32
    %add3A_2468 = vector.broadcast %add3A_2467 : i32 to vector<16xi32>
    %add3A_2469 = arith.addi %mul3A_242, %add3A_2468 : vector<16xi32>
    %gather3A_2470 = tpu.vector_load_idx %arg11[%add3A_2469] : memref<9216xf32, #tpu.memory_space<vmem>>[vector<16xi32>], vector<16xf32>,
    %add3A_2471 = arith.addf %add3A_2466, %gather3A_2470 : vector<16xf32>
    %add3A_2472 = arith.constant 6921 : i32
    %add3A_2473 = vector.broadcast %add3A_2472 : i32 to vector<16xi32>
    %add3A_2474 = arith.addi %mul3A_242, %add3A_2473 : vector<16xi32>
    %gather3A_2475 = tpu.vector_load_idx %arg11[%add3A_2474] : memref<9216xf32, #tpu.memory_space<vmem>>[vector<16xi32>], vector<16xf32>,
    %add3A_2476 = arith.addf %add3A_2471, %gather3A_2475 : vector<16xf32>
    %add3A_2477 = arith.constant 6922 : i32
    %add3A_2478 = vector.broadcast %add3A_2477 : i32 to vector<16xi32>
    %add3A_2479 = arith.addi %mul3A_242, %add3A_2478 : vector<16xi32>
    %gather3A_2480 = tpu.vector_load_idx %arg11[%add3A_2479] : memref<9216xf32, #tpu.memory_space<vmem>>[vector<16xi32>], vector<16xf32>,
    %add3A_2481 = arith.addf %add3A_2476, %gather3A_2480 : vector<16xf32>
    %add3A_2482 = arith.constant 6923 : i32
    %add3A_2483 = vector.broadcast %add3A_2482 : i32 to vector<16xi32>
    %add3A_2484 = arith.addi %mul3A_242, %add3A_2483 : vector<16xi32>
    %gather3A_2485 = tpu.vector_load_idx %arg11[%add3A_2484] : memref<9216xf32, #tpu.memory_space<vmem>>[vector<16xi32>], vector<16xf32>,
    %add3A_2486 = arith.addf %add3A_2481, %gather3A_2485 : vector<16xf32>
    %add3A_2487 = arith.constant 6924 : i32
    %add3A_2488 = vector.broadcast %add3A_2487 : i32 to vector<16xi32>
    %add3A_2489 = arith.addi %mul3A_242, %add3A_2488 : vector<16xi32>
    %gather3A_2490 = tpu.vector_load_idx %arg11[%add3A_2489] : memref<9216xf32, #tpu.memory_space<vmem>>[vector<16xi32>], vector<16xf32>,
    %add3A_2491 = arith.addf %add3A_2486, %gather3A_2490 : vector<16xf32>
    %add3A_2492 = arith.constant 6925 : i32
    %add3A_2493 = vector.broadcast %add3A_2492 : i32 to vector<16xi32>
    %add3A_2494 = arith.addi %mul3A_242, %add3A_2493 : vector<16xi32>
    %gather3A_2495 = tpu.vector_load_idx %arg11[%add3A_2494] : memref<9216xf32, #tpu.memory_space<vmem>>[vector<16xi32>], vector<16xf32>,
    %add3A_2496 = arith.addf %add3A_2491, %gather3A_2495 : vector<16xf32>
    %add3A_2497 = arith.constant 6926 : i32
    %add3A_2498 = vector.broadcast %add3A_2497 : i32 to vector<16xi32>
    %add3A_2499 = arith.addi %mul3A_242, %add3A_2498 : vector<16xi32>
    %gather3A_2500 = tpu.vector_load_idx %arg11[%add3A_2499] : memref<9216xf32, #tpu.memory_space<vmem>>[vector<16xi32>], vector<16xf32>,
    %add3A_2501 = arith.addf %add3A_2496, %gather3A_2500 : vector<16xf32>
    %add3A_2502 = arith.constant 6927 : i32
    %add3A_2503 = vector.broadcast %add3A_2502 : i32 to vector<16xi32>
    %add3A_2504 = arith.addi %mul3A_242, %add3A_2503 : vector<16xi32>
    %gather3A_2505 = tpu.vector_load_idx %arg11[%add3A_2504] : memref<9216xf32, #tpu.memory_space<vmem>>[vector<16xi32>], vector<16xf32>,
    %add3A_2506 = arith.addf %add3A_2501, %gather3A_2505 : vector<16xf32>
    %swap3A_2507 = arith.constant 432 : index
    %swap3A_2508 = tpu.vector_load %arg12[%swap3A_2507] {strides = array<i32>} : memref<576xf32, #tpu.memory_space<vmem>>, vector<16xf32>,
    tpu.vector_store %arg12[%swap3A_2507], %add3A_2506 {strides = array<i32>} : memref<576xf32, #tpu.memory_space<vmem>>, vector<16xf32>,
    %add3A_2509 = arith.constant 7168 : i32
    %add3A_2510 = vector.broadcast %add3A_2509 : i32 to vector<16xi32>
    %add3A_2511 = arith.addi %mul3A_242, %add3A_2510 : vector<16xi32>
    %gather3A_2512 = tpu.vector_load_idx %arg11[%add3A_2511] : memref<9216xf32, #tpu.memory_space<vmem>>[vector<16xi32>], vector<16xf32>,
    %add3A_2513 = arith.constant 7169 : i32
    %add3A_2514 = vector.broadcast %add3A_2513 : i32 to vector<16xi32>
    %add3A_2515 = arith.addi %mul3A_242, %add3A_2514 : vector<16xi32>
    %gather3A_2516 = tpu.vector_load_idx %arg11[%add3A_2515] : memref<9216xf32, #tpu.memory_space<vmem>>[vector<16xi32>], vector<16xf32>,
    %add3A_2517 = arith.addf %gather3A_2512, %gather3A_2516 : vector<16xf32>
    %add3A_2518 = arith.constant 7170 : i32
    %add3A_2519 = vector.broadcast %add3A_2518 : i32 to vector<16xi32>
    %add3A_2520 = arith.addi %mul3A_242, %add3A_2519 : vector<16xi32>
    %gather3A_2521 = tpu.vector_load_idx %arg11[%add3A_2520] : memref<9216xf32, #tpu.memory_space<vmem>>[vector<16xi32>], vector<16xf32>,
    %add3A_2522 = arith.addf %add3A_2517, %gather3A_2521 : vector<16xf32>
    %add3A_2523 = arith.constant 7171 : i32
    %add3A_2524 = vector.broadcast %add3A_2523 : i32 to vector<16xi32>
    %add3A_2525 = arith.addi %mul3A_242, %add3A_2524 : vector<16xi32>
    %gather3A_2526 = tpu.vector_load_idx %arg11[%add3A_2525] : memref<9216xf32, #tpu.memory_space<vmem>>[vector<16xi32>], vector<16xf32>,
    %add3A_2527 = arith.addf %add3A_2522, %gather3A_2526 : vector<16xf32>
    %add3A_2528 = arith.constant 7172 : i32
    %add3A_2529 = vector.broadcast %add3A_2528 : i32 to vector<16xi32>
    %add3A_2530 = arith.addi %mul3A_242, %add3A_2529 : vector<16xi32>
    %gather3A_2531 = tpu.vector_load_idx %arg11[%add3A_2530] : memref<9216xf32, #tpu.memory_space<vmem>>[vector<16xi32>], vector<16xf32>,
    %add3A_2532 = arith.addf %add3A_2527, %gather3A_2531 : vector<16xf32>
    %add3A_2533 = arith.constant 7173 : i32
    %add3A_2534 = vector.broadcast %add3A_2533 : i32 to vector<16xi32>
    %add3A_2535 = arith.addi %mul3A_242, %add3A_2534 : vector<16xi32>
    %gather3A_2536 = tpu.vector_load_idx %arg11[%add3A_2535] : memref<9216xf32, #tpu.memory_space<vmem>>[vector<16xi32>], vector<16xf32>,
    %add3A_2537 = arith.addf %add3A_2532, %gather3A_2536 : vector<16xf32>
    %add3A_2538 = arith.constant 7174 : i32
    %add3A_2539 = vector.broadcast %add3A_2538 : i32 to vector<16xi32>
    %add3A_2540 = arith.addi %mul3A_242, %add3A_2539 : vector<16xi32>
    %gather3A_2541 = tpu.vector_load_idx %arg11[%add3A_2540] : memref<9216xf32, #tpu.memory_space<vmem>>[vector<16xi32>], vector<16xf32>,
    %add3A_2542 = arith.addf %add3A_2537, %gather3A_2541 : vector<16xf32>
    %add3A_2543 = arith.constant 7175 : i32
    %add3A_2544 = vector.broadcast %add3A_2543 : i32 to vector<16xi32>
    %add3A_2545 = arith.addi %mul3A_242, %add3A_2544 : vector<16xi32>
    %gather3A_2546 = tpu.vector_load_idx %arg11[%add3A_2545] : memref<9216xf32, #tpu.memory_space<vmem>>[vector<16xi32>], vector<16xf32>,
    %add3A_2547 = arith.addf %add3A_2542, %gather3A_2546 : vector<16xf32>
    %add3A_2548 = arith.constant 7176 : i32
    %add3A_2549 = vector.broadcast %add3A_2548 : i32 to vector<16xi32>
    %add3A_2550 = arith.addi %mul3A_242, %add3A_2549 : vector<16xi32>
    %gather3A_2551 = tpu.vector_load_idx %arg11[%add3A_2550] : memref<9216xf32, #tpu.memory_space<vmem>>[vector<16xi32>], vector<16xf32>,
    %add3A_2552 = arith.addf %add3A_2547, %gather3A_2551 : vector<16xf32>
    %add3A_2553 = arith.constant 7177 : i32
    %add3A_2554 = vector.broadcast %add3A_2553 : i32 to vector<16xi32>
    %add3A_2555 = arith.addi %mul3A_242, %add3A_2554 : vector<16xi32>
    %gather3A_2556 = tpu.vector_load_idx %arg11[%add3A_2555] : memref<9216xf32, #tpu.memory_space<vmem>>[vector<16xi32>], vector<16xf32>,
    %add3A_2557 = arith.addf %add3A_2552, %gather3A_2556 : vector<16xf32>
    %add3A_2558 = arith.constant 7178 : i32
    %add3A_2559 = vector.broadcast %add3A_2558 : i32 to vector<16xi32>
    %add3A_2560 = arith.addi %mul3A_242, %add3A_2559 : vector<16xi32>
    %gather3A_2561 = tpu.vector_load_idx %arg11[%add3A_2560] : memref<9216xf32, #tpu.memory_space<vmem>>[vector<16xi32>], vector<16xf32>,
    %add3A_2562 = arith.addf %add3A_2557, %gather3A_2561 : vector<16xf32>
    %add3A_2563 = arith.constant 7179 : i32
    %add3A_2564 = vector.broadcast %add3A_2563 : i32 to vector<16xi32>
    %add3A_2565 = arith.addi %mul3A_242, %add3A_2564 : vector<16xi32>
    %gather3A_2566 = tpu.vector_load_idx %arg11[%add3A_2565] : memref<9216xf32, #tpu.memory_space<vmem>>[vector<16xi32>], vector<16xf32>,
    %add3A_2567 = arith.addf %add3A_2562, %gather3A_2566 : vector<16xf32>
    %add3A_2568 = arith.constant 7180 : i32
    %add3A_2569 = vector.broadcast %add3A_2568 : i32 to vector<16xi32>
    %add3A_2570 = arith.addi %mul3A_242, %add3A_2569 : vector<16xi32>
    %gather3A_2571 = tpu.vector_load_idx %arg11[%add3A_2570] : memref<9216xf32, #tpu.memory_space<vmem>>[vector<16xi32>], vector<16xf32>,
    %add3A_2572 = arith.addf %add3A_2567, %gather3A_2571 : vector<16xf32>
    %add3A_2573 = arith.constant 7181 : i32
    %add3A_2574 = vector.broadcast %add3A_2573 : i32 to vector<16xi32>
    %add3A_2575 = arith.addi %mul3A_242, %add3A_2574 : vector<16xi32>
    %gather3A_2576 = tpu.vector_load_idx %arg11[%add3A_2575] : memref<9216xf32, #tpu.memory_space<vmem>>[vector<16xi32>], vector<16xf32>,
    %add3A_2577 = arith.addf %add3A_2572, %gather3A_2576 : vector<16xf32>
    %add3A_2578 = arith.constant 7182 : i32
    %add3A_2579 = vector.broadcast %add3A_2578 : i32 to vector<16xi32>
    %add3A_2580 = arith.addi %mul3A_242, %add3A_2579 : vector<16xi32>
    %gather3A_2581 = tpu.vector_load_idx %arg11[%add3A_2580] : memref<9216xf32, #tpu.memory_space<vmem>>[vector<16xi32>], vector<16xf32>,
    %add3A_2582 = arith.addf %add3A_2577, %gather3A_2581 : vector<16xf32>
    %add3A_2583 = arith.constant 7183 : i32
    %add3A_2584 = vector.broadcast %add3A_2583 : i32 to vector<16xi32>
    %add3A_2585 = arith.addi %mul3A_242, %add3A_2584 : vector<16xi32>
    %gather3A_2586 = tpu.vector_load_idx %arg11[%add3A_2585] : memref<9216xf32, #tpu.memory_space<vmem>>[vector<16xi32>], vector<16xf32>,
    %add3A_2587 = arith.addf %add3A_2582, %gather3A_2586 : vector<16xf32>
    %swap3A_2588 = arith.constant 448 : index
    %swap3A_2589 = tpu.vector_load %arg12[%swap3A_2588] {strides = array<i32>} : memref<576xf32, #tpu.memory_space<vmem>>, vector<16xf32>,
    tpu.vector_store %arg12[%swap3A_2588], %add3A_2587 {strides = array<i32>} : memref<576xf32, #tpu.memory_space<vmem>>, vector<16xf32>,
    %add3A_2590 = arith.constant 7424 : i32
    %add3A_2591 = vector.broadcast %add3A_2590 : i32 to vector<16xi32>
    %add3A_2592 = arith.addi %mul3A_242, %add3A_2591 : vector<16xi32>
    %gather3A_2593 = tpu.vector_load_idx %arg11[%add3A_2592] : memref<9216xf32, #tpu.memory_space<vmem>>[vector<16xi32>], vector<16xf32>,
    %add3A_2594 = arith.constant 7425 : i32
    %add3A_2595 = vector.broadcast %add3A_2594 : i32 to vector<16xi32>
    %add3A_2596 = arith.addi %mul3A_242, %add3A_2595 : vector<16xi32>
    %gather3A_2597 = tpu.vector_load_idx %arg11[%add3A_2596] : memref<9216xf32, #tpu.memory_space<vmem>>[vector<16xi32>], vector<16xf32>,
    %add3A_2598 = arith.addf %gather3A_2593, %gather3A_2597 : vector<16xf32>
    %add3A_2599 = arith.constant 7426 : i32
    %add3A_2600 = vector.broadcast %add3A_2599 : i32 to vector<16xi32>
    %add3A_2601 = arith.addi %mul3A_242, %add3A_2600 : vector<16xi32>
    %gather3A_2602 = tpu.vector_load_idx %arg11[%add3A_2601] : memref<9216xf32, #tpu.memory_space<vmem>>[vector<16xi32>], vector<16xf32>,
    %add3A_2603 = arith.addf %add3A_2598, %gather3A_2602 : vector<16xf32>
    %add3A_2604 = arith.constant 7427 : i32
    %add3A_2605 = vector.broadcast %add3A_2604 : i32 to vector<16xi32>
    %add3A_2606 = arith.addi %mul3A_242, %add3A_2605 : vector<16xi32>
    %gather3A_2607 = tpu.vector_load_idx %arg11[%add3A_2606] : memref<9216xf32, #tpu.memory_space<vmem>>[vector<16xi32>], vector<16xf32>,
    %add3A_2608 = arith.addf %add3A_2603, %gather3A_2607 : vector<16xf32>
    %add3A_2609 = arith.constant 7428 : i32
    %add3A_2610 = vector.broadcast %add3A_2609 : i32 to vector<16xi32>
    %add3A_2611 = arith.addi %mul3A_242, %add3A_2610 : vector<16xi32>
    %gather3A_2612 = tpu.vector_load_idx %arg11[%add3A_2611] : memref<9216xf32, #tpu.memory_space<vmem>>[vector<16xi32>], vector<16xf32>,
    %add3A_2613 = arith.addf %add3A_2608, %gather3A_2612 : vector<16xf32>
    %add3A_2614 = arith.constant 7429 : i32
    %add3A_2615 = vector.broadcast %add3A_2614 : i32 to vector<16xi32>
    %add3A_2616 = arith.addi %mul3A_242, %add3A_2615 : vector<16xi32>
    %gather3A_2617 = tpu.vector_load_idx %arg11[%add3A_2616] : memref<9216xf32, #tpu.memory_space<vmem>>[vector<16xi32>], vector<16xf32>,
    %add3A_2618 = arith.addf %add3A_2613, %gather3A_2617 : vector<16xf32>
    %add3A_2619 = arith.constant 7430 : i32
    %add3A_2620 = vector.broadcast %add3A_2619 : i32 to vector<16xi32>
    %add3A_2621 = arith.addi %mul3A_242, %add3A_2620 : vector<16xi32>
    %gather3A_2622 = tpu.vector_load_idx %arg11[%add3A_2621] : memref<9216xf32, #tpu.memory_space<vmem>>[vector<16xi32>], vector<16xf32>,
    %add3A_2623 = arith.addf %add3A_2618, %gather3A_2622 : vector<16xf32>
    %add3A_2624 = arith.constant 7431 : i32
    %add3A_2625 = vector.broadcast %add3A_2624 : i32 to vector<16xi32>
    %add3A_2626 = arith.addi %mul3A_242, %add3A_2625 : vector<16xi32>
    %gather3A_2627 = tpu.vector_load_idx %arg11[%add3A_2626] : memref<9216xf32, #tpu.memory_space<vmem>>[vector<16xi32>], vector<16xf32>,
    %add3A_2628 = arith.addf %add3A_2623, %gather3A_2627 : vector<16xf32>
    %add3A_2629 = arith.constant 7432 : i32
    %add3A_2630 = vector.broadcast %add3A_2629 : i32 to vector<16xi32>
    %add3A_2631 = arith.addi %mul3A_242, %add3A_2630 : vector<16xi32>
    %gather3A_2632 = tpu.vector_load_idx %arg11[%add3A_2631] : memref<9216xf32, #tpu.memory_space<vmem>>[vector<16xi32>], vector<16xf32>,
    %add3A_2633 = arith.addf %add3A_2628, %gather3A_2632 : vector<16xf32>
    %add3A_2634 = arith.constant 7433 : i32
    %add3A_2635 = vector.broadcast %add3A_2634 : i32 to vector<16xi32>
    %add3A_2636 = arith.addi %mul3A_242, %add3A_2635 : vector<16xi32>
    %gather3A_2637 = tpu.vector_load_idx %arg11[%add3A_2636] : memref<9216xf32, #tpu.memory_space<vmem>>[vector<16xi32>], vector<16xf32>,
    %add3A_2638 = arith.addf %add3A_2633, %gather3A_2637 : vector<16xf32>
    %add3A_2639 = arith.constant 7434 : i32
    %add3A_2640 = vector.broadcast %add3A_2639 : i32 to vector<16xi32>
    %add3A_2641 = arith.addi %mul3A_242, %add3A_2640 : vector<16xi32>
    %gather3A_2642 = tpu.vector_load_idx %arg11[%add3A_2641] : memref<9216xf32, #tpu.memory_space<vmem>>[vector<16xi32>], vector<16xf32>,
    %add3A_2643 = arith.addf %add3A_2638, %gather3A_2642 : vector<16xf32>
    %add3A_2644 = arith.constant 7435 : i32
    %add3A_2645 = vector.broadcast %add3A_2644 : i32 to vector<16xi32>
    %add3A_2646 = arith.addi %mul3A_242, %add3A_2645 : vector<16xi32>
    %gather3A_2647 = tpu.vector_load_idx %arg11[%add3A_2646] : memref<9216xf32, #tpu.memory_space<vmem>>[vector<16xi32>], vector<16xf32>,
    %add3A_2648 = arith.addf %add3A_2643, %gather3A_2647 : vector<16xf32>
    %add3A_2649 = arith.constant 7436 : i32
    %add3A_2650 = vector.broadcast %add3A_2649 : i32 to vector<16xi32>
    %add3A_2651 = arith.addi %mul3A_242, %add3A_2650 : vector<16xi32>
    %gather3A_2652 = tpu.vector_load_idx %arg11[%add3A_2651] : memref<9216xf32, #tpu.memory_space<vmem>>[vector<16xi32>], vector<16xf32>,
    %add3A_2653 = arith.addf %add3A_2648, %gather3A_2652 : vector<16xf32>
    %add3A_2654 = arith.constant 7437 : i32
    %add3A_2655 = vector.broadcast %add3A_2654 : i32 to vector<16xi32>
    %add3A_2656 = arith.addi %mul3A_242, %add3A_2655 : vector<16xi32>
    %gather3A_2657 = tpu.vector_load_idx %arg11[%add3A_2656] : memref<9216xf32, #tpu.memory_space<vmem>>[vector<16xi32>], vector<16xf32>,
    %add3A_2658 = arith.addf %add3A_2653, %gather3A_2657 : vector<16xf32>
    %add3A_2659 = arith.constant 7438 : i32
    %add3A_2660 = vector.broadcast %add3A_2659 : i32 to vector<16xi32>
    %add3A_2661 = arith.addi %mul3A_242, %add3A_2660 : vector<16xi32>
    %gather3A_2662 = tpu.vector_load_idx %arg11[%add3A_2661] : memref<9216xf32, #tpu.memory_space<vmem>>[vector<16xi32>], vector<16xf32>,
    %add3A_2663 = arith.addf %add3A_2658, %gather3A_2662 : vector<16xf32>
    %add3A_2664 = arith.constant 7439 : i32
    %add3A_2665 = vector.broadcast %add3A_2664 : i32 to vector<16xi32>
    %add3A_2666 = arith.addi %mul3A_242, %add3A_2665 : vector<16xi32>
    %gather3A_2667 = tpu.vector_load_idx %arg11[%add3A_2666] : memref<9216xf32, #tpu.memory_space<vmem>>[vector<16xi32>], vector<16xf32>,
    %add3A_2668 = arith.addf %add3A_2663, %gather3A_2667 : vector<16xf32>
    %swap3A_2669 = arith.constant 464 : index
    %swap3A_2670 = tpu.vector_load %arg12[%swap3A_2669] {strides = array<i32>} : memref<576xf32, #tpu.memory_space<vmem>>, vector<16xf32>,
    tpu.vector_store %arg12[%swap3A_2669], %add3A_2668 {strides = array<i32>} : memref<576xf32, #tpu.memory_space<vmem>>, vector<16xf32>,
    %add3A_2671 = arith.constant 7680 : i32
    %add3A_2672 = vector.broadcast %add3A_2671 : i32 to vector<16xi32>
    %add3A_2673 = arith.addi %mul3A_242, %add3A_2672 : vector<16xi32>
    %gather3A_2674 = tpu.vector_load_idx %arg11[%add3A_2673] : memref<9216xf32, #tpu.memory_space<vmem>>[vector<16xi32>], vector<16xf32>,
    %add3A_2675 = arith.constant 7681 : i32
    %add3A_2676 = vector.broadcast %add3A_2675 : i32 to vector<16xi32>
    %add3A_2677 = arith.addi %mul3A_242, %add3A_2676 : vector<16xi32>
    %gather3A_2678 = tpu.vector_load_idx %arg11[%add3A_2677] : memref<9216xf32, #tpu.memory_space<vmem>>[vector<16xi32>], vector<16xf32>,
    %add3A_2679 = arith.addf %gather3A_2674, %gather3A_2678 : vector<16xf32>
    %add3A_2680 = arith.constant 7682 : i32
    %add3A_2681 = vector.broadcast %add3A_2680 : i32 to vector<16xi32>
    %add3A_2682 = arith.addi %mul3A_242, %add3A_2681 : vector<16xi32>
    %gather3A_2683 = tpu.vector_load_idx %arg11[%add3A_2682] : memref<9216xf32, #tpu.memory_space<vmem>>[vector<16xi32>], vector<16xf32>,
    %add3A_2684 = arith.addf %add3A_2679, %gather3A_2683 : vector<16xf32>
    %add3A_2685 = arith.constant 7683 : i32
    %add3A_2686 = vector.broadcast %add3A_2685 : i32 to vector<16xi32>
    %add3A_2687 = arith.addi %mul3A_242, %add3A_2686 : vector<16xi32>
    %gather3A_2688 = tpu.vector_load_idx %arg11[%add3A_2687] : memref<9216xf32, #tpu.memory_space<vmem>>[vector<16xi32>], vector<16xf32>,
    %add3A_2689 = arith.addf %add3A_2684, %gather3A_2688 : vector<16xf32>
    %add3A_2690 = arith.constant 7684 : i32
    %add3A_2691 = vector.broadcast %add3A_2690 : i32 to vector<16xi32>
    %add3A_2692 = arith.addi %mul3A_242, %add3A_2691 : vector<16xi32>
    %gather3A_2693 = tpu.vector_load_idx %arg11[%add3A_2692] : memref<9216xf32, #tpu.memory_space<vmem>>[vector<16xi32>], vector<16xf32>,
    %add3A_2694 = arith.addf %add3A_2689, %gather3A_2693 : vector<16xf32>
    %add3A_2695 = arith.constant 7685 : i32
    %add3A_2696 = vector.broadcast %add3A_2695 : i32 to vector<16xi32>
    %add3A_2697 = arith.addi %mul3A_242, %add3A_2696 : vector<16xi32>
    %gather3A_2698 = tpu.vector_load_idx %arg11[%add3A_2697] : memref<9216xf32, #tpu.memory_space<vmem>>[vector<16xi32>], vector<16xf32>,
    %add3A_2699 = arith.addf %add3A_2694, %gather3A_2698 : vector<16xf32>
    %add3A_2700 = arith.constant 7686 : i32
    %add3A_2701 = vector.broadcast %add3A_2700 : i32 to vector<16xi32>
    %add3A_2702 = arith.addi %mul3A_242, %add3A_2701 : vector<16xi32>
    %gather3A_2703 = tpu.vector_load_idx %arg11[%add3A_2702] : memref<9216xf32, #tpu.memory_space<vmem>>[vector<16xi32>], vector<16xf32>,
    %add3A_2704 = arith.addf %add3A_2699, %gather3A_2703 : vector<16xf32>
    %add3A_2705 = arith.constant 7687 : i32
    %add3A_2706 = vector.broadcast %add3A_2705 : i32 to vector<16xi32>
    %add3A_2707 = arith.addi %mul3A_242, %add3A_2706 : vector<16xi32>
    %gather3A_2708 = tpu.vector_load_idx %arg11[%add3A_2707] : memref<9216xf32, #tpu.memory_space<vmem>>[vector<16xi32>], vector<16xf32>,
    %add3A_2709 = arith.addf %add3A_2704, %gather3A_2708 : vector<16xf32>
    %add3A_2710 = arith.constant 7688 : i32
    %add3A_2711 = vector.broadcast %add3A_2710 : i32 to vector<16xi32>
    %add3A_2712 = arith.addi %mul3A_242, %add3A_2711 : vector<16xi32>
    %gather3A_2713 = tpu.vector_load_idx %arg11[%add3A_2712] : memref<9216xf32, #tpu.memory_space<vmem>>[vector<16xi32>], vector<16xf32>,
    %add3A_2714 = arith.addf %add3A_2709, %gather3A_2713 : vector<16xf32>
    %add3A_2715 = arith.constant 7689 : i32
    %add3A_2716 = vector.broadcast %add3A_2715 : i32 to vector<16xi32>
    %add3A_2717 = arith.addi %mul3A_242, %add3A_2716 : vector<16xi32>
    %gather3A_2718 = tpu.vector_load_idx %arg11[%add3A_2717] : memref<9216xf32, #tpu.memory_space<vmem>>[vector<16xi32>], vector<16xf32>,
    %add3A_2719 = arith.addf %add3A_2714, %gather3A_2718 : vector<16xf32>
    %add3A_2720 = arith.constant 7690 : i32
    %add3A_2721 = vector.broadcast %add3A_2720 : i32 to vector<16xi32>
    %add3A_2722 = arith.addi %mul3A_242, %add3A_2721 : vector<16xi32>
    %gather3A_2723 = tpu.vector_load_idx %arg11[%add3A_2722] : memref<9216xf32, #tpu.memory_space<vmem>>[vector<16xi32>], vector<16xf32>,
    %add3A_2724 = arith.addf %add3A_2719, %gather3A_2723 : vector<16xf32>
    %add3A_2725 = arith.constant 7691 : i32
    %add3A_2726 = vector.broadcast %add3A_2725 : i32 to vector<16xi32>
    %add3A_2727 = arith.addi %mul3A_242, %add3A_2726 : vector<16xi32>
    %gather3A_2728 = tpu.vector_load_idx %arg11[%add3A_2727] : memref<9216xf32, #tpu.memory_space<vmem>>[vector<16xi32>], vector<16xf32>,
    %add3A_2729 = arith.addf %add3A_2724, %gather3A_2728 : vector<16xf32>
    %add3A_2730 = arith.constant 7692 : i32
    %add3A_2731 = vector.broadcast %add3A_2730 : i32 to vector<16xi32>
    %add3A_2732 = arith.addi %mul3A_242, %add3A_2731 : vector<16xi32>
    %gather3A_2733 = tpu.vector_load_idx %arg11[%add3A_2732] : memref<9216xf32, #tpu.memory_space<vmem>>[vector<16xi32>], vector<16xf32>,
    %add3A_2734 = arith.addf %add3A_2729, %gather3A_2733 : vector<16xf32>
    %add3A_2735 = arith.constant 7693 : i32
    %add3A_2736 = vector.broadcast %add3A_2735 : i32 to vector<16xi32>
    %add3A_2737 = arith.addi %mul3A_242, %add3A_2736 : vector<16xi32>
    %gather3A_2738 = tpu.vector_load_idx %arg11[%add3A_2737] : memref<9216xf32, #tpu.memory_space<vmem>>[vector<16xi32>], vector<16xf32>,
    %add3A_2739 = arith.addf %add3A_2734, %gather3A_2738 : vector<16xf32>
    %add3A_2740 = arith.constant 7694 : i32
    %add3A_2741 = vector.broadcast %add3A_2740 : i32 to vector<16xi32>
    %add3A_2742 = arith.addi %mul3A_242, %add3A_2741 : vector<16xi32>
    %gather3A_2743 = tpu.vector_load_idx %arg11[%add3A_2742] : memref<9216xf32, #tpu.memory_space<vmem>>[vector<16xi32>], vector<16xf32>,
    %add3A_2744 = arith.addf %add3A_2739, %gather3A_2743 : vector<16xf32>
    %add3A_2745 = arith.constant 7695 : i32
    %add3A_2746 = vector.broadcast %add3A_2745 : i32 to vector<16xi32>
    %add3A_2747 = arith.addi %mul3A_242, %add3A_2746 : vector<16xi32>
    %gather3A_2748 = tpu.vector_load_idx %arg11[%add3A_2747] : memref<9216xf32, #tpu.memory_space<vmem>>[vector<16xi32>], vector<16xf32>,
    %add3A_2749 = arith.addf %add3A_2744, %gather3A_2748 : vector<16xf32>
    %swap3A_2750 = arith.constant 480 : index
    %swap3A_2751 = tpu.vector_load %arg12[%swap3A_2750] {strides = array<i32>} : memref<576xf32, #tpu.memory_space<vmem>>, vector<16xf32>,
    tpu.vector_store %arg12[%swap3A_2750], %add3A_2749 {strides = array<i32>} : memref<576xf32, #tpu.memory_space<vmem>>, vector<16xf32>,
    %add3A_2752 = arith.constant 7936 : i32
    %add3A_2753 = vector.broadcast %add3A_2752 : i32 to vector<16xi32>
    %add3A_2754 = arith.addi %mul3A_242, %add3A_2753 : vector<16xi32>
    %gather3A_2755 = tpu.vector_load_idx %arg11[%add3A_2754] : memref<9216xf32, #tpu.memory_space<vmem>>[vector<16xi32>], vector<16xf32>,
    %add3A_2756 = arith.constant 7937 : i32
    %add3A_2757 = vector.broadcast %add3A_2756 : i32 to vector<16xi32>
    %add3A_2758 = arith.addi %mul3A_242, %add3A_2757 : vector<16xi32>
    %gather3A_2759 = tpu.vector_load_idx %arg11[%add3A_2758] : memref<9216xf32, #tpu.memory_space<vmem>>[vector<16xi32>], vector<16xf32>,
    %add3A_2760 = arith.addf %gather3A_2755, %gather3A_2759 : vector<16xf32>
    %add3A_2761 = arith.constant 7938 : i32
    %add3A_2762 = vector.broadcast %add3A_2761 : i32 to vector<16xi32>
    %add3A_2763 = arith.addi %mul3A_242, %add3A_2762 : vector<16xi32>
    %gather3A_2764 = tpu.vector_load_idx %arg11[%add3A_2763] : memref<9216xf32, #tpu.memory_space<vmem>>[vector<16xi32>], vector<16xf32>,
    %add3A_2765 = arith.addf %add3A_2760, %gather3A_2764 : vector<16xf32>
    %add3A_2766 = arith.constant 7939 : i32
    %add3A_2767 = vector.broadcast %add3A_2766 : i32 to vector<16xi32>
    %add3A_2768 = arith.addi %mul3A_242, %add3A_2767 : vector<16xi32>
    %gather3A_2769 = tpu.vector_load_idx %arg11[%add3A_2768] : memref<9216xf32, #tpu.memory_space<vmem>>[vector<16xi32>], vector<16xf32>,
    %add3A_2770 = arith.addf %add3A_2765, %gather3A_2769 : vector<16xf32>
    %add3A_2771 = arith.constant 7940 : i32
    %add3A_2772 = vector.broadcast %add3A_2771 : i32 to vector<16xi32>
    %add3A_2773 = arith.addi %mul3A_242, %add3A_2772 : vector<16xi32>
    %gather3A_2774 = tpu.vector_load_idx %arg11[%add3A_2773] : memref<9216xf32, #tpu.memory_space<vmem>>[vector<16xi32>], vector<16xf32>,
    %add3A_2775 = arith.addf %add3A_2770, %gather3A_2774 : vector<16xf32>
    %add3A_2776 = arith.constant 7941 : i32
    %add3A_2777 = vector.broadcast %add3A_2776 : i32 to vector<16xi32>
    %add3A_2778 = arith.addi %mul3A_242, %add3A_2777 : vector<16xi32>
    %gather3A_2779 = tpu.vector_load_idx %arg11[%add3A_2778] : memref<9216xf32, #tpu.memory_space<vmem>>[vector<16xi32>], vector<16xf32>,
    %add3A_2780 = arith.addf %add3A_2775, %gather3A_2779 : vector<16xf32>
    %add3A_2781 = arith.constant 7942 : i32
    %add3A_2782 = vector.broadcast %add3A_2781 : i32 to vector<16xi32>
    %add3A_2783 = arith.addi %mul3A_242, %add3A_2782 : vector<16xi32>
    %gather3A_2784 = tpu.vector_load_idx %arg11[%add3A_2783] : memref<9216xf32, #tpu.memory_space<vmem>>[vector<16xi32>], vector<16xf32>,
    %add3A_2785 = arith.addf %add3A_2780, %gather3A_2784 : vector<16xf32>
    %add3A_2786 = arith.constant 7943 : i32
    %add3A_2787 = vector.broadcast %add3A_2786 : i32 to vector<16xi32>
    %add3A_2788 = arith.addi %mul3A_242, %add3A_2787 : vector<16xi32>
    %gather3A_2789 = tpu.vector_load_idx %arg11[%add3A_2788] : memref<9216xf32, #tpu.memory_space<vmem>>[vector<16xi32>], vector<16xf32>,
    %add3A_2790 = arith.addf %add3A_2785, %gather3A_2789 : vector<16xf32>
    %add3A_2791 = arith.constant 7944 : i32
    %add3A_2792 = vector.broadcast %add3A_2791 : i32 to vector<16xi32>
    %add3A_2793 = arith.addi %mul3A_242, %add3A_2792 : vector<16xi32>
    %gather3A_2794 = tpu.vector_load_idx %arg11[%add3A_2793] : memref<9216xf32, #tpu.memory_space<vmem>>[vector<16xi32>], vector<16xf32>,
    %add3A_2795 = arith.addf %add3A_2790, %gather3A_2794 : vector<16xf32>
    %add3A_2796 = arith.constant 7945 : i32
    %add3A_2797 = vector.broadcast %add3A_2796 : i32 to vector<16xi32>
    %add3A_2798 = arith.addi %mul3A_242, %add3A_2797 : vector<16xi32>
    %gather3A_2799 = tpu.vector_load_idx %arg11[%add3A_2798] : memref<9216xf32, #tpu.memory_space<vmem>>[vector<16xi32>], vector<16xf32>,
    %add3A_2800 = arith.addf %add3A_2795, %gather3A_2799 : vector<16xf32>
    %add3A_2801 = arith.constant 7946 : i32
    %add3A_2802 = vector.broadcast %add3A_2801 : i32 to vector<16xi32>
    %add3A_2803 = arith.addi %mul3A_242, %add3A_2802 : vector<16xi32>
    %gather3A_2804 = tpu.vector_load_idx %arg11[%add3A_2803] : memref<9216xf32, #tpu.memory_space<vmem>>[vector<16xi32>], vector<16xf32>,
    %add3A_2805 = arith.addf %add3A_2800, %gather3A_2804 : vector<16xf32>
    %add3A_2806 = arith.constant 7947 : i32
    %add3A_2807 = vector.broadcast %add3A_2806 : i32 to vector<16xi32>
    %add3A_2808 = arith.addi %mul3A_242, %add3A_2807 : vector<16xi32>
    %gather3A_2809 = tpu.vector_load_idx %arg11[%add3A_2808] : memref<9216xf32, #tpu.memory_space<vmem>>[vector<16xi32>], vector<16xf32>,
    %add3A_2810 = arith.addf %add3A_2805, %gather3A_2809 : vector<16xf32>
    %add3A_2811 = arith.constant 7948 : i32
    %add3A_2812 = vector.broadcast %add3A_2811 : i32 to vector<16xi32>
    %add3A_2813 = arith.addi %mul3A_242, %add3A_2812 : vector<16xi32>
    %gather3A_2814 = tpu.vector_load_idx %arg11[%add3A_2813] : memref<9216xf32, #tpu.memory_space<vmem>>[vector<16xi32>], vector<16xf32>,
    %add3A_2815 = arith.addf %add3A_2810, %gather3A_2814 : vector<16xf32>
    %add3A_2816 = arith.constant 7949 : i32
    %add3A_2817 = vector.broadcast %add3A_2816 : i32 to vector<16xi32>
    %add3A_2818 = arith.addi %mul3A_242, %add3A_2817 : vector<16xi32>
    %gather3A_2819 = tpu.vector_load_idx %arg11[%add3A_2818] : memref<9216xf32, #tpu.memory_space<vmem>>[vector<16xi32>], vector<16xf32>,
    %add3A_2820 = arith.addf %add3A_2815, %gather3A_2819 : vector<16xf32>
    %add3A_2821 = arith.constant 7950 : i32
    %add3A_2822 = vector.broadcast %add3A_2821 : i32 to vector<16xi32>
    %add3A_2823 = arith.addi %mul3A_242, %add3A_2822 : vector<16xi32>
    %gather3A_2824 = tpu.vector_load_idx %arg11[%add3A_2823] : memref<9216xf32, #tpu.memory_space<vmem>>[vector<16xi32>], vector<16xf32>,
    %add3A_2825 = arith.addf %add3A_2820, %gather3A_2824 : vector<16xf32>
    %add3A_2826 = arith.constant 7951 : i32
    %add3A_2827 = vector.broadcast %add3A_2826 : i32 to vector<16xi32>
    %add3A_2828 = arith.addi %mul3A_242, %add3A_2827 : vector<16xi32>
    %gather3A_2829 = tpu.vector_load_idx %arg11[%add3A_2828] : memref<9216xf32, #tpu.memory_space<vmem>>[vector<16xi32>], vector<16xf32>,
    %add3A_2830 = arith.addf %add3A_2825, %gather3A_2829 : vector<16xf32>
    %swap3A_2831 = arith.constant 496 : index
    %swap3A_2832 = tpu.vector_load %arg12[%swap3A_2831] {strides = array<i32>} : memref<576xf32, #tpu.memory_space<vmem>>, vector<16xf32>,
    tpu.vector_store %arg12[%swap3A_2831], %add3A_2830 {strides = array<i32>} : memref<576xf32, #tpu.memory_space<vmem>>, vector<16xf32>,
    %add3A_2833 = arith.constant 8192 : i32
    %add3A_2834 = vector.broadcast %add3A_2833 : i32 to vector<16xi32>
    %add3A_2835 = arith.addi %mul3A_242, %add3A_2834 : vector<16xi32>
    %gather3A_2836 = tpu.vector_load_idx %arg11[%add3A_2835] : memref<9216xf32, #tpu.memory_space<vmem>>[vector<16xi32>], vector<16xf32>,
    %add3A_2837 = arith.constant 8193 : i32
    %add3A_2838 = vector.broadcast %add3A_2837 : i32 to vector<16xi32>
    %add3A_2839 = arith.addi %mul3A_242, %add3A_2838 : vector<16xi32>
    %gather3A_2840 = tpu.vector_load_idx %arg11[%add3A_2839] : memref<9216xf32, #tpu.memory_space<vmem>>[vector<16xi32>], vector<16xf32>,
    %add3A_2841 = arith.addf %gather3A_2836, %gather3A_2840 : vector<16xf32>
    %add3A_2842 = arith.constant 8194 : i32
    %add3A_2843 = vector.broadcast %add3A_2842 : i32 to vector<16xi32>
    %add3A_2844 = arith.addi %mul3A_242, %add3A_2843 : vector<16xi32>
    %gather3A_2845 = tpu.vector_load_idx %arg11[%add3A_2844] : memref<9216xf32, #tpu.memory_space<vmem>>[vector<16xi32>], vector<16xf32>,
    %add3A_2846 = arith.addf %add3A_2841, %gather3A_2845 : vector<16xf32>
    %add3A_2847 = arith.constant 8195 : i32
    %add3A_2848 = vector.broadcast %add3A_2847 : i32 to vector<16xi32>
    %add3A_2849 = arith.addi %mul3A_242, %add3A_2848 : vector<16xi32>
    %gather3A_2850 = tpu.vector_load_idx %arg11[%add3A_2849] : memref<9216xf32, #tpu.memory_space<vmem>>[vector<16xi32>], vector<16xf32>,
    %add3A_2851 = arith.addf %add3A_2846, %gather3A_2850 : vector<16xf32>
    %add3A_2852 = arith.constant 8196 : i32
    %add3A_2853 = vector.broadcast %add3A_2852 : i32 to vector<16xi32>
    %add3A_2854 = arith.addi %mul3A_242, %add3A_2853 : vector<16xi32>
    %gather3A_2855 = tpu.vector_load_idx %arg11[%add3A_2854] : memref<9216xf32, #tpu.memory_space<vmem>>[vector<16xi32>], vector<16xf32>,
    %add3A_2856 = arith.addf %add3A_2851, %gather3A_2855 : vector<16xf32>
    %add3A_2857 = arith.constant 8197 : i32
    %add3A_2858 = vector.broadcast %add3A_2857 : i32 to vector<16xi32>
    %add3A_2859 = arith.addi %mul3A_242, %add3A_2858 : vector<16xi32>
    %gather3A_2860 = tpu.vector_load_idx %arg11[%add3A_2859] : memref<9216xf32, #tpu.memory_space<vmem>>[vector<16xi32>], vector<16xf32>,
    %add3A_2861 = arith.addf %add3A_2856, %gather3A_2860 : vector<16xf32>
    %add3A_2862 = arith.constant 8198 : i32
    %add3A_2863 = vector.broadcast %add3A_2862 : i32 to vector<16xi32>
    %add3A_2864 = arith.addi %mul3A_242, %add3A_2863 : vector<16xi32>
    %gather3A_2865 = tpu.vector_load_idx %arg11[%add3A_2864] : memref<9216xf32, #tpu.memory_space<vmem>>[vector<16xi32>], vector<16xf32>,
    %add3A_2866 = arith.addf %add3A_2861, %gather3A_2865 : vector<16xf32>
    %add3A_2867 = arith.constant 8199 : i32
    %add3A_2868 = vector.broadcast %add3A_2867 : i32 to vector<16xi32>
    %add3A_2869 = arith.addi %mul3A_242, %add3A_2868 : vector<16xi32>
    %gather3A_2870 = tpu.vector_load_idx %arg11[%add3A_2869] : memref<9216xf32, #tpu.memory_space<vmem>>[vector<16xi32>], vector<16xf32>,
    %add3A_2871 = arith.addf %add3A_2866, %gather3A_2870 : vector<16xf32>
    %add3A_2872 = arith.constant 8200 : i32
    %add3A_2873 = vector.broadcast %add3A_2872 : i32 to vector<16xi32>
    %add3A_2874 = arith.addi %mul3A_242, %add3A_2873 : vector<16xi32>
    %gather3A_2875 = tpu.vector_load_idx %arg11[%add3A_2874] : memref<9216xf32, #tpu.memory_space<vmem>>[vector<16xi32>], vector<16xf32>,
    %add3A_2876 = arith.addf %add3A_2871, %gather3A_2875 : vector<16xf32>
    %add3A_2877 = arith.constant 8201 : i32
    %add3A_2878 = vector.broadcast %add3A_2877 : i32 to vector<16xi32>
    %add3A_2879 = arith.addi %mul3A_242, %add3A_2878 : vector<16xi32>
    %gather3A_2880 = tpu.vector_load_idx %arg11[%add3A_2879] : memref<9216xf32, #tpu.memory_space<vmem>>[vector<16xi32>], vector<16xf32>,
    %add3A_2881 = arith.addf %add3A_2876, %gather3A_2880 : vector<16xf32>
    %add3A_2882 = arith.constant 8202 : i32
    %add3A_2883 = vector.broadcast %add3A_2882 : i32 to vector<16xi32>
    %add3A_2884 = arith.addi %mul3A_242, %add3A_2883 : vector<16xi32>
    %gather3A_2885 = tpu.vector_load_idx %arg11[%add3A_2884] : memref<9216xf32, #tpu.memory_space<vmem>>[vector<16xi32>], vector<16xf32>,
    %add3A_2886 = arith.addf %add3A_2881, %gather3A_2885 : vector<16xf32>
    %add3A_2887 = arith.constant 8203 : i32
    %add3A_2888 = vector.broadcast %add3A_2887 : i32 to vector<16xi32>
    %add3A_2889 = arith.addi %mul3A_242, %add3A_2888 : vector<16xi32>
    %gather3A_2890 = tpu.vector_load_idx %arg11[%add3A_2889] : memref<9216xf32, #tpu.memory_space<vmem>>[vector<16xi32>], vector<16xf32>,
    %add3A_2891 = arith.addf %add3A_2886, %gather3A_2890 : vector<16xf32>
    %add3A_2892 = arith.constant 8204 : i32
    %add3A_2893 = vector.broadcast %add3A_2892 : i32 to vector<16xi32>
    %add3A_2894 = arith.addi %mul3A_242, %add3A_2893 : vector<16xi32>
    %gather3A_2895 = tpu.vector_load_idx %arg11[%add3A_2894] : memref<9216xf32, #tpu.memory_space<vmem>>[vector<16xi32>], vector<16xf32>,
    %add3A_2896 = arith.addf %add3A_2891, %gather3A_2895 : vector<16xf32>
    %add3A_2897 = arith.constant 8205 : i32
    %add3A_2898 = vector.broadcast %add3A_2897 : i32 to vector<16xi32>
    %add3A_2899 = arith.addi %mul3A_242, %add3A_2898 : vector<16xi32>
    %gather3A_2900 = tpu.vector_load_idx %arg11[%add3A_2899] : memref<9216xf32, #tpu.memory_space<vmem>>[vector<16xi32>], vector<16xf32>,
    %add3A_2901 = arith.addf %add3A_2896, %gather3A_2900 : vector<16xf32>
    %add3A_2902 = arith.constant 8206 : i32
    %add3A_2903 = vector.broadcast %add3A_2902 : i32 to vector<16xi32>
    %add3A_2904 = arith.addi %mul3A_242, %add3A_2903 : vector<16xi32>
    %gather3A_2905 = tpu.vector_load_idx %arg11[%add3A_2904] : memref<9216xf32, #tpu.memory_space<vmem>>[vector<16xi32>], vector<16xf32>,
    %add3A_2906 = arith.addf %add3A_2901, %gather3A_2905 : vector<16xf32>
    %add3A_2907 = arith.constant 8207 : i32
    %add3A_2908 = vector.broadcast %add3A_2907 : i32 to vector<16xi32>
    %add3A_2909 = arith.addi %mul3A_242, %add3A_2908 : vector<16xi32>
    %gather3A_2910 = tpu.vector_load_idx %arg11[%add3A_2909] : memref<9216xf32, #tpu.memory_space<vmem>>[vector<16xi32>], vector<16xf32>,
    %add3A_2911 = arith.addf %add3A_2906, %gather3A_2910 : vector<16xf32>
    %swap3A_2912 = arith.constant 512 : index
    %swap3A_2913 = tpu.vector_load %arg12[%swap3A_2912] {strides = array<i32>} : memref<576xf32, #tpu.memory_space<vmem>>, vector<16xf32>,
    tpu.vector_store %arg12[%swap3A_2912], %add3A_2911 {strides = array<i32>} : memref<576xf32, #tpu.memory_space<vmem>>, vector<16xf32>,
    %add3A_2914 = arith.constant 8448 : i32
    %add3A_2915 = vector.broadcast %add3A_2914 : i32 to vector<16xi32>
    %add3A_2916 = arith.addi %mul3A_242, %add3A_2915 : vector<16xi32>
    %gather3A_2917 = tpu.vector_load_idx %arg11[%add3A_2916] : memref<9216xf32, #tpu.memory_space<vmem>>[vector<16xi32>], vector<16xf32>,
    %add3A_2918 = arith.constant 8449 : i32
    %add3A_2919 = vector.broadcast %add3A_2918 : i32 to vector<16xi32>
    %add3A_2920 = arith.addi %mul3A_242, %add3A_2919 : vector<16xi32>
    %gather3A_2921 = tpu.vector_load_idx %arg11[%add3A_2920] : memref<9216xf32, #tpu.memory_space<vmem>>[vector<16xi32>], vector<16xf32>,
    %add3A_2922 = arith.addf %gather3A_2917, %gather3A_2921 : vector<16xf32>
    %add3A_2923 = arith.constant 8450 : i32
    %add3A_2924 = vector.broadcast %add3A_2923 : i32 to vector<16xi32>
    %add3A_2925 = arith.addi %mul3A_242, %add3A_2924 : vector<16xi32>
    %gather3A_2926 = tpu.vector_load_idx %arg11[%add3A_2925] : memref<9216xf32, #tpu.memory_space<vmem>>[vector<16xi32>], vector<16xf32>,
    %add3A_2927 = arith.addf %add3A_2922, %gather3A_2926 : vector<16xf32>
    %add3A_2928 = arith.constant 8451 : i32
    %add3A_2929 = vector.broadcast %add3A_2928 : i32 to vector<16xi32>
    %add3A_2930 = arith.addi %mul3A_242, %add3A_2929 : vector<16xi32>
    %gather3A_2931 = tpu.vector_load_idx %arg11[%add3A_2930] : memref<9216xf32, #tpu.memory_space<vmem>>[vector<16xi32>], vector<16xf32>,
    %add3A_2932 = arith.addf %add3A_2927, %gather3A_2931 : vector<16xf32>
    %add3A_2933 = arith.constant 8452 : i32
    %add3A_2934 = vector.broadcast %add3A_2933 : i32 to vector<16xi32>
    %add3A_2935 = arith.addi %mul3A_242, %add3A_2934 : vector<16xi32>
    %gather3A_2936 = tpu.vector_load_idx %arg11[%add3A_2935] : memref<9216xf32, #tpu.memory_space<vmem>>[vector<16xi32>], vector<16xf32>,
    %add3A_2937 = arith.addf %add3A_2932, %gather3A_2936 : vector<16xf32>
    %add3A_2938 = arith.constant 8453 : i32
    %add3A_2939 = vector.broadcast %add3A_2938 : i32 to vector<16xi32>
    %add3A_2940 = arith.addi %mul3A_242, %add3A_2939 : vector<16xi32>
    %gather3A_2941 = tpu.vector_load_idx %arg11[%add3A_2940] : memref<9216xf32, #tpu.memory_space<vmem>>[vector<16xi32>], vector<16xf32>,
    %add3A_2942 = arith.addf %add3A_2937, %gather3A_2941 : vector<16xf32>
    %add3A_2943 = arith.constant 8454 : i32
    %add3A_2944 = vector.broadcast %add3A_2943 : i32 to vector<16xi32>
    %add3A_2945 = arith.addi %mul3A_242, %add3A_2944 : vector<16xi32>
    %gather3A_2946 = tpu.vector_load_idx %arg11[%add3A_2945] : memref<9216xf32, #tpu.memory_space<vmem>>[vector<16xi32>], vector<16xf32>,
    %add3A_2947 = arith.addf %add3A_2942, %gather3A_2946 : vector<16xf32>
    %add3A_2948 = arith.constant 8455 : i32
    %add3A_2949 = vector.broadcast %add3A_2948 : i32 to vector<16xi32>
    %add3A_2950 = arith.addi %mul3A_242, %add3A_2949 : vector<16xi32>
    %gather3A_2951 = tpu.vector_load_idx %arg11[%add3A_2950] : memref<9216xf32, #tpu.memory_space<vmem>>[vector<16xi32>], vector<16xf32>,
    %add3A_2952 = arith.addf %add3A_2947, %gather3A_2951 : vector<16xf32>
    %add3A_2953 = arith.constant 8456 : i32
    %add3A_2954 = vector.broadcast %add3A_2953 : i32 to vector<16xi32>
    %add3A_2955 = arith.addi %mul3A_242, %add3A_2954 : vector<16xi32>
    %gather3A_2956 = tpu.vector_load_idx %arg11[%add3A_2955] : memref<9216xf32, #tpu.memory_space<vmem>>[vector<16xi32>], vector<16xf32>,
    %add3A_2957 = arith.addf %add3A_2952, %gather3A_2956 : vector<16xf32>
    %add3A_2958 = arith.constant 8457 : i32
    %add3A_2959 = vector.broadcast %add3A_2958 : i32 to vector<16xi32>
    %add3A_2960 = arith.addi %mul3A_242, %add3A_2959 : vector<16xi32>
    %gather3A_2961 = tpu.vector_load_idx %arg11[%add3A_2960] : memref<9216xf32, #tpu.memory_space<vmem>>[vector<16xi32>], vector<16xf32>,
    %add3A_2962 = arith.addf %add3A_2957, %gather3A_2961 : vector<16xf32>
    %add3A_2963 = arith.constant 8458 : i32
    %add3A_2964 = vector.broadcast %add3A_2963 : i32 to vector<16xi32>
    %add3A_2965 = arith.addi %mul3A_242, %add3A_2964 : vector<16xi32>
    %gather3A_2966 = tpu.vector_load_idx %arg11[%add3A_2965] : memref<9216xf32, #tpu.memory_space<vmem>>[vector<16xi32>], vector<16xf32>,
    %add3A_2967 = arith.addf %add3A_2962, %gather3A_2966 : vector<16xf32>
    %add3A_2968 = arith.constant 8459 : i32
    %add3A_2969 = vector.broadcast %add3A_2968 : i32 to vector<16xi32>
    %add3A_2970 = arith.addi %mul3A_242, %add3A_2969 : vector<16xi32>
    %gather3A_2971 = tpu.vector_load_idx %arg11[%add3A_2970] : memref<9216xf32, #tpu.memory_space<vmem>>[vector<16xi32>], vector<16xf32>,
    %add3A_2972 = arith.addf %add3A_2967, %gather3A_2971 : vector<16xf32>
    %add3A_2973 = arith.constant 8460 : i32
    %add3A_2974 = vector.broadcast %add3A_2973 : i32 to vector<16xi32>
    %add3A_2975 = arith.addi %mul3A_242, %add3A_2974 : vector<16xi32>
    %gather3A_2976 = tpu.vector_load_idx %arg11[%add3A_2975] : memref<9216xf32, #tpu.memory_space<vmem>>[vector<16xi32>], vector<16xf32>,
    %add3A_2977 = arith.addf %add3A_2972, %gather3A_2976 : vector<16xf32>
    %add3A_2978 = arith.constant 8461 : i32
    %add3A_2979 = vector.broadcast %add3A_2978 : i32 to vector<16xi32>
    %add3A_2980 = arith.addi %mul3A_242, %add3A_2979 : vector<16xi32>
    %gather3A_2981 = tpu.vector_load_idx %arg11[%add3A_2980] : memref<9216xf32, #tpu.memory_space<vmem>>[vector<16xi32>], vector<16xf32>,
    %add3A_2982 = arith.addf %add3A_2977, %gather3A_2981 : vector<16xf32>
    %add3A_2983 = arith.constant 8462 : i32
    %add3A_2984 = vector.broadcast %add3A_2983 : i32 to vector<16xi32>
    %add3A_2985 = arith.addi %mul3A_242, %add3A_2984 : vector<16xi32>
    %gather3A_2986 = tpu.vector_load_idx %arg11[%add3A_2985] : memref<9216xf32, #tpu.memory_space<vmem>>[vector<16xi32>], vector<16xf32>,
    %add3A_2987 = arith.addf %add3A_2982, %gather3A_2986 : vector<16xf32>
    %add3A_2988 = arith.constant 8463 : i32
    %add3A_2989 = vector.broadcast %add3A_2988 : i32 to vector<16xi32>
    %add3A_2990 = arith.addi %mul3A_242, %add3A_2989 : vector<16xi32>
    %gather3A_2991 = tpu.vector_load_idx %arg11[%add3A_2990] : memref<9216xf32, #tpu.memory_space<vmem>>[vector<16xi32>], vector<16xf32>,
    %add3A_2992 = arith.addf %add3A_2987, %gather3A_2991 : vector<16xf32>
    %swap3A_2993 = arith.constant 528 : index
    %swap3A_2994 = tpu.vector_load %arg12[%swap3A_2993] {strides = array<i32>} : memref<576xf32, #tpu.memory_space<vmem>>, vector<16xf32>,
    tpu.vector_store %arg12[%swap3A_2993], %add3A_2992 {strides = array<i32>} : memref<576xf32, #tpu.memory_space<vmem>>, vector<16xf32>,
    %add3A_2995 = arith.constant 8704 : i32
    %add3A_2996 = vector.broadcast %add3A_2995 : i32 to vector<16xi32>
    %add3A_2997 = arith.addi %mul3A_242, %add3A_2996 : vector<16xi32>
    %gather3A_2998 = tpu.vector_load_idx %arg11[%add3A_2997] : memref<9216xf32, #tpu.memory_space<vmem>>[vector<16xi32>], vector<16xf32>,
    %add3A_2999 = arith.constant 8705 : i32
    %add3A_3000 = vector.broadcast %add3A_2999 : i32 to vector<16xi32>
    %add3A_3001 = arith.addi %mul3A_242, %add3A_3000 : vector<16xi32>
    %gather3A_3002 = tpu.vector_load_idx %arg11[%add3A_3001] : memref<9216xf32, #tpu.memory_space<vmem>>[vector<16xi32>], vector<16xf32>,
    %add3A_3003 = arith.addf %gather3A_2998, %gather3A_3002 : vector<16xf32>
    %add3A_3004 = arith.constant 8706 : i32
    %add3A_3005 = vector.broadcast %add3A_3004 : i32 to vector<16xi32>
    %add3A_3006 = arith.addi %mul3A_242, %add3A_3005 : vector<16xi32>
    %gather3A_3007 = tpu.vector_load_idx %arg11[%add3A_3006] : memref<9216xf32, #tpu.memory_space<vmem>>[vector<16xi32>], vector<16xf32>,
    %add3A_3008 = arith.addf %add3A_3003, %gather3A_3007 : vector<16xf32>
    %add3A_3009 = arith.constant 8707 : i32
    %add3A_3010 = vector.broadcast %add3A_3009 : i32 to vector<16xi32>
    %add3A_3011 = arith.addi %mul3A_242, %add3A_3010 : vector<16xi32>
    %gather3A_3012 = tpu.vector_load_idx %arg11[%add3A_3011] : memref<9216xf32, #tpu.memory_space<vmem>>[vector<16xi32>], vector<16xf32>,
    %add3A_3013 = arith.addf %add3A_3008, %gather3A_3012 : vector<16xf32>
    %add3A_3014 = arith.constant 8708 : i32
    %add3A_3015 = vector.broadcast %add3A_3014 : i32 to vector<16xi32>
    %add3A_3016 = arith.addi %mul3A_242, %add3A_3015 : vector<16xi32>
    %gather3A_3017 = tpu.vector_load_idx %arg11[%add3A_3016] : memref<9216xf32, #tpu.memory_space<vmem>>[vector<16xi32>], vector<16xf32>,
    %add3A_3018 = arith.addf %add3A_3013, %gather3A_3017 : vector<16xf32>
    %add3A_3019 = arith.constant 8709 : i32
    %add3A_3020 = vector.broadcast %add3A_3019 : i32 to vector<16xi32>
    %add3A_3021 = arith.addi %mul3A_242, %add3A_3020 : vector<16xi32>
    %gather3A_3022 = tpu.vector_load_idx %arg11[%add3A_3021] : memref<9216xf32, #tpu.memory_space<vmem>>[vector<16xi32>], vector<16xf32>,
    %add3A_3023 = arith.addf %add3A_3018, %gather3A_3022 : vector<16xf32>
    %add3A_3024 = arith.constant 8710 : i32
    %add3A_3025 = vector.broadcast %add3A_3024 : i32 to vector<16xi32>
    %add3A_3026 = arith.addi %mul3A_242, %add3A_3025 : vector<16xi32>
    %gather3A_3027 = tpu.vector_load_idx %arg11[%add3A_3026] : memref<9216xf32, #tpu.memory_space<vmem>>[vector<16xi32>], vector<16xf32>,
    %add3A_3028 = arith.addf %add3A_3023, %gather3A_3027 : vector<16xf32>
    %add3A_3029 = arith.constant 8711 : i32
    %add3A_3030 = vector.broadcast %add3A_3029 : i32 to vector<16xi32>
    %add3A_3031 = arith.addi %mul3A_242, %add3A_3030 : vector<16xi32>
    %gather3A_3032 = tpu.vector_load_idx %arg11[%add3A_3031] : memref<9216xf32, #tpu.memory_space<vmem>>[vector<16xi32>], vector<16xf32>,
    %add3A_3033 = arith.addf %add3A_3028, %gather3A_3032 : vector<16xf32>
    %add3A_3034 = arith.constant 8712 : i32
    %add3A_3035 = vector.broadcast %add3A_3034 : i32 to vector<16xi32>
    %add3A_3036 = arith.addi %mul3A_242, %add3A_3035 : vector<16xi32>
    %gather3A_3037 = tpu.vector_load_idx %arg11[%add3A_3036] : memref<9216xf32, #tpu.memory_space<vmem>>[vector<16xi32>], vector<16xf32>,
    %add3A_3038 = arith.addf %add3A_3033, %gather3A_3037 : vector<16xf32>
    %add3A_3039 = arith.constant 8713 : i32
    %add3A_3040 = vector.broadcast %add3A_3039 : i32 to vector<16xi32>
    %add3A_3041 = arith.addi %mul3A_242, %add3A_3040 : vector<16xi32>
    %gather3A_3042 = tpu.vector_load_idx %arg11[%add3A_3041] : memref<9216xf32, #tpu.memory_space<vmem>>[vector<16xi32>], vector<16xf32>,
    %add3A_3043 = arith.addf %add3A_3038, %gather3A_3042 : vector<16xf32>
    %add3A_3044 = arith.constant 8714 : i32
    %add3A_3045 = vector.broadcast %add3A_3044 : i32 to vector<16xi32>
    %add3A_3046 = arith.addi %mul3A_242, %add3A_3045 : vector<16xi32>
    %gather3A_3047 = tpu.vector_load_idx %arg11[%add3A_3046] : memref<9216xf32, #tpu.memory_space<vmem>>[vector<16xi32>], vector<16xf32>,
    %add3A_3048 = arith.addf %add3A_3043, %gather3A_3047 : vector<16xf32>
    %add3A_3049 = arith.constant 8715 : i32
    %add3A_3050 = vector.broadcast %add3A_3049 : i32 to vector<16xi32>
    %add3A_3051 = arith.addi %mul3A_242, %add3A_3050 : vector<16xi32>
    %gather3A_3052 = tpu.vector_load_idx %arg11[%add3A_3051] : memref<9216xf32, #tpu.memory_space<vmem>>[vector<16xi32>], vector<16xf32>,
    %add3A_3053 = arith.addf %add3A_3048, %gather3A_3052 : vector<16xf32>
    %add3A_3054 = arith.constant 8716 : i32
    %add3A_3055 = vector.broadcast %add3A_3054 : i32 to vector<16xi32>
    %add3A_3056 = arith.addi %mul3A_242, %add3A_3055 : vector<16xi32>
    %gather3A_3057 = tpu.vector_load_idx %arg11[%add3A_3056] : memref<9216xf32, #tpu.memory_space<vmem>>[vector<16xi32>], vector<16xf32>,
    %add3A_3058 = arith.addf %add3A_3053, %gather3A_3057 : vector<16xf32>
    %add3A_3059 = arith.constant 8717 : i32
    %add3A_3060 = vector.broadcast %add3A_3059 : i32 to vector<16xi32>
    %add3A_3061 = arith.addi %mul3A_242, %add3A_3060 : vector<16xi32>
    %gather3A_3062 = tpu.vector_load_idx %arg11[%add3A_3061] : memref<9216xf32, #tpu.memory_space<vmem>>[vector<16xi32>], vector<16xf32>,
    %add3A_3063 = arith.addf %add3A_3058, %gather3A_3062 : vector<16xf32>
    %add3A_3064 = arith.constant 8718 : i32
    %add3A_3065 = vector.broadcast %add3A_3064 : i32 to vector<16xi32>
    %add3A_3066 = arith.addi %mul3A_242, %add3A_3065 : vector<16xi32>
    %gather3A_3067 = tpu.vector_load_idx %arg11[%add3A_3066] : memref<9216xf32, #tpu.memory_space<vmem>>[vector<16xi32>], vector<16xf32>,
    %add3A_3068 = arith.addf %add3A_3063, %gather3A_3067 : vector<16xf32>
    %add3A_3069 = arith.constant 8719 : i32
    %add3A_3070 = vector.broadcast %add3A_3069 : i32 to vector<16xi32>
    %add3A_3071 = arith.addi %mul3A_242, %add3A_3070 : vector<16xi32>
    %gather3A_3072 = tpu.vector_load_idx %arg11[%add3A_3071] : memref<9216xf32, #tpu.memory_space<vmem>>[vector<16xi32>], vector<16xf32>,
    %add3A_3073 = arith.addf %add3A_3068, %gather3A_3072 : vector<16xf32>
    %swap3A_3074 = arith.constant 544 : index
    %swap3A_3075 = tpu.vector_load %arg12[%swap3A_3074] {strides = array<i32>} : memref<576xf32, #tpu.memory_space<vmem>>, vector<16xf32>,
    tpu.vector_store %arg12[%swap3A_3074], %add3A_3073 {strides = array<i32>} : memref<576xf32, #tpu.memory_space<vmem>>, vector<16xf32>,
    %add3A_3076 = arith.constant 8960 : i32
    %add3A_3077 = vector.broadcast %add3A_3076 : i32 to vector<16xi32>
    %add3A_3078 = arith.addi %mul3A_242, %add3A_3077 : vector<16xi32>
    %gather3A_3079 = tpu.vector_load_idx %arg11[%add3A_3078] : memref<9216xf32, #tpu.memory_space<vmem>>[vector<16xi32>], vector<16xf32>,
    %add3A_3080 = arith.constant 8961 : i32
    %add3A_3081 = vector.broadcast %add3A_3080 : i32 to vector<16xi32>
    %add3A_3082 = arith.addi %mul3A_242, %add3A_3081 : vector<16xi32>
    %gather3A_3083 = tpu.vector_load_idx %arg11[%add3A_3082] : memref<9216xf32, #tpu.memory_space<vmem>>[vector<16xi32>], vector<16xf32>,
    %add3A_3084 = arith.addf %gather3A_3079, %gather3A_3083 : vector<16xf32>
    %add3A_3085 = arith.constant 8962 : i32
    %add3A_3086 = vector.broadcast %add3A_3085 : i32 to vector<16xi32>
    %add3A_3087 = arith.addi %mul3A_242, %add3A_3086 : vector<16xi32>
    %gather3A_3088 = tpu.vector_load_idx %arg11[%add3A_3087] : memref<9216xf32, #tpu.memory_space<vmem>>[vector<16xi32>], vector<16xf32>,
    %add3A_3089 = arith.addf %add3A_3084, %gather3A_3088 : vector<16xf32>
    %add3A_3090 = arith.constant 8963 : i32
    %add3A_3091 = vector.broadcast %add3A_3090 : i32 to vector<16xi32>
    %add3A_3092 = arith.addi %mul3A_242, %add3A_3091 : vector<16xi32>
    %gather3A_3093 = tpu.vector_load_idx %arg11[%add3A_3092] : memref<9216xf32, #tpu.memory_space<vmem>>[vector<16xi32>], vector<16xf32>,
    %add3A_3094 = arith.addf %add3A_3089, %gather3A_3093 : vector<16xf32>
    %add3A_3095 = arith.constant 8964 : i32
    %add3A_3096 = vector.broadcast %add3A_3095 : i32 to vector<16xi32>
    %add3A_3097 = arith.addi %mul3A_242, %add3A_3096 : vector<16xi32>
    %gather3A_3098 = tpu.vector_load_idx %arg11[%add3A_3097] : memref<9216xf32, #tpu.memory_space<vmem>>[vector<16xi32>], vector<16xf32>,
    %add3A_3099 = arith.addf %add3A_3094, %gather3A_3098 : vector<16xf32>
    %add3A_3100 = arith.constant 8965 : i32
    %add3A_3101 = vector.broadcast %add3A_3100 : i32 to vector<16xi32>
    %add3A_3102 = arith.addi %mul3A_242, %add3A_3101 : vector<16xi32>
    %gather3A_3103 = tpu.vector_load_idx %arg11[%add3A_3102] : memref<9216xf32, #tpu.memory_space<vmem>>[vector<16xi32>], vector<16xf32>,
    %add3A_3104 = arith.addf %add3A_3099, %gather3A_3103 : vector<16xf32>
    %add3A_3105 = arith.constant 8966 : i32
    %add3A_3106 = vector.broadcast %add3A_3105 : i32 to vector<16xi32>
    %add3A_3107 = arith.addi %mul3A_242, %add3A_3106 : vector<16xi32>
    %gather3A_3108 = tpu.vector_load_idx %arg11[%add3A_3107] : memref<9216xf32, #tpu.memory_space<vmem>>[vector<16xi32>], vector<16xf32>,
    %add3A_3109 = arith.addf %add3A_3104, %gather3A_3108 : vector<16xf32>
    %add3A_3110 = arith.constant 8967 : i32
    %add3A_3111 = vector.broadcast %add3A_3110 : i32 to vector<16xi32>
    %add3A_3112 = arith.addi %mul3A_242, %add3A_3111 : vector<16xi32>
    %gather3A_3113 = tpu.vector_load_idx %arg11[%add3A_3112] : memref<9216xf32, #tpu.memory_space<vmem>>[vector<16xi32>], vector<16xf32>,
    %add3A_3114 = arith.addf %add3A_3109, %gather3A_3113 : vector<16xf32>
    %add3A_3115 = arith.constant 8968 : i32
    %add3A_3116 = vector.broadcast %add3A_3115 : i32 to vector<16xi32>
    %add3A_3117 = arith.addi %mul3A_242, %add3A_3116 : vector<16xi32>
    %gather3A_3118 = tpu.vector_load_idx %arg11[%add3A_3117] : memref<9216xf32, #tpu.memory_space<vmem>>[vector<16xi32>], vector<16xf32>,
    %add3A_3119 = arith.addf %add3A_3114, %gather3A_3118 : vector<16xf32>
    %add3A_3120 = arith.constant 8969 : i32
    %add3A_3121 = vector.broadcast %add3A_3120 : i32 to vector<16xi32>
    %add3A_3122 = arith.addi %mul3A_242, %add3A_3121 : vector<16xi32>
    %gather3A_3123 = tpu.vector_load_idx %arg11[%add3A_3122] : memref<9216xf32, #tpu.memory_space<vmem>>[vector<16xi32>], vector<16xf32>,
    %add3A_3124 = arith.addf %add3A_3119, %gather3A_3123 : vector<16xf32>
    %add3A_3125 = arith.constant 8970 : i32
    %add3A_3126 = vector.broadcast %add3A_3125 : i32 to vector<16xi32>
    %add3A_3127 = arith.addi %mul3A_242, %add3A_3126 : vector<16xi32>
    %gather3A_3128 = tpu.vector_load_idx %arg11[%add3A_3127] : memref<9216xf32, #tpu.memory_space<vmem>>[vector<16xi32>], vector<16xf32>,
    %add3A_3129 = arith.addf %add3A_3124, %gather3A_3128 : vector<16xf32>
    %add3A_3130 = arith.constant 8971 : i32
    %add3A_3131 = vector.broadcast %add3A_3130 : i32 to vector<16xi32>
    %add3A_3132 = arith.addi %mul3A_242, %add3A_3131 : vector<16xi32>
    %gather3A_3133 = tpu.vector_load_idx %arg11[%add3A_3132] : memref<9216xf32, #tpu.memory_space<vmem>>[vector<16xi32>], vector<16xf32>,
    %add3A_3134 = arith.addf %add3A_3129, %gather3A_3133 : vector<16xf32>
    %add3A_3135 = arith.constant 8972 : i32
    %add3A_3136 = vector.broadcast %add3A_3135 : i32 to vector<16xi32>
    %add3A_3137 = arith.addi %mul3A_242, %add3A_3136 : vector<16xi32>
    %gather3A_3138 = tpu.vector_load_idx %arg11[%add3A_3137] : memref<9216xf32, #tpu.memory_space<vmem>>[vector<16xi32>], vector<16xf32>,
    %add3A_3139 = arith.addf %add3A_3134, %gather3A_3138 : vector<16xf32>
    %add3A_3140 = arith.constant 8973 : i32
    %add3A_3141 = vector.broadcast %add3A_3140 : i32 to vector<16xi32>
    %add3A_3142 = arith.addi %mul3A_242, %add3A_3141 : vector<16xi32>
    %gather3A_3143 = tpu.vector_load_idx %arg11[%add3A_3142] : memref<9216xf32, #tpu.memory_space<vmem>>[vector<16xi32>], vector<16xf32>,
    %add3A_3144 = arith.addf %add3A_3139, %gather3A_3143 : vector<16xf32>
    %add3A_3145 = arith.constant 8974 : i32
    %add3A_3146 = vector.broadcast %add3A_3145 : i32 to vector<16xi32>
    %add3A_3147 = arith.addi %mul3A_242, %add3A_3146 : vector<16xi32>
    %gather3A_3148 = tpu.vector_load_idx %arg11[%add3A_3147] : memref<9216xf32, #tpu.memory_space<vmem>>[vector<16xi32>], vector<16xf32>,
    %add3A_3149 = arith.addf %add3A_3144, %gather3A_3148 : vector<16xf32>
    %add3A_3150 = arith.constant 8975 : i32
    %add3A_3151 = vector.broadcast %add3A_3150 : i32 to vector<16xi32>
    %add3A_3152 = arith.addi %mul3A_242, %add3A_3151 : vector<16xi32>
    %gather3A_3153 = tpu.vector_load_idx %arg11[%add3A_3152] : memref<9216xf32, #tpu.memory_space<vmem>>[vector<16xi32>], vector<16xf32>,
    %add3A_3154 = arith.addf %add3A_3149, %gather3A_3153 : vector<16xf32>
    %swap3A_3155 = arith.constant 560 : index
    %swap3A_3156 = tpu.vector_load %arg12[%swap3A_3155] {strides = array<i32>} : memref<576xf32, #tpu.memory_space<vmem>>, vector<16xf32>,
    tpu.vector_store %arg12[%swap3A_3155], %add3A_3154 {strides = array<i32>} : memref<576xf32, #tpu.memory_space<vmem>>, vector<16xf32>,
    "tpu.region"() ({
      %run_scoped3A = tpu.sem_alloc : memref<!tpu.dma_semaphore, #tpu.memory_space<semaphore_mem>>
      %dma_start3A_3157 = arith.constant 0 : i32
      %dma_start3A_3158 = tpu.memref_slice %arg6[%add3A, %dma_start3A_3157] : memref<32x576xf32, #tpu.memory_space<hbm>> -> memref<1x576xf32, #tpu.memory_space<hbm>>
      %dma_start3A_3159 = tpu.memref_squeeze %dma_start3A_3158 : memref<1x576xf32, #tpu.memory_space<hbm>> -> memref<576xf32, #tpu.memory_space<hbm>>
      %dma_start3A_3160 = arith.constant 0 : i32
      %dma_start3A_3161 = tpu.memref_slice %arg6[%add3A, %dma_start3A_3160] : memref<32x576xf32, #tpu.memory_space<hbm>> -> memref<1x576xf32, #tpu.memory_space<hbm>>
      %dma_start3A_3162 = tpu.memref_squeeze %dma_start3A_3161 : memref<1x576xf32, #tpu.memory_space<hbm>> -> memref<576xf32, #tpu.memory_space<hbm>>
      tpu.enqueue_dma source(%arg12 : memref<576xf32, #tpu.memory_space<vmem>>) target(%dma_start3A_3162 : memref<576xf32, #tpu.memory_space<hbm>>) target_semaphore(%run_scoped3A : memref<!tpu.dma_semaphore, #tpu.memory_space<semaphore_mem>>)
      %dma_wait3A_3163 = arith.constant 0 : i32
      %dma_wait3A_3164 = tpu.memref_slice %arg6[%add3A, %dma_wait3A_3163] : memref<32x576xf32, #tpu.memory_space<hbm>> -> memref<1x576xf32, #tpu.memory_space<hbm>>
      %dma_wait3A_3165 = tpu.memref_squeeze %dma_wait3A_3164 : memref<1x576xf32, #tpu.memory_space<hbm>> -> memref<576xf32, #tpu.memory_space<hbm>>
      %dma_wait3A_3166 = arith.constant 0 : i32
      %dma_wait3A_3167 = tpu.memref_slice %arg6[%add3A, %dma_wait3A_3166] : memref<32x576xf32, #tpu.memory_space<hbm>> -> memref<1x576xf32, #tpu.memory_space<hbm>>
      %dma_wait3A_3168 = tpu.memref_squeeze %dma_wait3A_3167 : memref<1x576xf32, #tpu.memory_space<hbm>> -> memref<576xf32, #tpu.memory_space<hbm>>
      tpu.wait_dma2 semaphore(%run_scoped3A : memref<!tpu.dma_semaphore, #tpu.memory_space<semaphore_mem>>) src(%arg12 : memref<576xf32, #tpu.memory_space<vmem>>) dst(%dma_wait3A_3168 : memref<576xf32, #tpu.memory_space<hbm>>)
      tpu.yield
    }) : () -> ()
    return
  }
}

module attributes {stable_mosaic.version = 14 : i64} {
  func.func @_fin_body(%arg0: memref<32x576xf32, #tpu.memory_space<vmem>>, %arg1: memref<64x128xi32, #tpu.memory_space<vmem>>, %arg2: memref<64x4xf32, #tpu.memory_space<vmem>>, %arg3: memref<64x3xf32, #tpu.memory_space<vmem>>, %arg4: memref<64x1xf32, #tpu.memory_space<vmem>>, %arg5: memref<64x1xi32, #tpu.memory_space<vmem>>) attributes {dimension_semantics = [], scalar_prefetch = 0 : i64, scratch_operands = 0 : i64, tpu.core_type = #tpu.core_type<tc>} {
    %get3A = arith.constant 0 : index
    %get3A_0 = arith.constant 0 : index
    %get3A_1 = vector.load %arg0[%get3A, %get3A_0] : memref<32x576xf32, #tpu.memory_space<vmem>>, vector<32x576xf32>
    %reduce_sum3A = arith.constant dense<0.000000e+00> : vector<576xf32>
    %reduce_sum3A_2 = vector.multi_reduction <add>, %get3A_1, %reduce_sum3A [0] : vector<32x576xf32> to vector<576xf32>
    %slice3A = vector.extract_strided_slice %reduce_sum3A_2 {offsets = [0], sizes = [64], strides = [1]} : vector<576xf32> to vector<64xf32>
    %slice3A_3 = vector.extract_strided_slice %reduce_sum3A_2 {offsets = [64], sizes = [64], strides = [1]} : vector<576xf32> to vector<64xf32>
    %slice3A_4 = vector.extract_strided_slice %reduce_sum3A_2 {offsets = [128], sizes = [64], strides = [1]} : vector<576xf32> to vector<64xf32>
    %slice3A_5 = vector.extract_strided_slice %reduce_sum3A_2 {offsets = [192], sizes = [64], strides = [1]} : vector<576xf32> to vector<64xf32>
    %slice3A_6 = vector.extract_strided_slice %reduce_sum3A_2 {offsets = [256], sizes = [64], strides = [1]} : vector<576xf32> to vector<64xf32>
    %slice3A_7 = vector.extract_strided_slice %reduce_sum3A_2 {offsets = [320], sizes = [64], strides = [1]} : vector<576xf32> to vector<64xf32>
    %slice3A_8 = vector.extract_strided_slice %reduce_sum3A_2 {offsets = [384], sizes = [64], strides = [1]} : vector<576xf32> to vector<64xf32>
    %slice3A_9 = vector.extract_strided_slice %reduce_sum3A_2 {offsets = [448], sizes = [64], strides = [1]} : vector<576xf32> to vector<64xf32>
    %slice3A_10 = vector.extract_strided_slice %reduce_sum3A_2 {offsets = [512], sizes = [64], strides = [1]} : vector<576xf32> to vector<64xf32>
    %div3A = arith.divf %slice3A, %slice3A_10 : vector<64xf32>
    %div3A_11 = arith.divf %slice3A_3, %slice3A_10 : vector<64xf32>
    %div3A_12 = arith.divf %slice3A_4, %slice3A_10 : vector<64xf32>
    %div3A_13 = arith.divf %slice3A_5, %slice3A_10 : vector<64xf32>
    %mul3A = arith.mulf %div3A, %div3A : vector<64xf32>
    %mul3A_14 = arith.mulf %div3A_11, %div3A_11 : vector<64xf32>
    %add3A = arith.addf %mul3A, %mul3A_14 : vector<64xf32>
    %mul3A_15 = arith.mulf %div3A_12, %div3A_12 : vector<64xf32>
    %add3A_16 = arith.addf %add3A, %mul3A_15 : vector<64xf32>
    %mul3A_17 = arith.mulf %div3A_13, %div3A_13 : vector<64xf32>
    %add3A_18 = arith.addf %add3A_16, %mul3A_17 : vector<64xf32>
    %sqrt3A = math.sqrt %add3A_18 : vector<64xf32>
    %div3A_19 = arith.divf %div3A, %sqrt3A : vector<64xf32>
    %div3A_20 = arith.divf %div3A_11, %sqrt3A : vector<64xf32>
    %div3A_21 = arith.divf %div3A_12, %sqrt3A : vector<64xf32>
    %div3A_22 = arith.divf %div3A_13, %sqrt3A : vector<64xf32>
    %div3A_23 = arith.divf %slice3A_6, %slice3A_10 : vector<64xf32>
    %div3A_24 = arith.divf %slice3A_7, %slice3A_10 : vector<64xf32>
    %div3A_25 = arith.divf %slice3A_8, %slice3A_10 : vector<64xf32>
    %div3A_26 = arith.divf %slice3A_9, %slice3A_10 : vector<64xf32>
    %exp3A = math.exp %div3A_26 : vector<64xf32>
    %broadcast_in_dim3A = vector.shape_cast %div3A_19 : vector<64xf32> to vector<1x64xf32>
    %broadcast_in_dim3A_27 = vector.shape_cast %div3A_20 : vector<64xf32> to vector<1x64xf32>
    %broadcast_in_dim3A_28 = vector.shape_cast %div3A_21 : vector<64xf32> to vector<1x64xf32>
    %broadcast_in_dim3A_29 = vector.shape_cast %div3A_22 : vector<64xf32> to vector<1x64xf32>
    %broadcast_in_dim3A_30 = vector.shape_cast %div3A_23 : vector<64xf32> to vector<1x64xf32>
    %broadcast_in_dim3A_31 = vector.shape_cast %div3A_24 : vector<64xf32> to vector<1x64xf32>
    %broadcast_in_dim3A_32 = vector.shape_cast %div3A_25 : vector<64xf32> to vector<1x64xf32>
    %broadcast_in_dim3A_33 = vector.shape_cast %exp3A : vector<64xf32> to vector<1x64xf32>
    %concatenate3A = tpu.concatenate %broadcast_in_dim3A, %broadcast_in_dim3A_27, %broadcast_in_dim3A_28, %broadcast_in_dim3A_29, %broadcast_in_dim3A_30, %broadcast_in_dim3A_31, %broadcast_in_dim3A_32, %broadcast_in_dim3A_33 in 0 : vector<1x64xf32>, vector<1x64xf32>, vector<1x64xf32>, vector<1x64xf32>, vector<1x64xf32>, vector<1x64xf32>, vector<1x64xf32>, vector<1x64xf32> -> vector<8x64xf32>
    %transpose3A = tpu.transpose %concatenate3A, [1, 0] : vector<8x64xf32> -> vector<64x8xf32>
    %slice3A_34 = vector.extract_strided_slice %transpose3A {offsets = [0, 0], sizes = [64, 4], strides = [1, 1]} : vector<64x8xf32> to vector<64x4xf32>
    %swap3A = arith.constant 0 : index
    %swap3A_35 = arith.constant 0 : index
    %swap3A_36 = vector.load %arg2[%swap3A, %swap3A_35] : memref<64x4xf32, #tpu.memory_space<vmem>>, vector<64x4xf32>
    tpu.vector_store %arg2[%swap3A, %swap3A_35], %slice3A_34 {strides = array<i32>} : memref<64x4xf32, #tpu.memory_space<vmem>>, vector<64x4xf32>,
    %slice3A_37 = vector.extract_strided_slice %transpose3A {offsets = [0, 4], sizes = [64, 3], strides = [1, 1]} : vector<64x8xf32> to vector<64x3xf32>
    %swap3A_38 = arith.constant 0 : index
    %swap3A_39 = arith.constant 0 : index
    %swap3A_40 = vector.load %arg3[%swap3A_38, %swap3A_39] : memref<64x3xf32, #tpu.memory_space<vmem>>, vector<64x3xf32>
    tpu.vector_store %arg3[%swap3A_38, %swap3A_39], %slice3A_37 {strides = array<i32>} : memref<64x3xf32, #tpu.memory_space<vmem>>, vector<64x3xf32>,
    %slice3A_41 = vector.extract_strided_slice %transpose3A {offsets = [0, 7], sizes = [64, 1], strides = [1, 1]} : vector<64x8xf32> to vector<64x1xf32>
    %swap3A_42 = arith.constant 0 : index
    %swap3A_43 = arith.constant 0 : index
    %swap3A_44 = vector.load %arg4[%swap3A_42, %swap3A_43] : memref<64x1xf32, #tpu.memory_space<vmem>>, vector<64x1xf32>
    tpu.vector_store %arg4[%swap3A_42, %swap3A_43], %slice3A_41 {strides = array<i32>} : memref<64x1xf32, #tpu.memory_space<vmem>>, vector<64x1xf32>,
    %get3A_45 = arith.constant 0 : index
    %get3A_46 = arith.constant 0 : index
    %get3A_47 = vector.load %arg1[%get3A_45, %get3A_46] : memref<64x128xi32, #tpu.memory_space<vmem>>, vector<64x1xi32>
    %swap3A_48 = arith.constant 0 : index
    %swap3A_49 = arith.constant 0 : index
    %swap3A_50 = vector.load %arg5[%swap3A_48, %swap3A_49] : memref<64x1xi32, #tpu.memory_space<vmem>>, vector<64x1xi32>
    tpu.vector_store %arg5[%swap3A_48, %swap3A_49], %get3A_47 {strides = array<i32>} : memref<64x1xi32, #tpu.memory_space<vmem>>, vector<64x1xi32>,
    return
  }
}

module attributes {stable_mosaic.version = 14 : i64} {
  func.func @_dense_body(%arg0: i32, %arg1: i32, %arg2: memref<1x64x256xi32, #tpu.memory_space<vmem>>, %arg3: memref<1x64x256xi32, #tpu.memory_space<vmem>>, %arg4: memref<1x2x64x256xf32, #tpu.memory_space<vmem>>, %arg5: memref<16x64x256xf32, #tpu.memory_space<vmem>>, %arg6: memref<16x2x64x256xf32, #tpu.memory_space<vmem>>, %arg7: memref<16x128xi32, #tpu.memory_space<vmem>>, %arg8: memref<16x256xi32, #tpu.memory_space<vmem>>) attributes {dimension_semantics = [#tpu.dimension_semantics<arbitrary>, #tpu.dimension_semantics<arbitrary>], iteration_bounds = array<i64: 4, 4>, scalar_prefetch = 0 : i64, scratch_operands = 1 : i64, tpu.core_type = #tpu.core_type<tc>, window_params = [{transform_indices = @transform_0, window_bounds = array<i64: 1, 64, 256>}, {transform_indices = @transform_1, window_bounds = array<i64: 1, 64, 256>}, {transform_indices = @transform_2, window_bounds = array<i64: 1, 2, 64, 256>}, {transform_indices = @transform_3, window_bounds = array<i64: 16, 64, 256>}, {transform_indices = @transform_4, window_bounds = array<i64: 16, 2, 64, 256>}, {transform_indices = @transform_5, window_bounds = array<i64: 16, 128>}]} {
    %eq3A = arith.constant 0 : i32
    %eq3A_0 = arith.cmpi eq, %arg1, %eq3A : i32
    %convert_element_type3A = arith.extui %eq3A_0 : i1 to i32
    %cond3A = arith.constant 0 : i32
    %cond3A_1 = arith.cmpi ne, %convert_element_type3A, %cond3A : i32
    scf.if %cond3A_1 {
      %broadcast_in_dim3A_712 = arith.constant 0 : i32
      %broadcast_in_dim3A_713 = vector.broadcast %broadcast_in_dim3A_712 : i32 to vector<16x256xi32>
      %swap3A_714 = arith.constant 0 : index
      %swap3A_715 = arith.constant 0 : index
      %swap3A_716 = vector.load %arg8[%swap3A_714, %swap3A_715] : memref<16x256xi32, #tpu.memory_space<vmem>>, vector<16x256xi32>
      tpu.vector_store %arg8[%swap3A_714, %swap3A_715], %broadcast_in_dim3A_713 {strides = array<i32>} : memref<16x256xi32, #tpu.memory_space<vmem>>, vector<16x256xi32>,
    } else {
    }
    %get3A = arith.constant 0 : index
    %get3A_2 = arith.constant 0 : index
    %get3A_3 = arith.constant 0 : index
    %get3A_4 = vector.load %arg2[%get3A, %get3A_2, %get3A_3] : memref<1x64x256xi32, #tpu.memory_space<vmem>>, vector<1x64x256xi32>
    %get3A_5 = vector.shape_cast %get3A_4 : vector<1x64x256xi32> to vector<64x256xi32>
    %get3A_6 = arith.constant 0 : index
    %get3A_7 = arith.constant 0 : index
    %get3A_8 = arith.constant 0 : index
    %get3A_9 = vector.load %arg3[%get3A_6, %get3A_7, %get3A_8] : memref<1x64x256xi32, #tpu.memory_space<vmem>>, vector<1x64x256xi32>
    %get3A_10 = vector.shape_cast %get3A_9 : vector<1x64x256xi32> to vector<64x256xi32>
    %get3A_11 = arith.constant 0 : index
    %get3A_12 = arith.constant 0 : index
    %get3A_13 = arith.constant 0 : index
    %get3A_14 = arith.constant 0 : index
    %get3A_15 = vector.load %arg4[%get3A_11, %get3A_12, %get3A_13, %get3A_14] : memref<1x2x64x256xf32, #tpu.memory_space<vmem>>, vector<1x1x64x256xf32>
    %get3A_16 = vector.shape_cast %get3A_15 : vector<1x1x64x256xf32> to vector<64x256xf32>
    %get3A_17 = arith.constant 0 : index
    %get3A_18 = arith.constant 1 : index
    %get3A_19 = arith.constant 0 : index
    %get3A_20 = arith.constant 0 : index
    %get3A_21 = vector.load %arg4[%get3A_17, %get3A_18, %get3A_19, %get3A_20] : memref<1x2x64x256xf32, #tpu.memory_space<vmem>>, vector<1x1x64x256xf32>
    %get3A_22 = vector.shape_cast %get3A_21 : vector<1x1x64x256xf32> to vector<64x256xf32>
    %mul3A = arith.constant 16 : i32
    %mul3A_23 = arith.muli %arg0, %mul3A : i32
    %add3A = arith.constant 1 : i32
    %add3A_24 = arith.addi %mul3A_23, %add3A : i32
    %add3A_25 = arith.constant 0 : i32
    %add3A_26 = arith.addi %add3A_24, %add3A_25 : i32
    %eq3A_27 = vector.broadcast %add3A_26 : i32 to vector<64x256xi32>
    %eq3A_28 = arith.cmpi eq, %get3A_5, %eq3A_27 : vector<64x256xi32>
    %convert_element_type3A_29 = arith.extui %eq3A_28 : vector<64x256xi1> to vector<64x256xi32>
    %convert_element_type3A_30 = arith.sitofp %convert_element_type3A_29 : vector<64x256xi32> to vector<64x256xf32>
    %swap3A = arith.constant 0 : index
    %swap3A_31 = arith.constant 0 : index
    %swap3A_32 = arith.constant 0 : index
    %swap3A_33 = vector.load %arg5[%swap3A, %swap3A_31, %swap3A_32] : memref<16x64x256xf32, #tpu.memory_space<vmem>>, vector<1x64x256xf32>
    %swap3A_34 = vector.shape_cast %swap3A_33 : vector<1x64x256xf32> to vector<64x256xf32>
    %swap3A_35 = vector.shape_cast %convert_element_type3A_30 : vector<64x256xf32> to vector<1x64x256xf32>
    tpu.vector_store %arg5[%swap3A, %swap3A_31, %swap3A_32], %swap3A_35 {strides = array<i32>} : memref<16x64x256xf32, #tpu.memory_space<vmem>>, vector<1x64x256xf32>,
    %mul3A_36 = arith.mulf %convert_element_type3A_30, %get3A_16 : vector<64x256xf32>
    %swap3A_37 = arith.constant 0 : index
    %swap3A_38 = arith.constant 0 : index
    %swap3A_39 = arith.constant 0 : index
    %swap3A_40 = arith.constant 0 : index
    %swap3A_41 = vector.load %arg6[%swap3A_37, %swap3A_38, %swap3A_39, %swap3A_40] : memref<16x2x64x256xf32, #tpu.memory_space<vmem>>, vector<1x1x64x256xf32>
    %swap3A_42 = vector.shape_cast %swap3A_41 : vector<1x1x64x256xf32> to vector<64x256xf32>
    %swap3A_43 = vector.shape_cast %mul3A_36 : vector<64x256xf32> to vector<1x1x64x256xf32>
    tpu.vector_store %arg6[%swap3A_37, %swap3A_38, %swap3A_39, %swap3A_40], %swap3A_43 {strides = array<i32>} : memref<16x2x64x256xf32, #tpu.memory_space<vmem>>, vector<1x1x64x256xf32>,
    %mul3A_44 = arith.mulf %convert_element_type3A_30, %get3A_22 : vector<64x256xf32>
    %swap3A_45 = arith.constant 0 : index
    %swap3A_46 = arith.constant 1 : index
    %swap3A_47 = arith.constant 0 : index
    %swap3A_48 = arith.constant 0 : index
    %swap3A_49 = vector.load %arg6[%swap3A_45, %swap3A_46, %swap3A_47, %swap3A_48] : memref<16x2x64x256xf32, #tpu.memory_space<vmem>>, vector<1x1x64x256xf32>
    %swap3A_50 = vector.shape_cast %swap3A_49 : vector<1x1x64x256xf32> to vector<64x256xf32>
    %swap3A_51 = vector.shape_cast %mul3A_44 : vector<64x256xf32> to vector<1x1x64x256xf32>
    tpu.vector_store %arg6[%swap3A_45, %swap3A_46, %swap3A_47, %swap3A_48], %swap3A_51 {strides = array<i32>} : memref<16x2x64x256xf32, #tpu.memory_space<vmem>>, vector<1x1x64x256xf32>,
    %jit3A = arith.constant 0 : i32
    %broadcast_in_dim3A = vector.broadcast %jit3A : i32 to vector<64x256xi32>
    %select_n3A = arith.select %eq3A_28, %get3A_10, %broadcast_in_dim3A : vector<64x256xi1>, vector<64x256xi32>
    %reduce_max3A = arith.constant dense<-2147483648> : vector<256xi32>
    %reduce_max3A_52 = vector.multi_reduction <maxsi>, %select_n3A, %reduce_max3A [0] : vector<64x256xi32> to vector<256xi32>
    %get3A_53 = arith.constant 0 : index
    %get3A_54 = arith.constant 0 : index
    %get3A_55 = vector.load %arg8[%get3A_53, %get3A_54] : memref<16x256xi32, #tpu.memory_space<vmem>>, vector<1x256xi32>
    %get3A_56 = vector.shape_cast %get3A_55 : vector<1x256xi32> to vector<256xi32>
    %max3A = arith.maxsi %get3A_56, %reduce_max3A_52 : vector<256xi32>
    %swap3A_57 = arith.constant 0 : index
    %swap3A_58 = arith.constant 0 : index
    %swap3A_59 = vector.load %arg8[%swap3A_57, %swap3A_58] : memref<16x256xi32, #tpu.memory_space<vmem>>, vector<1x256xi32>
    %swap3A_60 = vector.shape_cast %swap3A_59 : vector<1x256xi32> to vector<256xi32>
    %swap3A_61 = vector.shape_cast %max3A : vector<256xi32> to vector<1x256xi32>
    tpu.vector_store %arg8[%swap3A_57, %swap3A_58], %swap3A_61 {strides = array<i32>} : memref<16x256xi32, #tpu.memory_space<vmem>>, vector<1x256xi32>,
    %add3A_62 = arith.constant 1 : i32
    %add3A_63 = arith.addi %add3A_24, %add3A_62 : i32
    %eq3A_64 = vector.broadcast %add3A_63 : i32 to vector<64x256xi32>
    %eq3A_65 = arith.cmpi eq, %get3A_5, %eq3A_64 : vector<64x256xi32>
    %convert_element_type3A_66 = arith.extui %eq3A_65 : vector<64x256xi1> to vector<64x256xi32>
    %convert_element_type3A_67 = arith.sitofp %convert_element_type3A_66 : vector<64x256xi32> to vector<64x256xf32>
    %swap3A_68 = arith.constant 1 : index
    %swap3A_69 = arith.constant 0 : index
    %swap3A_70 = arith.constant 0 : index
    %swap3A_71 = vector.load %arg5[%swap3A_68, %swap3A_69, %swap3A_70] : memref<16x64x256xf32, #tpu.memory_space<vmem>>, vector<1x64x256xf32>
    %swap3A_72 = vector.shape_cast %swap3A_71 : vector<1x64x256xf32> to vector<64x256xf32>
    %swap3A_73 = vector.shape_cast %convert_element_type3A_67 : vector<64x256xf32> to vector<1x64x256xf32>
    tpu.vector_store %arg5[%swap3A_68, %swap3A_69, %swap3A_70], %swap3A_73 {strides = array<i32>} : memref<16x64x256xf32, #tpu.memory_space<vmem>>, vector<1x64x256xf32>,
    %mul3A_74 = arith.mulf %convert_element_type3A_67, %get3A_16 : vector<64x256xf32>
    %swap3A_75 = arith.constant 1 : index
    %swap3A_76 = arith.constant 0 : index
    %swap3A_77 = arith.constant 0 : index
    %swap3A_78 = arith.constant 0 : index
    %swap3A_79 = vector.load %arg6[%swap3A_75, %swap3A_76, %swap3A_77, %swap3A_78] : memref<16x2x64x256xf32, #tpu.memory_space<vmem>>, vector<1x1x64x256xf32>
    %swap3A_80 = vector.shape_cast %swap3A_79 : vector<1x1x64x256xf32> to vector<64x256xf32>
    %swap3A_81 = vector.shape_cast %mul3A_74 : vector<64x256xf32> to vector<1x1x64x256xf32>
    tpu.vector_store %arg6[%swap3A_75, %swap3A_76, %swap3A_77, %swap3A_78], %swap3A_81 {strides = array<i32>} : memref<16x2x64x256xf32, #tpu.memory_space<vmem>>, vector<1x1x64x256xf32>,
    %mul3A_82 = arith.mulf %convert_element_type3A_67, %get3A_22 : vector<64x256xf32>
    %swap3A_83 = arith.constant 1 : index
    %swap3A_84 = arith.constant 1 : index
    %swap3A_85 = arith.constant 0 : index
    %swap3A_86 = arith.constant 0 : index
    %swap3A_87 = vector.load %arg6[%swap3A_83, %swap3A_84, %swap3A_85, %swap3A_86] : memref<16x2x64x256xf32, #tpu.memory_space<vmem>>, vector<1x1x64x256xf32>
    %swap3A_88 = vector.shape_cast %swap3A_87 : vector<1x1x64x256xf32> to vector<64x256xf32>
    %swap3A_89 = vector.shape_cast %mul3A_82 : vector<64x256xf32> to vector<1x1x64x256xf32>
    tpu.vector_store %arg6[%swap3A_83, %swap3A_84, %swap3A_85, %swap3A_86], %swap3A_89 {strides = array<i32>} : memref<16x2x64x256xf32, #tpu.memory_space<vmem>>, vector<1x1x64x256xf32>,
    %jit3A_90 = arith.constant 0 : i32
    %broadcast_in_dim3A_91 = vector.broadcast %jit3A_90 : i32 to vector<64x256xi32>
    %select_n3A_92 = arith.select %eq3A_65, %get3A_10, %broadcast_in_dim3A_91 : vector<64x256xi1>, vector<64x256xi32>
    %reduce_max3A_93 = arith.constant dense<-2147483648> : vector<256xi32>
    %reduce_max3A_94 = vector.multi_reduction <maxsi>, %select_n3A_92, %reduce_max3A_93 [0] : vector<64x256xi32> to vector<256xi32>
    %get3A_95 = arith.constant 1 : index
    %get3A_96 = arith.constant 0 : index
    %get3A_97 = vector.load %arg8[%get3A_95, %get3A_96] : memref<16x256xi32, #tpu.memory_space<vmem>>, vector<1x256xi32>
    %get3A_98 = vector.shape_cast %get3A_97 : vector<1x256xi32> to vector<256xi32>
    %max3A_99 = arith.maxsi %get3A_98, %reduce_max3A_94 : vector<256xi32>
    %swap3A_100 = arith.constant 1 : index
    %swap3A_101 = arith.constant 0 : index
    %swap3A_102 = vector.load %arg8[%swap3A_100, %swap3A_101] : memref<16x256xi32, #tpu.memory_space<vmem>>, vector<1x256xi32>
    %swap3A_103 = vector.shape_cast %swap3A_102 : vector<1x256xi32> to vector<256xi32>
    %swap3A_104 = vector.shape_cast %max3A_99 : vector<256xi32> to vector<1x256xi32>
    tpu.vector_store %arg8[%swap3A_100, %swap3A_101], %swap3A_104 {strides = array<i32>} : memref<16x256xi32, #tpu.memory_space<vmem>>, vector<1x256xi32>,
    %add3A_105 = arith.constant 2 : i32
    %add3A_106 = arith.addi %add3A_24, %add3A_105 : i32
    %eq3A_107 = vector.broadcast %add3A_106 : i32 to vector<64x256xi32>
    %eq3A_108 = arith.cmpi eq, %get3A_5, %eq3A_107 : vector<64x256xi32>
    %convert_element_type3A_109 = arith.extui %eq3A_108 : vector<64x256xi1> to vector<64x256xi32>
    %convert_element_type3A_110 = arith.sitofp %convert_element_type3A_109 : vector<64x256xi32> to vector<64x256xf32>
    %swap3A_111 = arith.constant 2 : index
    %swap3A_112 = arith.constant 0 : index
    %swap3A_113 = arith.constant 0 : index
    %swap3A_114 = vector.load %arg5[%swap3A_111, %swap3A_112, %swap3A_113] : memref<16x64x256xf32, #tpu.memory_space<vmem>>, vector<1x64x256xf32>
    %swap3A_115 = vector.shape_cast %swap3A_114 : vector<1x64x256xf32> to vector<64x256xf32>
    %swap3A_116 = vector.shape_cast %convert_element_type3A_110 : vector<64x256xf32> to vector<1x64x256xf32>
    tpu.vector_store %arg5[%swap3A_111, %swap3A_112, %swap3A_113], %swap3A_116 {strides = array<i32>} : memref<16x64x256xf32, #tpu.memory_space<vmem>>, vector<1x64x256xf32>,
    %mul3A_117 = arith.mulf %convert_element_type3A_110, %get3A_16 : vector<64x256xf32>
    %swap3A_118 = arith.constant 2 : index
    %swap3A_119 = arith.constant 0 : index
    %swap3A_120 = arith.constant 0 : index
    %swap3A_121 = arith.constant 0 : index
    %swap3A_122 = vector.load %arg6[%swap3A_118, %swap3A_119, %swap3A_120, %swap3A_121] : memref<16x2x64x256xf32, #tpu.memory_space<vmem>>, vector<1x1x64x256xf32>
    %swap3A_123 = vector.shape_cast %swap3A_122 : vector<1x1x64x256xf32> to vector<64x256xf32>
    %swap3A_124 = vector.shape_cast %mul3A_117 : vector<64x256xf32> to vector<1x1x64x256xf32>
    tpu.vector_store %arg6[%swap3A_118, %swap3A_119, %swap3A_120, %swap3A_121], %swap3A_124 {strides = array<i32>} : memref<16x2x64x256xf32, #tpu.memory_space<vmem>>, vector<1x1x64x256xf32>,
    %mul3A_125 = arith.mulf %convert_element_type3A_110, %get3A_22 : vector<64x256xf32>
    %swap3A_126 = arith.constant 2 : index
    %swap3A_127 = arith.constant 1 : index
    %swap3A_128 = arith.constant 0 : index
    %swap3A_129 = arith.constant 0 : index
    %swap3A_130 = vector.load %arg6[%swap3A_126, %swap3A_127, %swap3A_128, %swap3A_129] : memref<16x2x64x256xf32, #tpu.memory_space<vmem>>, vector<1x1x64x256xf32>
    %swap3A_131 = vector.shape_cast %swap3A_130 : vector<1x1x64x256xf32> to vector<64x256xf32>
    %swap3A_132 = vector.shape_cast %mul3A_125 : vector<64x256xf32> to vector<1x1x64x256xf32>
    tpu.vector_store %arg6[%swap3A_126, %swap3A_127, %swap3A_128, %swap3A_129], %swap3A_132 {strides = array<i32>} : memref<16x2x64x256xf32, #tpu.memory_space<vmem>>, vector<1x1x64x256xf32>,
    %jit3A_133 = arith.constant 0 : i32
    %broadcast_in_dim3A_134 = vector.broadcast %jit3A_133 : i32 to vector<64x256xi32>
    %select_n3A_135 = arith.select %eq3A_108, %get3A_10, %broadcast_in_dim3A_134 : vector<64x256xi1>, vector<64x256xi32>
    %reduce_max3A_136 = arith.constant dense<-2147483648> : vector<256xi32>
    %reduce_max3A_137 = vector.multi_reduction <maxsi>, %select_n3A_135, %reduce_max3A_136 [0] : vector<64x256xi32> to vector<256xi32>
    %get3A_138 = arith.constant 2 : index
    %get3A_139 = arith.constant 0 : index
    %get3A_140 = vector.load %arg8[%get3A_138, %get3A_139] : memref<16x256xi32, #tpu.memory_space<vmem>>, vector<1x256xi32>
    %get3A_141 = vector.shape_cast %get3A_140 : vector<1x256xi32> to vector<256xi32>
    %max3A_142 = arith.maxsi %get3A_141, %reduce_max3A_137 : vector<256xi32>
    %swap3A_143 = arith.constant 2 : index
    %swap3A_144 = arith.constant 0 : index
    %swap3A_145 = vector.load %arg8[%swap3A_143, %swap3A_144] : memref<16x256xi32, #tpu.memory_space<vmem>>, vector<1x256xi32>
    %swap3A_146 = vector.shape_cast %swap3A_145 : vector<1x256xi32> to vector<256xi32>
    %swap3A_147 = vector.shape_cast %max3A_142 : vector<256xi32> to vector<1x256xi32>
    tpu.vector_store %arg8[%swap3A_143, %swap3A_144], %swap3A_147 {strides = array<i32>} : memref<16x256xi32, #tpu.memory_space<vmem>>, vector<1x256xi32>,
    %add3A_148 = arith.constant 3 : i32
    %add3A_149 = arith.addi %add3A_24, %add3A_148 : i32
    %eq3A_150 = vector.broadcast %add3A_149 : i32 to vector<64x256xi32>
    %eq3A_151 = arith.cmpi eq, %get3A_5, %eq3A_150 : vector<64x256xi32>
    %convert_element_type3A_152 = arith.extui %eq3A_151 : vector<64x256xi1> to vector<64x256xi32>
    %convert_element_type3A_153 = arith.sitofp %convert_element_type3A_152 : vector<64x256xi32> to vector<64x256xf32>
    %swap3A_154 = arith.constant 3 : index
    %swap3A_155 = arith.constant 0 : index
    %swap3A_156 = arith.constant 0 : index
    %swap3A_157 = vector.load %arg5[%swap3A_154, %swap3A_155, %swap3A_156] : memref<16x64x256xf32, #tpu.memory_space<vmem>>, vector<1x64x256xf32>
    %swap3A_158 = vector.shape_cast %swap3A_157 : vector<1x64x256xf32> to vector<64x256xf32>
    %swap3A_159 = vector.shape_cast %convert_element_type3A_153 : vector<64x256xf32> to vector<1x64x256xf32>
    tpu.vector_store %arg5[%swap3A_154, %swap3A_155, %swap3A_156], %swap3A_159 {strides = array<i32>} : memref<16x64x256xf32, #tpu.memory_space<vmem>>, vector<1x64x256xf32>,
    %mul3A_160 = arith.mulf %convert_element_type3A_153, %get3A_16 : vector<64x256xf32>
    %swap3A_161 = arith.constant 3 : index
    %swap3A_162 = arith.constant 0 : index
    %swap3A_163 = arith.constant 0 : index
    %swap3A_164 = arith.constant 0 : index
    %swap3A_165 = vector.load %arg6[%swap3A_161, %swap3A_162, %swap3A_163, %swap3A_164] : memref<16x2x64x256xf32, #tpu.memory_space<vmem>>, vector<1x1x64x256xf32>
    %swap3A_166 = vector.shape_cast %swap3A_165 : vector<1x1x64x256xf32> to vector<64x256xf32>
    %swap3A_167 = vector.shape_cast %mul3A_160 : vector<64x256xf32> to vector<1x1x64x256xf32>
    tpu.vector_store %arg6[%swap3A_161, %swap3A_162, %swap3A_163, %swap3A_164], %swap3A_167 {strides = array<i32>} : memref<16x2x64x256xf32, #tpu.memory_space<vmem>>, vector<1x1x64x256xf32>,
    %mul3A_168 = arith.mulf %convert_element_type3A_153, %get3A_22 : vector<64x256xf32>
    %swap3A_169 = arith.constant 3 : index
    %swap3A_170 = arith.constant 1 : index
    %swap3A_171 = arith.constant 0 : index
    %swap3A_172 = arith.constant 0 : index
    %swap3A_173 = vector.load %arg6[%swap3A_169, %swap3A_170, %swap3A_171, %swap3A_172] : memref<16x2x64x256xf32, #tpu.memory_space<vmem>>, vector<1x1x64x256xf32>
    %swap3A_174 = vector.shape_cast %swap3A_173 : vector<1x1x64x256xf32> to vector<64x256xf32>
    %swap3A_175 = vector.shape_cast %mul3A_168 : vector<64x256xf32> to vector<1x1x64x256xf32>
    tpu.vector_store %arg6[%swap3A_169, %swap3A_170, %swap3A_171, %swap3A_172], %swap3A_175 {strides = array<i32>} : memref<16x2x64x256xf32, #tpu.memory_space<vmem>>, vector<1x1x64x256xf32>,
    %jit3A_176 = arith.constant 0 : i32
    %broadcast_in_dim3A_177 = vector.broadcast %jit3A_176 : i32 to vector<64x256xi32>
    %select_n3A_178 = arith.select %eq3A_151, %get3A_10, %broadcast_in_dim3A_177 : vector<64x256xi1>, vector<64x256xi32>
    %reduce_max3A_179 = arith.constant dense<-2147483648> : vector<256xi32>
    %reduce_max3A_180 = vector.multi_reduction <maxsi>, %select_n3A_178, %reduce_max3A_179 [0] : vector<64x256xi32> to vector<256xi32>
    %get3A_181 = arith.constant 3 : index
    %get3A_182 = arith.constant 0 : index
    %get3A_183 = vector.load %arg8[%get3A_181, %get3A_182] : memref<16x256xi32, #tpu.memory_space<vmem>>, vector<1x256xi32>
    %get3A_184 = vector.shape_cast %get3A_183 : vector<1x256xi32> to vector<256xi32>
    %max3A_185 = arith.maxsi %get3A_184, %reduce_max3A_180 : vector<256xi32>
    %swap3A_186 = arith.constant 3 : index
    %swap3A_187 = arith.constant 0 : index
    %swap3A_188 = vector.load %arg8[%swap3A_186, %swap3A_187] : memref<16x256xi32, #tpu.memory_space<vmem>>, vector<1x256xi32>
    %swap3A_189 = vector.shape_cast %swap3A_188 : vector<1x256xi32> to vector<256xi32>
    %swap3A_190 = vector.shape_cast %max3A_185 : vector<256xi32> to vector<1x256xi32>
    tpu.vector_store %arg8[%swap3A_186, %swap3A_187], %swap3A_190 {strides = array<i32>} : memref<16x256xi32, #tpu.memory_space<vmem>>, vector<1x256xi32>,
    %add3A_191 = arith.constant 4 : i32
    %add3A_192 = arith.addi %add3A_24, %add3A_191 : i32
    %eq3A_193 = vector.broadcast %add3A_192 : i32 to vector<64x256xi32>
    %eq3A_194 = arith.cmpi eq, %get3A_5, %eq3A_193 : vector<64x256xi32>
    %convert_element_type3A_195 = arith.extui %eq3A_194 : vector<64x256xi1> to vector<64x256xi32>
    %convert_element_type3A_196 = arith.sitofp %convert_element_type3A_195 : vector<64x256xi32> to vector<64x256xf32>
    %swap3A_197 = arith.constant 4 : index
    %swap3A_198 = arith.constant 0 : index
    %swap3A_199 = arith.constant 0 : index
    %swap3A_200 = vector.load %arg5[%swap3A_197, %swap3A_198, %swap3A_199] : memref<16x64x256xf32, #tpu.memory_space<vmem>>, vector<1x64x256xf32>
    %swap3A_201 = vector.shape_cast %swap3A_200 : vector<1x64x256xf32> to vector<64x256xf32>
    %swap3A_202 = vector.shape_cast %convert_element_type3A_196 : vector<64x256xf32> to vector<1x64x256xf32>
    tpu.vector_store %arg5[%swap3A_197, %swap3A_198, %swap3A_199], %swap3A_202 {strides = array<i32>} : memref<16x64x256xf32, #tpu.memory_space<vmem>>, vector<1x64x256xf32>,
    %mul3A_203 = arith.mulf %convert_element_type3A_196, %get3A_16 : vector<64x256xf32>
    %swap3A_204 = arith.constant 4 : index
    %swap3A_205 = arith.constant 0 : index
    %swap3A_206 = arith.constant 0 : index
    %swap3A_207 = arith.constant 0 : index
    %swap3A_208 = vector.load %arg6[%swap3A_204, %swap3A_205, %swap3A_206, %swap3A_207] : memref<16x2x64x256xf32, #tpu.memory_space<vmem>>, vector<1x1x64x256xf32>
    %swap3A_209 = vector.shape_cast %swap3A_208 : vector<1x1x64x256xf32> to vector<64x256xf32>
    %swap3A_210 = vector.shape_cast %mul3A_203 : vector<64x256xf32> to vector<1x1x64x256xf32>
    tpu.vector_store %arg6[%swap3A_204, %swap3A_205, %swap3A_206, %swap3A_207], %swap3A_210 {strides = array<i32>} : memref<16x2x64x256xf32, #tpu.memory_space<vmem>>, vector<1x1x64x256xf32>,
    %mul3A_211 = arith.mulf %convert_element_type3A_196, %get3A_22 : vector<64x256xf32>
    %swap3A_212 = arith.constant 4 : index
    %swap3A_213 = arith.constant 1 : index
    %swap3A_214 = arith.constant 0 : index
    %swap3A_215 = arith.constant 0 : index
    %swap3A_216 = vector.load %arg6[%swap3A_212, %swap3A_213, %swap3A_214, %swap3A_215] : memref<16x2x64x256xf32, #tpu.memory_space<vmem>>, vector<1x1x64x256xf32>
    %swap3A_217 = vector.shape_cast %swap3A_216 : vector<1x1x64x256xf32> to vector<64x256xf32>
    %swap3A_218 = vector.shape_cast %mul3A_211 : vector<64x256xf32> to vector<1x1x64x256xf32>
    tpu.vector_store %arg6[%swap3A_212, %swap3A_213, %swap3A_214, %swap3A_215], %swap3A_218 {strides = array<i32>} : memref<16x2x64x256xf32, #tpu.memory_space<vmem>>, vector<1x1x64x256xf32>,
    %jit3A_219 = arith.constant 0 : i32
    %broadcast_in_dim3A_220 = vector.broadcast %jit3A_219 : i32 to vector<64x256xi32>
    %select_n3A_221 = arith.select %eq3A_194, %get3A_10, %broadcast_in_dim3A_220 : vector<64x256xi1>, vector<64x256xi32>
    %reduce_max3A_222 = arith.constant dense<-2147483648> : vector<256xi32>
    %reduce_max3A_223 = vector.multi_reduction <maxsi>, %select_n3A_221, %reduce_max3A_222 [0] : vector<64x256xi32> to vector<256xi32>
    %get3A_224 = arith.constant 4 : index
    %get3A_225 = arith.constant 0 : index
    %get3A_226 = vector.load %arg8[%get3A_224, %get3A_225] : memref<16x256xi32, #tpu.memory_space<vmem>>, vector<1x256xi32>
    %get3A_227 = vector.shape_cast %get3A_226 : vector<1x256xi32> to vector<256xi32>
    %max3A_228 = arith.maxsi %get3A_227, %reduce_max3A_223 : vector<256xi32>
    %swap3A_229 = arith.constant 4 : index
    %swap3A_230 = arith.constant 0 : index
    %swap3A_231 = vector.load %arg8[%swap3A_229, %swap3A_230] : memref<16x256xi32, #tpu.memory_space<vmem>>, vector<1x256xi32>
    %swap3A_232 = vector.shape_cast %swap3A_231 : vector<1x256xi32> to vector<256xi32>
    %swap3A_233 = vector.shape_cast %max3A_228 : vector<256xi32> to vector<1x256xi32>
    tpu.vector_store %arg8[%swap3A_229, %swap3A_230], %swap3A_233 {strides = array<i32>} : memref<16x256xi32, #tpu.memory_space<vmem>>, vector<1x256xi32>,
    %add3A_234 = arith.constant 5 : i32
    %add3A_235 = arith.addi %add3A_24, %add3A_234 : i32
    %eq3A_236 = vector.broadcast %add3A_235 : i32 to vector<64x256xi32>
    %eq3A_237 = arith.cmpi eq, %get3A_5, %eq3A_236 : vector<64x256xi32>
    %convert_element_type3A_238 = arith.extui %eq3A_237 : vector<64x256xi1> to vector<64x256xi32>
    %convert_element_type3A_239 = arith.sitofp %convert_element_type3A_238 : vector<64x256xi32> to vector<64x256xf32>
    %swap3A_240 = arith.constant 5 : index
    %swap3A_241 = arith.constant 0 : index
    %swap3A_242 = arith.constant 0 : index
    %swap3A_243 = vector.load %arg5[%swap3A_240, %swap3A_241, %swap3A_242] : memref<16x64x256xf32, #tpu.memory_space<vmem>>, vector<1x64x256xf32>
    %swap3A_244 = vector.shape_cast %swap3A_243 : vector<1x64x256xf32> to vector<64x256xf32>
    %swap3A_245 = vector.shape_cast %convert_element_type3A_239 : vector<64x256xf32> to vector<1x64x256xf32>
    tpu.vector_store %arg5[%swap3A_240, %swap3A_241, %swap3A_242], %swap3A_245 {strides = array<i32>} : memref<16x64x256xf32, #tpu.memory_space<vmem>>, vector<1x64x256xf32>,
    %mul3A_246 = arith.mulf %convert_element_type3A_239, %get3A_16 : vector<64x256xf32>
    %swap3A_247 = arith.constant 5 : index
    %swap3A_248 = arith.constant 0 : index
    %swap3A_249 = arith.constant 0 : index
    %swap3A_250 = arith.constant 0 : index
    %swap3A_251 = vector.load %arg6[%swap3A_247, %swap3A_248, %swap3A_249, %swap3A_250] : memref<16x2x64x256xf32, #tpu.memory_space<vmem>>, vector<1x1x64x256xf32>
    %swap3A_252 = vector.shape_cast %swap3A_251 : vector<1x1x64x256xf32> to vector<64x256xf32>
    %swap3A_253 = vector.shape_cast %mul3A_246 : vector<64x256xf32> to vector<1x1x64x256xf32>
    tpu.vector_store %arg6[%swap3A_247, %swap3A_248, %swap3A_249, %swap3A_250], %swap3A_253 {strides = array<i32>} : memref<16x2x64x256xf32, #tpu.memory_space<vmem>>, vector<1x1x64x256xf32>,
    %mul3A_254 = arith.mulf %convert_element_type3A_239, %get3A_22 : vector<64x256xf32>
    %swap3A_255 = arith.constant 5 : index
    %swap3A_256 = arith.constant 1 : index
    %swap3A_257 = arith.constant 0 : index
    %swap3A_258 = arith.constant 0 : index
    %swap3A_259 = vector.load %arg6[%swap3A_255, %swap3A_256, %swap3A_257, %swap3A_258] : memref<16x2x64x256xf32, #tpu.memory_space<vmem>>, vector<1x1x64x256xf32>
    %swap3A_260 = vector.shape_cast %swap3A_259 : vector<1x1x64x256xf32> to vector<64x256xf32>
    %swap3A_261 = vector.shape_cast %mul3A_254 : vector<64x256xf32> to vector<1x1x64x256xf32>
    tpu.vector_store %arg6[%swap3A_255, %swap3A_256, %swap3A_257, %swap3A_258], %swap3A_261 {strides = array<i32>} : memref<16x2x64x256xf32, #tpu.memory_space<vmem>>, vector<1x1x64x256xf32>,
    %jit3A_262 = arith.constant 0 : i32
    %broadcast_in_dim3A_263 = vector.broadcast %jit3A_262 : i32 to vector<64x256xi32>
    %select_n3A_264 = arith.select %eq3A_237, %get3A_10, %broadcast_in_dim3A_263 : vector<64x256xi1>, vector<64x256xi32>
    %reduce_max3A_265 = arith.constant dense<-2147483648> : vector<256xi32>
    %reduce_max3A_266 = vector.multi_reduction <maxsi>, %select_n3A_264, %reduce_max3A_265 [0] : vector<64x256xi32> to vector<256xi32>
    %get3A_267 = arith.constant 5 : index
    %get3A_268 = arith.constant 0 : index
    %get3A_269 = vector.load %arg8[%get3A_267, %get3A_268] : memref<16x256xi32, #tpu.memory_space<vmem>>, vector<1x256xi32>
    %get3A_270 = vector.shape_cast %get3A_269 : vector<1x256xi32> to vector<256xi32>
    %max3A_271 = arith.maxsi %get3A_270, %reduce_max3A_266 : vector<256xi32>
    %swap3A_272 = arith.constant 5 : index
    %swap3A_273 = arith.constant 0 : index
    %swap3A_274 = vector.load %arg8[%swap3A_272, %swap3A_273] : memref<16x256xi32, #tpu.memory_space<vmem>>, vector<1x256xi32>
    %swap3A_275 = vector.shape_cast %swap3A_274 : vector<1x256xi32> to vector<256xi32>
    %swap3A_276 = vector.shape_cast %max3A_271 : vector<256xi32> to vector<1x256xi32>
    tpu.vector_store %arg8[%swap3A_272, %swap3A_273], %swap3A_276 {strides = array<i32>} : memref<16x256xi32, #tpu.memory_space<vmem>>, vector<1x256xi32>,
    %add3A_277 = arith.constant 6 : i32
    %add3A_278 = arith.addi %add3A_24, %add3A_277 : i32
    %eq3A_279 = vector.broadcast %add3A_278 : i32 to vector<64x256xi32>
    %eq3A_280 = arith.cmpi eq, %get3A_5, %eq3A_279 : vector<64x256xi32>
    %convert_element_type3A_281 = arith.extui %eq3A_280 : vector<64x256xi1> to vector<64x256xi32>
    %convert_element_type3A_282 = arith.sitofp %convert_element_type3A_281 : vector<64x256xi32> to vector<64x256xf32>
    %swap3A_283 = arith.constant 6 : index
    %swap3A_284 = arith.constant 0 : index
    %swap3A_285 = arith.constant 0 : index
    %swap3A_286 = vector.load %arg5[%swap3A_283, %swap3A_284, %swap3A_285] : memref<16x64x256xf32, #tpu.memory_space<vmem>>, vector<1x64x256xf32>
    %swap3A_287 = vector.shape_cast %swap3A_286 : vector<1x64x256xf32> to vector<64x256xf32>
    %swap3A_288 = vector.shape_cast %convert_element_type3A_282 : vector<64x256xf32> to vector<1x64x256xf32>
    tpu.vector_store %arg5[%swap3A_283, %swap3A_284, %swap3A_285], %swap3A_288 {strides = array<i32>} : memref<16x64x256xf32, #tpu.memory_space<vmem>>, vector<1x64x256xf32>,
    %mul3A_289 = arith.mulf %convert_element_type3A_282, %get3A_16 : vector<64x256xf32>
    %swap3A_290 = arith.constant 6 : index
    %swap3A_291 = arith.constant 0 : index
    %swap3A_292 = arith.constant 0 : index
    %swap3A_293 = arith.constant 0 : index
    %swap3A_294 = vector.load %arg6[%swap3A_290, %swap3A_291, %swap3A_292, %swap3A_293] : memref<16x2x64x256xf32, #tpu.memory_space<vmem>>, vector<1x1x64x256xf32>
    %swap3A_295 = vector.shape_cast %swap3A_294 : vector<1x1x64x256xf32> to vector<64x256xf32>
    %swap3A_296 = vector.shape_cast %mul3A_289 : vector<64x256xf32> to vector<1x1x64x256xf32>
    tpu.vector_store %arg6[%swap3A_290, %swap3A_291, %swap3A_292, %swap3A_293], %swap3A_296 {strides = array<i32>} : memref<16x2x64x256xf32, #tpu.memory_space<vmem>>, vector<1x1x64x256xf32>,
    %mul3A_297 = arith.mulf %convert_element_type3A_282, %get3A_22 : vector<64x256xf32>
    %swap3A_298 = arith.constant 6 : index
    %swap3A_299 = arith.constant 1 : index
    %swap3A_300 = arith.constant 0 : index
    %swap3A_301 = arith.constant 0 : index
    %swap3A_302 = vector.load %arg6[%swap3A_298, %swap3A_299, %swap3A_300, %swap3A_301] : memref<16x2x64x256xf32, #tpu.memory_space<vmem>>, vector<1x1x64x256xf32>
    %swap3A_303 = vector.shape_cast %swap3A_302 : vector<1x1x64x256xf32> to vector<64x256xf32>
    %swap3A_304 = vector.shape_cast %mul3A_297 : vector<64x256xf32> to vector<1x1x64x256xf32>
    tpu.vector_store %arg6[%swap3A_298, %swap3A_299, %swap3A_300, %swap3A_301], %swap3A_304 {strides = array<i32>} : memref<16x2x64x256xf32, #tpu.memory_space<vmem>>, vector<1x1x64x256xf32>,
    %jit3A_305 = arith.constant 0 : i32
    %broadcast_in_dim3A_306 = vector.broadcast %jit3A_305 : i32 to vector<64x256xi32>
    %select_n3A_307 = arith.select %eq3A_280, %get3A_10, %broadcast_in_dim3A_306 : vector<64x256xi1>, vector<64x256xi32>
    %reduce_max3A_308 = arith.constant dense<-2147483648> : vector<256xi32>
    %reduce_max3A_309 = vector.multi_reduction <maxsi>, %select_n3A_307, %reduce_max3A_308 [0] : vector<64x256xi32> to vector<256xi32>
    %get3A_310 = arith.constant 6 : index
    %get3A_311 = arith.constant 0 : index
    %get3A_312 = vector.load %arg8[%get3A_310, %get3A_311] : memref<16x256xi32, #tpu.memory_space<vmem>>, vector<1x256xi32>
    %get3A_313 = vector.shape_cast %get3A_312 : vector<1x256xi32> to vector<256xi32>
    %max3A_314 = arith.maxsi %get3A_313, %reduce_max3A_309 : vector<256xi32>
    %swap3A_315 = arith.constant 6 : index
    %swap3A_316 = arith.constant 0 : index
    %swap3A_317 = vector.load %arg8[%swap3A_315, %swap3A_316] : memref<16x256xi32, #tpu.memory_space<vmem>>, vector<1x256xi32>
    %swap3A_318 = vector.shape_cast %swap3A_317 : vector<1x256xi32> to vector<256xi32>
    %swap3A_319 = vector.shape_cast %max3A_314 : vector<256xi32> to vector<1x256xi32>
    tpu.vector_store %arg8[%swap3A_315, %swap3A_316], %swap3A_319 {strides = array<i32>} : memref<16x256xi32, #tpu.memory_space<vmem>>, vector<1x256xi32>,
    %add3A_320 = arith.constant 7 : i32
    %add3A_321 = arith.addi %add3A_24, %add3A_320 : i32
    %eq3A_322 = vector.broadcast %add3A_321 : i32 to vector<64x256xi32>
    %eq3A_323 = arith.cmpi eq, %get3A_5, %eq3A_322 : vector<64x256xi32>
    %convert_element_type3A_324 = arith.extui %eq3A_323 : vector<64x256xi1> to vector<64x256xi32>
    %convert_element_type3A_325 = arith.sitofp %convert_element_type3A_324 : vector<64x256xi32> to vector<64x256xf32>
    %swap3A_326 = arith.constant 7 : index
    %swap3A_327 = arith.constant 0 : index
    %swap3A_328 = arith.constant 0 : index
    %swap3A_329 = vector.load %arg5[%swap3A_326, %swap3A_327, %swap3A_328] : memref<16x64x256xf32, #tpu.memory_space<vmem>>, vector<1x64x256xf32>
    %swap3A_330 = vector.shape_cast %swap3A_329 : vector<1x64x256xf32> to vector<64x256xf32>
    %swap3A_331 = vector.shape_cast %convert_element_type3A_325 : vector<64x256xf32> to vector<1x64x256xf32>
    tpu.vector_store %arg5[%swap3A_326, %swap3A_327, %swap3A_328], %swap3A_331 {strides = array<i32>} : memref<16x64x256xf32, #tpu.memory_space<vmem>>, vector<1x64x256xf32>,
    %mul3A_332 = arith.mulf %convert_element_type3A_325, %get3A_16 : vector<64x256xf32>
    %swap3A_333 = arith.constant 7 : index
    %swap3A_334 = arith.constant 0 : index
    %swap3A_335 = arith.constant 0 : index
    %swap3A_336 = arith.constant 0 : index
    %swap3A_337 = vector.load %arg6[%swap3A_333, %swap3A_334, %swap3A_335, %swap3A_336] : memref<16x2x64x256xf32, #tpu.memory_space<vmem>>, vector<1x1x64x256xf32>
    %swap3A_338 = vector.shape_cast %swap3A_337 : vector<1x1x64x256xf32> to vector<64x256xf32>
    %swap3A_339 = vector.shape_cast %mul3A_332 : vector<64x256xf32> to vector<1x1x64x256xf32>
    tpu.vector_store %arg6[%swap3A_333, %swap3A_334, %swap3A_335, %swap3A_336], %swap3A_339 {strides = array<i32>} : memref<16x2x64x256xf32, #tpu.memory_space<vmem>>, vector<1x1x64x256xf32>,
    %mul3A_340 = arith.mulf %convert_element_type3A_325, %get3A_22 : vector<64x256xf32>
    %swap3A_341 = arith.constant 7 : index
    %swap3A_342 = arith.constant 1 : index
    %swap3A_343 = arith.constant 0 : index
    %swap3A_344 = arith.constant 0 : index
    %swap3A_345 = vector.load %arg6[%swap3A_341, %swap3A_342, %swap3A_343, %swap3A_344] : memref<16x2x64x256xf32, #tpu.memory_space<vmem>>, vector<1x1x64x256xf32>
    %swap3A_346 = vector.shape_cast %swap3A_345 : vector<1x1x64x256xf32> to vector<64x256xf32>
    %swap3A_347 = vector.shape_cast %mul3A_340 : vector<64x256xf32> to vector<1x1x64x256xf32>
    tpu.vector_store %arg6[%swap3A_341, %swap3A_342, %swap3A_343, %swap3A_344], %swap3A_347 {strides = array<i32>} : memref<16x2x64x256xf32, #tpu.memory_space<vmem>>, vector<1x1x64x256xf32>,
    %jit3A_348 = arith.constant 0 : i32
    %broadcast_in_dim3A_349 = vector.broadcast %jit3A_348 : i32 to vector<64x256xi32>
    %select_n3A_350 = arith.select %eq3A_323, %get3A_10, %broadcast_in_dim3A_349 : vector<64x256xi1>, vector<64x256xi32>
    %reduce_max3A_351 = arith.constant dense<-2147483648> : vector<256xi32>
    %reduce_max3A_352 = vector.multi_reduction <maxsi>, %select_n3A_350, %reduce_max3A_351 [0] : vector<64x256xi32> to vector<256xi32>
    %get3A_353 = arith.constant 7 : index
    %get3A_354 = arith.constant 0 : index
    %get3A_355 = vector.load %arg8[%get3A_353, %get3A_354] : memref<16x256xi32, #tpu.memory_space<vmem>>, vector<1x256xi32>
    %get3A_356 = vector.shape_cast %get3A_355 : vector<1x256xi32> to vector<256xi32>
    %max3A_357 = arith.maxsi %get3A_356, %reduce_max3A_352 : vector<256xi32>
    %swap3A_358 = arith.constant 7 : index
    %swap3A_359 = arith.constant 0 : index
    %swap3A_360 = vector.load %arg8[%swap3A_358, %swap3A_359] : memref<16x256xi32, #tpu.memory_space<vmem>>, vector<1x256xi32>
    %swap3A_361 = vector.shape_cast %swap3A_360 : vector<1x256xi32> to vector<256xi32>
    %swap3A_362 = vector.shape_cast %max3A_357 : vector<256xi32> to vector<1x256xi32>
    tpu.vector_store %arg8[%swap3A_358, %swap3A_359], %swap3A_362 {strides = array<i32>} : memref<16x256xi32, #tpu.memory_space<vmem>>, vector<1x256xi32>,
    %add3A_363 = arith.constant 8 : i32
    %add3A_364 = arith.addi %add3A_24, %add3A_363 : i32
    %eq3A_365 = vector.broadcast %add3A_364 : i32 to vector<64x256xi32>
    %eq3A_366 = arith.cmpi eq, %get3A_5, %eq3A_365 : vector<64x256xi32>
    %convert_element_type3A_367 = arith.extui %eq3A_366 : vector<64x256xi1> to vector<64x256xi32>
    %convert_element_type3A_368 = arith.sitofp %convert_element_type3A_367 : vector<64x256xi32> to vector<64x256xf32>
    %swap3A_369 = arith.constant 8 : index
    %swap3A_370 = arith.constant 0 : index
    %swap3A_371 = arith.constant 0 : index
    %swap3A_372 = vector.load %arg5[%swap3A_369, %swap3A_370, %swap3A_371] : memref<16x64x256xf32, #tpu.memory_space<vmem>>, vector<1x64x256xf32>
    %swap3A_373 = vector.shape_cast %swap3A_372 : vector<1x64x256xf32> to vector<64x256xf32>
    %swap3A_374 = vector.shape_cast %convert_element_type3A_368 : vector<64x256xf32> to vector<1x64x256xf32>
    tpu.vector_store %arg5[%swap3A_369, %swap3A_370, %swap3A_371], %swap3A_374 {strides = array<i32>} : memref<16x64x256xf32, #tpu.memory_space<vmem>>, vector<1x64x256xf32>,
    %mul3A_375 = arith.mulf %convert_element_type3A_368, %get3A_16 : vector<64x256xf32>
    %swap3A_376 = arith.constant 8 : index
    %swap3A_377 = arith.constant 0 : index
    %swap3A_378 = arith.constant 0 : index
    %swap3A_379 = arith.constant 0 : index
    %swap3A_380 = vector.load %arg6[%swap3A_376, %swap3A_377, %swap3A_378, %swap3A_379] : memref<16x2x64x256xf32, #tpu.memory_space<vmem>>, vector<1x1x64x256xf32>
    %swap3A_381 = vector.shape_cast %swap3A_380 : vector<1x1x64x256xf32> to vector<64x256xf32>
    %swap3A_382 = vector.shape_cast %mul3A_375 : vector<64x256xf32> to vector<1x1x64x256xf32>
    tpu.vector_store %arg6[%swap3A_376, %swap3A_377, %swap3A_378, %swap3A_379], %swap3A_382 {strides = array<i32>} : memref<16x2x64x256xf32, #tpu.memory_space<vmem>>, vector<1x1x64x256xf32>,
    %mul3A_383 = arith.mulf %convert_element_type3A_368, %get3A_22 : vector<64x256xf32>
    %swap3A_384 = arith.constant 8 : index
    %swap3A_385 = arith.constant 1 : index
    %swap3A_386 = arith.constant 0 : index
    %swap3A_387 = arith.constant 0 : index
    %swap3A_388 = vector.load %arg6[%swap3A_384, %swap3A_385, %swap3A_386, %swap3A_387] : memref<16x2x64x256xf32, #tpu.memory_space<vmem>>, vector<1x1x64x256xf32>
    %swap3A_389 = vector.shape_cast %swap3A_388 : vector<1x1x64x256xf32> to vector<64x256xf32>
    %swap3A_390 = vector.shape_cast %mul3A_383 : vector<64x256xf32> to vector<1x1x64x256xf32>
    tpu.vector_store %arg6[%swap3A_384, %swap3A_385, %swap3A_386, %swap3A_387], %swap3A_390 {strides = array<i32>} : memref<16x2x64x256xf32, #tpu.memory_space<vmem>>, vector<1x1x64x256xf32>,
    %jit3A_391 = arith.constant 0 : i32
    %broadcast_in_dim3A_392 = vector.broadcast %jit3A_391 : i32 to vector<64x256xi32>
    %select_n3A_393 = arith.select %eq3A_366, %get3A_10, %broadcast_in_dim3A_392 : vector<64x256xi1>, vector<64x256xi32>
    %reduce_max3A_394 = arith.constant dense<-2147483648> : vector<256xi32>
    %reduce_max3A_395 = vector.multi_reduction <maxsi>, %select_n3A_393, %reduce_max3A_394 [0] : vector<64x256xi32> to vector<256xi32>
    %get3A_396 = arith.constant 8 : index
    %get3A_397 = arith.constant 0 : index
    %get3A_398 = vector.load %arg8[%get3A_396, %get3A_397] : memref<16x256xi32, #tpu.memory_space<vmem>>, vector<1x256xi32>
    %get3A_399 = vector.shape_cast %get3A_398 : vector<1x256xi32> to vector<256xi32>
    %max3A_400 = arith.maxsi %get3A_399, %reduce_max3A_395 : vector<256xi32>
    %swap3A_401 = arith.constant 8 : index
    %swap3A_402 = arith.constant 0 : index
    %swap3A_403 = vector.load %arg8[%swap3A_401, %swap3A_402] : memref<16x256xi32, #tpu.memory_space<vmem>>, vector<1x256xi32>
    %swap3A_404 = vector.shape_cast %swap3A_403 : vector<1x256xi32> to vector<256xi32>
    %swap3A_405 = vector.shape_cast %max3A_400 : vector<256xi32> to vector<1x256xi32>
    tpu.vector_store %arg8[%swap3A_401, %swap3A_402], %swap3A_405 {strides = array<i32>} : memref<16x256xi32, #tpu.memory_space<vmem>>, vector<1x256xi32>,
    %add3A_406 = arith.constant 9 : i32
    %add3A_407 = arith.addi %add3A_24, %add3A_406 : i32
    %eq3A_408 = vector.broadcast %add3A_407 : i32 to vector<64x256xi32>
    %eq3A_409 = arith.cmpi eq, %get3A_5, %eq3A_408 : vector<64x256xi32>
    %convert_element_type3A_410 = arith.extui %eq3A_409 : vector<64x256xi1> to vector<64x256xi32>
    %convert_element_type3A_411 = arith.sitofp %convert_element_type3A_410 : vector<64x256xi32> to vector<64x256xf32>
    %swap3A_412 = arith.constant 9 : index
    %swap3A_413 = arith.constant 0 : index
    %swap3A_414 = arith.constant 0 : index
    %swap3A_415 = vector.load %arg5[%swap3A_412, %swap3A_413, %swap3A_414] : memref<16x64x256xf32, #tpu.memory_space<vmem>>, vector<1x64x256xf32>
    %swap3A_416 = vector.shape_cast %swap3A_415 : vector<1x64x256xf32> to vector<64x256xf32>
    %swap3A_417 = vector.shape_cast %convert_element_type3A_411 : vector<64x256xf32> to vector<1x64x256xf32>
    tpu.vector_store %arg5[%swap3A_412, %swap3A_413, %swap3A_414], %swap3A_417 {strides = array<i32>} : memref<16x64x256xf32, #tpu.memory_space<vmem>>, vector<1x64x256xf32>,
    %mul3A_418 = arith.mulf %convert_element_type3A_411, %get3A_16 : vector<64x256xf32>
    %swap3A_419 = arith.constant 9 : index
    %swap3A_420 = arith.constant 0 : index
    %swap3A_421 = arith.constant 0 : index
    %swap3A_422 = arith.constant 0 : index
    %swap3A_423 = vector.load %arg6[%swap3A_419, %swap3A_420, %swap3A_421, %swap3A_422] : memref<16x2x64x256xf32, #tpu.memory_space<vmem>>, vector<1x1x64x256xf32>
    %swap3A_424 = vector.shape_cast %swap3A_423 : vector<1x1x64x256xf32> to vector<64x256xf32>
    %swap3A_425 = vector.shape_cast %mul3A_418 : vector<64x256xf32> to vector<1x1x64x256xf32>
    tpu.vector_store %arg6[%swap3A_419, %swap3A_420, %swap3A_421, %swap3A_422], %swap3A_425 {strides = array<i32>} : memref<16x2x64x256xf32, #tpu.memory_space<vmem>>, vector<1x1x64x256xf32>,
    %mul3A_426 = arith.mulf %convert_element_type3A_411, %get3A_22 : vector<64x256xf32>
    %swap3A_427 = arith.constant 9 : index
    %swap3A_428 = arith.constant 1 : index
    %swap3A_429 = arith.constant 0 : index
    %swap3A_430 = arith.constant 0 : index
    %swap3A_431 = vector.load %arg6[%swap3A_427, %swap3A_428, %swap3A_429, %swap3A_430] : memref<16x2x64x256xf32, #tpu.memory_space<vmem>>, vector<1x1x64x256xf32>
    %swap3A_432 = vector.shape_cast %swap3A_431 : vector<1x1x64x256xf32> to vector<64x256xf32>
    %swap3A_433 = vector.shape_cast %mul3A_426 : vector<64x256xf32> to vector<1x1x64x256xf32>
    tpu.vector_store %arg6[%swap3A_427, %swap3A_428, %swap3A_429, %swap3A_430], %swap3A_433 {strides = array<i32>} : memref<16x2x64x256xf32, #tpu.memory_space<vmem>>, vector<1x1x64x256xf32>,
    %jit3A_434 = arith.constant 0 : i32
    %broadcast_in_dim3A_435 = vector.broadcast %jit3A_434 : i32 to vector<64x256xi32>
    %select_n3A_436 = arith.select %eq3A_409, %get3A_10, %broadcast_in_dim3A_435 : vector<64x256xi1>, vector<64x256xi32>
    %reduce_max3A_437 = arith.constant dense<-2147483648> : vector<256xi32>
    %reduce_max3A_438 = vector.multi_reduction <maxsi>, %select_n3A_436, %reduce_max3A_437 [0] : vector<64x256xi32> to vector<256xi32>
    %get3A_439 = arith.constant 9 : index
    %get3A_440 = arith.constant 0 : index
    %get3A_441 = vector.load %arg8[%get3A_439, %get3A_440] : memref<16x256xi32, #tpu.memory_space<vmem>>, vector<1x256xi32>
    %get3A_442 = vector.shape_cast %get3A_441 : vector<1x256xi32> to vector<256xi32>
    %max3A_443 = arith.maxsi %get3A_442, %reduce_max3A_438 : vector<256xi32>
    %swap3A_444 = arith.constant 9 : index
    %swap3A_445 = arith.constant 0 : index
    %swap3A_446 = vector.load %arg8[%swap3A_444, %swap3A_445] : memref<16x256xi32, #tpu.memory_space<vmem>>, vector<1x256xi32>
    %swap3A_447 = vector.shape_cast %swap3A_446 : vector<1x256xi32> to vector<256xi32>
    %swap3A_448 = vector.shape_cast %max3A_443 : vector<256xi32> to vector<1x256xi32>
    tpu.vector_store %arg8[%swap3A_444, %swap3A_445], %swap3A_448 {strides = array<i32>} : memref<16x256xi32, #tpu.memory_space<vmem>>, vector<1x256xi32>,
    %add3A_449 = arith.constant 10 : i32
    %add3A_450 = arith.addi %add3A_24, %add3A_449 : i32
    %eq3A_451 = vector.broadcast %add3A_450 : i32 to vector<64x256xi32>
    %eq3A_452 = arith.cmpi eq, %get3A_5, %eq3A_451 : vector<64x256xi32>
    %convert_element_type3A_453 = arith.extui %eq3A_452 : vector<64x256xi1> to vector<64x256xi32>
    %convert_element_type3A_454 = arith.sitofp %convert_element_type3A_453 : vector<64x256xi32> to vector<64x256xf32>
    %swap3A_455 = arith.constant 10 : index
    %swap3A_456 = arith.constant 0 : index
    %swap3A_457 = arith.constant 0 : index
    %swap3A_458 = vector.load %arg5[%swap3A_455, %swap3A_456, %swap3A_457] : memref<16x64x256xf32, #tpu.memory_space<vmem>>, vector<1x64x256xf32>
    %swap3A_459 = vector.shape_cast %swap3A_458 : vector<1x64x256xf32> to vector<64x256xf32>
    %swap3A_460 = vector.shape_cast %convert_element_type3A_454 : vector<64x256xf32> to vector<1x64x256xf32>
    tpu.vector_store %arg5[%swap3A_455, %swap3A_456, %swap3A_457], %swap3A_460 {strides = array<i32>} : memref<16x64x256xf32, #tpu.memory_space<vmem>>, vector<1x64x256xf32>,
    %mul3A_461 = arith.mulf %convert_element_type3A_454, %get3A_16 : vector<64x256xf32>
    %swap3A_462 = arith.constant 10 : index
    %swap3A_463 = arith.constant 0 : index
    %swap3A_464 = arith.constant 0 : index
    %swap3A_465 = arith.constant 0 : index
    %swap3A_466 = vector.load %arg6[%swap3A_462, %swap3A_463, %swap3A_464, %swap3A_465] : memref<16x2x64x256xf32, #tpu.memory_space<vmem>>, vector<1x1x64x256xf32>
    %swap3A_467 = vector.shape_cast %swap3A_466 : vector<1x1x64x256xf32> to vector<64x256xf32>
    %swap3A_468 = vector.shape_cast %mul3A_461 : vector<64x256xf32> to vector<1x1x64x256xf32>
    tpu.vector_store %arg6[%swap3A_462, %swap3A_463, %swap3A_464, %swap3A_465], %swap3A_468 {strides = array<i32>} : memref<16x2x64x256xf32, #tpu.memory_space<vmem>>, vector<1x1x64x256xf32>,
    %mul3A_469 = arith.mulf %convert_element_type3A_454, %get3A_22 : vector<64x256xf32>
    %swap3A_470 = arith.constant 10 : index
    %swap3A_471 = arith.constant 1 : index
    %swap3A_472 = arith.constant 0 : index
    %swap3A_473 = arith.constant 0 : index
    %swap3A_474 = vector.load %arg6[%swap3A_470, %swap3A_471, %swap3A_472, %swap3A_473] : memref<16x2x64x256xf32, #tpu.memory_space<vmem>>, vector<1x1x64x256xf32>
    %swap3A_475 = vector.shape_cast %swap3A_474 : vector<1x1x64x256xf32> to vector<64x256xf32>
    %swap3A_476 = vector.shape_cast %mul3A_469 : vector<64x256xf32> to vector<1x1x64x256xf32>
    tpu.vector_store %arg6[%swap3A_470, %swap3A_471, %swap3A_472, %swap3A_473], %swap3A_476 {strides = array<i32>} : memref<16x2x64x256xf32, #tpu.memory_space<vmem>>, vector<1x1x64x256xf32>,
    %jit3A_477 = arith.constant 0 : i32
    %broadcast_in_dim3A_478 = vector.broadcast %jit3A_477 : i32 to vector<64x256xi32>
    %select_n3A_479 = arith.select %eq3A_452, %get3A_10, %broadcast_in_dim3A_478 : vector<64x256xi1>, vector<64x256xi32>
    %reduce_max3A_480 = arith.constant dense<-2147483648> : vector<256xi32>
    %reduce_max3A_481 = vector.multi_reduction <maxsi>, %select_n3A_479, %reduce_max3A_480 [0] : vector<64x256xi32> to vector<256xi32>
    %get3A_482 = arith.constant 10 : index
    %get3A_483 = arith.constant 0 : index
    %get3A_484 = vector.load %arg8[%get3A_482, %get3A_483] : memref<16x256xi32, #tpu.memory_space<vmem>>, vector<1x256xi32>
    %get3A_485 = vector.shape_cast %get3A_484 : vector<1x256xi32> to vector<256xi32>
    %max3A_486 = arith.maxsi %get3A_485, %reduce_max3A_481 : vector<256xi32>
    %swap3A_487 = arith.constant 10 : index
    %swap3A_488 = arith.constant 0 : index
    %swap3A_489 = vector.load %arg8[%swap3A_487, %swap3A_488] : memref<16x256xi32, #tpu.memory_space<vmem>>, vector<1x256xi32>
    %swap3A_490 = vector.shape_cast %swap3A_489 : vector<1x256xi32> to vector<256xi32>
    %swap3A_491 = vector.shape_cast %max3A_486 : vector<256xi32> to vector<1x256xi32>
    tpu.vector_store %arg8[%swap3A_487, %swap3A_488], %swap3A_491 {strides = array<i32>} : memref<16x256xi32, #tpu.memory_space<vmem>>, vector<1x256xi32>,
    %add3A_492 = arith.constant 11 : i32
    %add3A_493 = arith.addi %add3A_24, %add3A_492 : i32
    %eq3A_494 = vector.broadcast %add3A_493 : i32 to vector<64x256xi32>
    %eq3A_495 = arith.cmpi eq, %get3A_5, %eq3A_494 : vector<64x256xi32>
    %convert_element_type3A_496 = arith.extui %eq3A_495 : vector<64x256xi1> to vector<64x256xi32>
    %convert_element_type3A_497 = arith.sitofp %convert_element_type3A_496 : vector<64x256xi32> to vector<64x256xf32>
    %swap3A_498 = arith.constant 11 : index
    %swap3A_499 = arith.constant 0 : index
    %swap3A_500 = arith.constant 0 : index
    %swap3A_501 = vector.load %arg5[%swap3A_498, %swap3A_499, %swap3A_500] : memref<16x64x256xf32, #tpu.memory_space<vmem>>, vector<1x64x256xf32>
    %swap3A_502 = vector.shape_cast %swap3A_501 : vector<1x64x256xf32> to vector<64x256xf32>
    %swap3A_503 = vector.shape_cast %convert_element_type3A_497 : vector<64x256xf32> to vector<1x64x256xf32>
    tpu.vector_store %arg5[%swap3A_498, %swap3A_499, %swap3A_500], %swap3A_503 {strides = array<i32>} : memref<16x64x256xf32, #tpu.memory_space<vmem>>, vector<1x64x256xf32>,
    %mul3A_504 = arith.mulf %convert_element_type3A_497, %get3A_16 : vector<64x256xf32>
    %swap3A_505 = arith.constant 11 : index
    %swap3A_506 = arith.constant 0 : index
    %swap3A_507 = arith.constant 0 : index
    %swap3A_508 = arith.constant 0 : index
    %swap3A_509 = vector.load %arg6[%swap3A_505, %swap3A_506, %swap3A_507, %swap3A_508] : memref<16x2x64x256xf32, #tpu.memory_space<vmem>>, vector<1x1x64x256xf32>
    %swap3A_510 = vector.shape_cast %swap3A_509 : vector<1x1x64x256xf32> to vector<64x256xf32>
    %swap3A_511 = vector.shape_cast %mul3A_504 : vector<64x256xf32> to vector<1x1x64x256xf32>
    tpu.vector_store %arg6[%swap3A_505, %swap3A_506, %swap3A_507, %swap3A_508], %swap3A_511 {strides = array<i32>} : memref<16x2x64x256xf32, #tpu.memory_space<vmem>>, vector<1x1x64x256xf32>,
    %mul3A_512 = arith.mulf %convert_element_type3A_497, %get3A_22 : vector<64x256xf32>
    %swap3A_513 = arith.constant 11 : index
    %swap3A_514 = arith.constant 1 : index
    %swap3A_515 = arith.constant 0 : index
    %swap3A_516 = arith.constant 0 : index
    %swap3A_517 = vector.load %arg6[%swap3A_513, %swap3A_514, %swap3A_515, %swap3A_516] : memref<16x2x64x256xf32, #tpu.memory_space<vmem>>, vector<1x1x64x256xf32>
    %swap3A_518 = vector.shape_cast %swap3A_517 : vector<1x1x64x256xf32> to vector<64x256xf32>
    %swap3A_519 = vector.shape_cast %mul3A_512 : vector<64x256xf32> to vector<1x1x64x256xf32>
    tpu.vector_store %arg6[%swap3A_513, %swap3A_514, %swap3A_515, %swap3A_516], %swap3A_519 {strides = array<i32>} : memref<16x2x64x256xf32, #tpu.memory_space<vmem>>, vector<1x1x64x256xf32>,
    %jit3A_520 = arith.constant 0 : i32
    %broadcast_in_dim3A_521 = vector.broadcast %jit3A_520 : i32 to vector<64x256xi32>
    %select_n3A_522 = arith.select %eq3A_495, %get3A_10, %broadcast_in_dim3A_521 : vector<64x256xi1>, vector<64x256xi32>
    %reduce_max3A_523 = arith.constant dense<-2147483648> : vector<256xi32>
    %reduce_max3A_524 = vector.multi_reduction <maxsi>, %select_n3A_522, %reduce_max3A_523 [0] : vector<64x256xi32> to vector<256xi32>
    %get3A_525 = arith.constant 11 : index
    %get3A_526 = arith.constant 0 : index
    %get3A_527 = vector.load %arg8[%get3A_525, %get3A_526] : memref<16x256xi32, #tpu.memory_space<vmem>>, vector<1x256xi32>
    %get3A_528 = vector.shape_cast %get3A_527 : vector<1x256xi32> to vector<256xi32>
    %max3A_529 = arith.maxsi %get3A_528, %reduce_max3A_524 : vector<256xi32>
    %swap3A_530 = arith.constant 11 : index
    %swap3A_531 = arith.constant 0 : index
    %swap3A_532 = vector.load %arg8[%swap3A_530, %swap3A_531] : memref<16x256xi32, #tpu.memory_space<vmem>>, vector<1x256xi32>
    %swap3A_533 = vector.shape_cast %swap3A_532 : vector<1x256xi32> to vector<256xi32>
    %swap3A_534 = vector.shape_cast %max3A_529 : vector<256xi32> to vector<1x256xi32>
    tpu.vector_store %arg8[%swap3A_530, %swap3A_531], %swap3A_534 {strides = array<i32>} : memref<16x256xi32, #tpu.memory_space<vmem>>, vector<1x256xi32>,
    %add3A_535 = arith.constant 12 : i32
    %add3A_536 = arith.addi %add3A_24, %add3A_535 : i32
    %eq3A_537 = vector.broadcast %add3A_536 : i32 to vector<64x256xi32>
    %eq3A_538 = arith.cmpi eq, %get3A_5, %eq3A_537 : vector<64x256xi32>
    %convert_element_type3A_539 = arith.extui %eq3A_538 : vector<64x256xi1> to vector<64x256xi32>
    %convert_element_type3A_540 = arith.sitofp %convert_element_type3A_539 : vector<64x256xi32> to vector<64x256xf32>
    %swap3A_541 = arith.constant 12 : index
    %swap3A_542 = arith.constant 0 : index
    %swap3A_543 = arith.constant 0 : index
    %swap3A_544 = vector.load %arg5[%swap3A_541, %swap3A_542, %swap3A_543] : memref<16x64x256xf32, #tpu.memory_space<vmem>>, vector<1x64x256xf32>
    %swap3A_545 = vector.shape_cast %swap3A_544 : vector<1x64x256xf32> to vector<64x256xf32>
    %swap3A_546 = vector.shape_cast %convert_element_type3A_540 : vector<64x256xf32> to vector<1x64x256xf32>
    tpu.vector_store %arg5[%swap3A_541, %swap3A_542, %swap3A_543], %swap3A_546 {strides = array<i32>} : memref<16x64x256xf32, #tpu.memory_space<vmem>>, vector<1x64x256xf32>,
    %mul3A_547 = arith.mulf %convert_element_type3A_540, %get3A_16 : vector<64x256xf32>
    %swap3A_548 = arith.constant 12 : index
    %swap3A_549 = arith.constant 0 : index
    %swap3A_550 = arith.constant 0 : index
    %swap3A_551 = arith.constant 0 : index
    %swap3A_552 = vector.load %arg6[%swap3A_548, %swap3A_549, %swap3A_550, %swap3A_551] : memref<16x2x64x256xf32, #tpu.memory_space<vmem>>, vector<1x1x64x256xf32>
    %swap3A_553 = vector.shape_cast %swap3A_552 : vector<1x1x64x256xf32> to vector<64x256xf32>
    %swap3A_554 = vector.shape_cast %mul3A_547 : vector<64x256xf32> to vector<1x1x64x256xf32>
    tpu.vector_store %arg6[%swap3A_548, %swap3A_549, %swap3A_550, %swap3A_551], %swap3A_554 {strides = array<i32>} : memref<16x2x64x256xf32, #tpu.memory_space<vmem>>, vector<1x1x64x256xf32>,
    %mul3A_555 = arith.mulf %convert_element_type3A_540, %get3A_22 : vector<64x256xf32>
    %swap3A_556 = arith.constant 12 : index
    %swap3A_557 = arith.constant 1 : index
    %swap3A_558 = arith.constant 0 : index
    %swap3A_559 = arith.constant 0 : index
    %swap3A_560 = vector.load %arg6[%swap3A_556, %swap3A_557, %swap3A_558, %swap3A_559] : memref<16x2x64x256xf32, #tpu.memory_space<vmem>>, vector<1x1x64x256xf32>
    %swap3A_561 = vector.shape_cast %swap3A_560 : vector<1x1x64x256xf32> to vector<64x256xf32>
    %swap3A_562 = vector.shape_cast %mul3A_555 : vector<64x256xf32> to vector<1x1x64x256xf32>
    tpu.vector_store %arg6[%swap3A_556, %swap3A_557, %swap3A_558, %swap3A_559], %swap3A_562 {strides = array<i32>} : memref<16x2x64x256xf32, #tpu.memory_space<vmem>>, vector<1x1x64x256xf32>,
    %jit3A_563 = arith.constant 0 : i32
    %broadcast_in_dim3A_564 = vector.broadcast %jit3A_563 : i32 to vector<64x256xi32>
    %select_n3A_565 = arith.select %eq3A_538, %get3A_10, %broadcast_in_dim3A_564 : vector<64x256xi1>, vector<64x256xi32>
    %reduce_max3A_566 = arith.constant dense<-2147483648> : vector<256xi32>
    %reduce_max3A_567 = vector.multi_reduction <maxsi>, %select_n3A_565, %reduce_max3A_566 [0] : vector<64x256xi32> to vector<256xi32>
    %get3A_568 = arith.constant 12 : index
    %get3A_569 = arith.constant 0 : index
    %get3A_570 = vector.load %arg8[%get3A_568, %get3A_569] : memref<16x256xi32, #tpu.memory_space<vmem>>, vector<1x256xi32>
    %get3A_571 = vector.shape_cast %get3A_570 : vector<1x256xi32> to vector<256xi32>
    %max3A_572 = arith.maxsi %get3A_571, %reduce_max3A_567 : vector<256xi32>
    %swap3A_573 = arith.constant 12 : index
    %swap3A_574 = arith.constant 0 : index
    %swap3A_575 = vector.load %arg8[%swap3A_573, %swap3A_574] : memref<16x256xi32, #tpu.memory_space<vmem>>, vector<1x256xi32>
    %swap3A_576 = vector.shape_cast %swap3A_575 : vector<1x256xi32> to vector<256xi32>
    %swap3A_577 = vector.shape_cast %max3A_572 : vector<256xi32> to vector<1x256xi32>
    tpu.vector_store %arg8[%swap3A_573, %swap3A_574], %swap3A_577 {strides = array<i32>} : memref<16x256xi32, #tpu.memory_space<vmem>>, vector<1x256xi32>,
    %add3A_578 = arith.constant 13 : i32
    %add3A_579 = arith.addi %add3A_24, %add3A_578 : i32
    %eq3A_580 = vector.broadcast %add3A_579 : i32 to vector<64x256xi32>
    %eq3A_581 = arith.cmpi eq, %get3A_5, %eq3A_580 : vector<64x256xi32>
    %convert_element_type3A_582 = arith.extui %eq3A_581 : vector<64x256xi1> to vector<64x256xi32>
    %convert_element_type3A_583 = arith.sitofp %convert_element_type3A_582 : vector<64x256xi32> to vector<64x256xf32>
    %swap3A_584 = arith.constant 13 : index
    %swap3A_585 = arith.constant 0 : index
    %swap3A_586 = arith.constant 0 : index
    %swap3A_587 = vector.load %arg5[%swap3A_584, %swap3A_585, %swap3A_586] : memref<16x64x256xf32, #tpu.memory_space<vmem>>, vector<1x64x256xf32>
    %swap3A_588 = vector.shape_cast %swap3A_587 : vector<1x64x256xf32> to vector<64x256xf32>
    %swap3A_589 = vector.shape_cast %convert_element_type3A_583 : vector<64x256xf32> to vector<1x64x256xf32>
    tpu.vector_store %arg5[%swap3A_584, %swap3A_585, %swap3A_586], %swap3A_589 {strides = array<i32>} : memref<16x64x256xf32, #tpu.memory_space<vmem>>, vector<1x64x256xf32>,
    %mul3A_590 = arith.mulf %convert_element_type3A_583, %get3A_16 : vector<64x256xf32>
    %swap3A_591 = arith.constant 13 : index
    %swap3A_592 = arith.constant 0 : index
    %swap3A_593 = arith.constant 0 : index
    %swap3A_594 = arith.constant 0 : index
    %swap3A_595 = vector.load %arg6[%swap3A_591, %swap3A_592, %swap3A_593, %swap3A_594] : memref<16x2x64x256xf32, #tpu.memory_space<vmem>>, vector<1x1x64x256xf32>
    %swap3A_596 = vector.shape_cast %swap3A_595 : vector<1x1x64x256xf32> to vector<64x256xf32>
    %swap3A_597 = vector.shape_cast %mul3A_590 : vector<64x256xf32> to vector<1x1x64x256xf32>
    tpu.vector_store %arg6[%swap3A_591, %swap3A_592, %swap3A_593, %swap3A_594], %swap3A_597 {strides = array<i32>} : memref<16x2x64x256xf32, #tpu.memory_space<vmem>>, vector<1x1x64x256xf32>,
    %mul3A_598 = arith.mulf %convert_element_type3A_583, %get3A_22 : vector<64x256xf32>
    %swap3A_599 = arith.constant 13 : index
    %swap3A_600 = arith.constant 1 : index
    %swap3A_601 = arith.constant 0 : index
    %swap3A_602 = arith.constant 0 : index
    %swap3A_603 = vector.load %arg6[%swap3A_599, %swap3A_600, %swap3A_601, %swap3A_602] : memref<16x2x64x256xf32, #tpu.memory_space<vmem>>, vector<1x1x64x256xf32>
    %swap3A_604 = vector.shape_cast %swap3A_603 : vector<1x1x64x256xf32> to vector<64x256xf32>
    %swap3A_605 = vector.shape_cast %mul3A_598 : vector<64x256xf32> to vector<1x1x64x256xf32>
    tpu.vector_store %arg6[%swap3A_599, %swap3A_600, %swap3A_601, %swap3A_602], %swap3A_605 {strides = array<i32>} : memref<16x2x64x256xf32, #tpu.memory_space<vmem>>, vector<1x1x64x256xf32>,
    %jit3A_606 = arith.constant 0 : i32
    %broadcast_in_dim3A_607 = vector.broadcast %jit3A_606 : i32 to vector<64x256xi32>
    %select_n3A_608 = arith.select %eq3A_581, %get3A_10, %broadcast_in_dim3A_607 : vector<64x256xi1>, vector<64x256xi32>
    %reduce_max3A_609 = arith.constant dense<-2147483648> : vector<256xi32>
    %reduce_max3A_610 = vector.multi_reduction <maxsi>, %select_n3A_608, %reduce_max3A_609 [0] : vector<64x256xi32> to vector<256xi32>
    %get3A_611 = arith.constant 13 : index
    %get3A_612 = arith.constant 0 : index
    %get3A_613 = vector.load %arg8[%get3A_611, %get3A_612] : memref<16x256xi32, #tpu.memory_space<vmem>>, vector<1x256xi32>
    %get3A_614 = vector.shape_cast %get3A_613 : vector<1x256xi32> to vector<256xi32>
    %max3A_615 = arith.maxsi %get3A_614, %reduce_max3A_610 : vector<256xi32>
    %swap3A_616 = arith.constant 13 : index
    %swap3A_617 = arith.constant 0 : index
    %swap3A_618 = vector.load %arg8[%swap3A_616, %swap3A_617] : memref<16x256xi32, #tpu.memory_space<vmem>>, vector<1x256xi32>
    %swap3A_619 = vector.shape_cast %swap3A_618 : vector<1x256xi32> to vector<256xi32>
    %swap3A_620 = vector.shape_cast %max3A_615 : vector<256xi32> to vector<1x256xi32>
    tpu.vector_store %arg8[%swap3A_616, %swap3A_617], %swap3A_620 {strides = array<i32>} : memref<16x256xi32, #tpu.memory_space<vmem>>, vector<1x256xi32>,
    %add3A_621 = arith.constant 14 : i32
    %add3A_622 = arith.addi %add3A_24, %add3A_621 : i32
    %eq3A_623 = vector.broadcast %add3A_622 : i32 to vector<64x256xi32>
    %eq3A_624 = arith.cmpi eq, %get3A_5, %eq3A_623 : vector<64x256xi32>
    %convert_element_type3A_625 = arith.extui %eq3A_624 : vector<64x256xi1> to vector<64x256xi32>
    %convert_element_type3A_626 = arith.sitofp %convert_element_type3A_625 : vector<64x256xi32> to vector<64x256xf32>
    %swap3A_627 = arith.constant 14 : index
    %swap3A_628 = arith.constant 0 : index
    %swap3A_629 = arith.constant 0 : index
    %swap3A_630 = vector.load %arg5[%swap3A_627, %swap3A_628, %swap3A_629] : memref<16x64x256xf32, #tpu.memory_space<vmem>>, vector<1x64x256xf32>
    %swap3A_631 = vector.shape_cast %swap3A_630 : vector<1x64x256xf32> to vector<64x256xf32>
    %swap3A_632 = vector.shape_cast %convert_element_type3A_626 : vector<64x256xf32> to vector<1x64x256xf32>
    tpu.vector_store %arg5[%swap3A_627, %swap3A_628, %swap3A_629], %swap3A_632 {strides = array<i32>} : memref<16x64x256xf32, #tpu.memory_space<vmem>>, vector<1x64x256xf32>,
    %mul3A_633 = arith.mulf %convert_element_type3A_626, %get3A_16 : vector<64x256xf32>
    %swap3A_634 = arith.constant 14 : index
    %swap3A_635 = arith.constant 0 : index
    %swap3A_636 = arith.constant 0 : index
    %swap3A_637 = arith.constant 0 : index
    %swap3A_638 = vector.load %arg6[%swap3A_634, %swap3A_635, %swap3A_636, %swap3A_637] : memref<16x2x64x256xf32, #tpu.memory_space<vmem>>, vector<1x1x64x256xf32>
    %swap3A_639 = vector.shape_cast %swap3A_638 : vector<1x1x64x256xf32> to vector<64x256xf32>
    %swap3A_640 = vector.shape_cast %mul3A_633 : vector<64x256xf32> to vector<1x1x64x256xf32>
    tpu.vector_store %arg6[%swap3A_634, %swap3A_635, %swap3A_636, %swap3A_637], %swap3A_640 {strides = array<i32>} : memref<16x2x64x256xf32, #tpu.memory_space<vmem>>, vector<1x1x64x256xf32>,
    %mul3A_641 = arith.mulf %convert_element_type3A_626, %get3A_22 : vector<64x256xf32>
    %swap3A_642 = arith.constant 14 : index
    %swap3A_643 = arith.constant 1 : index
    %swap3A_644 = arith.constant 0 : index
    %swap3A_645 = arith.constant 0 : index
    %swap3A_646 = vector.load %arg6[%swap3A_642, %swap3A_643, %swap3A_644, %swap3A_645] : memref<16x2x64x256xf32, #tpu.memory_space<vmem>>, vector<1x1x64x256xf32>
    %swap3A_647 = vector.shape_cast %swap3A_646 : vector<1x1x64x256xf32> to vector<64x256xf32>
    %swap3A_648 = vector.shape_cast %mul3A_641 : vector<64x256xf32> to vector<1x1x64x256xf32>
    tpu.vector_store %arg6[%swap3A_642, %swap3A_643, %swap3A_644, %swap3A_645], %swap3A_648 {strides = array<i32>} : memref<16x2x64x256xf32, #tpu.memory_space<vmem>>, vector<1x1x64x256xf32>,
    %jit3A_649 = arith.constant 0 : i32
    %broadcast_in_dim3A_650 = vector.broadcast %jit3A_649 : i32 to vector<64x256xi32>
    %select_n3A_651 = arith.select %eq3A_624, %get3A_10, %broadcast_in_dim3A_650 : vector<64x256xi1>, vector<64x256xi32>
    %reduce_max3A_652 = arith.constant dense<-2147483648> : vector<256xi32>
    %reduce_max3A_653 = vector.multi_reduction <maxsi>, %select_n3A_651, %reduce_max3A_652 [0] : vector<64x256xi32> to vector<256xi32>
    %get3A_654 = arith.constant 14 : index
    %get3A_655 = arith.constant 0 : index
    %get3A_656 = vector.load %arg8[%get3A_654, %get3A_655] : memref<16x256xi32, #tpu.memory_space<vmem>>, vector<1x256xi32>
    %get3A_657 = vector.shape_cast %get3A_656 : vector<1x256xi32> to vector<256xi32>
    %max3A_658 = arith.maxsi %get3A_657, %reduce_max3A_653 : vector<256xi32>
    %swap3A_659 = arith.constant 14 : index
    %swap3A_660 = arith.constant 0 : index
    %swap3A_661 = vector.load %arg8[%swap3A_659, %swap3A_660] : memref<16x256xi32, #tpu.memory_space<vmem>>, vector<1x256xi32>
    %swap3A_662 = vector.shape_cast %swap3A_661 : vector<1x256xi32> to vector<256xi32>
    %swap3A_663 = vector.shape_cast %max3A_658 : vector<256xi32> to vector<1x256xi32>
    tpu.vector_store %arg8[%swap3A_659, %swap3A_660], %swap3A_663 {strides = array<i32>} : memref<16x256xi32, #tpu.memory_space<vmem>>, vector<1x256xi32>,
    %add3A_664 = arith.constant 15 : i32
    %add3A_665 = arith.addi %add3A_24, %add3A_664 : i32
    %eq3A_666 = vector.broadcast %add3A_665 : i32 to vector<64x256xi32>
    %eq3A_667 = arith.cmpi eq, %get3A_5, %eq3A_666 : vector<64x256xi32>
    %convert_element_type3A_668 = arith.extui %eq3A_667 : vector<64x256xi1> to vector<64x256xi32>
    %convert_element_type3A_669 = arith.sitofp %convert_element_type3A_668 : vector<64x256xi32> to vector<64x256xf32>
    %swap3A_670 = arith.constant 15 : index
    %swap3A_671 = arith.constant 0 : index
    %swap3A_672 = arith.constant 0 : index
    %swap3A_673 = vector.load %arg5[%swap3A_670, %swap3A_671, %swap3A_672] : memref<16x64x256xf32, #tpu.memory_space<vmem>>, vector<1x64x256xf32>
    %swap3A_674 = vector.shape_cast %swap3A_673 : vector<1x64x256xf32> to vector<64x256xf32>
    %swap3A_675 = vector.shape_cast %convert_element_type3A_669 : vector<64x256xf32> to vector<1x64x256xf32>
    tpu.vector_store %arg5[%swap3A_670, %swap3A_671, %swap3A_672], %swap3A_675 {strides = array<i32>} : memref<16x64x256xf32, #tpu.memory_space<vmem>>, vector<1x64x256xf32>,
    %mul3A_676 = arith.mulf %convert_element_type3A_669, %get3A_16 : vector<64x256xf32>
    %swap3A_677 = arith.constant 15 : index
    %swap3A_678 = arith.constant 0 : index
    %swap3A_679 = arith.constant 0 : index
    %swap3A_680 = arith.constant 0 : index
    %swap3A_681 = vector.load %arg6[%swap3A_677, %swap3A_678, %swap3A_679, %swap3A_680] : memref<16x2x64x256xf32, #tpu.memory_space<vmem>>, vector<1x1x64x256xf32>
    %swap3A_682 = vector.shape_cast %swap3A_681 : vector<1x1x64x256xf32> to vector<64x256xf32>
    %swap3A_683 = vector.shape_cast %mul3A_676 : vector<64x256xf32> to vector<1x1x64x256xf32>
    tpu.vector_store %arg6[%swap3A_677, %swap3A_678, %swap3A_679, %swap3A_680], %swap3A_683 {strides = array<i32>} : memref<16x2x64x256xf32, #tpu.memory_space<vmem>>, vector<1x1x64x256xf32>,
    %mul3A_684 = arith.mulf %convert_element_type3A_669, %get3A_22 : vector<64x256xf32>
    %swap3A_685 = arith.constant 15 : index
    %swap3A_686 = arith.constant 1 : index
    %swap3A_687 = arith.constant 0 : index
    %swap3A_688 = arith.constant 0 : index
    %swap3A_689 = vector.load %arg6[%swap3A_685, %swap3A_686, %swap3A_687, %swap3A_688] : memref<16x2x64x256xf32, #tpu.memory_space<vmem>>, vector<1x1x64x256xf32>
    %swap3A_690 = vector.shape_cast %swap3A_689 : vector<1x1x64x256xf32> to vector<64x256xf32>
    %swap3A_691 = vector.shape_cast %mul3A_684 : vector<64x256xf32> to vector<1x1x64x256xf32>
    tpu.vector_store %arg6[%swap3A_685, %swap3A_686, %swap3A_687, %swap3A_688], %swap3A_691 {strides = array<i32>} : memref<16x2x64x256xf32, #tpu.memory_space<vmem>>, vector<1x1x64x256xf32>,
    %jit3A_692 = arith.constant 0 : i32
    %broadcast_in_dim3A_693 = vector.broadcast %jit3A_692 : i32 to vector<64x256xi32>
    %select_n3A_694 = arith.select %eq3A_667, %get3A_10, %broadcast_in_dim3A_693 : vector<64x256xi1>, vector<64x256xi32>
    %reduce_max3A_695 = arith.constant dense<-2147483648> : vector<256xi32>
    %reduce_max3A_696 = vector.multi_reduction <maxsi>, %select_n3A_694, %reduce_max3A_695 [0] : vector<64x256xi32> to vector<256xi32>
    %get3A_697 = arith.constant 15 : index
    %get3A_698 = arith.constant 0 : index
    %get3A_699 = vector.load %arg8[%get3A_697, %get3A_698] : memref<16x256xi32, #tpu.memory_space<vmem>>, vector<1x256xi32>
    %get3A_700 = vector.shape_cast %get3A_699 : vector<1x256xi32> to vector<256xi32>
    %max3A_701 = arith.maxsi %get3A_700, %reduce_max3A_696 : vector<256xi32>
    %swap3A_702 = arith.constant 15 : index
    %swap3A_703 = arith.constant 0 : index
    %swap3A_704 = vector.load %arg8[%swap3A_702, %swap3A_703] : memref<16x256xi32, #tpu.memory_space<vmem>>, vector<1x256xi32>
    %swap3A_705 = vector.shape_cast %swap3A_704 : vector<1x256xi32> to vector<256xi32>
    %swap3A_706 = vector.shape_cast %max3A_701 : vector<256xi32> to vector<1x256xi32>
    tpu.vector_store %arg8[%swap3A_702, %swap3A_703], %swap3A_706 {strides = array<i32>} : memref<16x256xi32, #tpu.memory_space<vmem>>, vector<1x256xi32>,
    %eq3A_707 = arith.constant 3 : i32
    %eq3A_708 = arith.cmpi eq, %arg1, %eq3A_707 : i32
    %convert_element_type3A_709 = arith.extui %eq3A_708 : i1 to i32
    %cond3A_710 = arith.constant 0 : i32
    %cond3A_711 = arith.cmpi ne, %convert_element_type3A_709, %cond3A_710 : i32
    scf.if %cond3A_711 {
      %get3A_712 = arith.constant 0 : index
      %get3A_713 = arith.constant 0 : index
      %get3A_714 = vector.load %arg8[%get3A_712, %get3A_713] : memref<16x256xi32, #tpu.memory_space<vmem>>, vector<16x256xi32>
      %reduce_max3A_715 = arith.constant dense<-2147483648> : vector<16xi32>
      %reduce_max3A_716 = vector.multi_reduction <maxsi>, %get3A_714, %reduce_max3A_715 [1] : vector<16x256xi32> to vector<16xi32>
      %broadcast_in_dim3A_717 = vector.shape_cast %reduce_max3A_716 : vector<16xi32> to vector<16x1xi32>
      %broadcast_in_dim3A_718 = vector.shape_cast %broadcast_in_dim3A_717 : vector<16x1xi32> to vector<16x1xi32>
      %broadcast_in_dim3A_719 = vector.broadcast %broadcast_in_dim3A_718 : vector<16x1xi32> to vector<16x128xi32>
      %swap3A_720 = arith.constant 0 : index
      %swap3A_721 = arith.constant 0 : index
      %swap3A_722 = vector.load %arg7[%swap3A_720, %swap3A_721] : memref<16x128xi32, #tpu.memory_space<vmem>>, vector<16x128xi32>
      tpu.vector_store %arg7[%swap3A_720, %swap3A_721], %broadcast_in_dim3A_719 {strides = array<i32>} : memref<16x128xi32, #tpu.memory_space<vmem>>, vector<16x128xi32>,
    } else {
    }
    return
  }
  func.func @transform_0(%arg0: i32, %arg1: i32) -> (i32, i32, i32) {
    %c0_i32 = arith.constant 0 : i32
    %c0_i32_0 = arith.constant 0 : i32
    return %arg0, %arg1, %c0_i32 : i32, i32, i32
  }
  func.func @transform_1(%arg0: i32, %arg1: i32) -> (i32, i32, i32) {
    %c0_i32 = arith.constant 0 : i32
    %c0_i32_0 = arith.constant 0 : i32
    return %arg0, %arg1, %c0_i32 : i32, i32, i32
  }
  func.func @transform_2(%arg0: i32, %arg1: i32) -> (i32, i32, i32, i32) {
    %c0_i32 = arith.constant 0 : i32
    %c0_i32_0 = arith.constant 0 : i32
    %c0_i32_1 = arith.constant 0 : i32
    return %arg0, %c0_i32, %arg1, %c0_i32_0 : i32, i32, i32, i32
  }
  func.func @transform_3(%arg0: i32, %arg1: i32) -> (i32, i32, i32) {
    %c0_i32 = arith.constant 0 : i32
    %c0_i32_0 = arith.constant 0 : i32
    return %arg0, %arg1, %c0_i32 : i32, i32, i32
  }
  func.func @transform_4(%arg0: i32, %arg1: i32) -> (i32, i32, i32, i32) {
    %c0_i32 = arith.constant 0 : i32
    %c0_i32_0 = arith.constant 0 : i32
    %c0_i32_1 = arith.constant 0 : i32
    return %arg0, %c0_i32, %arg1, %c0_i32_0 : i32, i32, i32, i32
  }
  func.func @transform_5(%arg0: i32, %arg1: i32) -> (i32, i32) {
    %c0_i32 = arith.constant 0 : i32
    %c0_i32_0 = arith.constant 0 : i32
    return %arg0, %c0_i32 : i32, i32
  }
}

</mosaic_0001>

<sc_bundles>
// kernel: kernel.5.cloned.1.call-start
scs
__scs_entry_jumppad:
0x0: {  	(pc) =	sbr.rel $0x88, $3  }
0x1: {  	(tag) =	ssettag $0x0;
	lr =	simm.s32 $0x1  }
0x2: {  	[smem:$0x3F9B] =	sst lr;
	_ =	strace $0xD0000000  }
0x3: {  	_ = 	snop  }
0x4: {  	_ = 	snop  }
0x5: {  	_ = 	snop  }
0x6: {  	_ = 	snop  }
0x7: {  	_ = 	snop  }
__scs_overlays_trampoline_lowered:
0x8: {  	[smem:$0x3FAA] =	sst s0  }
0x9: {  	[smem:$0x3FAB] =	sst s1  }
0xa: {  	[smem:$0x3FAC] =	sst s2  }
0xb: {  	[smem:$0x3FAD] =	sst s3  }
0xc: {  	[smem:$0x3FAE] =	sst s4  }
0xd: {  	[smem:$0x3FAF] =	sst s5  }
0xe: {  	[smem:$0x3FB0] =	sst s6  }
0xf: {  	[smem:$0x3FB1] =	sst s7  }
0x10: {  	[smem:$0x3FB2] =	sst s8  }
0x11: {  	[smem:$0x3FB3] =	sst s9;
	s0 =	simm.s32 @!p0 $0x0  }
0x12: {  	s1 =	sld [smem:$0x3F99];
	s0 =	simm.s32 @p0 $0x1  }
0x13: {  	[smem:$0x3FB4] =	sst s0;
	s0 =	simm.s32 @!p1 $0x0  }
0x14: {  	s2 =	sld [smem:$0x3F98];
	s0 =	simm.s32 @p1 $0x1  }
0x15: {  	[smem:$0x3FB5] =	sst s0;
	s0 =	simm.s32 @!p2 $0x0  }
0x16: {  	s3 =	sld [smem:$0x3FDB];
	s0 =	simm.s32 @p2 $0x1  }
0x17: {  	s4 =	simm.s32 $0x1BF5;
	[smem:$0x3FB7] =	sst s0  }
0x18: {  	s0 =	sld [smem:$0x3F9A];
	_ =	swait.ge [sflag:s4], $0x0  }
0x19: {  	s7 =	sld [smem:$0x3F9B]  }
0x1a: {  	s8 =	sadd.s32 $0xFFFFE003, lr  }
0x1b: {  	s9 =	sadd.s32 $0xFFFFFEF7, lr;
	s5 =	simm.s32 $0xFFFFFFFF;
	p2 =	slt.u32 s8, $0xFFFFF086  }
0x1c: {  	p1 =	slt.u32 s9, $0xF7A;
	s5 =	simm.s32 @!p2 $0x0  }
0x1d: {  	s5 =	simm.s32 @p1 $0x1;
	p0 =	seq.s32 s7, s2  }
0x1e: {  	s7 =	smul.u32 @!p0 $0xF7A, s2;
	p2 =	seq.s32 @!p0 s5, $0x0  }
0x1f: {  	s9 =	smul.u32 $0xF7A, s1;
	s8 =	simm.s32 @!p0 $0x1BF5;
	p2 =	por !p2, p0  }
0x20: {  	[sflag:s8] =	ssyncset.s32 @!p0 $0xFFFFF086;
	s6 =	sadd.s32 @!p0 s3, s7;
	s7 =	simm.s32 @!p0 $0x108  }
0x21: {  	s3 =	sadd.s32 s3, s9;
	s6 =	sadd.s32 @!p0 $0x88, s6;
	s7 =	simm.s32 @p2 $0x1082  }
0x22: {  	[simem:s7], [sflag:s8] =	dma.local @!p0 [hbm:s6], $0xF7A  }
0x23: {  	s9 =	sor.u32 $0xD0000000, s2;
	s6 =	simm.s32 $0x108;
	_ =	swait.ge @!p0 [sflag:s8], $0x0  }
0x24: {  	s3 =	sadd.s32 $0x88, s3;
	s6 =	simm.s32 @!p1 $0x1082;
	[sflag:s4] =	ssyncset.s32 $0xFFFFF086  }
0x25: {  	[simem:s6], [sflag:s4] =	dma.local [hbm:s3], $0xF7A  }
0x26: {  	[smem:$0x3F9B] =	sst s1;
	(tag) =	ssettag s2;
	_ =	strace s9  }
0x27: {  	s1 =	sld [smem:$0x3FAB]  }
0x28: {  	s2 =	sld [smem:$0x3FAC]  }
0x29: {  	s4 =	sld [smem:$0x3FAE]  }
0x2a: {  	p0 =	seq.s32 s5, $0x0;
	s5 =	sld [smem:$0x3FAF]  }
0x2b: {  	s6 =	sld [smem:$0x3FB0]  }
0x2c: {  	s7 =	sld [smem:$0x3FB1]  }
0x2d: {  	s3 =	simm.s32 $0x108;
	s8 =	sld [smem:$0x3FB2]  }
0x2e: {  	s3 =	simm.s32 @!p0 $0x1082;
	s9 =	sld [smem:$0x3FB3]  }
0x2f: {  	lr =	sadd.s32 s0, s3;
	s0 =	sld [smem:$0x3FAA]  }
0x30: {  	s3 =	sld [smem:$0x3FAD]  }
0x31: {  	[smem:$0x3FB6] =	sst s10  }
0x32: {  	s10 =	sld [smem:$0x3FB4];
	_ =	sdelay $0x3  }
0x33: {  	p0 =	seq.s32 s10, $0x1;
	s10 =	sld [smem:$0x3FB6];
	_ =	sdelay $0x3  }
0x34: {  	[smem:$0x3FB6] =	sst s10  }
0x35: {  	s10 =	sld [smem:$0x3FB5];
	_ =	sdelay $0x3  }
0x36: {  	p1 =	seq.s32 s10, $0x1;
	s10 =	sld [smem:$0x3FB6];
	_ =	sdelay $0x3  }
0x37: {  	[smem:$0x3FB6] =	sst s10  }
0x38: {  	s10 =	sld [smem:$0x3FB7]  }
0x39: {  	_ = 	snop;
	(pc) =	sbr.ind lr, $3  }
0x3a: {  	_ = 	snop  }
0x3b: {  	_ = 	snop  }
0x3c: {  	p2 =	seq.s32 s10, $0x1;
	s10 =	sld [smem:$0x3FB6]  }
0x3d: {  	_ =	shalt  }
0x3e: {  	_ =	shalt  }
0x3f: {  	_ =	shalt  }
0x40: {  	_ =	shalt  }
0x41: {  	_ =	shalt  }
0x42: {  	_ =	shalt  }
0x43: {  	_ =	shalt  }
0x44: {  	_ =	shalt  }
0x45: {  	_ =	shalt  }
0x46: {  	_ =	shalt  }
0x47: {  	_ =	shalt  }
0x48: {  	_ =	shalt  }
0x49: {  	_ =	shalt  }
0x4a: {  	_ =	shalt  }
0x4b: {  	_ =	shalt  }
0x4c: {  	_ =	shalt  }
0x4d: {  	_ =	shalt  }
0x4e: {  	_ =	shalt  }
0x4f: {  	_ =	shalt  }
0x50: {  	_ =	shalt  }
0x51: {  	_ =	shalt  }
0x52: {  	_ =	shalt  }
0x53: {  	_ =	shalt  }
0x54: {  	_ =	shalt  }
0x55: {  	_ =	shalt  }
0x56: {  	_ =	shalt  }
0x57: {  	_ =	shalt  }
0x58: {  	_ =	shalt  }
0x59: {  	_ =	shalt  }
0x5a: {  	_ =	shalt  }
0x5b: {  	_ =	shalt  }
0x5c: {  	_ =	shalt  }
0x5d: {  	_ =	shalt  }
0x5e: {  	_ =	shalt  }
0x5f: {  	_ =	shalt  }
0x60: {  	_ =	shalt  }
0x61: {  	_ =	shalt  }
0x62: {  	_ =	shalt  }
0x63: {  	_ =	shalt  }
0x64: {  	_ =	shalt  }
0x65: {  	_ =	shalt  }
0x66: {  	_ =	shalt  }
0x67: {  	_ =	shalt  }
0x68: {  	_ =	shalt  }
0x69: {  	_ =	shalt  }
0x6a: {  	_ =	shalt  }
0x6b: {  	_ =	shalt  }
0x6c: {  	_ =	shalt  }
0x6d: {  	_ =	shalt  }
0x6e: {  	_ =	shalt  }
0x6f: {  	_ =	shalt  }
0x70: {  	_ =	shalt  }
0x71: {  	_ =	shalt  }
0x72: {  	_ =	shalt  }
0x73: {  	_ =	shalt  }
0x74: {  	_ =	shalt  }
0x75: {  	_ =	shalt  }
0x76: {  	_ =	shalt  }
0x77: {  	_ =	shalt  }
0x78: {  	_ =	shalt  }
0x79: {  	_ =	shalt  }
0x7a: {  	_ =	shalt  }
0x7b: {  	_ =	shalt  }
0x7c: {  	_ =	shalt  }
0x7d: {  	_ =	shalt  }
0x7e: {  	_ =	shalt  }
0x7f: {  	_ =	shalt  }
0x80: {  	_ =	shalt  }
0x81: {  	_ =	shalt  }
0x82: {  	_ =	shalt  }
0x83: {  	_ =	shalt  }
0x84: {  	_ =	shalt  }
0x85: {  	_ =	shalt  }
0x86: {  	_ =	shalt  }
0x87: {  	_ =	shalt  }
.Lfunc_end0:
.L_simem_size_0:
called_computation_lowered:
.L_overlay_start_0:
0x88: {  	s2 =	sld [smem:$0x3FD9]  }
0x89: {  	s3 =	sld [smem:$0x3FFE];
	_ =	sdelay $0x1  }
0x8a: {  	s1 =	srdreg.scid  }
0x8b: {  	s0 =	sand.u32 $0x1, s1  }
0x8c: {  	s17 =	sshll.u32 s0, $0xA;
	s2 =	sadd.s32 s3, s2  }
0x8d: {  	s2 =	sadd.s32 s2, s17  }
0x8e: {  	[smem:$0x3FC2] =	sst s2  }
0x8f: {  	_ = 	snop  }
0x90: {  	s2 =	sld [smem:$0x3FC8]  }
0x91: {  	s18 =	sld [smem:$0x3FC7]  }
0x92: {  	s4 =	sld [smem:$0x3FC6]  }
0x93: {  	s5 =	sld [smem:$0x3FC4];
	(tm) =	ssettm $0x1  }
0x94: {  	s6 =	sld [smem:$0x3FFB];
	_ =	sdelay $0x3  }
0x95: {  	_ =	strace s6  }
0x96: {  	s6 =	sld [smem:$0x3FFC];
	_ =	sdelay $0x3  }
0x97: {  	_ =	strace s6  }
0x98: {  	s6 =	sld [smem:$0x3FFD];
	_ =	sdelay $0x3  }
0x99: {  	_ =	strace s6  }
0x9a: {  	_ =	strace $0x8FFFFFFF  }
0x9b: {  	s19 =	sld [smem:$0x3FDB];
	_ =	sdelay $0x1  }
0x9c: {  	s7 =	simm.s32 $_scs_section_size  }
0x9d: {  	s8 =	simm.s32 $_size__tile_overlayer_lowered;
	s9 =	simm.s32 $_tile_overlayer_lowered  }
0x9e: {  	s22 =	simm.s32 $0x1BFF;
	s21 =	sshll.u32 s9, $0x1;
	s6 =	sadd.s32 s7, s19  }
0x9f: {  	s10 =	simm.s32 $0x0;
	s20 =	sshll.u32 s8, $0x1;
	s8 =	sadd.s32 s21, s6  }
0xa0: {  	[timem:s10], [sflag:s22] =	dma.local [hbm:s8], s20  }
0xa1: {  	_ =	swait.ge [sflag:s22], s20  }
0xa2: {  	s7 =	ssub.s32 $0x0, s20;
	[sflag:s22] =	ssyncset.done $0x0  }
0xa3: {  	[sflag:s22] =	ssyncadd.s32 s7;
	_ =	sdelay $0x1  }
0xa4: {  	s23 =	simm.s32 $0x1B8B  }
0xa5: {  	_ =	swait.ge [sflag:s23], $0x1  }
0xa6: {  	[sflag:s23] =	ssyncset.done $0x0  }
0xa7: {  	s25 =	simm.s32 $0x1B8E;
	s24 =	sld [smem:$0x3FFE];
	[sflag:s23] =	ssyncadd.s32 $0xFFFFFFFF  }
0xa8: {  	s26 =	simm.s32 $execute0_lowered;
	[smem:$0x3FD2] =	sst s25  }
0xa9: {  	s8 =	sshll.u32 s26, $0x1;
	_ =	strace $0x80000046;
	[dreg:$0x1] =	wrdreg $0xFFFFFFFF  }
0xaa: {  	s28 =	simm.s32 $_size_execute0_lowered;
	s6 =	sadd.s32 s6, s8;
	[dreg:$0x0] =	wrdreg $0x0  }
0xab: {  	s8 =	sshll.u32 s28, $0x1;
	[dreg:$0x2] =	wrdreg s6  }
0xac: {  	[dreg:$0x3] =	wrdreg s8  }
0xad: {  	[dreg:$0x4] =	wrdreg $0xC0  }
0xae: {  	_ =	task [dreg:s10], $0x5FFFF  }
0xaf: {  	[dreg:$0x1] =	wrdreg $0xFFFFFFFF  }
0xb0: {  	[dreg:$0x0] =	wrdreg $0x60  }
0xb1: {  	[dreg:$0x2] =	wrdreg s2  }
0xb2: {  	[dreg:$0x3] =	wrdreg s18  }
0xb3: {  	[dreg:$0x4] =	wrdreg s4  }
0xb4: {  	[dreg:$0x5] =	wrdreg s5  }
0xb5: {  	[dreg:$0x6] =	wrdreg s24  }
0xb6: {  	[dreg:$0x7] =	wrdreg $0x9  }
0xb7: {  	_ =	task.clear_ibuf [dreg:s10], $0x8FFFF;
	_ =	strace $0x90000046  }
0xb8: {  	s29 =	simm.s32 $0x9;
	_ =	strace $0x80000048  }
0xb9: {  	_ =	swait.ge [sflag:s29], $0x1  }
0xba: {  	[sflag:s29] =	ssyncadd.s32 $0xFFFFFFFF  }
0xbb: {  	_ =	strace $0x90000048  }
0xbc: {  	_ =	sfence  }
0xbd: {  	s30 =	sld [smem:$0x0];
	_ =	sdelay $0x2  }
0xbe: {  	s31 =	sshll.u32 s1, $0xD;
	s1 =	sshrl.u32 s1, $0x2  }
0xbf: {  	s3 =	sand.u32 $0x4000, s31;
	s1 =	sadd.s32 s1, s30  }
0xc0: {  	s0 =	sor.u32 s3, s0;
	s1 =	sshll.u32 s1, $0x11  }
0xc1: {  	s0 =	sor.u32 s1, s0  }
0xc2: {  	s0 =	sadd.s32 $0x8F2B, s0  }
0xc3: {  	[sflag:s0] =	ssyncadd.remote.s32 $0x1  }
0xc4: {  	_ =	sfence.sel $0xFFFF  }
0xc5: {  	[dreg:$0x0] =	wrdreg $0xFFFFFFFF;
	(pc) =	sbr.abs _section_cstart, $3  }
0xc6: {  	[dreg:$0x1] =	wrdreg $0xFFFFFFFF  }
0xc7: {  	_ =	task.clear_ibuf [dreg:s10], $0x2FFFF;
	_ =	strace $0x9FFFFFFF  }
0xc8: {  	(tm) =	ssettm $0x7FFFFFFF  }
0xc9: {  	_ =	shalt  }
tec
execute0_lowered:
.L_overlay_start_1:
0x0: {  	(tag) =	ssettag $0x1  }
0x1: {  	s3 =	rddreg [dreg:$0x0]  }
0x2: {  	s1 =	rddreg [dreg:$0x1]  }
0x3: {  	s17 =	rddreg [dreg:$0x2];
	v10 =	vlaneseq.u32;
	v0 =	vimm.f32 $0.0e+00;
	v11 =	vimm.f32 $1.000000000e+00  }
0x4: {  	s0 =	srdreg.scid;
	s7 =	rddreg [dreg:$0x3];
	v1 =	vor.u32 $0xFFFFFFF0, v10;
	v2 =	vor.u32 $0x3F0, v10;
	v3 =	vor.u32 $0x7F0, v10  }
0x5: {  	s6 =	stileid.u32;
	s9 =	rddreg [dreg:$0x4];
	s28 =	simm.s32 $0x2;
	v4 =	vor.u32 $0xBF0, v10;
	v5 =	vor.u32 $0xFF0, v10;
	v7 =	vmul.u32 $0x10, v10  }
0x6: {  	s4 =	sand.u32 $0x1, s0;
	s2 =	sshll.u32 s6, $0x1;
	s6 =	sshrl.u32 s6, $0x2;
	v6 =	vor.u32 $0x13F0, v10;
	v8 =	vor.u32 $0x17F0, v10;
	v9 =	vor.u32 $0x1BF0, v10  }
0x7: {  	s29 =	simm.s32 $0x0;
	v10 =	vor.u32 $0x1FF0, v10;
	s5 =	sor.u32 s4, s2;
	s8 =	smul.u32 $0x1400, s6;
	v12 =	vor.u32 $0x1, v7;
	v54 =	vor.u32 $0x2, v7  }
0x8: {  	s4 =	ssub.s32 $0x2, s4;
	s19 =	sshll.u32 s6, $0x10;
	s11 =	sshll.u32 s6, $0x12;
	v55 =	vor.u32 $0x3, v7;
	v56 =	vor.u32 $0x4, v7;
	v57 =	vor.u32 $0x5, v7  }
0x9: {  	s24 =	smul.u32 $0x30000, s6;
	s2 =	sshll.u32 s5, $0x7;
	s18 =	sshrl.u32 s4, $0x1;
	v58 =	vor.u32 $0x6, v7;
	v59 =	vor.u32 $0x7, v7;
	v61 =	vor.u32 $0x9, v7  }
0xa: {  	s20 =	sshll.u32 s5, $0xD;
	v62 =	vor.u32 $0xA, v7;
	v63 =	vor.u32 $0xB, v7;
	v23 =	vor.u32 $0xC, v7;
	s10 =	sand.u32 $0x380, s2;
	s2 =	simm.s32 $0x0  }
0xb: {  	s5 =	sshll.u32 s5, $0xA;
	v24 =	vor.u32 $0xD, v7;
	v25 =	vor.u32 $0xE, v7;
	v26 =	vor.u32 $0xF, v7;
	s8 =	sor.u32 s8, s10;
	[smem:$0x7FF] =	sst s2  }
0xc: {  	v27 =	vor.u32 $0x100, v7;
	v28 =	vor.u32 $0x101, v7;
	v29 =	vor.u32 $0x102, v7;
	s13 =	ssub.s32 s4, s18;
	s8 =	sshrl.u32 s8, $0x3;
	_ =	strace $0x80000047;
	[tilespmem:$0x1FF50] =	vst v12  }
0xd: {  	v30 =	vor.u32 $0x103, v7;
	v31 =	vor.u32 $0x104, v7;
	v32 =	vor.u32 $0x105, v7;
	s3 =	sadd.s32 s3, s5;
	[tilespmem:$0x1FF60] =	vst v54;
	s12 =	sadd.s32 s8, s9;
	s9 =	ssub.s32 s20, s19  }
0xe: {  	v33 =	vor.u32 $0x106, v7;
	v34 =	vor.u32 $0x107, v7;
	v35 =	vor.u32 $0x108, v7;
	s4 =	sadd.s32 s7, s5;
	s13 =	smax.u32 s13, $0x1;
	[tilespmem:$0x1FF70] =	vst v55;
	s21 =	sadd.s32 s11, s9  }
0xf: {  	v36 =	vor.u32 $0x109, v7;
	v37 =	vor.u32 $0x10A, v7;
	v38 =	vor.u32 $0x10B, v7;
	[tilespmem:$0x1FF80] =	vst v56;
	s9 =	sadd.s32 s24, s9;
	s12 =	sadd.s32 $0xE00, s12;
	s22 =	sshrl.u32 s21, $0x3  }
0x10: {  	v60 =	vor.u32 $0x8, v7;
	v39 =	vor.u32 $0x10C, v7;
	v40 =	vor.u32 $0x10D, v7;
	[tilespmem:$0x1FF90] =	vst v57;
	s23 =	sadd.s32 $0x10000, s21;
	s25 =	sadd.s32 $0x20000, s21;
	s8 =	sadd.s32 $0x30000, s21  }
0x11: {  	v41 =	vor.u32 $0x10E, v7;
	v42 =	vor.u32 $0x10F, v7;
	v43 =	vor.u32 $0x200, v7;
	[tilespmem:$0x1FFA0] =	vst v58;
	s26 =	sadd.s32 $0x10000, s9;
	s10 =	sshrl.u32 s9, $0x3;
	s30 =	sadd.s32 $0x20000, s9  }
0x12: {  	v44 =	vor.u32 $0x201, v7;
	v45 =	vor.u32 $0x202, v7;
	v46 =	vor.u32 $0x203, v7;
	[tilespmem:$0x1FFB0] =	vst v59;
	s5 =	sadd.s32 s1, s22;
	s7 =	sshrl.u32 s23, $0x3;
	s8 =	sshrl.u32 s8, $0x3  }
0x13: {  	v47 =	vor.u32 $0x204, v7;
	v48 =	vor.u32 $0x205, v7;
	v49 =	vor.u32 $0x206, v7;
	[tilespmem:$0x1FFC0] =	vst v60;
	s9 =	sadd.s32 s17, s10;
	s31 =	sshrl.u32 s30, $0x3;
	s22 =	simm.s32 $0x1  }
0x14: {  	v50 =	vor.u32 $0x207, v7;
	v51 =	vor.u32 $0x208, v7;
	v52 =	vor.u32 $0x209, v7;
	[tilespmem:$0x1FFD0] =	vst v61;
	s23 =	simm.s32 $0x12000;
	s6 =	sadd.s32 s1, s7;
	s7 =	sshrl.u32 s25, $0x3  }
0x15: {  	v53 =	vor.u32 $0x20A, v7;
	[tilespmem:$0x1FFE0] =	vst v62;
	v54 =	vor.u32 $0x20B, v7;
	v55 =	vor.u32 $0x20C, v7;
	s8 =	sadd.s32 s1, s8;
	s7 =	sadd.s32 s1, s7;
	s1 =	sshrl.u32 s26, $0x3  }
0x16: {  	[tilespmem:$0x1FFF0] =	vst v63;
	v56 =	vor.u32 $0x20D, v7;
	v57 =	vor.u32 $0x20E, v7;
	v58 =	vor.u32 $0x20F, v7;
	s11 =	sadd.s32 s17, s31;
	s26 =	simm.s32 $0x14400;
	s10 =	sadd.s32 s17, s1  }
.LBB2_1:
0x17: {  	[tilespmem:s2], [sflag:$0x1] =	stream.linear.gather [hbm4b:s3+s2], $0x2000, $0x38;
	[tilespmem:$0x14680] =	vst v63  }
0x18: {  	s0 =	simm.s32 $0x10000  }
0x19: {  	[tilespmem:s0], [sflag:$0x1] =	stream.linear.gather [hbm4b:s4+s2], $0x2000, $0x38;
	[tilespmem:$0x14680] =	vst v63  }
0x1a: {  	s19 =	simm.s32 $0x2000  }
0x1b: {  	[tilespmem:s19], [sflag:$0x1] =	stream.linear.gather [hbm4b:s5+s2], $0x2000, $0x38;
	[tilespmem:$0x14680] =	vst v63  }
0x1c: {  	s20 =	simm.s32 $0x4000  }
0x1d: {  	[tilespmem:s20], [sflag:$0x1] =	stream.linear.gather [hbm4b:s6+s2], $0x2000, $0x38;
	[tilespmem:$0x14680] =	vst v63  }
0x1e: {  	s21 =	simm.s32 $0x6000  }
0x1f: {  	[tilespmem:s21], [sflag:$0x1] =	stream.linear.gather [hbm4b:s7+s2], $0x2000, $0x38;
	[tilespmem:$0x14680] =	vst v63  }
0x20: {  	s24 =	simm.s32 $0x8000  }
0x21: {  	[tilespmem:s24], [sflag:$0x1] =	stream.linear.gather [hbm4b:s8+s2], $0x2000, $0x38;
	[tilespmem:$0x14680] =	vst v63  }
0x22: {  	s25 =	simm.s32 $0xA000  }
0x23: {  	[tilespmem:s25], [sflag:$0x1] =	stream.linear.gather [hbm4b:s9+s2], $0x2000, $0x38;
	[tilespmem:$0x14680] =	vst v63  }
0x24: {  	s30 =	simm.s32 $0xC000  }
0x25: {  	[tilespmem:s30], [sflag:$0x1] =	stream.linear.gather [hbm4b:s10+s2], $0x2000, $0x38;
	[tilespmem:$0x14680] =	vst v63  }
0x26: {  	s31 =	simm.s32 $0xE000;
	s0 =	simm.s32 $0x12040  }
0x27: {  	[tilespmem:s31], [sflag:$0x1] =	stream.linear.gather [hbm4b:s11+s2], $0x2000, $0x38;
	[tilespmem:$0x14680] =	vst v63  }
0x28: {  	[tilespmem:s0+$0xFFFFFFC0] =	vst v0  }
0x29: {  	[tilespmem:s0+$0x30] =	vst v0  }
0x2a: {  	[tilespmem:s0+$0x20] =	vst v0  }
0x2b: {  	[tilespmem:s0+$0x10] =	vst v0  }
0x2c: {  	[tilespmem:s0+$0x0] =	vst v0  }
0x2d: {  	[tilespmem:s0+$0xFFFFFFF0] =	vst v0  }
0x2e: {  	s1 =	simm.s32 $0x0;
	[tilespmem:s0+$0xFFFFFFE0] =	vst v0  }
.LBB2_2:
0x2f: {  	s1 =	sadd.s32 $0x80, s1;
	[tilespmem:s0+$0xFFFFFFD0] =	vst v0;
	s0 =	sadd.s32 $0x80, s0  }
0x30: {  	[tilespmem:s0+$0xFFFFFFC0] =	vst v0;
	p0 =	slt.u32 s1, $0x2380  }
0x31: {  	[tilespmem:s0+$0x30] =	vst v0  }
.Ltmp0:
0x32: {  	[tilespmem:s0+$0x20] =	vst v0;
	(pc) =	sbr.rel @p0 .LBB2_2-.Ltmp0, $4  }
0x33: {  	[tilespmem:s0+$0x10] =	vst v0  }
0x34: {  	[tilespmem:s0+$0x0] =	vst v0  }
0x35: {  	[tilespmem:s0+$0xFFFFFFF0] =	vst v0  }
0x36: {  	[tilespmem:s0+$0xFFFFFFE0] =	vst v0  }
0x37: {  	[tilespmem:s0+$0xFFFFFFD0] =	vst v0  }
0x38: {  	_ =	swait.ge [sflag:s22], $0x2000  }
0x39: {  	[sflag:s22] =	ssyncset.done $0x0  }
0x3a: {  	[sflag:s22] =	ssyncadd.s32 $0xFFFFE000  }
0x3b: {  	_ =	swait.ge [sflag:s22], $0x2000  }
0x3c: {  	[sflag:s22] =	ssyncset.done $0x0  }
0x3d: {  	[sflag:s22] =	ssyncadd.s32 $0xFFFFE000  }
0x3e: {  	_ =	swait.ge [sflag:s22], $0x2000  }
0x3f: {  	[sflag:s22] =	ssyncset.done $0x0  }
0x40: {  	[sflag:s22] =	ssyncadd.s32 $0xFFFFE000  }
0x41: {  	_ =	swait.ge [sflag:s22], $0x2000  }
0x42: {  	[sflag:s22] =	ssyncset.done $0x0  }
0x43: {  	[sflag:s22] =	ssyncadd.s32 $0xFFFFE000  }
0x44: {  	_ =	swait.ge [sflag:s22], $0x2000  }
0x45: {  	[sflag:s22] =	ssyncset.done $0x0  }
0x46: {  	[sflag:s22] =	ssyncadd.s32 $0xFFFFE000  }
0x47: {  	_ =	swait.ge [sflag:s22], $0x2000  }
0x48: {  	[sflag:s22] =	ssyncset.done $0x0  }
0x49: {  	[sflag:s22] =	ssyncadd.s32 $0xFFFFE000  }
0x4a: {  	_ =	swait.ge [sflag:s22], $0x2000  }
0x4b: {  	[sflag:s22] =	ssyncset.done $0x0  }
0x4c: {  	[sflag:s22] =	ssyncadd.s32 $0xFFFFE000  }
0x4d: {  	_ =	swait.ge [sflag:s22], $0x2000  }
0x4e: {  	s30 =	simm.s32 $0x0;
	s31 =	simm.s32 $0x0;
	[sflag:s22] =	ssyncset.done $0x0  }
0x4f: {  	s21 =	sand.u32 $0x1800, s31;
	s1 =	sand.u32 $0x400, s30;
	[sflag:s22] =	ssyncadd.s32 $0xFFFFE000  }
0x50: {  	s24 =	sand.u32 $0x380, s30;
	s0 =	sor.u32 s21, s1;
	_ =	swait.ge [sflag:s22], $0x2000  }
0x51: {  	s17 =	sand.u32 $0x40, s31;
	s18 =	sor.u32 s24, s0;
	[sflag:s22] =	ssyncset.done $0x0  }
0x52: {  	s19 =	sor.u32 $0x10, s17;
	s1 =	sor.u32 s17, s18;
	[sflag:s22] =	ssyncadd.s32 $0xFFFFE000  }
0x53: {  	s16 =	sor.u32 s19, s18;
	v12 =	vld [tilespmem:s1+$0x0]  }
0x54: {  	s20 =	sor.u32 $0x30, s17;
	v13 =	vld [tilespmem:s16+$0x0]  }
0x55: {  	s15 =	sor.u32 s20, s18  }
0x56: {  	s14 =	sor.u32 $0x20, s17;
	v60 =	vld [tilespmem:s15+$0x0]  }
0x57: {  	s0 =	sor.u32 s14, s18  }
0x58: {  	v61 =	vld [tilespmem:s0+$0x0];
	v59 =	vshll.u32 v12, $0x4  }
0x59: {  	v62 =	vld [tilespmem:s1+$0x2000];
	v13 =	vshll.u32 v13, $0x4;
	v12 =	vadd.s32 v1, v59  }
0x5a: {  	v14 =	vld [tilespmem:s16+$0x2000];
	v63 =	vadd.s32 v1, v13  }
0x5b: {  	v15 =	vshll.u32 v60, $0x4  }
0x5c: {  	v17 =	vld [tilespmem:s15+$0x2000];
	v16 =	vadd.s32 v1, v15  }
0x5d: {  	v18 =	vld [tilespmem:s0+$0x2000]  }
0x5e: {  	v60 =	vshll.u32 v61, $0x4;
	[tilespmem:v12+s23+$0x0] =	vst.idx.add.f32.msk $0xffff, v62  }
0x5f: {  	v12 =	vadd.s32 v1, v60;
	[tilespmem:v63+s23+$0x0] =	vst.idx.add.f32.msk $0xffff, v14  }
0x60: {  	v61 =	vadd.s32 v2, v13;
	v14 =	vld [tilespmem:s16+$0x4000]  }
0x61: {  	[tilespmem:v16+s23+$0x0] =	vst.idx.add.f32.msk $0xffff, v17  }
0x62: {  	v16 =	vadd.s32 v2, v15;
	v17 =	vld [tilespmem:s15+$0x4000]  }
0x63: {  	v62 =	vld [tilespmem:s1+$0x4000]  }
0x64: {  	[tilespmem:v12+s23+$0x0] =	vst.idx.add.f32.msk $0xffff, v18;
	v12 =	vadd.s32 v2, v59  }
0x65: {  	[tilespmem:v61+s23+$0x0] =	vst.idx.add.f32.msk $0xffff, v14  }
0x66: {  	v63 =	vadd.s32 v3, v13;
	v14 =	vld [tilespmem:s16+$0x6000]  }
0x67: {  	[tilespmem:v16+s23+$0x0] =	vst.idx.add.f32.msk $0xffff, v17  }
0x68: {  	v16 =	vld [tilespmem:s15+$0x6000]  }
0x69: {  	v17 =	vadd.s32 v3, v15;
	[tilespmem:v12+s23+$0x0] =	vst.idx.add.f32.msk $0xffff, v62  }
0x6a: {  	s18 =	sor.u32 $0x8000, s18;
	v12 =	vld [tilespmem:s1+$0x6000]  }
0x6b: {  	s19 =	sor.u32 s19, s18;
	[tilespmem:v63+s23+$0x0] =	vst.idx.add.f32.msk $0xffff, v14;
	v14 =	vadd.s32 v3, v59  }
0x6c: {  	v61 =	vadd.s32 v4, v13;
	v18 =	vld [tilespmem:s19+$0x0]  }
0x6d: {  	v62 =	vld [tilespmem:s0+$0x4000]  }
0x6e: {  	s25 =	sor.u32 s20, s18;
	[tilespmem:v17+s23+$0x0] =	vst.idx.add.f32.msk $0xffff, v16  }
0x6f: {  	v63 =	vadd.s32 v2, v60;
	v16 =	vld [tilespmem:s25+$0x0]  }
0x70: {  	v17 =	vadd.s32 v4, v15;
	[tilespmem:v14+s23+$0x0] =	vst.idx.add.f32.msk $0xffff, v12  }
0x71: {  	s17 =	sor.u32 s17, s18;
	[tilespmem:v61+s23+$0x0] =	vst.idx.add.f32.msk $0xffff, v18  }
0x72: {  	v18 =	vld [tilespmem:s17+$0x0];
	v61 =	vadd.s32 v4, v59  }
0x73: {  	v14 =	vadd.s32 v5, v13;
	v12 =	vld [tilespmem:s16+$0xA000]  }
0x74: {  	[tilespmem:v63+s23+$0x0] =	vst.idx.add.f32.msk $0xffff, v62  }
0x75: {  	[tilespmem:v17+s23+$0x0] =	vst.idx.add.f32.msk $0xffff, v16  }
0x76: {  	v17 =	vadd.s32 v5, v15;
	v16 =	vld [tilespmem:s15+$0xA000]  }
0x77: {  	[tilespmem:v61+s23+$0x0] =	vst.idx.add.f32.msk $0xffff, v18  }
0x78: {  	[tilespmem:v14+s23+$0x0] =	vst.idx.add.f32.msk $0xffff, v12  }
0x79: {  	v14 =	vadd.s32 v6, v13;
	v12 =	vld [tilespmem:s16+$0xC000]  }
0x7a: {  	v18 =	vld [tilespmem:s1+$0xA000]  }
0x7b: {  	v61 =	vadd.s32 v5, v59;
	[tilespmem:v17+s23+$0x0] =	vst.idx.add.f32.msk $0xffff, v16  }
0x7c: {  	v17 =	vadd.s32 v6, v15;
	v16 =	vld [tilespmem:s15+$0xC000]  }
0x7d: {  	v62 =	vld [tilespmem:s0+$0x6000]  }
0x7e: {  	[tilespmem:v14+s23+$0x0] =	vst.idx.add.f32.msk $0xffff, v12  }
0x7f: {  	v14 =	vadd.s32 v8, v13;
	v12 =	vld [tilespmem:s16+$0xE000]  }
0x80: {  	[tilespmem:v61+s23+$0x0] =	vst.idx.add.f32.msk $0xffff, v18  }
0x81: {  	v18 =	vadd.s32 v3, v60;
	[tilespmem:v17+s23+$0x0] =	vst.idx.add.f32.msk $0xffff, v16  }
0x82: {  	v63 =	vadd.s32 v6, v59;
	v61 =	vld [tilespmem:s1+$0xC000]  }
0x83: {  	v17 =	vadd.s32 v8, v15;
	v16 =	vld [tilespmem:s15+$0xE000]  }
0x84: {  	[tilespmem:v14+s23+$0x0] =	vst.idx.add.f32.msk $0xffff, v12  }
0x85: {  	v14 =	vadd.s32 v9, v13;
	v12 =	vld [tilespmem:s16+$0x10000]  }
0x86: {  	[tilespmem:v18+s23+$0x0] =	vst.idx.add.f32.msk $0xffff, v62  }
0x87: {  	[tilespmem:v63+s23+$0x0] =	vst.idx.add.f32.msk $0xffff, v61  }
0x88: {  	[tilespmem:v17+s23+$0x0] =	vst.idx.add.f32.msk $0xffff, v16;
	v13 =	vadd.s32 v10, v13  }
0x89: {  	v16 =	vld [tilespmem:s15+$0x10000]  }
0x8a: {  	[tilespmem:v14+s23+$0x0] =	vst.idx.add.f32.msk $0xffff, v12;
	v14 =	vadd.s32 v9, v15  }
0x8b: {  	s14 =	sor.u32 s14, s18;
	v61 =	vadd.s32 v10, v15;
	v62 =	vld [tilespmem:s1+$0xE000]  }
0x8c: {  	v63 =	vadd.s32 v8, v59;
	v12 =	vld [tilespmem:s14+$0x0]  }
0x8d: {  	[tilespmem:v13+s23+$0x0] =	vst.idx.add.f32.msk $0xffff, v11;
	v13 =	vadd.s32 v4, v60;
	_ =	sdelay $0x1  }
0x8e: {  	s14 =	simm.s32 $0x0;
	[tilespmem:v14+s23+$0x0] =	vst.idx.add.f32.msk $0xffff, v16  }
.LBB2_4:
0x8f: {  	s31 =	sadd.s32 $0x40, s31;
	[tilespmem:v61+s23+$0x0] =	vst.idx.add.f32.msk $0xffff, v11;
	s30 =	sadd.s32 $0x20, s30;
	s14 =	sadd.s32 $0x200, s14  }
0x90: {  	s15 =	sand.u32 $0x1800, s31;
	s17 =	sand.u32 $0x40, s31;
	s16 =	sand.u32 $0x400, s14;
	[tilespmem:v63+s23+$0x0] =	vst.idx.add.f32.msk $0xffff, v62  }
0x91: {  	s15 =	sor.u32 s15, s16;
	s16 =	sand.u32 $0x380, s30;
	s18 =	sor.u32 $0x10, s17;
	[tilespmem:v13+s23+$0x0] =	vst.idx.add.f32.msk $0xffff, v12  }
0x92: {  	p0 =	slt.u32 s31, $0x1FC0;
	s20 =	sor.u32 s16, s15;
	v12 =	vld [tilespmem:s0+$0xA000]  }
0x93: {  	v14 =	vadd.s32 v9, v59;
	s24 =	sor.u32 $0x8000, s20;
	v13 =	vld [tilespmem:s1+$0x10000];
	s1 =	sor.u32 s17, s20  }
0x94: {  	v16 =	vadd.s32 v5, v60;
	s15 =	sor.u32 $0x20, s17;
	s16 =	sor.u32 s18, s20;
	v15 =	vld [tilespmem:s1+$0x0];
	s19 =	sor.u32 s18, s24  }
0x95: {  	s25 =	sor.u32 $0x30, s17;
	s21 =	sor.u32 s15, s20;
	s18 =	sor.u32 s17, s24;
	v17 =	vld [tilespmem:s16+$0x0]  }
0x96: {  	s15 =	sor.u32 s15, s24;
	s17 =	sor.u32 s25, s20;
	s20 =	sor.u32 s25, s24;
	v18 =	vld [tilespmem:s21+$0x0]  }
0x97: {  	v62 =	vld [tilespmem:s17+$0x0]  }
0x98: {  	[tilespmem:v14+s23+$0x0] =	vst.idx.add.f32.msk $0xffff, v13  }
0x99: {  	v13 =	vshll.u32 v15, $0x4;
	[tilespmem:v16+s23+$0x0] =	vst.idx.add.f32.msk $0xffff, v12  }
0x9a: {  	v12 =	vadd.s32 v1, v13;
	v14 =	vld [tilespmem:s1+$0x2000];
	v61 =	vshll.u32 v17, $0x4  }
0x9b: {  	v15 =	vadd.s32 v1, v61;
	v16 =	vld [tilespmem:s16+$0x2000];
	v17 =	vshll.u32 v18, $0x4  }
0x9c: {  	v18 =	vadd.s32 v1, v17;
	v63 =	vld [tilespmem:s21+$0x2000];
	v62 =	vshll.u32 v62, $0x4  }
0x9d: {  	v19 =	vadd.s32 v1, v62;
	v20 =	vld [tilespmem:s17+$0x2000]  }
0x9e: {  	v21 =	vld [tilespmem:s0+$0xC000]  }
0x9f: {  	[tilespmem:v12+s23+$0x0] =	vst.idx.add.f32.msk $0xffff, v14  }
0xa0: {  	v12 =	vadd.s32 v6, v60;
	[tilespmem:v15+s23+$0x0] =	vst.idx.add.f32.msk $0xffff, v16  }
0xa1: {  	v14 =	vld [tilespmem:s1+$0x4000]  }
0xa2: {  	[tilespmem:v19+s23+$0x0] =	vst.idx.add.f32.msk $0xffff, v20  }
0xa3: {  	v15 =	vadd.s32 v2, v62;
	[tilespmem:v18+s23+$0x0] =	vst.idx.add.f32.msk $0xffff, v63  }
0xa4: {  	v18 =	vadd.s32 v10, v59;
	v59 =	vmov v13;
	v16 =	vld [tilespmem:s17+$0x4000]  }
0xa5: {  	v13 =	vadd.s32 v2, v17;
	[tilespmem:v12+s23+$0x0] =	vst.idx.add.f32.msk $0xffff, v21  }
0xa6: {  	v12 =	vld [tilespmem:s16+$0x4000]  }
0xa7: {  	v19 =	vadd.s32 v2, v61;
	v20 =	vld [tilespmem:s21+$0x4000]  }
0xa8: {  	v21 =	vld [tilespmem:s0+$0xE000]  }
0xa9: {  	v63 =	vadd.s32 v3, v62;
	[tilespmem:v18+s23+$0x0] =	vst.idx.add.f32.msk $0xffff, v11;
	v18 =	vadd.s32 v8, v60  }
0xaa: {  	v22 =	vadd.s32 v2, v59;
	[tilespmem:v15+s23+$0x0] =	vst.idx.add.f32.msk $0xffff, v16  }
0xab: {  	v15 =	vld [tilespmem:s17+$0x6000]  }
0xac: {  	[tilespmem:v19+s23+$0x0] =	vst.idx.add.f32.msk $0xffff, v12  }
0xad: {  	v16 =	vadd.s32 v3, v61;
	v12 =	vld [tilespmem:s16+$0x6000]  }
0xae: {  	[tilespmem:v18+s23+$0x0] =	vst.idx.add.f32.msk $0xffff, v21  }
0xaf: {  	[tilespmem:v22+s23+$0x0] =	vst.idx.add.f32.msk $0xffff, v14;
	v14 =	vadd.s32 v9, v60  }
0xb0: {  	v19 =	vadd.s32 v10, v60;
	v60 =	vmov v17;
	v18 =	vld [tilespmem:s0+$0x10000];
	s0 =	smov.u32 s21  }
0xb1: {  	v17 =	vld [tilespmem:s1+$0x6000]  }
0xb2: {  	[tilespmem:v16+s23+$0x0] =	vst.idx.add.f32.msk $0xffff, v12  }
0xb3: {  	v12 =	vadd.s32 v3, v59;
	v16 =	vld [tilespmem:s19+$0x0]  }
0xb4: {  	v21 =	vadd.s32 v4, v61;
	[tilespmem:v63+s23+$0x0] =	vst.idx.add.f32.msk $0xffff, v15  }
0xb5: {  	[tilespmem:v14+s23+$0x0] =	vst.idx.add.f32.msk $0xffff, v18  }
0xb6: {  	[tilespmem:v19+s23+$0x0] =	vst.idx.add.f32.msk $0xffff, v11  }
0xb7: {  	v15 =	vadd.s32 v4, v62;
	v14 =	vld [tilespmem:s20+$0x0]  }
0xb8: {  	[tilespmem:v12+s23+$0x0] =	vst.idx.add.f32.msk $0xffff, v17  }
0xb9: {  	[tilespmem:v21+s23+$0x0] =	vst.idx.add.f32.msk $0xffff, v16  }
0xba: {  	v16 =	vadd.s32 v5, v61;
	v12 =	vld [tilespmem:s16+$0xA000]  }
0xbb: {  	v17 =	vld [tilespmem:s18+$0x0]  }
0xbc: {  	v18 =	vadd.s32 v4, v59;
	[tilespmem:v15+s23+$0x0] =	vst.idx.add.f32.msk $0xffff, v14  }
0xbd: {  	[tilespmem:v13+s23+$0x0] =	vst.idx.add.f32.msk $0xffff, v20  }
0xbe: {  	v14 =	vadd.s32 v5, v62;
	v13 =	vld [tilespmem:s17+$0xA000]  }
0xbf: {  	[tilespmem:v16+s23+$0x0] =	vst.idx.add.f32.msk $0xffff, v12  }
0xc0: {  	v15 =	vadd.s32 v6, v61;
	v12 =	vld [tilespmem:s16+$0xC000]  }
0xc1: {  	[tilespmem:v18+s23+$0x0] =	vst.idx.add.f32.msk $0xffff, v17  }
0xc2: {  	v16 =	vld [tilespmem:s1+$0xA000]  }
0xc3: {  	v17 =	vadd.s32 v5, v59;
	[tilespmem:v14+s23+$0x0] =	vst.idx.add.f32.msk $0xffff, v13  }
0xc4: {  	v14 =	vadd.s32 v6, v62;
	v13 =	vld [tilespmem:s17+$0xC000]  }
0xc5: {  	[tilespmem:v15+s23+$0x0] =	vst.idx.add.f32.msk $0xffff, v12  }
0xc6: {  	v15 =	vadd.s32 v8, v61;
	v12 =	vld [tilespmem:s16+$0xE000]  }
0xc7: {  	v18 =	vld [tilespmem:s0+$0x6000]  }
0xc8: {  	[tilespmem:v17+s23+$0x0] =	vst.idx.add.f32.msk $0xffff, v16  }
0xc9: {  	v16 =	vadd.s32 v3, v60;
	[tilespmem:v14+s23+$0x0] =	vst.idx.add.f32.msk $0xffff, v13  }
0xca: {  	v14 =	vadd.s32 v8, v62;
	v13 =	vld [tilespmem:s17+$0xE000]  }
0xcb: {  	[tilespmem:v15+s23+$0x0] =	vst.idx.add.f32.msk $0xffff, v12  }
0xcc: {  	v15 =	vadd.s32 v9, v61;
	v12 =	vld [tilespmem:s16+$0x10000]  }
0xcd: {  	v19 =	vadd.s32 v6, v59;
	v17 =	vld [tilespmem:s1+$0xC000]  }
0xce: {  	[tilespmem:v16+s23+$0x0] =	vst.idx.add.f32.msk $0xffff, v18  }
0xcf: {  	[tilespmem:v14+s23+$0x0] =	vst.idx.add.f32.msk $0xffff, v13  }
0xd0: {  	v14 =	vadd.s32 v10, v61;
	v16 =	vld [tilespmem:s17+$0x10000]  }
0xd1: {  	[tilespmem:v15+s23+$0x0] =	vst.idx.add.f32.msk $0xffff, v12;
	v15 =	vadd.s32 v9, v62  }
.Ltmp1:
0xd2: {  	v61 =	vadd.s32 v10, v62;
	[tilespmem:v19+s23+$0x0] =	vst.idx.add.f32.msk $0xffff, v17;
	(pc) =	sbr.rel @p0 .LBB2_4-.Ltmp1, $4  }
0xd3: {  	v63 =	vadd.s32 v8, v59;
	v62 =	vld [tilespmem:s1+$0xE000]  }
0xd4: {  	v13 =	vadd.s32 v4, v60;
	v12 =	vld [tilespmem:s15+$0x0]  }
0xd5: {  	[tilespmem:v14+s23+$0x0] =	vst.idx.add.f32.msk $0xffff, v11  }
0xd6: {  	[tilespmem:v15+s23+$0x0] =	vst.idx.add.f32.msk $0xffff, v16  }
0xd7: {  	_ =	sdelay $0x3  }
0xd8: {  	[tilespmem:v13+s23+$0x0] =	vst.idx.add.f32.msk $0xffff, v12  }
0xd9: {  	v18 =	vadd.s32 v5, v60;
	v12 =	vld [tilespmem:s0+$0xA000];
	_ =	sdelay $0x4  }
0xda: {  	[tilespmem:v18+s23+$0x0] =	vst.idx.add.f32.msk $0xffff, v12  }
0xdb: {  	v19 =	vadd.s32 v6, v60;
	v12 =	vld [tilespmem:s0+$0xC000];
	_ =	sdelay $0x4  }
0xdc: {  	[tilespmem:v19+s23+$0x0] =	vst.idx.add.f32.msk $0xffff, v12  }
0xdd: {  	v13 =	vadd.s32 v8, v60;
	v12 =	vld [tilespmem:s0+$0xE000];
	_ =	sdelay $0x2  }
0xde: {  	[tilespmem:v63+s23+$0x0] =	vst.idx.add.f32.msk $0xffff, v62  }
0xdf: {  	v15 =	vadd.s32 v9, v59;
	v14 =	vld [tilespmem:s1+$0x10000]  }
0xe0: {  	v16 =	vadd.s32 v10, v59;
	[tilespmem:v13+s23+$0x0] =	vst.idx.add.f32.msk $0xffff, v12  }
0xe1: {  	v63 =	vadd.s32 v9, v60;
	v13 =	vld [tilespmem:s0+$0x10000]  }
0xe2: {  	v17 =	vadd.s32 v10, v60  }
0xe3: {  	[tilespmem:v61+s23+$0x0] =	vst.idx.add.f32.msk $0xffff, v11  }
0xe4: {  	[tilespmem:v15+s23+$0x0] =	vst.idx.add.f32.msk $0xffff, v14  }
0xe5: {  	[tilespmem:v16+s23+$0x0] =	vst.idx.add.f32.msk $0xffff, v11  }
0xe6: {  	[tilespmem:v63+s23+$0x0] =	vst.idx.add.f32.msk $0xffff, v13  }
0xe7: {  	[tilespmem:v17+s23+$0x0] =	vst.idx.add.f32.msk $0xffff, v11  }
0xe8: {  	v13 =	vld [tilespmem:$0x1FF50];
	_ =	sdelay $0x1  }
0xe9: {  	v14 =	vld [tilespmem:$0x1FF60];
	_ =	sdelay $0x1  }
0xea: {  	v15 =	vld [tilespmem:$0x1FF70]  }
0xeb: {  	v12 =	vld.idx.msk [tilespmem:v7+s23+$0x0], $0xffff  }
0xec: {  	v19 =	vld [tilespmem:$0x1FF80]  }
0xed: {  	v59 =	vld [tilespmem:$0x1FF90]  }
0xee: {  	v13 =	vld.idx.msk [tilespmem:v13+s23+$0x0], $0xffff  }
0xef: {  	v60 =	vld [tilespmem:$0x1FFA0]  }
0xf0: {  	v14 =	vld.idx.msk [tilespmem:v14+s23+$0x0], $0xffff  }
0xf1: {  	v61 =	vld [tilespmem:$0x1FFB0]  }
0xf2: {  	v15 =	vld.idx.msk [tilespmem:v15+s23+$0x0], $0xffff  }
0xf3: {  	v62 =	vld [tilespmem:$0x1FFC0];
	v12 =	vadd.f32 v13, v12  }
0xf4: {  	v13 =	vld.idx.msk [tilespmem:v19+s23+$0x0], $0xffff  }
0xf5: {  	v63 =	vld [tilespmem:$0x1FFD0];
	v12 =	vadd.f32 v14, v12  }
0xf6: {  	v14 =	vld.idx.msk [tilespmem:v59+s23+$0x0], $0xffff  }
0xf7: {  	v17 =	vld [tilespmem:$0x1FFE0];
	v12 =	vadd.f32 v15, v12  }
0xf8: {  	v15 =	vld.idx.msk [tilespmem:v60+s23+$0x0], $0xffff  }
0xf9: {  	v18 =	vld [tilespmem:$0x1FFF0];
	v12 =	vadd.f32 v13, v12  }
0xfa: {  	v13 =	vld.idx.msk [tilespmem:v61+s23+$0x0], $0xffff  }
0xfb: {  	v12 =	vadd.f32 v14, v12  }
0xfc: {  	v14 =	vld.idx.msk [tilespmem:v62+s23+$0x0], $0xffff  }
0xfd: {  	v12 =	vadd.f32 v15, v12  }
0xfe: {  	v15 =	vld.idx.msk [tilespmem:v63+s23+$0x0], $0xffff  }
0xff: {  	v12 =	vadd.f32 v13, v12  }
0x100: {  	v13 =	vld.idx.msk [tilespmem:v17+s23+$0x0], $0xffff  }
0x101: {  	v12 =	vadd.f32 v14, v12  }
0x102: {  	v14 =	vld.idx.msk [tilespmem:v18+s23+$0x0], $0xffff  }
0x103: {  	v12 =	vadd.f32 v15, v12  }
0x104: {  	v19 =	vld.idx.msk [tilespmem:v23+s23+$0x0], $0xffff  }
0x105: {  	v12 =	vadd.f32 v13, v12  }
0x106: {  	v59 =	vld.idx.msk [tilespmem:v24+s23+$0x0], $0xffff  }
0x107: {  	v12 =	vadd.f32 v14, v12  }
0x108: {  	v60 =	vld.idx.msk [tilespmem:v25+s23+$0x0], $0xffff  }
0x109: {  	v12 =	vadd.f32 v19, v12  }
0x10a: {  	v61 =	vld.idx.msk [tilespmem:v26+s23+$0x0], $0xffff  }
0x10b: {  	v12 =	vadd.f32 v59, v12;
	_ =	sdelay $0x1  }
0x10c: {  	v12 =	vadd.f32 v60, v12;
	_ =	sdelay $0x1  }
0x10d: {  	v12 =	vadd.f32 v61, v12;
	_ =	sdelay $0x1  }
0x10e: {  	[tilespmem:$0x14400] =	vst v12  }
0x10f: {  	v12 =	vld.idx.msk [tilespmem:v27+s23+$0x0], $0xffff  }
0x110: {  	v62 =	vld.idx.msk [tilespmem:v28+s23+$0x0], $0xffff;
	_ =	sdelay $0x1  }
0x111: {  	v63 =	vld.idx.msk [tilespmem:v29+s23+$0x0], $0xffff;
	_ =	sdelay $0x1  }
0x112: {  	v18 =	vld.idx.msk [tilespmem:v30+s23+$0x0], $0xffff  }
0x113: {  	v12 =	vadd.f32 v62, v12  }
0x114: {  	v19 =	vld.idx.msk [tilespmem:v31+s23+$0x0], $0xffff  }
0x115: {  	v12 =	vadd.f32 v63, v12  }
0x116: {  	v59 =	vld.idx.msk [tilespmem:v32+s23+$0x0], $0xffff  }
0x117: {  	v12 =	vadd.f32 v18, v12  }
0x118: {  	v60 =	vld.idx.msk [tilespmem:v33+s23+$0x0], $0xffff  }
0x119: {  	v12 =	vadd.f32 v19, v12  }
0x11a: {  	v61 =	vld.idx.msk [tilespmem:v34+s23+$0x0], $0xffff  }
0x11b: {  	v12 =	vadd.f32 v59, v12  }
0x11c: {  	v62 =	vld.idx.msk [tilespmem:v35+s23+$0x0], $0xffff  }
0x11d: {  	v12 =	vadd.f32 v60, v12  }
0x11e: {  	v63 =	vld.idx.msk [tilespmem:v36+s23+$0x0], $0xffff  }
0x11f: {  	v12 =	vadd.f32 v61, v12  }
0x120: {  	v18 =	vld.idx.msk [tilespmem:v37+s23+$0x0], $0xffff  }
0x121: {  	v12 =	vadd.f32 v62, v12  }
0x122: {  	v19 =	vld.idx.msk [tilespmem:v38+s23+$0x0], $0xffff  }
0x123: {  	v12 =	vadd.f32 v63, v12  }
0x124: {  	v59 =	vld.idx.msk [tilespmem:v39+s23+$0x0], $0xffff  }
0x125: {  	v12 =	vadd.f32 v18, v12  }
0x126: {  	v60 =	vld.idx.msk [tilespmem:v40+s23+$0x0], $0xffff  }
0x127: {  	v12 =	vadd.f32 v19, v12  }
0x128: {  	v61 =	vld.idx.msk [tilespmem:v41+s23+$0x0], $0xffff  }
0x129: {  	v12 =	vadd.f32 v59, v12  }
0x12a: {  	v62 =	vld.idx.msk [tilespmem:v42+s23+$0x0], $0xffff  }
0x12b: {  	v12 =	vadd.f32 v60, v12;
	_ =	sdelay $0x1  }
0x12c: {  	v12 =	vadd.f32 v61, v12;
	_ =	sdelay $0x1  }
0x12d: {  	v12 =	vadd.f32 v62, v12;
	_ =	sdelay $0x1  }
0x12e: {  	[tilespmem:$0x14410] =	vst v12  }
0x12f: {  	v12 =	vld.idx.msk [tilespmem:v43+s23+$0x0], $0xffff  }
0x130: {  	v63 =	vld.idx.msk [tilespmem:v44+s23+$0x0], $0xffff;
	_ =	sdelay $0x1  }
0x131: {  	v18 =	vld.idx.msk [tilespmem:v45+s23+$0x0], $0xffff;
	_ =	sdelay $0x1  }
0x132: {  	v19 =	vld.idx.msk [tilespmem:v46+s23+$0x0], $0xffff  }
0x133: {  	v12 =	vadd.f32 v63, v12  }
0x134: {  	v59 =	vld.idx.msk [tilespmem:v47+s23+$0x0], $0xffff  }
0x135: {  	v12 =	vadd.f32 v18, v12  }
0x136: {  	v60 =	vld.idx.msk [tilespmem:v48+s23+$0x0], $0xffff  }
0x137: {  	v12 =	vadd.f32 v19, v12  }
0x138: {  	v61 =	vld.idx.msk [tilespmem:v49+s23+$0x0], $0xffff  }
0x139: {  	v12 =	vadd.f32 v59, v12  }
0x13a: {  	v62 =	vld.idx.msk [tilespmem:v50+s23+$0x0], $0xffff  }
0x13b: {  	v12 =	vadd.f32 v60, v12  }
0x13c: {  	v63 =	vld.idx.msk [tilespmem:v51+s23+$0x0], $0xffff  }
0x13d: {  	v12 =	vadd.f32 v61, v12  }
0x13e: {  	v18 =	vld.idx.msk [tilespmem:v52+s23+$0x0], $0xffff  }
0x13f: {  	v12 =	vadd.f32 v62, v12  }
0x140: {  	v19 =	vld.idx.msk [tilespmem:v53+s23+$0x0], $0xffff  }
0x141: {  	v12 =	vadd.f32 v63, v12  }
0x142: {  	v59 =	vld.idx.msk [tilespmem:v54+s23+$0x0], $0xffff  }
0x143: {  	v12 =	vadd.f32 v18, v12  }
0x144: {  	v60 =	vld.idx.msk [tilespmem:v55+s23+$0x0], $0xffff  }
0x145: {  	v12 =	vadd.f32 v19, v12  }
0x146: {  	v61 =	vld.idx.msk [tilespmem:v56+s23+$0x0], $0xffff  }
0x147: {  	v12 =	vadd.f32 v59, v12  }
0x148: {  	v62 =	vld.idx.msk [tilespmem:v57+s23+$0x0], $0xffff  }
0x149: {  	v12 =	vadd.f32 v60, v12  }
0x14a: {  	v63 =	vld.idx.msk [tilespmem:v58+s23+$0x0], $0xffff  }
0x14b: {  	v12 =	vadd.f32 v61, v12;
	_ =	sdelay $0x1  }
0x14c: {  	v18 =	vor.u32 $0x300, v7;
	v12 =	vadd.f32 v62, v12  }
0x14d: {  	v19 =	vor.u32 $0x301, v7  }
0x14e: {  	v12 =	vadd.f32 v63, v12  }
0x14f: {  	v59 =	vor.u32 $0x302, v7  }
0x150: {  	[tilespmem:$0x14420] =	vst v12  }
0x151: {  	v60 =	vor.u32 $0x303, v7;
	v12 =	vld.idx.msk [tilespmem:v18+s23+$0x0], $0xffff  }
0x152: {  	v14 =	vld.idx.msk [tilespmem:v19+s23+$0x0], $0xffff  }
0x153: {  	v61 =	vor.u32 $0x304, v7  }
0x154: {  	v15 =	vld.idx.msk [tilespmem:v59+s23+$0x0], $0xffff  }
0x155: {  	v62 =	vor.u32 $0x305, v7  }
0x156: {  	v13 =	vld.idx.msk [tilespmem:v60+s23+$0x0], $0xffff  }
0x157: {  	v63 =	vor.u32 $0x306, v7;
	v12 =	vadd.f32 v14, v12  }
0x158: {  	v16 =	vld.idx.msk [tilespmem:v61+s23+$0x0], $0xffff  }
0x159: {  	v59 =	vor.u32 $0x307, v7;
	v12 =	vadd.f32 v15, v12  }
0x15a: {  	v17 =	vld.idx.msk [tilespmem:v62+s23+$0x0], $0xffff  }
0x15b: {  	v60 =	vor.u32 $0x308, v7;
	v12 =	vadd.f32 v13, v12  }
0x15c: {  	v14 =	vld.idx.msk [tilespmem:v63+s23+$0x0], $0xffff  }
0x15d: {  	v61 =	vor.u32 $0x309, v7;
	v12 =	vadd.f32 v16, v12  }
0x15e: {  	v15 =	vld.idx.msk [tilespmem:v59+s23+$0x0], $0xffff  }
0x15f: {  	v62 =	vor.u32 $0x30A, v7;
	v12 =	vadd.f32 v17, v12  }
0x160: {  	v13 =	vld.idx.msk [tilespmem:v60+s23+$0x0], $0xffff  }
0x161: {  	v63 =	vor.u32 $0x30B, v7;
	v12 =	vadd.f32 v14, v12  }
0x162: {  	v16 =	vld.idx.msk [tilespmem:v61+s23+$0x0], $0xffff  }
0x163: {  	v59 =	vor.u32 $0x30C, v7;
	v12 =	vadd.f32 v15, v12  }
0x164: {  	v17 =	vld.idx.msk [tilespmem:v62+s23+$0x0], $0xffff  }
0x165: {  	v60 =	vor.u32 $0x30D, v7;
	v12 =	vadd.f32 v13, v12  }
0x166: {  	v14 =	vld.idx.msk [tilespmem:v63+s23+$0x0], $0xffff  }
0x167: {  	v61 =	vor.u32 $0x30E, v7;
	v12 =	vadd.f32 v16, v12  }
0x168: {  	v15 =	vld.idx.msk [tilespmem:v59+s23+$0x0], $0xffff  }
0x169: {  	v62 =	vor.u32 $0x30F, v7;
	v12 =	vadd.f32 v17, v12  }
0x16a: {  	v13 =	vld.idx.msk [tilespmem:v60+s23+$0x0], $0xffff  }
0x16b: {  	v12 =	vadd.f32 v14, v12  }
0x16c: {  	v63 =	vld.idx.msk [tilespmem:v61+s23+$0x0], $0xffff  }
0x16d: {  	v12 =	vadd.f32 v15, v12  }
0x16e: {  	v18 =	vld.idx.msk [tilespmem:v62+s23+$0x0], $0xffff  }
0x16f: {  	v12 =	vadd.f32 v13, v12;
	_ =	sdelay $0x1  }
0x170: {  	v19 =	vor.u32 $0x400, v7;
	v12 =	vadd.f32 v63, v12  }
0x171: {  	v59 =	vor.u32 $0x401, v7  }
0x172: {  	v12 =	vadd.f32 v18, v12  }
0x173: {  	v60 =	vor.u32 $0x402, v7  }
0x174: {  	[tilespmem:$0x14430] =	vst v12  }
0x175: {  	v61 =	vor.u32 $0x403, v7;
	v12 =	vld.idx.msk [tilespmem:v19+s23+$0x0], $0xffff  }
0x176: {  	v14 =	vld.idx.msk [tilespmem:v59+s23+$0x0], $0xffff  }
0x177: {  	v62 =	vor.u32 $0x404, v7  }
0x178: {  	v15 =	vld.idx.msk [tilespmem:v60+s23+$0x0], $0xffff  }
0x179: {  	v63 =	vor.u32 $0x405, v7  }
0x17a: {  	v13 =	vld.idx.msk [tilespmem:v61+s23+$0x0], $0xffff  }
0x17b: {  	v59 =	vor.u32 $0x406, v7;
	v12 =	vadd.f32 v14, v12  }
0x17c: {  	v16 =	vld.idx.msk [tilespmem:v62+s23+$0x0], $0xffff  }
0x17d: {  	v60 =	vor.u32 $0x407, v7;
	v12 =	vadd.f32 v15, v12  }
0x17e: {  	v17 =	vld.idx.msk [tilespmem:v63+s23+$0x0], $0xffff  }
0x17f: {  	v61 =	vor.u32 $0x408, v7;
	v12 =	vadd.f32 v13, v12  }
0x180: {  	v14 =	vld.idx.msk [tilespmem:v59+s23+$0x0], $0xffff  }
0x181: {  	v62 =	vor.u32 $0x409, v7;
	v12 =	vadd.f32 v16, v12  }
0x182: {  	v15 =	vld.idx.msk [tilespmem:v60+s23+$0x0], $0xffff  }
0x183: {  	v63 =	vor.u32 $0x40A, v7;
	v12 =	vadd.f32 v17, v12  }
0x184: {  	v13 =	vld.idx.msk [tilespmem:v61+s23+$0x0], $0xffff  }
0x185: {  	v59 =	vor.u32 $0x40B, v7;
	v12 =	vadd.f32 v14, v12  }
0x186: {  	v16 =	vld.idx.msk [tilespmem:v62+s23+$0x0], $0xffff  }
0x187: {  	v60 =	vor.u32 $0x40C, v7;
	v12 =	vadd.f32 v15, v12  }
0x188: {  	v17 =	vld.idx.msk [tilespmem:v63+s23+$0x0], $0xffff  }
0x189: {  	v61 =	vor.u32 $0x40D, v7;
	v12 =	vadd.f32 v13, v12  }
0x18a: {  	v14 =	vld.idx.msk [tilespmem:v59+s23+$0x0], $0xffff  }
0x18b: {  	v62 =	vor.u32 $0x40E, v7;
	v12 =	vadd.f32 v16, v12  }
0x18c: {  	v15 =	vld.idx.msk [tilespmem:v60+s23+$0x0], $0xffff  }
0x18d: {  	v63 =	vor.u32 $0x40F, v7;
	v12 =	vadd.f32 v17, v12  }
0x18e: {  	v13 =	vld.idx.msk [tilespmem:v61+s23+$0x0], $0xffff  }
0x18f: {  	v12 =	vadd.f32 v14, v12  }
0x190: {  	v59 =	vld.idx.msk [tilespmem:v62+s23+$0x0], $0xffff  }
0x191: {  	v12 =	vadd.f32 v15, v12  }
0x192: {  	v60 =	vld.idx.msk [tilespmem:v63+s23+$0x0], $0xffff  }
0x193: {  	v12 =	vadd.f32 v13, v12;
	_ =	sdelay $0x1  }
0x194: {  	v61 =	vor.u32 $0x500, v7;
	v12 =	vadd.f32 v59, v12  }
0x195: {  	v62 =	vor.u32 $0x501, v7  }
0x196: {  	v12 =	vadd.f32 v60, v12  }
0x197: {  	v63 =	vor.u32 $0x502, v7  }
0x198: {  	[tilespmem:$0x14440] =	vst v12  }
0x199: {  	v59 =	vor.u32 $0x503, v7;
	v12 =	vld.idx.msk [tilespmem:v61+s23+$0x0], $0xffff  }
0x19a: {  	v14 =	vld.idx.msk [tilespmem:v62+s23+$0x0], $0xffff  }
0x19b: {  	v60 =	vor.u32 $0x504, v7  }
0x19c: {  	v15 =	vld.idx.msk [tilespmem:v63+s23+$0x0], $0xffff  }
0x19d: {  	v61 =	vor.u32 $0x505, v7  }
0x19e: {  	v13 =	vld.idx.msk [tilespmem:v59+s23+$0x0], $0xffff  }
0x19f: {  	v62 =	vor.u32 $0x506, v7;
	v12 =	vadd.f32 v14, v12  }
0x1a0: {  	v16 =	vld.idx.msk [tilespmem:v60+s23+$0x0], $0xffff  }
0x1a1: {  	v63 =	vor.u32 $0x507, v7;
	v12 =	vadd.f32 v15, v12  }
0x1a2: {  	v17 =	vld.idx.msk [tilespmem:v61+s23+$0x0], $0xffff  }
0x1a3: {  	v59 =	vor.u32 $0x508, v7;
	v12 =	vadd.f32 v13, v12  }
0x1a4: {  	v14 =	vld.idx.msk [tilespmem:v62+s23+$0x0], $0xffff  }
0x1a5: {  	v60 =	vor.u32 $0x509, v7;
	v12 =	vadd.f32 v16, v12  }
0x1a6: {  	v15 =	vld.idx.msk [tilespmem:v63+s23+$0x0], $0xffff  }
0x1a7: {  	v61 =	vor.u32 $0x50A, v7;
	v12 =	vadd.f32 v17, v12  }
0x1a8: {  	v13 =	vld.idx.msk [tilespmem:v59+s23+$0x0], $0xffff  }
0x1a9: {  	v62 =	vor.u32 $0x50B, v7;
	v12 =	vadd.f32 v14, v12  }
0x1aa: {  	v16 =	vld.idx.msk [tilespmem:v60+s23+$0x0], $0xffff  }
0x1ab: {  	v63 =	vor.u32 $0x50C, v7;
	v12 =	vadd.f32 v15, v12  }
0x1ac: {  	v17 =	vld.idx.msk [tilespmem:v61+s23+$0x0], $0xffff  }
0x1ad: {  	v59 =	vor.u32 $0x50D, v7;
	v12 =	vadd.f32 v13, v12  }
0x1ae: {  	v14 =	vld.idx.msk [tilespmem:v62+s23+$0x0], $0xffff  }
0x1af: {  	v60 =	vor.u32 $0x50E, v7;
	v12 =	vadd.f32 v16, v12  }
0x1b0: {  	v15 =	vld.idx.msk [tilespmem:v63+s23+$0x0], $0xffff  }
0x1b1: {  	v61 =	vor.u32 $0x50F, v7;
	v12 =	vadd.f32 v17, v12  }
0x1b2: {  	v13 =	vld.idx.msk [tilespmem:v59+s23+$0x0], $0xffff  }
0x1b3: {  	v12 =	vadd.f32 v14, v12  }
0x1b4: {  	v62 =	vld.idx.msk [tilespmem:v60+s23+$0x0], $0xffff  }
0x1b5: {  	v12 =	vadd.f32 v15, v12  }
0x1b6: {  	v63 =	vld.idx.msk [tilespmem:v61+s23+$0x0], $0xffff  }
0x1b7: {  	v12 =	vadd.f32 v13, v12;
	_ =	sdelay $0x1  }
0x1b8: {  	v18 =	vor.u32 $0x600, v7;
	v12 =	vadd.f32 v62, v12  }
0x1b9: {  	v19 =	vor.u32 $0x601, v7  }
0x1ba: {  	v12 =	vadd.f32 v63, v12  }
0x1bb: {  	v59 =	vor.u32 $0x602, v7  }
0x1bc: {  	[tilespmem:$0x14450] =	vst v12  }
0x1bd: {  	v60 =	vor.u32 $0x603, v7;
	v12 =	vld.idx.msk [tilespmem:v18+s23+$0x0], $0xffff  }
0x1be: {  	v14 =	vld.idx.msk [tilespmem:v19+s23+$0x0], $0xffff  }
0x1bf: {  	v61 =	vor.u32 $0x604, v7  }
0x1c0: {  	v15 =	vld.idx.msk [tilespmem:v59+s23+$0x0], $0xffff  }
0x1c1: {  	v62 =	vor.u32 $0x605, v7  }
0x1c2: {  	v13 =	vld.idx.msk [tilespmem:v60+s23+$0x0], $0xffff  }
0x1c3: {  	v63 =	vor.u32 $0x606, v7;
	v12 =	vadd.f32 v14, v12  }
0x1c4: {  	v16 =	vld.idx.msk [tilespmem:v61+s23+$0x0], $0xffff  }
0x1c5: {  	v59 =	vor.u32 $0x607, v7;
	v12 =	vadd.f32 v15, v12  }
0x1c6: {  	v17 =	vld.idx.msk [tilespmem:v62+s23+$0x0], $0xffff  }
0x1c7: {  	v60 =	vor.u32 $0x608, v7;
	v12 =	vadd.f32 v13, v12  }
0x1c8: {  	v14 =	vld.idx.msk [tilespmem:v63+s23+$0x0], $0xffff  }
0x1c9: {  	v61 =	vor.u32 $0x609, v7;
	v12 =	vadd.f32 v16, v12  }
0x1ca: {  	v15 =	vld.idx.msk [tilespmem:v59+s23+$0x0], $0xffff  }
0x1cb: {  	v62 =	vor.u32 $0x60A, v7;
	v12 =	vadd.f32 v17, v12  }
0x1cc: {  	v13 =	vld.idx.msk [tilespmem:v60+s23+$0x0], $0xffff  }
0x1cd: {  	v63 =	vor.u32 $0x60B, v7;
	v12 =	vadd.f32 v14, v12  }
0x1ce: {  	v16 =	vld.idx.msk [tilespmem:v61+s23+$0x0], $0xffff  }
0x1cf: {  	v59 =	vor.u32 $0x60C, v7;
	v12 =	vadd.f32 v15, v12  }
0x1d0: {  	v17 =	vld.idx.msk [tilespmem:v62+s23+$0x0], $0xffff  }
0x1d1: {  	v60 =	vor.u32 $0x60D, v7;
	v12 =	vadd.f32 v13, v12  }
0x1d2: {  	v14 =	vld.idx.msk [tilespmem:v63+s23+$0x0], $0xffff  }
0x1d3: {  	v61 =	vor.u32 $0x60E, v7;
	v12 =	vadd.f32 v16, v12  }
0x1d4: {  	v15 =	vld.idx.msk [tilespmem:v59+s23+$0x0], $0xffff  }
0x1d5: {  	v62 =	vor.u32 $0x60F, v7;
	v12 =	vadd.f32 v17, v12  }
0x1d6: {  	v13 =	vld.idx.msk [tilespmem:v60+s23+$0x0], $0xffff  }
0x1d7: {  	v12 =	vadd.f32 v14, v12  }
0x1d8: {  	v63 =	vld.idx.msk [tilespmem:v61+s23+$0x0], $0xffff  }
0x1d9: {  	v12 =	vadd.f32 v15, v12  }
0x1da: {  	v18 =	vld.idx.msk [tilespmem:v62+s23+$0x0], $0xffff  }
0x1db: {  	v12 =	vadd.f32 v13, v12;
	_ =	sdelay $0x1  }
0x1dc: {  	v19 =	vor.u32 $0x700, v7;
	v12 =	vadd.f32 v63, v12  }
0x1dd: {  	v59 =	vor.u32 $0x701, v7  }
0x1de: {  	v12 =	vadd.f32 v18, v12  }
0x1df: {  	v60 =	vor.u32 $0x702, v7  }
0x1e0: {  	[tilespmem:$0x14460] =	vst v12  }
0x1e1: {  	v61 =	vor.u32 $0x703, v7;
	v12 =	vld.idx.msk [tilespmem:v19+s23+$0x0], $0xffff  }
0x1e2: {  	v14 =	vld.idx.msk [tilespmem:v59+s23+$0x0], $0xffff  }
0x1e3: {  	v62 =	vor.u32 $0x704, v7  }
0x1e4: {  	v15 =	vld.idx.msk [tilespmem:v60+s23+$0x0], $0xffff  }
0x1e5: {  	v63 =	vor.u32 $0x705, v7  }
0x1e6: {  	v13 =	vld.idx.msk [tilespmem:v61+s23+$0x0], $0xffff  }
0x1e7: {  	v59 =	vor.u32 $0x706, v7;
	v12 =	vadd.f32 v14, v12  }
0x1e8: {  	v16 =	vld.idx.msk [tilespmem:v62+s23+$0x0], $0xffff  }
0x1e9: {  	v60 =	vor.u32 $0x707, v7;
	v12 =	vadd.f32 v15, v12  }
0x1ea: {  	v17 =	vld.idx.msk [tilespmem:v63+s23+$0x0], $0xffff  }
0x1eb: {  	v61 =	vor.u32 $0x708, v7;
	v12 =	vadd.f32 v13, v12  }
0x1ec: {  	v14 =	vld.idx.msk [tilespmem:v59+s23+$0x0], $0xffff  }
0x1ed: {  	v62 =	vor.u32 $0x709, v7;
	v12 =	vadd.f32 v16, v12  }
0x1ee: {  	v15 =	vld.idx.msk [tilespmem:v60+s23+$0x0], $0xffff  }
0x1ef: {  	v63 =	vor.u32 $0x70A, v7;
	v12 =	vadd.f32 v17, v12  }
0x1f0: {  	v13 =	vld.idx.msk [tilespmem:v61+s23+$0x0], $0xffff  }
0x1f1: {  	v59 =	vor.u32 $0x70B, v7;
	v12 =	vadd.f32 v14, v12  }
0x1f2: {  	v16 =	vld.idx.msk [tilespmem:v62+s23+$0x0], $0xffff  }
0x1f3: {  	v60 =	vor.u32 $0x70C, v7;
	v12 =	vadd.f32 v15, v12  }
0x1f4: {  	v17 =	vld.idx.msk [tilespmem:v63+s23+$0x0], $0xffff  }
0x1f5: {  	v61 =	vor.u32 $0x70D, v7;
	v12 =	vadd.f32 v13, v12  }
0x1f6: {  	v14 =	vld.idx.msk [tilespmem:v59+s23+$0x0], $0xffff  }
0x1f7: {  	v62 =	vor.u32 $0x70E, v7;
	v12 =	vadd.f32 v16, v12  }
0x1f8: {  	v15 =	vld.idx.msk [tilespmem:v60+s23+$0x0], $0xffff  }
0x1f9: {  	v63 =	vor.u32 $0x70F, v7;
	v12 =	vadd.f32 v17, v12  }
0x1fa: {  	v13 =	vld.idx.msk [tilespmem:v61+s23+$0x0], $0xffff  }
0x1fb: {  	v12 =	vadd.f32 v14, v12  }
0x1fc: {  	v59 =	vld.idx.msk [tilespmem:v62+s23+$0x0], $0xffff  }
0x1fd: {  	v12 =	vadd.f32 v15, v12  }
0x1fe: {  	v60 =	vld.idx.msk [tilespmem:v63+s23+$0x0], $0xffff  }
0x1ff: {  	v12 =	vadd.f32 v13, v12;
	_ =	sdelay $0x1  }
0x200: {  	v61 =	vor.u32 $0x800, v7;
	v12 =	vadd.f32 v59, v12  }
0x201: {  	v62 =	vor.u32 $0x801, v7  }
0x202: {  	v12 =	vadd.f32 v60, v12  }
0x203: {  	v63 =	vor.u32 $0x802, v7  }
0x204: {  	[tilespmem:$0x14470] =	vst v12  }
0x205: {  	v59 =	vor.u32 $0x803, v7;
	v12 =	vld.idx.msk [tilespmem:v61+s23+$0x0], $0xffff  }
0x206: {  	v14 =	vld.idx.msk [tilespmem:v62+s23+$0x0], $0xffff  }
0x207: {  	v60 =	vor.u32 $0x804, v7  }
0x208: {  	v15 =	vld.idx.msk [tilespmem:v63+s23+$0x0], $0xffff  }
0x209: {  	v61 =	vor.u32 $0x805, v7  }
0x20a: {  	v13 =	vld.idx.msk [tilespmem:v59+s23+$0x0], $0xffff  }
0x20b: {  	v62 =	vor.u32 $0x806, v7;
	v12 =	vadd.f32 v14, v12  }
0x20c: {  	v16 =	vld.idx.msk [tilespmem:v60+s23+$0x0], $0xffff  }
0x20d: {  	v63 =	vor.u32 $0x807, v7;
	v12 =	vadd.f32 v15, v12  }
0x20e: {  	v17 =	vld.idx.msk [tilespmem:v61+s23+$0x0], $0xffff  }
0x20f: {  	v59 =	vor.u32 $0x808, v7;
	v12 =	vadd.f32 v13, v12  }
0x210: {  	v14 =	vld.idx.msk [tilespmem:v62+s23+$0x0], $0xffff  }
0x211: {  	v60 =	vor.u32 $0x809, v7;
	v12 =	vadd.f32 v16, v12  }
0x212: {  	v15 =	vld.idx.msk [tilespmem:v63+s23+$0x0], $0xffff  }
0x213: {  	v61 =	vor.u32 $0x80A, v7;
	v12 =	vadd.f32 v17, v12  }
0x214: {  	v13 =	vld.idx.msk [tilespmem:v59+s23+$0x0], $0xffff  }
0x215: {  	v62 =	vor.u32 $0x80B, v7;
	v12 =	vadd.f32 v14, v12  }
0x216: {  	v16 =	vld.idx.msk [tilespmem:v60+s23+$0x0], $0xffff  }
0x217: {  	v63 =	vor.u32 $0x80C, v7;
	v12 =	vadd.f32 v15, v12  }
0x218: {  	v17 =	vld.idx.msk [tilespmem:v61+s23+$0x0], $0xffff  }
0x219: {  	v59 =	vor.u32 $0x80D, v7;
	v12 =	vadd.f32 v13, v12  }
0x21a: {  	v14 =	vld.idx.msk [tilespmem:v62+s23+$0x0], $0xffff  }
0x21b: {  	v60 =	vor.u32 $0x80E, v7;
	v12 =	vadd.f32 v16, v12  }
0x21c: {  	v15 =	vld.idx.msk [tilespmem:v63+s23+$0x0], $0xffff  }
0x21d: {  	v61 =	vor.u32 $0x80F, v7;
	v12 =	vadd.f32 v17, v12  }
0x21e: {  	v13 =	vld.idx.msk [tilespmem:v59+s23+$0x0], $0xffff  }
0x21f: {  	v12 =	vadd.f32 v14, v12  }
0x220: {  	v62 =	vld.idx.msk [tilespmem:v60+s23+$0x0], $0xffff  }
0x221: {  	v12 =	vadd.f32 v15, v12  }
0x222: {  	v63 =	vld.idx.msk [tilespmem:v61+s23+$0x0], $0xffff  }
0x223: {  	v12 =	vadd.f32 v13, v12;
	_ =	sdelay $0x1  }
0x224: {  	v18 =	vor.u32 $0x900, v7;
	v12 =	vadd.f32 v62, v12  }
0x225: {  	v19 =	vor.u32 $0x901, v7  }
0x226: {  	v12 =	vadd.f32 v63, v12  }
0x227: {  	v59 =	vor.u32 $0x902, v7  }
0x228: {  	[tilespmem:$0x14480] =	vst v12  }
0x229: {  	v60 =	vor.u32 $0x903, v7;
	v12 =	vld.idx.msk [tilespmem:v18+s23+$0x0], $0xffff  }
0x22a: {  	v14 =	vld.idx.msk [tilespmem:v19+s23+$0x0], $0xffff  }
0x22b: {  	v61 =	vor.u32 $0x904, v7  }
0x22c: {  	v15 =	vld.idx.msk [tilespmem:v59+s23+$0x0], $0xffff  }
0x22d: {  	v62 =	vor.u32 $0x905, v7  }
0x22e: {  	v13 =	vld.idx.msk [tilespmem:v60+s23+$0x0], $0xffff  }
0x22f: {  	v63 =	vor.u32 $0x906, v7;
	v12 =	vadd.f32 v14, v12  }
0x230: {  	v16 =	vld.idx.msk [tilespmem:v61+s23+$0x0], $0xffff  }
0x231: {  	v59 =	vor.u32 $0x907, v7;
	v12 =	vadd.f32 v15, v12  }
0x232: {  	v17 =	vld.idx.msk [tilespmem:v62+s23+$0x0], $0xffff  }
0x233: {  	v60 =	vor.u32 $0x908, v7;
	v12 =	vadd.f32 v13, v12  }
0x234: {  	v14 =	vld.idx.msk [tilespmem:v63+s23+$0x0], $0xffff  }
0x235: {  	v61 =	vor.u32 $0x909, v7;
	v12 =	vadd.f32 v16, v12  }
0x236: {  	v15 =	vld.idx.msk [tilespmem:v59+s23+$0x0], $0xffff  }
0x237: {  	v62 =	vor.u32 $0x90A, v7;
	v12 =	vadd.f32 v17, v12  }
0x238: {  	v13 =	vld.idx.msk [tilespmem:v60+s23+$0x0], $0xffff  }
0x239: {  	v63 =	vor.u32 $0x90B, v7;
	v12 =	vadd.f32 v14, v12  }
0x23a: {  	v16 =	vld.idx.msk [tilespmem:v61+s23+$0x0], $0xffff  }
0x23b: {  	v59 =	vor.u32 $0x90C, v7;
	v12 =	vadd.f32 v15, v12  }
0x23c: {  	v17 =	vld.idx.msk [tilespmem:v62+s23+$0x0], $0xffff  }
0x23d: {  	v60 =	vor.u32 $0x90D, v7;
	v12 =	vadd.f32 v13, v12  }
0x23e: {  	v14 =	vld.idx.msk [tilespmem:v63+s23+$0x0], $0xffff  }
0x23f: {  	v61 =	vor.u32 $0x90E, v7;
	v12 =	vadd.f32 v16, v12  }
0x240: {  	v15 =	vld.idx.msk [tilespmem:v59+s23+$0x0], $0xffff  }
0x241: {  	v62 =	vor.u32 $0x90F, v7;
	v12 =	vadd.f32 v17, v12  }
0x242: {  	v13 =	vld.idx.msk [tilespmem:v60+s23+$0x0], $0xffff  }
0x243: {  	v12 =	vadd.f32 v14, v12  }
0x244: {  	v63 =	vld.idx.msk [tilespmem:v61+s23+$0x0], $0xffff  }
0x245: {  	v12 =	vadd.f32 v15, v12  }
0x246: {  	v18 =	vld.idx.msk [tilespmem:v62+s23+$0x0], $0xffff  }
0x247: {  	v12 =	vadd.f32 v13, v12;
	_ =	sdelay $0x1  }
0x248: {  	v19 =	vor.u32 $0xA00, v7;
	v12 =	vadd.f32 v63, v12  }
0x249: {  	v59 =	vor.u32 $0xA01, v7  }
0x24a: {  	v12 =	vadd.f32 v18, v12  }
0x24b: {  	v60 =	vor.u32 $0xA02, v7  }
0x24c: {  	[tilespmem:$0x14490] =	vst v12  }
0x24d: {  	v61 =	vor.u32 $0xA03, v7;
	v12 =	vld.idx.msk [tilespmem:v19+s23+$0x0], $0xffff  }
0x24e: {  	v14 =	vld.idx.msk [tilespmem:v59+s23+$0x0], $0xffff  }
0x24f: {  	v62 =	vor.u32 $0xA04, v7  }
0x250: {  	v15 =	vld.idx.msk [tilespmem:v60+s23+$0x0], $0xffff  }
0x251: {  	v63 =	vor.u32 $0xA05, v7  }
0x252: {  	v13 =	vld.idx.msk [tilespmem:v61+s23+$0x0], $0xffff  }
0x253: {  	v59 =	vor.u32 $0xA06, v7;
	v12 =	vadd.f32 v14, v12  }
0x254: {  	v16 =	vld.idx.msk [tilespmem:v62+s23+$0x0], $0xffff  }
0x255: {  	v60 =	vor.u32 $0xA07, v7;
	v12 =	vadd.f32 v15, v12  }
0x256: {  	v17 =	vld.idx.msk [tilespmem:v63+s23+$0x0], $0xffff  }
0x257: {  	v61 =	vor.u32 $0xA08, v7;
	v12 =	vadd.f32 v13, v12  }
0x258: {  	v14 =	vld.idx.msk [tilespmem:v59+s23+$0x0], $0xffff  }
0x259: {  	v62 =	vor.u32 $0xA09, v7;
	v12 =	vadd.f32 v16, v12  }
0x25a: {  	v15 =	vld.idx.msk [tilespmem:v60+s23+$0x0], $0xffff  }
0x25b: {  	v63 =	vor.u32 $0xA0A, v7;
	v12 =	vadd.f32 v17, v12  }
0x25c: {  	v13 =	vld.idx.msk [tilespmem:v61+s23+$0x0], $0xffff  }
0x25d: {  	v59 =	vor.u32 $0xA0B, v7;
	v12 =	vadd.f32 v14, v12  }
0x25e: {  	v16 =	vld.idx.msk [tilespmem:v62+s23+$0x0], $0xffff  }
0x25f: {  	v60 =	vor.u32 $0xA0C, v7;
	v12 =	vadd.f32 v15, v12  }
0x260: {  	v17 =	vld.idx.msk [tilespmem:v63+s23+$0x0], $0xffff  }
0x261: {  	v61 =	vor.u32 $0xA0D, v7;
	v12 =	vadd.f32 v13, v12  }
0x262: {  	v14 =	vld.idx.msk [tilespmem:v59+s23+$0x0], $0xffff  }
0x263: {  	v62 =	vor.u32 $0xA0E, v7;
	v12 =	vadd.f32 v16, v12  }
0x264: {  	v15 =	vld.idx.msk [tilespmem:v60+s23+$0x0], $0xffff  }
0x265: {  	v63 =	vor.u32 $0xA0F, v7;
	v12 =	vadd.f32 v17, v12  }
0x266: {  	v13 =	vld.idx.msk [tilespmem:v61+s23+$0x0], $0xffff  }
0x267: {  	v12 =	vadd.f32 v14, v12  }
0x268: {  	v59 =	vld.idx.msk [tilespmem:v62+s23+$0x0], $0xffff  }
0x269: {  	v12 =	vadd.f32 v15, v12  }
0x26a: {  	v60 =	vld.idx.msk [tilespmem:v63+s23+$0x0], $0xffff  }
0x26b: {  	v12 =	vadd.f32 v13, v12;
	_ =	sdelay $0x1  }
0x26c: {  	v61 =	vor.u32 $0xB00, v7;
	v12 =	vadd.f32 v59, v12  }
0x26d: {  	v62 =	vor.u32 $0xB01, v7  }
0x26e: {  	v12 =	vadd.f32 v60, v12  }
0x26f: {  	v63 =	vor.u32 $0xB02, v7  }
0x270: {  	[tilespmem:$0x144A0] =	vst v12  }
0x271: {  	v59 =	vor.u32 $0xB03, v7;
	v12 =	vld.idx.msk [tilespmem:v61+s23+$0x0], $0xffff  }
0x272: {  	v14 =	vld.idx.msk [tilespmem:v62+s23+$0x0], $0xffff  }
0x273: {  	v60 =	vor.u32 $0xB04, v7  }
0x274: {  	v15 =	vld.idx.msk [tilespmem:v63+s23+$0x0], $0xffff  }
0x275: {  	v61 =	vor.u32 $0xB05, v7  }
0x276: {  	v13 =	vld.idx.msk [tilespmem:v59+s23+$0x0], $0xffff  }
0x277: {  	v62 =	vor.u32 $0xB06, v7;
	v12 =	vadd.f32 v14, v12  }
0x278: {  	v16 =	vld.idx.msk [tilespmem:v60+s23+$0x0], $0xffff  }
0x279: {  	v63 =	vor.u32 $0xB07, v7;
	v12 =	vadd.f32 v15, v12  }
0x27a: {  	v17 =	vld.idx.msk [tilespmem:v61+s23+$0x0], $0xffff  }
0x27b: {  	v59 =	vor.u32 $0xB08, v7;
	v12 =	vadd.f32 v13, v12  }
0x27c: {  	v14 =	vld.idx.msk [tilespmem:v62+s23+$0x0], $0xffff  }
0x27d: {  	v60 =	vor.u32 $0xB09, v7;
	v12 =	vadd.f32 v16, v12  }
0x27e: {  	v15 =	vld.idx.msk [tilespmem:v63+s23+$0x0], $0xffff  }
0x27f: {  	v61 =	vor.u32 $0xB0A, v7;
	v12 =	vadd.f32 v17, v12  }
0x280: {  	v13 =	vld.idx.msk [tilespmem:v59+s23+$0x0], $0xffff  }
0x281: {  	v62 =	vor.u32 $0xB0B, v7;
	v12 =	vadd.f32 v14, v12  }
0x282: {  	v16 =	vld.idx.msk [tilespmem:v60+s23+$0x0], $0xffff  }
0x283: {  	v63 =	vor.u32 $0xB0C, v7;
	v12 =	vadd.f32 v15, v12  }
0x284: {  	v17 =	vld.idx.msk [tilespmem:v61+s23+$0x0], $0xffff  }
0x285: {  	v59 =	vor.u32 $0xB0D, v7;
	v12 =	vadd.f32 v13, v12  }
0x286: {  	v14 =	vld.idx.msk [tilespmem:v62+s23+$0x0], $0xffff  }
0x287: {  	v60 =	vor.u32 $0xB0E, v7;
	v12 =	vadd.f32 v16, v12  }
0x288: {  	v15 =	vld.idx.msk [tilespmem:v63+s23+$0x0], $0xffff  }
0x289: {  	v61 =	vor.u32 $0xB0F, v7;
	v12 =	vadd.f32 v17, v12  }
0x28a: {  	v13 =	vld.idx.msk [tilespmem:v59+s23+$0x0], $0xffff  }
0x28b: {  	v12 =	vadd.f32 v14, v12  }
0x28c: {  	v62 =	vld.idx.msk [tilespmem:v60+s23+$0x0], $0xffff  }
0x28d: {  	v12 =	vadd.f32 v15, v12  }
0x28e: {  	v63 =	vld.idx.msk [tilespmem:v61+s23+$0x0], $0xffff  }
0x28f: {  	v12 =	vadd.f32 v13, v12;
	_ =	sdelay $0x1  }
0x290: {  	v18 =	vor.u32 $0xC00, v7;
	v12 =	vadd.f32 v62, v12  }
0x291: {  	v19 =	vor.u32 $0xC01, v7  }
0x292: {  	v12 =	vadd.f32 v63, v12  }
0x293: {  	v59 =	vor.u32 $0xC02, v7  }
0x294: {  	[tilespmem:$0x144B0] =	vst v12  }
0x295: {  	v60 =	vor.u32 $0xC03, v7;
	v12 =	vld.idx.msk [tilespmem:v18+s23+$0x0], $0xffff  }
0x296: {  	v14 =	vld.idx.msk [tilespmem:v19+s23+$0x0], $0xffff  }
0x297: {  	v61 =	vor.u32 $0xC04, v7  }
0x298: {  	v15 =	vld.idx.msk [tilespmem:v59+s23+$0x0], $0xffff  }
0x299: {  	v62 =	vor.u32 $0xC05, v7  }
0x29a: {  	v13 =	vld.idx.msk [tilespmem:v60+s23+$0x0], $0xffff  }
0x29b: {  	v63 =	vor.u32 $0xC06, v7;
	v12 =	vadd.f32 v14, v12  }
0x29c: {  	v16 =	vld.idx.msk [tilespmem:v61+s23+$0x0], $0xffff  }
0x29d: {  	v59 =	vor.u32 $0xC07, v7;
	v12 =	vadd.f32 v15, v12  }
0x29e: {  	v17 =	vld.idx.msk [tilespmem:v62+s23+$0x0], $0xffff  }
0x29f: {  	v60 =	vor.u32 $0xC08, v7;
	v12 =	vadd.f32 v13, v12  }
0x2a0: {  	v14 =	vld.idx.msk [tilespmem:v63+s23+$0x0], $0xffff  }
0x2a1: {  	v61 =	vor.u32 $0xC09, v7;
	v12 =	vadd.f32 v16, v12  }
0x2a2: {  	v15 =	vld.idx.msk [tilespmem:v59+s23+$0x0], $0xffff  }
0x2a3: {  	v62 =	vor.u32 $0xC0A, v7;
	v12 =	vadd.f32 v17, v12  }
0x2a4: {  	v13 =	vld.idx.msk [tilespmem:v60+s23+$0x0], $0xffff  }
0x2a5: {  	v63 =	vor.u32 $0xC0B, v7;
	v12 =	vadd.f32 v14, v12  }
0x2a6: {  	v16 =	vld.idx.msk [tilespmem:v61+s23+$0x0], $0xffff  }
0x2a7: {  	v59 =	vor.u32 $0xC0C, v7;
	v12 =	vadd.f32 v15, v12  }
0x2a8: {  	v17 =	vld.idx.msk [tilespmem:v62+s23+$0x0], $0xffff  }
0x2a9: {  	v60 =	vor.u32 $0xC0D, v7;
	v12 =	vadd.f32 v13, v12  }
0x2aa: {  	v14 =	vld.idx.msk [tilespmem:v63+s23+$0x0], $0xffff  }
0x2ab: {  	v61 =	vor.u32 $0xC0E, v7;
	v12 =	vadd.f32 v16, v12  }
0x2ac: {  	v15 =	vld.idx.msk [tilespmem:v59+s23+$0x0], $0xffff  }
0x2ad: {  	v62 =	vor.u32 $0xC0F, v7;
	v12 =	vadd.f32 v17, v12  }
0x2ae: {  	v13 =	vld.idx.msk [tilespmem:v60+s23+$0x0], $0xffff  }
0x2af: {  	v12 =	vadd.f32 v14, v12  }
0x2b0: {  	v63 =	vld.idx.msk [tilespmem:v61+s23+$0x0], $0xffff  }
0x2b1: {  	v12 =	vadd.f32 v15, v12  }
0x2b2: {  	v18 =	vld.idx.msk [tilespmem:v62+s23+$0x0], $0xffff  }
0x2b3: {  	v12 =	vadd.f32 v13, v12;
	_ =	sdelay $0x1  }
0x2b4: {  	v19 =	vor.u32 $0xD00, v7;
	v12 =	vadd.f32 v63, v12  }
0x2b5: {  	v59 =	vor.u32 $0xD01, v7  }
0x2b6: {  	v12 =	vadd.f32 v18, v12  }
0x2b7: {  	v60 =	vor.u32 $0xD02, v7  }
0x2b8: {  	[tilespmem:$0x144C0] =	vst v12  }
0x2b9: {  	v61 =	vor.u32 $0xD03, v7;
	v12 =	vld.idx.msk [tilespmem:v19+s23+$0x0], $0xffff  }
0x2ba: {  	v14 =	vld.idx.msk [tilespmem:v59+s23+$0x0], $0xffff  }
0x2bb: {  	v62 =	vor.u32 $0xD04, v7  }
0x2bc: {  	v15 =	vld.idx.msk [tilespmem:v60+s23+$0x0], $0xffff  }
0x2bd: {  	v63 =	vor.u32 $0xD05, v7  }
0x2be: {  	v13 =	vld.idx.msk [tilespmem:v61+s23+$0x0], $0xffff  }
0x2bf: {  	v59 =	vor.u32 $0xD06, v7;
	v12 =	vadd.f32 v14, v12  }
0x2c0: {  	v16 =	vld.idx.msk [tilespmem:v62+s23+$0x0], $0xffff  }
0x2c1: {  	v60 =	vor.u32 $0xD07, v7;
	v12 =	vadd.f32 v15, v12  }
0x2c2: {  	v17 =	vld.idx.msk [tilespmem:v63+s23+$0x0], $0xffff  }
0x2c3: {  	v61 =	vor.u32 $0xD08, v7;
	v12 =	vadd.f32 v13, v12  }
0x2c4: {  	v14 =	vld.idx.msk [tilespmem:v59+s23+$0x0], $0xffff  }
0x2c5: {  	v62 =	vor.u32 $0xD09, v7;
	v12 =	vadd.f32 v16, v12  }
0x2c6: {  	v15 =	vld.idx.msk [tilespmem:v60+s23+$0x0], $0xffff  }
0x2c7: {  	v63 =	vor.u32 $0xD0A, v7;
	v12 =	vadd.f32 v17, v12  }
0x2c8: {  	v13 =	vld.idx.msk [tilespmem:v61+s23+$0x0], $0xffff  }
0x2c9: {  	v59 =	vor.u32 $0xD0B, v7;
	v12 =	vadd.f32 v14, v12  }
0x2ca: {  	v16 =	vld.idx.msk [tilespmem:v62+s23+$0x0], $0xffff  }
0x2cb: {  	v60 =	vor.u32 $0xD0C, v7;
	v12 =	vadd.f32 v15, v12  }
0x2cc: {  	v17 =	vld.idx.msk [tilespmem:v63+s23+$0x0], $0xffff  }
0x2cd: {  	v61 =	vor.u32 $0xD0D, v7;
	v12 =	vadd.f32 v13, v12  }
0x2ce: {  	v14 =	vld.idx.msk [tilespmem:v59+s23+$0x0], $0xffff  }
0x2cf: {  	v62 =	vor.u32 $0xD0E, v7;
	v12 =	vadd.f32 v16, v12  }
0x2d0: {  	v15 =	vld.idx.msk [tilespmem:v60+s23+$0x0], $0xffff  }
0x2d1: {  	v63 =	vor.u32 $0xD0F, v7;
	v12 =	vadd.f32 v17, v12  }
0x2d2: {  	v13 =	vld.idx.msk [tilespmem:v61+s23+$0x0], $0xffff  }
0x2d3: {  	v12 =	vadd.f32 v14, v12  }
0x2d4: {  	v59 =	vld.idx.msk [tilespmem:v62+s23+$0x0], $0xffff  }
0x2d5: {  	v12 =	vadd.f32 v15, v12  }
0x2d6: {  	v60 =	vld.idx.msk [tilespmem:v63+s23+$0x0], $0xffff  }
0x2d7: {  	v12 =	vadd.f32 v13, v12;
	_ =	sdelay $0x1  }
0x2d8: {  	v61 =	vor.u32 $0xE00, v7;
	v12 =	vadd.f32 v59, v12  }
0x2d9: {  	v62 =	vor.u32 $0xE01, v7  }
0x2da: {  	v12 =	vadd.f32 v60, v12  }
0x2db: {  	v63 =	vor.u32 $0xE02, v7  }
0x2dc: {  	[tilespmem:$0x144D0] =	vst v12  }
0x2dd: {  	v59 =	vor.u32 $0xE03, v7;
	v12 =	vld.idx.msk [tilespmem:v61+s23+$0x0], $0xffff  }
0x2de: {  	v14 =	vld.idx.msk [tilespmem:v62+s23+$0x0], $0xffff  }
0x2df: {  	v60 =	vor.u32 $0xE04, v7  }
0x2e0: {  	v15 =	vld.idx.msk [tilespmem:v63+s23+$0x0], $0xffff  }
0x2e1: {  	v61 =	vor.u32 $0xE05, v7  }
0x2e2: {  	v13 =	vld.idx.msk [tilespmem:v59+s23+$0x0], $0xffff  }
0x2e3: {  	v62 =	vor.u32 $0xE06, v7;
	v12 =	vadd.f32 v14, v12  }
0x2e4: {  	v16 =	vld.idx.msk [tilespmem:v60+s23+$0x0], $0xffff  }
0x2e5: {  	v63 =	vor.u32 $0xE07, v7;
	v12 =	vadd.f32 v15, v12  }
0x2e6: {  	v17 =	vld.idx.msk [tilespmem:v61+s23+$0x0], $0xffff  }
0x2e7: {  	v59 =	vor.u32 $0xE08, v7;
	v12 =	vadd.f32 v13, v12  }
0x2e8: {  	v14 =	vld.idx.msk [tilespmem:v62+s23+$0x0], $0xffff  }
0x2e9: {  	v60 =	vor.u32 $0xE09, v7;
	v12 =	vadd.f32 v16, v12  }
0x2ea: {  	v15 =	vld.idx.msk [tilespmem:v63+s23+$0x0], $0xffff  }
0x2eb: {  	v61 =	vor.u32 $0xE0A, v7;
	v12 =	vadd.f32 v17, v12  }
0x2ec: {  	v13 =	vld.idx.msk [tilespmem:v59+s23+$0x0], $0xffff  }
0x2ed: {  	v62 =	vor.u32 $0xE0B, v7;
	v12 =	vadd.f32 v14, v12  }
0x2ee: {  	v16 =	vld.idx.msk [tilespmem:v60+s23+$0x0], $0xffff  }
0x2ef: {  	v63 =	vor.u32 $0xE0C, v7;
	v12 =	vadd.f32 v15, v12  }
0x2f0: {  	v17 =	vld.idx.msk [tilespmem:v61+s23+$0x0], $0xffff  }
0x2f1: {  	v59 =	vor.u32 $0xE0D, v7;
	v12 =	vadd.f32 v13, v12  }
0x2f2: {  	v14 =	vld.idx.msk [tilespmem:v62+s23+$0x0], $0xffff  }
0x2f3: {  	v60 =	vor.u32 $0xE0E, v7;
	v12 =	vadd.f32 v16, v12  }
0x2f4: {  	v15 =	vld.idx.msk [tilespmem:v63+s23+$0x0], $0xffff  }
0x2f5: {  	v61 =	vor.u32 $0xE0F, v7;
	v12 =	vadd.f32 v17, v12  }
0x2f6: {  	v13 =	vld.idx.msk [tilespmem:v59+s23+$0x0], $0xffff  }
0x2f7: {  	v12 =	vadd.f32 v14, v12  }
0x2f8: {  	v62 =	vld.idx.msk [tilespmem:v60+s23+$0x0], $0xffff  }
0x2f9: {  	v12 =	vadd.f32 v15, v12  }
0x2fa: {  	v63 =	vld.idx.msk [tilespmem:v61+s23+$0x0], $0xffff  }
0x2fb: {  	v12 =	vadd.f32 v13, v12;
	_ =	sdelay $0x1  }
0x2fc: {  	v18 =	vor.u32 $0xF00, v7;
	v12 =	vadd.f32 v62, v12  }
0x2fd: {  	v19 =	vor.u32 $0xF01, v7  }
0x2fe: {  	v12 =	vadd.f32 v63, v12  }
0x2ff: {  	v59 =	vor.u32 $0xF02, v7  }
0x300: {  	[tilespmem:$0x144E0] =	vst v12  }
0x301: {  	v60 =	vor.u32 $0xF03, v7;
	v12 =	vld.idx.msk [tilespmem:v18+s23+$0x0], $0xffff  }
0x302: {  	v14 =	vld.idx.msk [tilespmem:v19+s23+$0x0], $0xffff  }
0x303: {  	v61 =	vor.u32 $0xF04, v7  }
0x304: {  	v15 =	vld.idx.msk [tilespmem:v59+s23+$0x0], $0xffff  }
0x305: {  	v62 =	vor.u32 $0xF05, v7  }
0x306: {  	v13 =	vld.idx.msk [tilespmem:v60+s23+$0x0], $0xffff  }
0x307: {  	v63 =	vor.u32 $0xF06, v7;
	v12 =	vadd.f32 v14, v12  }
0x308: {  	v16 =	vld.idx.msk [tilespmem:v61+s23+$0x0], $0xffff  }
0x309: {  	v59 =	vor.u32 $0xF07, v7;
	v12 =	vadd.f32 v15, v12  }
0x30a: {  	v17 =	vld.idx.msk [tilespmem:v62+s23+$0x0], $0xffff  }
0x30b: {  	v60 =	vor.u32 $0xF08, v7;
	v12 =	vadd.f32 v13, v12  }
0x30c: {  	v14 =	vld.idx.msk [tilespmem:v63+s23+$0x0], $0xffff  }
0x30d: {  	v61 =	vor.u32 $0xF09, v7;
	v12 =	vadd.f32 v16, v12  }
0x30e: {  	v15 =	vld.idx.msk [tilespmem:v59+s23+$0x0], $0xffff  }
0x30f: {  	v62 =	vor.u32 $0xF0A, v7;
	v12 =	vadd.f32 v17, v12  }
0x310: {  	v13 =	vld.idx.msk [tilespmem:v60+s23+$0x0], $0xffff  }
0x311: {  	v63 =	vor.u32 $0xF0B, v7;
	v12 =	vadd.f32 v14, v12  }
0x312: {  	v16 =	vld.idx.msk [tilespmem:v61+s23+$0x0], $0xffff  }
0x313: {  	v59 =	vor.u32 $0xF0C, v7;
	v12 =	vadd.f32 v15, v12  }
0x314: {  	v17 =	vld.idx.msk [tilespmem:v62+s23+$0x0], $0xffff  }
0x315: {  	v60 =	vor.u32 $0xF0D, v7;
	v12 =	vadd.f32 v13, v12  }
0x316: {  	v14 =	vld.idx.msk [tilespmem:v63+s23+$0x0], $0xffff  }
0x317: {  	v61 =	vor.u32 $0xF0E, v7;
	v12 =	vadd.f32 v16, v12  }
0x318: {  	v15 =	vld.idx.msk [tilespmem:v59+s23+$0x0], $0xffff  }
0x319: {  	v62 =	vor.u32 $0xF0F, v7;
	v12 =	vadd.f32 v17, v12  }
0x31a: {  	v13 =	vld.idx.msk [tilespmem:v60+s23+$0x0], $0xffff  }
0x31b: {  	v12 =	vadd.f32 v14, v12  }
0x31c: {  	v63 =	vld.idx.msk [tilespmem:v61+s23+$0x0], $0xffff  }
0x31d: {  	v12 =	vadd.f32 v15, v12  }
0x31e: {  	v18 =	vld.idx.msk [tilespmem:v62+s23+$0x0], $0xffff  }
0x31f: {  	v12 =	vadd.f32 v13, v12;
	_ =	sdelay $0x1  }
0x320: {  	v19 =	vor.u32 $0x1000, v7;
	v12 =	vadd.f32 v63, v12  }
0x321: {  	v59 =	vor.u32 $0x1001, v7  }
0x322: {  	v12 =	vadd.f32 v18, v12  }
0x323: {  	v60 =	vor.u32 $0x1002, v7  }
0x324: {  	[tilespmem:$0x144F0] =	vst v12  }
0x325: {  	v61 =	vor.u32 $0x1003, v7;
	v12 =	vld.idx.msk [tilespmem:v19+s23+$0x0], $0xffff  }
0x326: {  	v14 =	vld.idx.msk [tilespmem:v59+s23+$0x0], $0xffff  }
0x327: {  	v62 =	vor.u32 $0x1004, v7  }
0x328: {  	v15 =	vld.idx.msk [tilespmem:v60+s23+$0x0], $0xffff  }
0x329: {  	v63 =	vor.u32 $0x1005, v7  }
0x32a: {  	v13 =	vld.idx.msk [tilespmem:v61+s23+$0x0], $0xffff  }
0x32b: {  	v59 =	vor.u32 $0x1006, v7;
	v12 =	vadd.f32 v14, v12  }
0x32c: {  	v16 =	vld.idx.msk [tilespmem:v62+s23+$0x0], $0xffff  }
0x32d: {  	v60 =	vor.u32 $0x1007, v7;
	v12 =	vadd.f32 v15, v12  }
0x32e: {  	v17 =	vld.idx.msk [tilespmem:v63+s23+$0x0], $0xffff  }
0x32f: {  	v61 =	vor.u32 $0x1008, v7;
	v12 =	vadd.f32 v13, v12  }
0x330: {  	v14 =	vld.idx.msk [tilespmem:v59+s23+$0x0], $0xffff  }
0x331: {  	v62 =	vor.u32 $0x1009, v7;
	v12 =	vadd.f32 v16, v12  }
0x332: {  	v15 =	vld.idx.msk [tilespmem:v60+s23+$0x0], $0xffff  }
0x333: {  	v63 =	vor.u32 $0x100A, v7;
	v12 =	vadd.f32 v17, v12  }
0x334: {  	v13 =	vld.idx.msk [tilespmem:v61+s23+$0x0], $0xffff  }
0x335: {  	v59 =	vor.u32 $0x100B, v7;
	v12 =	vadd.f32 v14, v12  }
0x336: {  	v16 =	vld.idx.msk [tilespmem:v62+s23+$0x0], $0xffff  }
0x337: {  	v60 =	vor.u32 $0x100C, v7;
	v12 =	vadd.f32 v15, v12  }
0x338: {  	v17 =	vld.idx.msk [tilespmem:v63+s23+$0x0], $0xffff  }
0x339: {  	v61 =	vor.u32 $0x100D, v7;
	v12 =	vadd.f32 v13, v12  }
0x33a: {  	v14 =	vld.idx.msk [tilespmem:v59+s23+$0x0], $0xffff  }
0x33b: {  	v62 =	vor.u32 $0x100E, v7;
	v12 =	vadd.f32 v16, v12  }
0x33c: {  	v15 =	vld.idx.msk [tilespmem:v60+s23+$0x0], $0xffff  }
0x33d: {  	v63 =	vor.u32 $0x100F, v7;
	v12 =	vadd.f32 v17, v12  }
0x33e: {  	v13 =	vld.idx.msk [tilespmem:v61+s23+$0x0], $0xffff  }
0x33f: {  	v12 =	vadd.f32 v14, v12  }
0x340: {  	v59 =	vld.idx.msk [tilespmem:v62+s23+$0x0], $0xffff  }
0x341: {  	v12 =	vadd.f32 v15, v12  }
0x342: {  	v60 =	vld.idx.msk [tilespmem:v63+s23+$0x0], $0xffff  }
0x343: {  	v12 =	vadd.f32 v13, v12;
	_ =	sdelay $0x1  }
0x344: {  	v61 =	vor.u32 $0x1100, v7;
	v12 =	vadd.f32 v59, v12  }
0x345: {  	v62 =	vor.u32 $0x1101, v7  }
0x346: {  	v12 =	vadd.f32 v60, v12  }
0x347: {  	v63 =	vor.u32 $0x1102, v7  }
0x348: {  	[tilespmem:$0x14500] =	vst v12  }
0x349: {  	v59 =	vor.u32 $0x1103, v7;
	v12 =	vld.idx.msk [tilespmem:v61+s23+$0x0], $0xffff  }
0x34a: {  	v14 =	vld.idx.msk [tilespmem:v62+s23+$0x0], $0xffff  }
0x34b: {  	v60 =	vor.u32 $0x1104, v7  }
0x34c: {  	v15 =	vld.idx.msk [tilespmem:v63+s23+$0x0], $0xffff  }
0x34d: {  	v61 =	vor.u32 $0x1105, v7  }
0x34e: {  	v13 =	vld.idx.msk [tilespmem:v59+s23+$0x0], $0xffff  }
0x34f: {  	v62 =	vor.u32 $0x1106, v7;
	v12 =	vadd.f32 v14, v12  }
0x350: {  	v16 =	vld.idx.msk [tilespmem:v60+s23+$0x0], $0xffff  }
0x351: {  	v63 =	vor.u32 $0x1107, v7;
	v12 =	vadd.f32 v15, v12  }
0x352: {  	v17 =	vld.idx.msk [tilespmem:v61+s23+$0x0], $0xffff  }
0x353: {  	v59 =	vor.u32 $0x1108, v7;
	v12 =	vadd.f32 v13, v12  }
0x354: {  	v14 =	vld.idx.msk [tilespmem:v62+s23+$0x0], $0xffff  }
0x355: {  	v60 =	vor.u32 $0x1109, v7;
	v12 =	vadd.f32 v16, v12  }
0x356: {  	v15 =	vld.idx.msk [tilespmem:v63+s23+$0x0], $0xffff  }
0x357: {  	v61 =	vor.u32 $0x110A, v7;
	v12 =	vadd.f32 v17, v12  }
0x358: {  	v13 =	vld.idx.msk [tilespmem:v59+s23+$0x0], $0xffff  }
0x359: {  	v62 =	vor.u32 $0x110B, v7;
	v12 =	vadd.f32 v14, v12  }
0x35a: {  	v16 =	vld.idx.msk [tilespmem:v60+s23+$0x0], $0xffff  }
0x35b: {  	v63 =	vor.u32 $0x110C, v7;
	v12 =	vadd.f32 v15, v12  }
0x35c: {  	v17 =	vld.idx.msk [tilespmem:v61+s23+$0x0], $0xffff  }
0x35d: {  	v59 =	vor.u32 $0x110D, v7;
	v12 =	vadd.f32 v13, v12  }
0x35e: {  	v14 =	vld.idx.msk [tilespmem:v62+s23+$0x0], $0xffff  }
0x35f: {  	v60 =	vor.u32 $0x110E, v7;
	v12 =	vadd.f32 v16, v12  }
0x360: {  	v15 =	vld.idx.msk [tilespmem:v63+s23+$0x0], $0xffff  }
0x361: {  	v61 =	vor.u32 $0x110F, v7;
	v12 =	vadd.f32 v17, v12  }
0x362: {  	v13 =	vld.idx.msk [tilespmem:v59+s23+$0x0], $0xffff  }
0x363: {  	v12 =	vadd.f32 v14, v12  }
0x364: {  	v62 =	vld.idx.msk [tilespmem:v60+s23+$0x0], $0xffff  }
0x365: {  	v12 =	vadd.f32 v15, v12  }
0x366: {  	v63 =	vld.idx.msk [tilespmem:v61+s23+$0x0], $0xffff  }
0x367: {  	v12 =	vadd.f32 v13, v12;
	_ =	sdelay $0x1  }
0x368: {  	v18 =	vor.u32 $0x1200, v7;
	v12 =	vadd.f32 v62, v12  }
0x369: {  	v19 =	vor.u32 $0x1201, v7  }
0x36a: {  	v12 =	vadd.f32 v63, v12  }
0x36b: {  	v59 =	vor.u32 $0x1202, v7  }
0x36c: {  	[tilespmem:$0x14510] =	vst v12  }
0x36d: {  	v60 =	vor.u32 $0x1203, v7;
	v12 =	vld.idx.msk [tilespmem:v18+s23+$0x0], $0xffff  }
0x36e: {  	v14 =	vld.idx.msk [tilespmem:v19+s23+$0x0], $0xffff  }
0x36f: {  	v61 =	vor.u32 $0x1204, v7  }
0x370: {  	v15 =	vld.idx.msk [tilespmem:v59+s23+$0x0], $0xffff  }
0x371: {  	v62 =	vor.u32 $0x1205, v7  }
0x372: {  	v13 =	vld.idx.msk [tilespmem:v60+s23+$0x0], $0xffff  }
0x373: {  	v63 =	vor.u32 $0x1206, v7;
	v12 =	vadd.f32 v14, v12  }
0x374: {  	v16 =	vld.idx.msk [tilespmem:v61+s23+$0x0], $0xffff  }
0x375: {  	v59 =	vor.u32 $0x1207, v7;
	v12 =	vadd.f32 v15, v12  }
0x376: {  	v17 =	vld.idx.msk [tilespmem:v62+s23+$0x0], $0xffff  }
0x377: {  	v60 =	vor.u32 $0x1208, v7;
	v12 =	vadd.f32 v13, v12  }
0x378: {  	v14 =	vld.idx.msk [tilespmem:v63+s23+$0x0], $0xffff  }
0x379: {  	v61 =	vor.u32 $0x1209, v7;
	v12 =	vadd.f32 v16, v12  }
0x37a: {  	v15 =	vld.idx.msk [tilespmem:v59+s23+$0x0], $0xffff  }
0x37b: {  	v62 =	vor.u32 $0x120A, v7;
	v12 =	vadd.f32 v17, v12  }
0x37c: {  	v13 =	vld.idx.msk [tilespmem:v60+s23+$0x0], $0xffff  }
0x37d: {  	v63 =	vor.u32 $0x120B, v7;
	v12 =	vadd.f32 v14, v12  }
0x37e: {  	v16 =	vld.idx.msk [tilespmem:v61+s23+$0x0], $0xffff  }
0x37f: {  	v59 =	vor.u32 $0x120C, v7;
	v12 =	vadd.f32 v15, v12  }
0x380: {  	v17 =	vld.idx.msk [tilespmem:v62+s23+$0x0], $0xffff  }
0x381: {  	v60 =	vor.u32 $0x120D, v7;
	v12 =	vadd.f32 v13, v12  }
0x382: {  	v14 =	vld.idx.msk [tilespmem:v63+s23+$0x0], $0xffff  }
0x383: {  	v61 =	vor.u32 $0x120E, v7;
	v12 =	vadd.f32 v16, v12  }
0x384: {  	v15 =	vld.idx.msk [tilespmem:v59+s23+$0x0], $0xffff  }
0x385: {  	v62 =	vor.u32 $0x120F, v7;
	v12 =	vadd.f32 v17, v12  }
0x386: {  	v13 =	vld.idx.msk [tilespmem:v60+s23+$0x0], $0xffff  }
0x387: {  	v12 =	vadd.f32 v14, v12  }
0x388: {  	v63 =	vld.idx.msk [tilespmem:v61+s23+$0x0], $0xffff  }
0x389: {  	v12 =	vadd.f32 v15, v12  }
0x38a: {  	v18 =	vld.idx.msk [tilespmem:v62+s23+$0x0], $0xffff  }
0x38b: {  	v12 =	vadd.f32 v13, v12;
	_ =	sdelay $0x1  }
0x38c: {  	v19 =	vor.u32 $0x1300, v7;
	v12 =	vadd.f32 v63, v12  }
0x38d: {  	v59 =	vor.u32 $0x1301, v7  }
0x38e: {  	v12 =	vadd.f32 v18, v12  }
0x38f: {  	v60 =	vor.u32 $0x1302, v7  }
0x390: {  	[tilespmem:$0x14520] =	vst v12  }
0x391: {  	v61 =	vor.u32 $0x1303, v7;
	v12 =	vld.idx.msk [tilespmem:v19+s23+$0x0], $0xffff  }
0x392: {  	v14 =	vld.idx.msk [tilespmem:v59+s23+$0x0], $0xffff  }
0x393: {  	v62 =	vor.u32 $0x1304, v7  }
0x394: {  	v15 =	vld.idx.msk [tilespmem:v60+s23+$0x0], $0xffff  }
0x395: {  	v63 =	vor.u32 $0x1305, v7  }
0x396: {  	v13 =	vld.idx.msk [tilespmem:v61+s23+$0x0], $0xffff  }
0x397: {  	v59 =	vor.u32 $0x1306, v7;
	v12 =	vadd.f32 v14, v12  }
0x398: {  	v16 =	vld.idx.msk [tilespmem:v62+s23+$0x0], $0xffff  }
0x399: {  	v60 =	vor.u32 $0x1307, v7;
	v12 =	vadd.f32 v15, v12  }
0x39a: {  	v17 =	vld.idx.msk [tilespmem:v63+s23+$0x0], $0xffff  }
0x39b: {  	v61 =	vor.u32 $0x1308, v7;
	v12 =	vadd.f32 v13, v12  }
0x39c: {  	v14 =	vld.idx.msk [tilespmem:v59+s23+$0x0], $0xffff  }
0x39d: {  	v62 =	vor.u32 $0x1309, v7;
	v12 =	vadd.f32 v16, v12  }
0x39e: {  	v15 =	vld.idx.msk [tilespmem:v60+s23+$0x0], $0xffff  }
0x39f: {  	v63 =	vor.u32 $0x130A, v7;
	v12 =	vadd.f32 v17, v12  }
0x3a0: {  	v13 =	vld.idx.msk [tilespmem:v61+s23+$0x0], $0xffff  }
0x3a1: {  	v59 =	vor.u32 $0x130B, v7;
	v12 =	vadd.f32 v14, v12  }
0x3a2: {  	v16 =	vld.idx.msk [tilespmem:v62+s23+$0x0], $0xffff  }
0x3a3: {  	v60 =	vor.u32 $0x130C, v7;
	v12 =	vadd.f32 v15, v12  }
0x3a4: {  	v17 =	vld.idx.msk [tilespmem:v63+s23+$0x0], $0xffff  }
0x3a5: {  	v61 =	vor.u32 $0x130D, v7;
	v12 =	vadd.f32 v13, v12  }
0x3a6: {  	v14 =	vld.idx.msk [tilespmem:v59+s23+$0x0], $0xffff  }
0x3a7: {  	v62 =	vor.u32 $0x130E, v7;
	v12 =	vadd.f32 v16, v12  }
0x3a8: {  	v15 =	vld.idx.msk [tilespmem:v60+s23+$0x0], $0xffff  }
0x3a9: {  	v63 =	vor.u32 $0x130F, v7;
	v12 =	vadd.f32 v17, v12  }
0x3aa: {  	v13 =	vld.idx.msk [tilespmem:v61+s23+$0x0], $0xffff  }
0x3ab: {  	v12 =	vadd.f32 v14, v12  }
0x3ac: {  	v59 =	vld.idx.msk [tilespmem:v62+s23+$0x0], $0xffff  }
0x3ad: {  	v12 =	vadd.f32 v15, v12  }
0x3ae: {  	v60 =	vld.idx.msk [tilespmem:v63+s23+$0x0], $0xffff  }
0x3af: {  	v12 =	vadd.f32 v13, v12;
	_ =	sdelay $0x1  }
0x3b0: {  	v61 =	vor.u32 $0x1400, v7;
	v12 =	vadd.f32 v59, v12  }
0x3b1: {  	v62 =	vor.u32 $0x1401, v7  }
0x3b2: {  	v12 =	vadd.f32 v60, v12  }
0x3b3: {  	v63 =	vor.u32 $0x1402, v7  }
0x3b4: {  	[tilespmem:$0x14530] =	vst v12  }
0x3b5: {  	v59 =	vor.u32 $0x1403, v7;
	v12 =	vld.idx.msk [tilespmem:v61+s23+$0x0], $0xffff  }
0x3b6: {  	v14 =	vld.idx.msk [tilespmem:v62+s23+$0x0], $0xffff  }
0x3b7: {  	v60 =	vor.u32 $0x1404, v7  }
0x3b8: {  	v15 =	vld.idx.msk [tilespmem:v63+s23+$0x0], $0xffff  }
0x3b9: {  	v61 =	vor.u32 $0x1405, v7  }
0x3ba: {  	v13 =	vld.idx.msk [tilespmem:v59+s23+$0x0], $0xffff  }
0x3bb: {  	v62 =	vor.u32 $0x1406, v7;
	v12 =	vadd.f32 v14, v12  }
0x3bc: {  	v16 =	vld.idx.msk [tilespmem:v60+s23+$0x0], $0xffff  }
0x3bd: {  	v63 =	vor.u32 $0x1407, v7;
	v12 =	vadd.f32 v15, v12  }
0x3be: {  	v17 =	vld.idx.msk [tilespmem:v61+s23+$0x0], $0xffff  }
0x3bf: {  	v59 =	vor.u32 $0x1408, v7;
	v12 =	vadd.f32 v13, v12  }
0x3c0: {  	v14 =	vld.idx.msk [tilespmem:v62+s23+$0x0], $0xffff  }
0x3c1: {  	v60 =	vor.u32 $0x1409, v7;
	v12 =	vadd.f32 v16, v12  }
0x3c2: {  	v15 =	vld.idx.msk [tilespmem:v63+s23+$0x0], $0xffff  }
0x3c3: {  	v61 =	vor.u32 $0x140A, v7;
	v12 =	vadd.f32 v17, v12  }
0x3c4: {  	v13 =	vld.idx.msk [tilespmem:v59+s23+$0x0], $0xffff  }
0x3c5: {  	v62 =	vor.u32 $0x140B, v7;
	v12 =	vadd.f32 v14, v12  }
0x3c6: {  	v16 =	vld.idx.msk [tilespmem:v60+s23+$0x0], $0xffff  }
0x3c7: {  	v63 =	vor.u32 $0x140C, v7;
	v12 =	vadd.f32 v15, v12  }
0x3c8: {  	v17 =	vld.idx.msk [tilespmem:v61+s23+$0x0], $0xffff  }
0x3c9: {  	v59 =	vor.u32 $0x140D, v7;
	v12 =	vadd.f32 v13, v12  }
0x3ca: {  	v14 =	vld.idx.msk [tilespmem:v62+s23+$0x0], $0xffff  }
0x3cb: {  	v60 =	vor.u32 $0x140E, v7;
	v12 =	vadd.f32 v16, v12  }
0x3cc: {  	v15 =	vld.idx.msk [tilespmem:v63+s23+$0x0], $0xffff  }
0x3cd: {  	v61 =	vor.u32 $0x140F, v7;
	v12 =	vadd.f32 v17, v12  }
0x3ce: {  	v13 =	vld.idx.msk [tilespmem:v59+s23+$0x0], $0xffff  }
0x3cf: {  	v12 =	vadd.f32 v14, v12  }
0x3d0: {  	v62 =	vld.idx.msk [tilespmem:v60+s23+$0x0], $0xffff  }
0x3d1: {  	v12 =	vadd.f32 v15, v12  }
0x3d2: {  	v63 =	vld.idx.msk [tilespmem:v61+s23+$0x0], $0xffff  }
0x3d3: {  	v12 =	vadd.f32 v13, v12;
	_ =	sdelay $0x1  }
0x3d4: {  	v18 =	vor.u32 $0x1500, v7;
	v12 =	vadd.f32 v62, v12  }
0x3d5: {  	v19 =	vor.u32 $0x1501, v7  }
0x3d6: {  	v12 =	vadd.f32 v63, v12  }
0x3d7: {  	v59 =	vor.u32 $0x1502, v7  }
0x3d8: {  	[tilespmem:$0x14540] =	vst v12  }
0x3d9: {  	v60 =	vor.u32 $0x1503, v7;
	v12 =	vld.idx.msk [tilespmem:v18+s23+$0x0], $0xffff  }
0x3da: {  	v14 =	vld.idx.msk [tilespmem:v19+s23+$0x0], $0xffff  }
0x3db: {  	v61 =	vor.u32 $0x1504, v7  }
0x3dc: {  	v15 =	vld.idx.msk [tilespmem:v59+s23+$0x0], $0xffff  }
0x3dd: {  	v62 =	vor.u32 $0x1505, v7  }
0x3de: {  	v13 =	vld.idx.msk [tilespmem:v60+s23+$0x0], $0xffff  }
0x3df: {  	v63 =	vor.u32 $0x1506, v7;
	v12 =	vadd.f32 v14, v12  }
0x3e0: {  	v16 =	vld.idx.msk [tilespmem:v61+s23+$0x0], $0xffff  }
0x3e1: {  	v59 =	vor.u32 $0x1507, v7;
	v12 =	vadd.f32 v15, v12  }
0x3e2: {  	v17 =	vld.idx.msk [tilespmem:v62+s23+$0x0], $0xffff  }
0x3e3: {  	v60 =	vor.u32 $0x1508, v7;
	v12 =	vadd.f32 v13, v12  }
0x3e4: {  	v14 =	vld.idx.msk [tilespmem:v63+s23+$0x0], $0xffff  }
0x3e5: {  	v61 =	vor.u32 $0x1509, v7;
	v12 =	vadd.f32 v16, v12  }
0x3e6: {  	v15 =	vld.idx.msk [tilespmem:v59+s23+$0x0], $0xffff  }
0x3e7: {  	v62 =	vor.u32 $0x150A, v7;
	v12 =	vadd.f32 v17, v12  }
0x3e8: {  	v13 =	vld.idx.msk [tilespmem:v60+s23+$0x0], $0xffff  }
0x3e9: {  	v63 =	vor.u32 $0x150B, v7;
	v12 =	vadd.f32 v14, v12  }
0x3ea: {  	v16 =	vld.idx.msk [tilespmem:v61+s23+$0x0], $0xffff  }
0x3eb: {  	v59 =	vor.u32 $0x150C, v7;
	v12 =	vadd.f32 v15, v12  }
0x3ec: {  	v17 =	vld.idx.msk [tilespmem:v62+s23+$0x0], $0xffff  }
0x3ed: {  	v60 =	vor.u32 $0x150D, v7;
	v12 =	vadd.f32 v13, v12  }
0x3ee: {  	v14 =	vld.idx.msk [tilespmem:v63+s23+$0x0], $0xffff  }
0x3ef: {  	v61 =	vor.u32 $0x150E, v7;
	v12 =	vadd.f32 v16, v12  }
0x3f0: {  	v15 =	vld.idx.msk [tilespmem:v59+s23+$0x0], $0xffff  }
0x3f1: {  	v62 =	vor.u32 $0x150F, v7;
	v12 =	vadd.f32 v17, v12  }
0x3f2: {  	v13 =	vld.idx.msk [tilespmem:v60+s23+$0x0], $0xffff  }
0x3f3: {  	v12 =	vadd.f32 v14, v12  }
0x3f4: {  	v63 =	vld.idx.msk [tilespmem:v61+s23+$0x0], $0xffff  }
0x3f5: {  	v12 =	vadd.f32 v15, v12  }
0x3f6: {  	v18 =	vld.idx.msk [tilespmem:v62+s23+$0x0], $0xffff  }
0x3f7: {  	v12 =	vadd.f32 v13, v12;
	_ =	sdelay $0x1  }
0x3f8: {  	v19 =	vor.u32 $0x1600, v7;
	v12 =	vadd.f32 v63, v12  }
0x3f9: {  	v59 =	vor.u32 $0x1601, v7  }
0x3fa: {  	v12 =	vadd.f32 v18, v12  }
0x3fb: {  	v60 =	vor.u32 $0x1602, v7  }
0x3fc: {  	[tilespmem:$0x14550] =	vst v12  }
0x3fd: {  	v61 =	vor.u32 $0x1603, v7;
	v12 =	vld.idx.msk [tilespmem:v19+s23+$0x0], $0xffff  }
0x3fe: {  	v14 =	vld.idx.msk [tilespmem:v59+s23+$0x0], $0xffff  }
0x3ff: {  	v62 =	vor.u32 $0x1604, v7  }
0x400: {  	v15 =	vld.idx.msk [tilespmem:v60+s23+$0x0], $0xffff  }
0x401: {  	v63 =	vor.u32 $0x1605, v7  }
0x402: {  	v13 =	vld.idx.msk [tilespmem:v61+s23+$0x0], $0xffff  }
0x403: {  	v59 =	vor.u32 $0x1606, v7;
	v12 =	vadd.f32 v14, v12  }
0x404: {  	v16 =	vld.idx.msk [tilespmem:v62+s23+$0x0], $0xffff  }
0x405: {  	v60 =	vor.u32 $0x1607, v7;
	v12 =	vadd.f32 v15, v12  }
0x406: {  	v17 =	vld.idx.msk [tilespmem:v63+s23+$0x0], $0xffff  }
0x407: {  	v61 =	vor.u32 $0x1608, v7;
	v12 =	vadd.f32 v13, v12  }
0x408: {  	v14 =	vld.idx.msk [tilespmem:v59+s23+$0x0], $0xffff  }
0x409: {  	v62 =	vor.u32 $0x1609, v7;
	v12 =	vadd.f32 v16, v12  }
0x40a: {  	v15 =	vld.idx.msk [tilespmem:v60+s23+$0x0], $0xffff  }
0x40b: {  	v63 =	vor.u32 $0x160A, v7;
	v12 =	vadd.f32 v17, v12  }
0x40c: {  	v13 =	vld.idx.msk [tilespmem:v61+s23+$0x0], $0xffff  }
0x40d: {  	v59 =	vor.u32 $0x160B, v7;
	v12 =	vadd.f32 v14, v12  }
0x40e: {  	v16 =	vld.idx.msk [tilespmem:v62+s23+$0x0], $0xffff  }
0x40f: {  	v60 =	vor.u32 $0x160C, v7;
	v12 =	vadd.f32 v15, v12  }
0x410: {  	v17 =	vld.idx.msk [tilespmem:v63+s23+$0x0], $0xffff  }
0x411: {  	v61 =	vor.u32 $0x160D, v7;
	v12 =	vadd.f32 v13, v12  }
0x412: {  	v14 =	vld.idx.msk [tilespmem:v59+s23+$0x0], $0xffff  }
0x413: {  	v62 =	vor.u32 $0x160E, v7;
	v12 =	vadd.f32 v16, v12  }
0x414: {  	v15 =	vld.idx.msk [tilespmem:v60+s23+$0x0], $0xffff  }
0x415: {  	v63 =	vor.u32 $0x160F, v7;
	v12 =	vadd.f32 v17, v12  }
0x416: {  	v13 =	vld.idx.msk [tilespmem:v61+s23+$0x0], $0xffff  }
0x417: {  	v12 =	vadd.f32 v14, v12  }
0x418: {  	v59 =	vld.idx.msk [tilespmem:v62+s23+$0x0], $0xffff  }
0x419: {  	v12 =	vadd.f32 v15, v12  }
0x41a: {  	v60 =	vld.idx.msk [tilespmem:v63+s23+$0x0], $0xffff  }
0x41b: {  	v12 =	vadd.f32 v13, v12;
	_ =	sdelay $0x1  }
0x41c: {  	v61 =	vor.u32 $0x1700, v7;
	v12 =	vadd.f32 v59, v12  }
0x41d: {  	v62 =	vor.u32 $0x1701, v7  }
0x41e: {  	v12 =	vadd.f32 v60, v12  }
0x41f: {  	v63 =	vor.u32 $0x1702, v7  }
0x420: {  	[tilespmem:$0x14560] =	vst v12  }
0x421: {  	v59 =	vor.u32 $0x1703, v7;
	v12 =	vld.idx.msk [tilespmem:v61+s23+$0x0], $0xffff  }
0x422: {  	v14 =	vld.idx.msk [tilespmem:v62+s23+$0x0], $0xffff  }
0x423: {  	v60 =	vor.u32 $0x1704, v7  }
0x424: {  	v15 =	vld.idx.msk [tilespmem:v63+s23+$0x0], $0xffff  }
0x425: {  	v61 =	vor.u32 $0x1705, v7  }
0x426: {  	v13 =	vld.idx.msk [tilespmem:v59+s23+$0x0], $0xffff  }
0x427: {  	v62 =	vor.u32 $0x1706, v7;
	v12 =	vadd.f32 v14, v12  }
0x428: {  	v16 =	vld.idx.msk [tilespmem:v60+s23+$0x0], $0xffff  }
0x429: {  	v63 =	vor.u32 $0x1707, v7;
	v12 =	vadd.f32 v15, v12  }
0x42a: {  	v17 =	vld.idx.msk [tilespmem:v61+s23+$0x0], $0xffff  }
0x42b: {  	v59 =	vor.u32 $0x1708, v7;
	v12 =	vadd.f32 v13, v12  }
0x42c: {  	v14 =	vld.idx.msk [tilespmem:v62+s23+$0x0], $0xffff  }
0x42d: {  	v60 =	vor.u32 $0x1709, v7;
	v12 =	vadd.f32 v16, v12  }
0x42e: {  	v15 =	vld.idx.msk [tilespmem:v63+s23+$0x0], $0xffff  }
0x42f: {  	v61 =	vor.u32 $0x170A, v7;
	v12 =	vadd.f32 v17, v12  }
0x430: {  	v13 =	vld.idx.msk [tilespmem:v59+s23+$0x0], $0xffff  }
0x431: {  	v62 =	vor.u32 $0x170B, v7;
	v12 =	vadd.f32 v14, v12  }
0x432: {  	v16 =	vld.idx.msk [tilespmem:v60+s23+$0x0], $0xffff  }
0x433: {  	v63 =	vor.u32 $0x170C, v7;
	v12 =	vadd.f32 v15, v12  }
0x434: {  	v17 =	vld.idx.msk [tilespmem:v61+s23+$0x0], $0xffff  }
0x435: {  	v59 =	vor.u32 $0x170D, v7;
	v12 =	vadd.f32 v13, v12  }
0x436: {  	v14 =	vld.idx.msk [tilespmem:v62+s23+$0x0], $0xffff  }
0x437: {  	v60 =	vor.u32 $0x170E, v7;
	v12 =	vadd.f32 v16, v12  }
0x438: {  	v15 =	vld.idx.msk [tilespmem:v63+s23+$0x0], $0xffff  }
0x439: {  	v61 =	vor.u32 $0x170F, v7;
	v12 =	vadd.f32 v17, v12  }
0x43a: {  	v13 =	vld.idx.msk [tilespmem:v59+s23+$0x0], $0xffff  }
0x43b: {  	v12 =	vadd.f32 v14, v12  }
0x43c: {  	v62 =	vld.idx.msk [tilespmem:v60+s23+$0x0], $0xffff  }
0x43d: {  	v12 =	vadd.f32 v15, v12  }
0x43e: {  	v63 =	vld.idx.msk [tilespmem:v61+s23+$0x0], $0xffff  }
0x43f: {  	v12 =	vadd.f32 v13, v12;
	_ =	sdelay $0x1  }
0x440: {  	v18 =	vor.u32 $0x1800, v7;
	v12 =	vadd.f32 v62, v12  }
0x441: {  	v19 =	vor.u32 $0x1801, v7  }
0x442: {  	v12 =	vadd.f32 v63, v12  }
0x443: {  	v59 =	vor.u32 $0x1802, v7  }
0x444: {  	[tilespmem:$0x14570] =	vst v12  }
0x445: {  	v60 =	vor.u32 $0x1803, v7;
	v12 =	vld.idx.msk [tilespmem:v18+s23+$0x0], $0xffff  }
0x446: {  	v14 =	vld.idx.msk [tilespmem:v19+s23+$0x0], $0xffff  }
0x447: {  	v61 =	vor.u32 $0x1804, v7  }
0x448: {  	v15 =	vld.idx.msk [tilespmem:v59+s23+$0x0], $0xffff  }
0x449: {  	v62 =	vor.u32 $0x1805, v7  }
0x44a: {  	v13 =	vld.idx.msk [tilespmem:v60+s23+$0x0], $0xffff  }
0x44b: {  	v63 =	vor.u32 $0x1806, v7;
	v12 =	vadd.f32 v14, v12  }
0x44c: {  	v16 =	vld.idx.msk [tilespmem:v61+s23+$0x0], $0xffff  }
0x44d: {  	v59 =	vor.u32 $0x1807, v7;
	v12 =	vadd.f32 v15, v12  }
0x44e: {  	v17 =	vld.idx.msk [tilespmem:v62+s23+$0x0], $0xffff  }
0x44f: {  	v60 =	vor.u32 $0x1808, v7;
	v12 =	vadd.f32 v13, v12  }
0x450: {  	v14 =	vld.idx.msk [tilespmem:v63+s23+$0x0], $0xffff  }
0x451: {  	v61 =	vor.u32 $0x1809, v7;
	v12 =	vadd.f32 v16, v12  }
0x452: {  	v15 =	vld.idx.msk [tilespmem:v59+s23+$0x0], $0xffff  }
0x453: {  	v62 =	vor.u32 $0x180A, v7;
	v12 =	vadd.f32 v17, v12  }
0x454: {  	v13 =	vld.idx.msk [tilespmem:v60+s23+$0x0], $0xffff  }
0x455: {  	v63 =	vor.u32 $0x180B, v7;
	v12 =	vadd.f32 v14, v12  }
0x456: {  	v16 =	vld.idx.msk [tilespmem:v61+s23+$0x0], $0xffff  }
0x457: {  	v59 =	vor.u32 $0x180C, v7;
	v12 =	vadd.f32 v15, v12  }
0x458: {  	v17 =	vld.idx.msk [tilespmem:v62+s23+$0x0], $0xffff  }
0x459: {  	v60 =	vor.u32 $0x180D, v7;
	v12 =	vadd.f32 v13, v12  }
0x45a: {  	v14 =	vld.idx.msk [tilespmem:v63+s23+$0x0], $0xffff  }
0x45b: {  	v61 =	vor.u32 $0x180E, v7;
	v12 =	vadd.f32 v16, v12  }
0x45c: {  	v15 =	vld.idx.msk [tilespmem:v59+s23+$0x0], $0xffff  }
0x45d: {  	v62 =	vor.u32 $0x180F, v7;
	v12 =	vadd.f32 v17, v12  }
0x45e: {  	v13 =	vld.idx.msk [tilespmem:v60+s23+$0x0], $0xffff  }
0x45f: {  	v12 =	vadd.f32 v14, v12  }
0x460: {  	v63 =	vld.idx.msk [tilespmem:v61+s23+$0x0], $0xffff  }
0x461: {  	v12 =	vadd.f32 v15, v12  }
0x462: {  	v18 =	vld.idx.msk [tilespmem:v62+s23+$0x0], $0xffff  }
0x463: {  	v12 =	vadd.f32 v13, v12;
	_ =	sdelay $0x1  }
0x464: {  	v19 =	vor.u32 $0x1900, v7;
	v12 =	vadd.f32 v63, v12  }
0x465: {  	v59 =	vor.u32 $0x1901, v7  }
0x466: {  	v12 =	vadd.f32 v18, v12  }
0x467: {  	v60 =	vor.u32 $0x1902, v7  }
0x468: {  	[tilespmem:$0x14580] =	vst v12  }
0x469: {  	v61 =	vor.u32 $0x1903, v7;
	v12 =	vld.idx.msk [tilespmem:v19+s23+$0x0], $0xffff  }
0x46a: {  	v14 =	vld.idx.msk [tilespmem:v59+s23+$0x0], $0xffff  }
0x46b: {  	v62 =	vor.u32 $0x1904, v7  }
0x46c: {  	v15 =	vld.idx.msk [tilespmem:v60+s23+$0x0], $0xffff  }
0x46d: {  	v63 =	vor.u32 $0x1905, v7  }
0x46e: {  	v13 =	vld.idx.msk [tilespmem:v61+s23+$0x0], $0xffff  }
0x46f: {  	v59 =	vor.u32 $0x1906, v7;
	v12 =	vadd.f32 v14, v12  }
0x470: {  	v16 =	vld.idx.msk [tilespmem:v62+s23+$0x0], $0xffff  }
0x471: {  	v60 =	vor.u32 $0x1907, v7;
	v12 =	vadd.f32 v15, v12  }
0x472: {  	v17 =	vld.idx.msk [tilespmem:v63+s23+$0x0], $0xffff  }
0x473: {  	v61 =	vor.u32 $0x1908, v7;
	v12 =	vadd.f32 v13, v12  }
0x474: {  	v14 =	vld.idx.msk [tilespmem:v59+s23+$0x0], $0xffff  }
0x475: {  	v62 =	vor.u32 $0x1909, v7;
	v12 =	vadd.f32 v16, v12  }
0x476: {  	v15 =	vld.idx.msk [tilespmem:v60+s23+$0x0], $0xffff  }
0x477: {  	v63 =	vor.u32 $0x190A, v7;
	v12 =	vadd.f32 v17, v12  }
0x478: {  	v13 =	vld.idx.msk [tilespmem:v61+s23+$0x0], $0xffff  }
0x479: {  	v59 =	vor.u32 $0x190B, v7;
	v12 =	vadd.f32 v14, v12  }
0x47a: {  	v16 =	vld.idx.msk [tilespmem:v62+s23+$0x0], $0xffff  }
0x47b: {  	v60 =	vor.u32 $0x190C, v7;
	v12 =	vadd.f32 v15, v12  }
0x47c: {  	v17 =	vld.idx.msk [tilespmem:v63+s23+$0x0], $0xffff  }
0x47d: {  	v61 =	vor.u32 $0x190D, v7;
	v12 =	vadd.f32 v13, v12  }
0x47e: {  	v14 =	vld.idx.msk [tilespmem:v59+s23+$0x0], $0xffff  }
0x47f: {  	v62 =	vor.u32 $0x190E, v7;
	v12 =	vadd.f32 v16, v12  }
0x480: {  	v15 =	vld.idx.msk [tilespmem:v60+s23+$0x0], $0xffff  }
0x481: {  	v63 =	vor.u32 $0x190F, v7;
	v12 =	vadd.f32 v17, v12  }
0x482: {  	v13 =	vld.idx.msk [tilespmem:v61+s23+$0x0], $0xffff  }
0x483: {  	v12 =	vadd.f32 v14, v12  }
0x484: {  	v59 =	vld.idx.msk [tilespmem:v62+s23+$0x0], $0xffff  }
0x485: {  	v12 =	vadd.f32 v15, v12  }
0x486: {  	v60 =	vld.idx.msk [tilespmem:v63+s23+$0x0], $0xffff  }
0x487: {  	v12 =	vadd.f32 v13, v12;
	_ =	sdelay $0x1  }
0x488: {  	v61 =	vor.u32 $0x1A00, v7;
	v12 =	vadd.f32 v59, v12  }
0x489: {  	v62 =	vor.u32 $0x1A01, v7  }
0x48a: {  	v12 =	vadd.f32 v60, v12  }
0x48b: {  	v63 =	vor.u32 $0x1A02, v7  }
0x48c: {  	[tilespmem:$0x14590] =	vst v12  }
0x48d: {  	v59 =	vor.u32 $0x1A03, v7;
	v12 =	vld.idx.msk [tilespmem:v61+s23+$0x0], $0xffff  }
0x48e: {  	v14 =	vld.idx.msk [tilespmem:v62+s23+$0x0], $0xffff  }
0x48f: {  	v60 =	vor.u32 $0x1A04, v7  }
0x490: {  	v15 =	vld.idx.msk [tilespmem:v63+s23+$0x0], $0xffff  }
0x491: {  	v61 =	vor.u32 $0x1A05, v7  }
0x492: {  	v13 =	vld.idx.msk [tilespmem:v59+s23+$0x0], $0xffff  }
0x493: {  	v62 =	vor.u32 $0x1A06, v7;
	v12 =	vadd.f32 v14, v12  }
0x494: {  	v16 =	vld.idx.msk [tilespmem:v60+s23+$0x0], $0xffff  }
0x495: {  	v63 =	vor.u32 $0x1A07, v7;
	v12 =	vadd.f32 v15, v12  }
0x496: {  	v17 =	vld.idx.msk [tilespmem:v61+s23+$0x0], $0xffff  }
0x497: {  	v59 =	vor.u32 $0x1A08, v7;
	v12 =	vadd.f32 v13, v12  }
0x498: {  	v14 =	vld.idx.msk [tilespmem:v62+s23+$0x0], $0xffff  }
0x499: {  	v60 =	vor.u32 $0x1A09, v7;
	v12 =	vadd.f32 v16, v12  }
0x49a: {  	v15 =	vld.idx.msk [tilespmem:v63+s23+$0x0], $0xffff  }
0x49b: {  	v61 =	vor.u32 $0x1A0A, v7;
	v12 =	vadd.f32 v17, v12  }
0x49c: {  	v13 =	vld.idx.msk [tilespmem:v59+s23+$0x0], $0xffff  }
0x49d: {  	v62 =	vor.u32 $0x1A0B, v7;
	v12 =	vadd.f32 v14, v12  }
0x49e: {  	v16 =	vld.idx.msk [tilespmem:v60+s23+$0x0], $0xffff  }
0x49f: {  	v63 =	vor.u32 $0x1A0C, v7;
	v12 =	vadd.f32 v15, v12  }
0x4a0: {  	v17 =	vld.idx.msk [tilespmem:v61+s23+$0x0], $0xffff  }
0x4a1: {  	v59 =	vor.u32 $0x1A0D, v7;
	v12 =	vadd.f32 v13, v12  }
0x4a2: {  	v14 =	vld.idx.msk [tilespmem:v62+s23+$0x0], $0xffff  }
0x4a3: {  	v60 =	vor.u32 $0x1A0E, v7;
	v12 =	vadd.f32 v16, v12  }
0x4a4: {  	v15 =	vld.idx.msk [tilespmem:v63+s23+$0x0], $0xffff  }
0x4a5: {  	v61 =	vor.u32 $0x1A0F, v7;
	v12 =	vadd.f32 v17, v12  }
0x4a6: {  	v13 =	vld.idx.msk [tilespmem:v59+s23+$0x0], $0xffff  }
0x4a7: {  	v12 =	vadd.f32 v14, v12  }
0x4a8: {  	v62 =	vld.idx.msk [tilespmem:v60+s23+$0x0], $0xffff  }
0x4a9: {  	v12 =	vadd.f32 v15, v12  }
0x4aa: {  	v63 =	vld.idx.msk [tilespmem:v61+s23+$0x0], $0xffff  }
0x4ab: {  	v12 =	vadd.f32 v13, v12;
	_ =	sdelay $0x1  }
0x4ac: {  	v18 =	vor.u32 $0x1B00, v7;
	v12 =	vadd.f32 v62, v12  }
0x4ad: {  	v19 =	vor.u32 $0x1B01, v7  }
0x4ae: {  	v12 =	vadd.f32 v63, v12  }
0x4af: {  	v59 =	vor.u32 $0x1B02, v7  }
0x4b0: {  	[tilespmem:$0x145A0] =	vst v12  }
0x4b1: {  	v60 =	vor.u32 $0x1B03, v7;
	v12 =	vld.idx.msk [tilespmem:v18+s23+$0x0], $0xffff  }
0x4b2: {  	v14 =	vld.idx.msk [tilespmem:v19+s23+$0x0], $0xffff  }
0x4b3: {  	v61 =	vor.u32 $0x1B04, v7  }
0x4b4: {  	v15 =	vld.idx.msk [tilespmem:v59+s23+$0x0], $0xffff  }
0x4b5: {  	v62 =	vor.u32 $0x1B05, v7  }
0x4b6: {  	v13 =	vld.idx.msk [tilespmem:v60+s23+$0x0], $0xffff  }
0x4b7: {  	v63 =	vor.u32 $0x1B06, v7;
	v12 =	vadd.f32 v14, v12  }
0x4b8: {  	v16 =	vld.idx.msk [tilespmem:v61+s23+$0x0], $0xffff  }
0x4b9: {  	v59 =	vor.u32 $0x1B07, v7;
	v12 =	vadd.f32 v15, v12  }
0x4ba: {  	v17 =	vld.idx.msk [tilespmem:v62+s23+$0x0], $0xffff  }
0x4bb: {  	v60 =	vor.u32 $0x1B08, v7;
	v12 =	vadd.f32 v13, v12  }
0x4bc: {  	v14 =	vld.idx.msk [tilespmem:v63+s23+$0x0], $0xffff  }
0x4bd: {  	v61 =	vor.u32 $0x1B09, v7;
	v12 =	vadd.f32 v16, v12  }
0x4be: {  	v15 =	vld.idx.msk [tilespmem:v59+s23+$0x0], $0xffff  }
0x4bf: {  	v62 =	vor.u32 $0x1B0A, v7;
	v12 =	vadd.f32 v17, v12  }
0x4c0: {  	v13 =	vld.idx.msk [tilespmem:v60+s23+$0x0], $0xffff  }
0x4c1: {  	v63 =	vor.u32 $0x1B0B, v7;
	v12 =	vadd.f32 v14, v12  }
0x4c2: {  	v16 =	vld.idx.msk [tilespmem:v61+s23+$0x0], $0xffff  }
0x4c3: {  	v59 =	vor.u32 $0x1B0C, v7;
	v12 =	vadd.f32 v15, v12  }
0x4c4: {  	v17 =	vld.idx.msk [tilespmem:v62+s23+$0x0], $0xffff  }
0x4c5: {  	v60 =	vor.u32 $0x1B0D, v7;
	v12 =	vadd.f32 v13, v12  }
0x4c6: {  	v14 =	vld.idx.msk [tilespmem:v63+s23+$0x0], $0xffff  }
0x4c7: {  	v61 =	vor.u32 $0x1B0E, v7;
	v12 =	vadd.f32 v16, v12  }
0x4c8: {  	v15 =	vld.idx.msk [tilespmem:v59+s23+$0x0], $0xffff  }
0x4c9: {  	v62 =	vor.u32 $0x1B0F, v7;
	v12 =	vadd.f32 v17, v12  }
0x4ca: {  	v13 =	vld.idx.msk [tilespmem:v60+s23+$0x0], $0xffff  }
0x4cb: {  	v12 =	vadd.f32 v14, v12  }
0x4cc: {  	v63 =	vld.idx.msk [tilespmem:v61+s23+$0x0], $0xffff  }
0x4cd: {  	v12 =	vadd.f32 v15, v12  }
0x4ce: {  	v18 =	vld.idx.msk [tilespmem:v62+s23+$0x0], $0xffff  }
0x4cf: {  	v12 =	vadd.f32 v13, v12;
	_ =	sdelay $0x1  }
0x4d0: {  	v19 =	vor.u32 $0x1C00, v7;
	v12 =	vadd.f32 v63, v12  }
0x4d1: {  	v59 =	vor.u32 $0x1C01, v7  }
0x4d2: {  	v12 =	vadd.f32 v18, v12  }
0x4d3: {  	v60 =	vor.u32 $0x1C02, v7  }
0x4d4: {  	[tilespmem:$0x145B0] =	vst v12  }
0x4d5: {  	v61 =	vor.u32 $0x1C03, v7;
	v12 =	vld.idx.msk [tilespmem:v19+s23+$0x0], $0xffff  }
0x4d6: {  	v14 =	vld.idx.msk [tilespmem:v59+s23+$0x0], $0xffff  }
0x4d7: {  	v62 =	vor.u32 $0x1C04, v7  }
0x4d8: {  	v15 =	vld.idx.msk [tilespmem:v60+s23+$0x0], $0xffff  }
0x4d9: {  	v63 =	vor.u32 $0x1C05, v7  }
0x4da: {  	v13 =	vld.idx.msk [tilespmem:v61+s23+$0x0], $0xffff  }
0x4db: {  	v59 =	vor.u32 $0x1C06, v7;
	v12 =	vadd.f32 v14, v12  }
0x4dc: {  	v16 =	vld.idx.msk [tilespmem:v62+s23+$0x0], $0xffff  }
0x4dd: {  	v60 =	vor.u32 $0x1C07, v7;
	v12 =	vadd.f32 v15, v12  }
0x4de: {  	v17 =	vld.idx.msk [tilespmem:v63+s23+$0x0], $0xffff  }
0x4df: {  	v61 =	vor.u32 $0x1C08, v7;
	v12 =	vadd.f32 v13, v12  }
0x4e0: {  	v14 =	vld.idx.msk [tilespmem:v59+s23+$0x0], $0xffff  }
0x4e1: {  	v62 =	vor.u32 $0x1C09, v7;
	v12 =	vadd.f32 v16, v12  }
0x4e2: {  	v15 =	vld.idx.msk [tilespmem:v60+s23+$0x0], $0xffff  }
0x4e3: {  	v63 =	vor.u32 $0x1C0A, v7;
	v12 =	vadd.f32 v17, v12  }
0x4e4: {  	v13 =	vld.idx.msk [tilespmem:v61+s23+$0x0], $0xffff  }
0x4e5: {  	v59 =	vor.u32 $0x1C0B, v7;
	v12 =	vadd.f32 v14, v12  }
0x4e6: {  	v16 =	vld.idx.msk [tilespmem:v62+s23+$0x0], $0xffff  }
0x4e7: {  	v60 =	vor.u32 $0x1C0C, v7;
	v12 =	vadd.f32 v15, v12  }
0x4e8: {  	v17 =	vld.idx.msk [tilespmem:v63+s23+$0x0], $0xffff  }
0x4e9: {  	v61 =	vor.u32 $0x1C0D, v7;
	v12 =	vadd.f32 v13, v12  }
0x4ea: {  	v14 =	vld.idx.msk [tilespmem:v59+s23+$0x0], $0xffff  }
0x4eb: {  	v62 =	vor.u32 $0x1C0E, v7;
	v12 =	vadd.f32 v16, v12  }
0x4ec: {  	v15 =	vld.idx.msk [tilespmem:v60+s23+$0x0], $0xffff  }
0x4ed: {  	v63 =	vor.u32 $0x1C0F, v7;
	v12 =	vadd.f32 v17, v12  }
0x4ee: {  	v13 =	vld.idx.msk [tilespmem:v61+s23+$0x0], $0xffff  }
0x4ef: {  	v12 =	vadd.f32 v14, v12  }
0x4f0: {  	v59 =	vld.idx.msk [tilespmem:v62+s23+$0x0], $0xffff  }
0x4f1: {  	v12 =	vadd.f32 v15, v12  }
0x4f2: {  	v60 =	vld.idx.msk [tilespmem:v63+s23+$0x0], $0xffff  }
0x4f3: {  	v12 =	vadd.f32 v13, v12;
	_ =	sdelay $0x1  }
0x4f4: {  	v61 =	vor.u32 $0x1D00, v7;
	v12 =	vadd.f32 v59, v12  }
0x4f5: {  	v62 =	vor.u32 $0x1D01, v7  }
0x4f6: {  	v12 =	vadd.f32 v60, v12  }
0x4f7: {  	v63 =	vor.u32 $0x1D02, v7  }
0x4f8: {  	[tilespmem:$0x145C0] =	vst v12  }
0x4f9: {  	v59 =	vor.u32 $0x1D03, v7;
	v12 =	vld.idx.msk [tilespmem:v61+s23+$0x0], $0xffff  }
0x4fa: {  	v14 =	vld.idx.msk [tilespmem:v62+s23+$0x0], $0xffff  }
0x4fb: {  	v60 =	vor.u32 $0x1D04, v7  }
0x4fc: {  	v15 =	vld.idx.msk [tilespmem:v63+s23+$0x0], $0xffff  }
0x4fd: {  	v61 =	vor.u32 $0x1D05, v7  }
0x4fe: {  	v13 =	vld.idx.msk [tilespmem:v59+s23+$0x0], $0xffff  }
0x4ff: {  	v62 =	vor.u32 $0x1D06, v7;
	v12 =	vadd.f32 v14, v12  }
0x500: {  	v16 =	vld.idx.msk [tilespmem:v60+s23+$0x0], $0xffff  }
0x501: {  	v63 =	vor.u32 $0x1D07, v7;
	v12 =	vadd.f32 v15, v12  }
0x502: {  	v17 =	vld.idx.msk [tilespmem:v61+s23+$0x0], $0xffff  }
0x503: {  	v59 =	vor.u32 $0x1D08, v7;
	v12 =	vadd.f32 v13, v12  }
0x504: {  	v14 =	vld.idx.msk [tilespmem:v62+s23+$0x0], $0xffff  }
0x505: {  	v60 =	vor.u32 $0x1D09, v7;
	v12 =	vadd.f32 v16, v12  }
0x506: {  	v15 =	vld.idx.msk [tilespmem:v63+s23+$0x0], $0xffff  }
0x507: {  	v61 =	vor.u32 $0x1D0A, v7;
	v12 =	vadd.f32 v17, v12  }
0x508: {  	v13 =	vld.idx.msk [tilespmem:v59+s23+$0x0], $0xffff  }
0x509: {  	v62 =	vor.u32 $0x1D0B, v7;
	v12 =	vadd.f32 v14, v12  }
0x50a: {  	v16 =	vld.idx.msk [tilespmem:v60+s23+$0x0], $0xffff  }
0x50b: {  	v63 =	vor.u32 $0x1D0C, v7;
	v12 =	vadd.f32 v15, v12  }
0x50c: {  	v17 =	vld.idx.msk [tilespmem:v61+s23+$0x0], $0xffff  }
0x50d: {  	v59 =	vor.u32 $0x1D0D, v7;
	v12 =	vadd.f32 v13, v12  }
0x50e: {  	v14 =	vld.idx.msk [tilespmem:v62+s23+$0x0], $0xffff  }
0x50f: {  	v60 =	vor.u32 $0x1D0E, v7;
	v12 =	vadd.f32 v16, v12  }
0x510: {  	v15 =	vld.idx.msk [tilespmem:v63+s23+$0x0], $0xffff  }
0x511: {  	v61 =	vor.u32 $0x1D0F, v7;
	v12 =	vadd.f32 v17, v12  }
0x512: {  	v13 =	vld.idx.msk [tilespmem:v59+s23+$0x0], $0xffff  }
0x513: {  	v12 =	vadd.f32 v14, v12  }
0x514: {  	v62 =	vld.idx.msk [tilespmem:v60+s23+$0x0], $0xffff  }
0x515: {  	v12 =	vadd.f32 v15, v12  }
0x516: {  	v63 =	vld.idx.msk [tilespmem:v61+s23+$0x0], $0xffff  }
0x517: {  	v12 =	vadd.f32 v13, v12;
	_ =	sdelay $0x1  }
0x518: {  	v18 =	vor.u32 $0x1E00, v7;
	v12 =	vadd.f32 v62, v12  }
0x519: {  	v19 =	vor.u32 $0x1E01, v7  }
0x51a: {  	v12 =	vadd.f32 v63, v12  }
0x51b: {  	v59 =	vor.u32 $0x1E02, v7  }
0x51c: {  	[tilespmem:$0x145D0] =	vst v12  }
0x51d: {  	v60 =	vor.u32 $0x1E03, v7;
	v12 =	vld.idx.msk [tilespmem:v18+s23+$0x0], $0xffff  }
0x51e: {  	v14 =	vld.idx.msk [tilespmem:v19+s23+$0x0], $0xffff  }
0x51f: {  	v61 =	vor.u32 $0x1E04, v7  }
0x520: {  	v15 =	vld.idx.msk [tilespmem:v59+s23+$0x0], $0xffff  }
0x521: {  	v62 =	vor.u32 $0x1E05, v7  }
0x522: {  	v13 =	vld.idx.msk [tilespmem:v60+s23+$0x0], $0xffff  }
0x523: {  	v63 =	vor.u32 $0x1E06, v7;
	v12 =	vadd.f32 v14, v12  }
0x524: {  	v16 =	vld.idx.msk [tilespmem:v61+s23+$0x0], $0xffff  }
0x525: {  	v59 =	vor.u32 $0x1E07, v7;
	v12 =	vadd.f32 v15, v12  }
0x526: {  	v17 =	vld.idx.msk [tilespmem:v62+s23+$0x0], $0xffff  }
0x527: {  	v60 =	vor.u32 $0x1E08, v7;
	v12 =	vadd.f32 v13, v12  }
0x528: {  	v14 =	vld.idx.msk [tilespmem:v63+s23+$0x0], $0xffff  }
0x529: {  	v61 =	vor.u32 $0x1E09, v7;
	v12 =	vadd.f32 v16, v12  }
0x52a: {  	v15 =	vld.idx.msk [tilespmem:v59+s23+$0x0], $0xffff  }
0x52b: {  	v62 =	vor.u32 $0x1E0A, v7;
	v12 =	vadd.f32 v17, v12  }
0x52c: {  	v13 =	vld.idx.msk [tilespmem:v60+s23+$0x0], $0xffff  }
0x52d: {  	v63 =	vor.u32 $0x1E0B, v7;
	v12 =	vadd.f32 v14, v12  }
0x52e: {  	v16 =	vld.idx.msk [tilespmem:v61+s23+$0x0], $0xffff  }
0x52f: {  	v59 =	vor.u32 $0x1E0C, v7;
	v12 =	vadd.f32 v15, v12  }
0x530: {  	v17 =	vld.idx.msk [tilespmem:v62+s23+$0x0], $0xffff  }
0x531: {  	v60 =	vor.u32 $0x1E0D, v7;
	v12 =	vadd.f32 v13, v12  }
0x532: {  	v14 =	vld.idx.msk [tilespmem:v63+s23+$0x0], $0xffff  }
0x533: {  	v61 =	vor.u32 $0x1E0E, v7;
	v12 =	vadd.f32 v16, v12  }
0x534: {  	v15 =	vld.idx.msk [tilespmem:v59+s23+$0x0], $0xffff  }
0x535: {  	v62 =	vor.u32 $0x1E0F, v7;
	v12 =	vadd.f32 v17, v12  }
0x536: {  	v13 =	vld.idx.msk [tilespmem:v60+s23+$0x0], $0xffff  }
0x537: {  	v12 =	vadd.f32 v14, v12  }
0x538: {  	v63 =	vld.idx.msk [tilespmem:v61+s23+$0x0], $0xffff  }
0x539: {  	v12 =	vadd.f32 v15, v12  }
0x53a: {  	v18 =	vld.idx.msk [tilespmem:v62+s23+$0x0], $0xffff  }
0x53b: {  	v12 =	vadd.f32 v13, v12;
	_ =	sdelay $0x1  }
0x53c: {  	v19 =	vor.u32 $0x1F00, v7;
	v12 =	vadd.f32 v63, v12  }
0x53d: {  	v59 =	vor.u32 $0x1F01, v7  }
0x53e: {  	v12 =	vadd.f32 v18, v12  }
0x53f: {  	v60 =	vor.u32 $0x1F02, v7  }
0x540: {  	[tilespmem:$0x145E0] =	vst v12  }
0x541: {  	v61 =	vor.u32 $0x1F03, v7;
	v12 =	vld.idx.msk [tilespmem:v19+s23+$0x0], $0xffff  }
0x542: {  	v14 =	vld.idx.msk [tilespmem:v59+s23+$0x0], $0xffff  }
0x543: {  	v62 =	vor.u32 $0x1F04, v7  }
0x544: {  	v15 =	vld.idx.msk [tilespmem:v60+s23+$0x0], $0xffff  }
0x545: {  	v63 =	vor.u32 $0x1F05, v7  }
0x546: {  	v13 =	vld.idx.msk [tilespmem:v61+s23+$0x0], $0xffff  }
0x547: {  	v59 =	vor.u32 $0x1F06, v7;
	v12 =	vadd.f32 v14, v12  }
0x548: {  	v16 =	vld.idx.msk [tilespmem:v62+s23+$0x0], $0xffff  }
0x549: {  	v60 =	vor.u32 $0x1F07, v7;
	v12 =	vadd.f32 v15, v12  }
0x54a: {  	v17 =	vld.idx.msk [tilespmem:v63+s23+$0x0], $0xffff  }
0x54b: {  	v61 =	vor.u32 $0x1F08, v7;
	v12 =	vadd.f32 v13, v12  }
0x54c: {  	v14 =	vld.idx.msk [tilespmem:v59+s23+$0x0], $0xffff  }
0x54d: {  	v62 =	vor.u32 $0x1F09, v7;
	v12 =	vadd.f32 v16, v12  }
0x54e: {  	v15 =	vld.idx.msk [tilespmem:v60+s23+$0x0], $0xffff  }
0x54f: {  	v63 =	vor.u32 $0x1F0A, v7;
	v12 =	vadd.f32 v17, v12  }
0x550: {  	v13 =	vld.idx.msk [tilespmem:v61+s23+$0x0], $0xffff  }
0x551: {  	v59 =	vor.u32 $0x1F0B, v7;
	v12 =	vadd.f32 v14, v12  }
0x552: {  	v16 =	vld.idx.msk [tilespmem:v62+s23+$0x0], $0xffff  }
0x553: {  	v60 =	vor.u32 $0x1F0C, v7;
	v12 =	vadd.f32 v15, v12  }
0x554: {  	v17 =	vld.idx.msk [tilespmem:v63+s23+$0x0], $0xffff  }
0x555: {  	v61 =	vor.u32 $0x1F0D, v7;
	v12 =	vadd.f32 v13, v12  }
0x556: {  	v14 =	vld.idx.msk [tilespmem:v59+s23+$0x0], $0xffff  }
0x557: {  	v62 =	vor.u32 $0x1F0E, v7;
	v12 =	vadd.f32 v16, v12  }
0x558: {  	v15 =	vld.idx.msk [tilespmem:v60+s23+$0x0], $0xffff  }
0x559: {  	v63 =	vor.u32 $0x1F0F, v7;
	v12 =	vadd.f32 v17, v12  }
0x55a: {  	v13 =	vld.idx.msk [tilespmem:v61+s23+$0x0], $0xffff  }
0x55b: {  	v12 =	vadd.f32 v14, v12  }
0x55c: {  	v59 =	vld.idx.msk [tilespmem:v62+s23+$0x0], $0xffff  }
0x55d: {  	v12 =	vadd.f32 v15, v12  }
0x55e: {  	v60 =	vld.idx.msk [tilespmem:v63+s23+$0x0], $0xffff  }
0x55f: {  	v12 =	vadd.f32 v13, v12;
	_ =	sdelay $0x1  }
0x560: {  	v61 =	vor.u32 $0x2000, v7;
	v12 =	vadd.f32 v59, v12  }
0x561: {  	v62 =	vor.u32 $0x2001, v7  }
0x562: {  	v12 =	vadd.f32 v60, v12  }
0x563: {  	v63 =	vor.u32 $0x2002, v7  }
0x564: {  	[tilespmem:$0x145F0] =	vst v12  }
0x565: {  	v59 =	vor.u32 $0x2003, v7;
	v12 =	vld.idx.msk [tilespmem:v61+s23+$0x0], $0xffff  }
0x566: {  	v14 =	vld.idx.msk [tilespmem:v62+s23+$0x0], $0xffff  }
0x567: {  	v60 =	vor.u32 $0x2004, v7  }
0x568: {  	v15 =	vld.idx.msk [tilespmem:v63+s23+$0x0], $0xffff  }
0x569: {  	v61 =	vor.u32 $0x2005, v7  }
0x56a: {  	v13 =	vld.idx.msk [tilespmem:v59+s23+$0x0], $0xffff  }
0x56b: {  	v62 =	vor.u32 $0x2006, v7;
	v12 =	vadd.f32 v14, v12  }
0x56c: {  	v16 =	vld.idx.msk [tilespmem:v60+s23+$0x0], $0xffff  }
0x56d: {  	v63 =	vor.u32 $0x2007, v7;
	v12 =	vadd.f32 v15, v12  }
0x56e: {  	v17 =	vld.idx.msk [tilespmem:v61+s23+$0x0], $0xffff  }
0x56f: {  	v59 =	vor.u32 $0x2008, v7;
	v12 =	vadd.f32 v13, v12  }
0x570: {  	v14 =	vld.idx.msk [tilespmem:v62+s23+$0x0], $0xffff  }
0x571: {  	v60 =	vor.u32 $0x2009, v7;
	v12 =	vadd.f32 v16, v12  }
0x572: {  	v15 =	vld.idx.msk [tilespmem:v63+s23+$0x0], $0xffff  }
0x573: {  	v61 =	vor.u32 $0x200A, v7;
	v12 =	vadd.f32 v17, v12  }
0x574: {  	v13 =	vld.idx.msk [tilespmem:v59+s23+$0x0], $0xffff  }
0x575: {  	v62 =	vor.u32 $0x200B, v7;
	v12 =	vadd.f32 v14, v12  }
0x576: {  	v16 =	vld.idx.msk [tilespmem:v60+s23+$0x0], $0xffff  }
0x577: {  	v63 =	vor.u32 $0x200C, v7;
	v12 =	vadd.f32 v15, v12  }
0x578: {  	v17 =	vld.idx.msk [tilespmem:v61+s23+$0x0], $0xffff  }
0x579: {  	v59 =	vor.u32 $0x200D, v7;
	v12 =	vadd.f32 v13, v12  }
0x57a: {  	v14 =	vld.idx.msk [tilespmem:v62+s23+$0x0], $0xffff  }
0x57b: {  	v60 =	vor.u32 $0x200E, v7;
	v12 =	vadd.f32 v16, v12  }
0x57c: {  	v15 =	vld.idx.msk [tilespmem:v63+s23+$0x0], $0xffff  }
0x57d: {  	v61 =	vor.u32 $0x200F, v7;
	v12 =	vadd.f32 v17, v12  }
0x57e: {  	v13 =	vld.idx.msk [tilespmem:v59+s23+$0x0], $0xffff  }
0x57f: {  	v12 =	vadd.f32 v14, v12  }
0x580: {  	v62 =	vld.idx.msk [tilespmem:v60+s23+$0x0], $0xffff  }
0x581: {  	v12 =	vadd.f32 v15, v12  }
0x582: {  	v63 =	vld.idx.msk [tilespmem:v61+s23+$0x0], $0xffff  }
0x583: {  	v12 =	vadd.f32 v13, v12;
	_ =	sdelay $0x1  }
0x584: {  	v18 =	vor.u32 $0x2100, v7;
	v12 =	vadd.f32 v62, v12  }
0x585: {  	v19 =	vor.u32 $0x2101, v7  }
0x586: {  	v12 =	vadd.f32 v63, v12  }
0x587: {  	v59 =	vor.u32 $0x2102, v7  }
0x588: {  	[tilespmem:$0x14600] =	vst v12  }
0x589: {  	v60 =	vor.u32 $0x2103, v7;
	v12 =	vld.idx.msk [tilespmem:v18+s23+$0x0], $0xffff  }
0x58a: {  	v14 =	vld.idx.msk [tilespmem:v19+s23+$0x0], $0xffff  }
0x58b: {  	v61 =	vor.u32 $0x2104, v7  }
0x58c: {  	v15 =	vld.idx.msk [tilespmem:v59+s23+$0x0], $0xffff  }
0x58d: {  	v62 =	vor.u32 $0x2105, v7  }
0x58e: {  	v13 =	vld.idx.msk [tilespmem:v60+s23+$0x0], $0xffff  }
0x58f: {  	v63 =	vor.u32 $0x2106, v7;
	v12 =	vadd.f32 v14, v12  }
0x590: {  	v16 =	vld.idx.msk [tilespmem:v61+s23+$0x0], $0xffff  }
0x591: {  	v59 =	vor.u32 $0x2107, v7;
	v12 =	vadd.f32 v15, v12  }
0x592: {  	v17 =	vld.idx.msk [tilespmem:v62+s23+$0x0], $0xffff  }
0x593: {  	v60 =	vor.u32 $0x2108, v7;
	v12 =	vadd.f32 v13, v12  }
0x594: {  	v14 =	vld.idx.msk [tilespmem:v63+s23+$0x0], $0xffff  }
0x595: {  	v61 =	vor.u32 $0x2109, v7;
	v12 =	vadd.f32 v16, v12  }
0x596: {  	v15 =	vld.idx.msk [tilespmem:v59+s23+$0x0], $0xffff  }
0x597: {  	v62 =	vor.u32 $0x210A, v7;
	v12 =	vadd.f32 v17, v12  }
0x598: {  	v13 =	vld.idx.msk [tilespmem:v60+s23+$0x0], $0xffff  }
0x599: {  	v63 =	vor.u32 $0x210B, v7;
	v12 =	vadd.f32 v14, v12  }
0x59a: {  	v16 =	vld.idx.msk [tilespmem:v61+s23+$0x0], $0xffff  }
0x59b: {  	v59 =	vor.u32 $0x210C, v7;
	v12 =	vadd.f32 v15, v12  }
0x59c: {  	v17 =	vld.idx.msk [tilespmem:v62+s23+$0x0], $0xffff  }
0x59d: {  	v60 =	vor.u32 $0x210D, v7;
	v12 =	vadd.f32 v13, v12  }
0x59e: {  	v14 =	vld.idx.msk [tilespmem:v63+s23+$0x0], $0xffff  }
0x59f: {  	v61 =	vor.u32 $0x210E, v7;
	v12 =	vadd.f32 v16, v12  }
0x5a0: {  	v15 =	vld.idx.msk [tilespmem:v59+s23+$0x0], $0xffff  }
0x5a1: {  	v62 =	vor.u32 $0x210F, v7;
	v12 =	vadd.f32 v17, v12  }
0x5a2: {  	v13 =	vld.idx.msk [tilespmem:v60+s23+$0x0], $0xffff  }
0x5a3: {  	v12 =	vadd.f32 v14, v12  }
0x5a4: {  	v63 =	vld.idx.msk [tilespmem:v61+s23+$0x0], $0xffff  }
0x5a5: {  	v12 =	vadd.f32 v15, v12  }
0x5a6: {  	v18 =	vld.idx.msk [tilespmem:v62+s23+$0x0], $0xffff  }
0x5a7: {  	v12 =	vadd.f32 v13, v12;
	_ =	sdelay $0x1  }
0x5a8: {  	v19 =	vor.u32 $0x2200, v7;
	v12 =	vadd.f32 v63, v12  }
0x5a9: {  	v59 =	vor.u32 $0x2201, v7  }
0x5aa: {  	v12 =	vadd.f32 v18, v12  }
0x5ab: {  	v60 =	vor.u32 $0x2202, v7  }
0x5ac: {  	[tilespmem:$0x14610] =	vst v12  }
0x5ad: {  	v61 =	vor.u32 $0x2203, v7;
	v12 =	vld.idx.msk [tilespmem:v19+s23+$0x0], $0xffff  }
0x5ae: {  	v14 =	vld.idx.msk [tilespmem:v59+s23+$0x0], $0xffff  }
0x5af: {  	v62 =	vor.u32 $0x2204, v7  }
0x5b0: {  	v15 =	vld.idx.msk [tilespmem:v60+s23+$0x0], $0xffff  }
0x5b1: {  	v63 =	vor.u32 $0x2205, v7  }
0x5b2: {  	v13 =	vld.idx.msk [tilespmem:v61+s23+$0x0], $0xffff  }
0x5b3: {  	v59 =	vor.u32 $0x2206, v7;
	v12 =	vadd.f32 v14, v12  }
0x5b4: {  	v16 =	vld.idx.msk [tilespmem:v62+s23+$0x0], $0xffff  }
0x5b5: {  	v60 =	vor.u32 $0x2207, v7;
	v12 =	vadd.f32 v15, v12  }
0x5b6: {  	v17 =	vld.idx.msk [tilespmem:v63+s23+$0x0], $0xffff  }
0x5b7: {  	v61 =	vor.u32 $0x2208, v7;
	v12 =	vadd.f32 v13, v12  }
0x5b8: {  	v14 =	vld.idx.msk [tilespmem:v59+s23+$0x0], $0xffff  }
0x5b9: {  	v62 =	vor.u32 $0x2209, v7;
	v12 =	vadd.f32 v16, v12  }
0x5ba: {  	v15 =	vld.idx.msk [tilespmem:v60+s23+$0x0], $0xffff  }
0x5bb: {  	v63 =	vor.u32 $0x220A, v7;
	v12 =	vadd.f32 v17, v12  }
0x5bc: {  	v13 =	vld.idx.msk [tilespmem:v61+s23+$0x0], $0xffff  }
0x5bd: {  	v59 =	vor.u32 $0x220B, v7;
	v12 =	vadd.f32 v14, v12  }
0x5be: {  	v16 =	vld.idx.msk [tilespmem:v62+s23+$0x0], $0xffff  }
0x5bf: {  	v60 =	vor.u32 $0x220C, v7;
	v12 =	vadd.f32 v15, v12  }
0x5c0: {  	v17 =	vld.idx.msk [tilespmem:v63+s23+$0x0], $0xffff  }
0x5c1: {  	v61 =	vor.u32 $0x220D, v7;
	v12 =	vadd.f32 v13, v12  }
0x5c2: {  	v14 =	vld.idx.msk [tilespmem:v59+s23+$0x0], $0xffff  }
0x5c3: {  	v62 =	vor.u32 $0x220E, v7;
	v12 =	vadd.f32 v16, v12  }
0x5c4: {  	v15 =	vld.idx.msk [tilespmem:v60+s23+$0x0], $0xffff  }
0x5c5: {  	v63 =	vor.u32 $0x220F, v7;
	v12 =	vadd.f32 v17, v12  }
0x5c6: {  	v13 =	vld.idx.msk [tilespmem:v61+s23+$0x0], $0xffff  }
0x5c7: {  	v12 =	vadd.f32 v14, v12  }
0x5c8: {  	v59 =	vld.idx.msk [tilespmem:v62+s23+$0x0], $0xffff  }
0x5c9: {  	v12 =	vadd.f32 v15, v12  }
0x5ca: {  	v60 =	vld.idx.msk [tilespmem:v63+s23+$0x0], $0xffff  }
0x5cb: {  	v12 =	vadd.f32 v13, v12;
	_ =	sdelay $0x1  }
0x5cc: {  	v61 =	vor.u32 $0x2300, v7;
	v12 =	vadd.f32 v59, v12  }
0x5cd: {  	v62 =	vor.u32 $0x2301, v7  }
0x5ce: {  	v12 =	vadd.f32 v60, v12  }
0x5cf: {  	v63 =	vor.u32 $0x2302, v7  }
0x5d0: {  	[tilespmem:$0x14620] =	vst v12  }
0x5d1: {  	v59 =	vor.u32 $0x2303, v7;
	v12 =	vld.idx.msk [tilespmem:v61+s23+$0x0], $0xffff  }
0x5d2: {  	v14 =	vld.idx.msk [tilespmem:v62+s23+$0x0], $0xffff  }
0x5d3: {  	v60 =	vor.u32 $0x2304, v7  }
0x5d4: {  	v15 =	vld.idx.msk [tilespmem:v63+s23+$0x0], $0xffff  }
0x5d5: {  	v61 =	vor.u32 $0x2305, v7  }
0x5d6: {  	v13 =	vld.idx.msk [tilespmem:v59+s23+$0x0], $0xffff  }
0x5d7: {  	v62 =	vor.u32 $0x2306, v7;
	v12 =	vadd.f32 v14, v12  }
0x5d8: {  	v16 =	vld.idx.msk [tilespmem:v60+s23+$0x0], $0xffff  }
0x5d9: {  	v63 =	vor.u32 $0x2307, v7;
	v12 =	vadd.f32 v15, v12  }
0x5da: {  	v17 =	vld.idx.msk [tilespmem:v61+s23+$0x0], $0xffff  }
0x5db: {  	v59 =	vor.u32 $0x2308, v7;
	v12 =	vadd.f32 v13, v12  }
0x5dc: {  	v14 =	vld.idx.msk [tilespmem:v62+s23+$0x0], $0xffff  }
0x5dd: {  	v60 =	vor.u32 $0x2309, v7;
	v12 =	vadd.f32 v16, v12  }
0x5de: {  	v15 =	vld.idx.msk [tilespmem:v63+s23+$0x0], $0xffff  }
0x5df: {  	v61 =	vor.u32 $0x230A, v7;
	v12 =	vadd.f32 v17, v12  }
0x5e0: {  	v13 =	vld.idx.msk [tilespmem:v59+s23+$0x0], $0xffff  }
0x5e1: {  	v62 =	vor.u32 $0x230B, v7;
	v12 =	vadd.f32 v14, v12  }
0x5e2: {  	v16 =	vld.idx.msk [tilespmem:v60+s23+$0x0], $0xffff  }
0x5e3: {  	v63 =	vor.u32 $0x230C, v7;
	v12 =	vadd.f32 v15, v12  }
0x5e4: {  	v17 =	vld.idx.msk [tilespmem:v61+s23+$0x0], $0xffff  }
0x5e5: {  	v59 =	vor.u32 $0x230D, v7;
	v12 =	vadd.f32 v13, v12  }
0x5e6: {  	v14 =	vld.idx.msk [tilespmem:v62+s23+$0x0], $0xffff  }
0x5e7: {  	v60 =	vor.u32 $0x230E, v7;
	v12 =	vadd.f32 v16, v12  }
0x5e8: {  	v15 =	vld.idx.msk [tilespmem:v63+s23+$0x0], $0xffff  }
0x5e9: {  	v61 =	vor.u32 $0x230F, v7;
	v12 =	vadd.f32 v17, v12  }
0x5ea: {  	v13 =	vld.idx.msk [tilespmem:v59+s23+$0x0], $0xffff  }
0x5eb: {  	v12 =	vadd.f32 v14, v12  }
0x5ec: {  	v62 =	vld.idx.msk [tilespmem:v60+s23+$0x0], $0xffff  }
0x5ed: {  	v12 =	vadd.f32 v15, v12  }
0x5ee: {  	v63 =	vld.idx.msk [tilespmem:v61+s23+$0x0], $0xffff  }
0x5ef: {  	v12 =	vadd.f32 v13, v12;
	_ =	sdelay $0x1  }
0x5f0: {  	v12 =	vadd.f32 v62, v12;
	_ =	sdelay $0x1  }
0x5f1: {  	s29 =	sadd.s32 $0x1, s29;
	v12 =	vadd.f32 v63, v12  }
0x5f2: {  	p0 =	sne.s32 s29, s13  }
.Ltmp2:
0x5f3: {  	s30 =	simm.s32 $0x80;
	s31 =	simm.s32 $0x400;
	[tilespmem:$0x14630] =	vst v12;
	(pc) =	sbr.rel @p0 .LBB2_1-.Ltmp2, $4  }
0x5f4: {  	[hbm4b:s12+s30] =	stream.strided.scatter [tilespmem:s26], [sflag:$0x2], $0x280, s31, s30, $0x38;
	[tilespmem:$0x14680] =	vst v63  }
0x5f5: {  	_ =	swait.ge [sflag:s28], $0x280  }
0x5f6: {  	[sflag:s28] =	ssyncset.done $0x0  }
0x5f7: {  	[sflag:s28] =	ssyncadd.s32 $0xFFFFFD80  }
0x5f8: {  	_ =	sfence.sel $0x180000  }
0x5f9: {  	[bflag:$0x0] =	sbarrier.arrive $0xFFFF  }
0x5fa: {  	_ =	strace $0x90000047  }
0x5fb: {  	s0 =	stileid.u32;
	[bflag:$0x2] =	sbarrier.arrive $0xFFFF  }
0x5fc: {  	p0 =	sne.s32 s0, $0x0;
	s0 =	rddreg [dreg:$0x5]  }
0x5fd: {  	s0 =	sadd.s32 @!p0 $0x100000, s0  }
0x5fe: {  	[sflag:s0] =	ssyncadd.tile.s32 @!p0 $0x1;
	_ =	shalt  }
.Lfunc_end2:
_tile_overlayer_lowered:
.L_overlay_start_2:
0x5ff: {  	(tag) =	ssettag $0x2  }
0x600: {  	s0 =	rddreg [dreg:$0x0];
	s2 =	stileid.u32  }
0x601: {  	s1 =	rddreg [dreg:$0x1];
	p0 =	sne.s32 s2, $0x0  }
0x602: {  	s3 =	rddreg [dreg:$0x2];
	[bflag:$0x3] =	sbarrier.arrive $0xFFFF;
	s2 =	simm.s32 @!p0 $0x1C02  }
0x603: {  	[timem:s3], [sflag:s2] =	dma.local @!p0 [hbm:s0], s1  }
0x604: {  	s0 =	simm.s32 @!p0 $0x2  }
0x605: {  	_ =	swait.ge @!p0 [sflag:s0], s1  }
0x606: {  	s1 =	ssub.s32 @!p0 $0x0, s1;
	[sflag:s0] =	ssyncset.done @!p0 $0x0  }
0x607: {  	[sflag:s0] =	ssyncadd.s32 @!p0 s1  }
0x608: {  	[bflag:$0x3] =	sbarrier.arrive $0xFFFF  }
0x609: {  	_ =	shalt  }

</sc_bundles>
